<compile_context>
chip_gen: v7x
topology: tpu7x:2x2x1
jax: 0.10.2.dev20260603
libtpu: 0.0.44.dev20260713+nightly
codegen_flags: <defaults>
</compile_context>

<pallas_src>
import jax
import jax.numpy as jnp
from jax import lax
from jax.experimental import pallas as pl
from jax.experimental.pallas import tpu as pltpu
from jax.experimental.pallas import tpu_sc as plsc

_B = 64
_P = 8732
_PP = 9216
_SL = 8
_PL = _PP // _SL
_NOBJ = 24
_NCLS = 5
_THRESH = 0.5
_NEGPOS = 3


def _dense_body(boxes_ref, labels_ref, plocs_ref, pscores_ref, pxy_ref,
                pcxcy_ref, cn_ref, stats_ref, iou_ref):
    px1 = pxy_ref[0]
    py1 = pxy_ref[1]
    px2 = pxy_ref[2]
    py2 = pxy_ref[3]
    area_b = (px2 - px1) * (py2 - py1)
    iota = (lax.broadcasted_iota(jnp.int32, (_SL, _PL), 0) * _PL +
            lax.broadcasted_iota(jnp.int32, (_SL, _PL), 1))

    bovl = jnp.zeros((_SL, _PL), jnp.float32)
    bobj = jnp.zeros((_SL, _PL), jnp.int32)
    nblk = _PL // 128
    bmaxs = []
    for o in range(_NOBJ):
        bx1 = boxes_ref[0, o, 0]
        by1 = boxes_ref[0, o, 1]
        bx2 = boxes_ref[0, o, 2]
        by2 = boxes_ref[0, o, 3]
        w = jnp.maximum(jnp.minimum(bx2, px2) - jnp.maximum(bx1, px1), 0.0)
        h = jnp.maximum(jnp.minimum(by2, py2) - jnp.maximum(by1, py1), 0.0)
        inter = w * h
        area_a = (bx2 - bx1) * (by2 - by1)
        iou = inter / (area_a + area_b - inter)
        upd = iou > bovl
        bovl = jnp.where(upd, iou, bovl)
        bobj = jnp.where(upd, o, bobj)
        iou_ref[o] = iou
        bm = iou[:, 0:128]
        for j in range(1, nblk):
            bm = jnp.maximum(bm, iou[:, j * 128:(j + 1) * 128])
        bmaxs.append(bm)

    m24 = jnp.max(jnp.stack(bmaxs), axis=(1, 2))

    bidxs = []
    for o in range(_NOBJ):
        m11 = lax.slice(m24, (o,), (o + 1,)).reshape(1, 1)
        iou = iou_ref[o]
        cand = jnp.where(iou == m11, iota, _PP)
        bi = cand[:, 0:128]
        for j in range(1, nblk):
            bi = jnp.minimum(bi, cand[:, j * 128:(j + 1) * 128])
        bidxs.append(bi)

    pfo24 = jnp.min(jnp.stack(bidxs), axis=(1, 2))

    for o in range(_NOBJ):
        hit = iota == lax.slice(pfo24, (o,), (o + 1,)).reshape(1, 1)
        bovl = jnp.where(hit, 1.0, bovl)
        bobj = jnp.where(hit, o, bobj)

    z = jnp.zeros((_SL, _PL), jnp.float32)
    lab = jnp.zeros((_SL, _PL), jnp.int32)
    gx1 = z
    gy1 = z
    gx2 = z
    gy2 = z
    for o in range(_NOBJ):
        hit = bobj == o
        lab = jnp.where(hit, labels_ref[0, 0, o], lab)
        gx1 = jnp.where(hit, boxes_ref[0, o, 0], gx1)
        gy1 = jnp.where(hit, boxes_ref[0, o, 1], gy1)
        gx2 = jnp.where(hit, boxes_ref[0, o, 2], gx2)
        gy2 = jnp.where(hit, boxes_ref[0, o, 3], gy2)

    lab = jnp.where(bovl < _THRESH, 4, lab)
    posf = (lab != 4).astype(jnp.float32)
    npos = jnp.sum(posf, keepdims=True)

    cx = (gx1 + gx2) * 0.5
    cy = (gy1 + gy2) * 0.5
    w = gx2 - gx1
    h = gy2 - gy1
    pcx = pcxcy_ref[0]
    pcy = pcxcy_ref[1]
    pw = pcxcy_ref[2]
    ph = pcxcy_ref[3]
    t0 = (cx - pcx) * 10.0 / pw
    t1 = (cy - pcy) * 10.0 / ph
    t2 = jnp.log(w / pw) * 5.0
    t3 = jnp.log(h / ph) * 5.0

    slacc = jnp.zeros((_SL, _PL), jnp.float32)
    for c, t in enumerate((t0, t1, t2, t3)):
        d = plocs_ref[0, c] - t
        ad = jnp.abs(d)
        sl1 = jnp.where(ad < 1.0, 0.5 * d * d, ad - 0.5)
        slacc = slacc + sl1
    lsum = jnp.sum(slacc * posf, keepdims=True)

    s = [pscores_ref[0, c] for c in range(_NCLS)]
    m = jnp.maximum(jnp.maximum(jnp.maximum(s[0], s[1]),
                                jnp.maximum(s[2], s[3])), s[4])
    sumexp = (jnp.exp(s[0] - m) + jnp.exp(s[1] - m) + jnp.exp(s[2] - m) +
              jnp.exp(s[3] - m) + jnp.exp(s[4] - m))
    lse = m + jnp.log(sumexp)
    s_l = z
    for c in range(_NCLS):
        s_l = s_l + jnp.where(lab == c, s[c], 0.0)
    conf = lse - s_l
    cpos = jnp.sum(conf * posf, keepdims=True)
    cn_ref[...] = jnp.where((lab == 4) & (iota < _P), conf, 0.0)[None]

    lane = lax.broadcasted_iota(jnp.int32, (1, 128), 1)
    stats_ref[...] = jnp.where(
        lane == 0, npos, jnp.where(lane == 1, cpos,
                                   jnp.where(lane == 2, lsum, 0.0)))[None]


def _dense_call(boxes, labels, plocs_t, pscores_t, pxy_t, pcxcy_t):
    return pl.pallas_call(
        _dense_body,
        grid=(_B,),
        in_specs=[
            pl.BlockSpec((1, _NOBJ, 4), lambda b: (b, 0, 0),
                         memory_space=pltpu.SMEM),
            pl.BlockSpec((1, 1, _NOBJ), lambda b: (b, 0, 0),
                         memory_space=pltpu.SMEM),
            pl.BlockSpec((1, 4, _SL, _PL), lambda b: (b, 0, 0, 0)),
            pl.BlockSpec((1, _NCLS, _SL, _PL), lambda b: (b, 0, 0, 0)),
            pl.BlockSpec((4, _SL, _PL), lambda b: (0, 0, 0)),
            pl.BlockSpec((4, _SL, _PL), lambda b: (0, 0, 0)),
        ],
        out_specs=[
            pl.BlockSpec((1, _SL, _PL), lambda b: (b, 0, 0)),
            pl.BlockSpec((1, 1, 128), lambda b: (b, 0, 0)),
        ],
        out_shape=[
            jax.ShapeDtypeStruct((_B, _SL, _PL), jnp.float32),
            jax.ShapeDtypeStruct((_B, 1, 128), jnp.float32),
        ],
        scratch_shapes=[pltpu.VMEM((_NOBJ, _SL, _PL), jnp.float32)],
    )(boxes, labels, plocs_t, pscores_t, pxy_t, pcxcy_t)


_NCH = _PP // 16


def _dg(v, idx):
    return lax.gather(
        v, idx[:, None],
        lax.GatherDimensionNumbers(offset_dims=(), collapsed_slice_dims=(0,),
                                   start_index_map=(0,)),
        slice_sizes=(1,),
        mode=lax.GatherScatterMode.PROMISE_IN_BOUNDS)


def _bf_sum(v, lane):
    for sh in (8, 4, 2, 1):
        v = v + _dg(v, lane ^ sh)
    return v


def _topk_body(cni_hbm, cnf_hbm, kv_hbm, out_hbm, rowbuf, rowbuf_f, kv_v,
               res_v):
    wid = lax.axis_index("s") * 2 + lax.axis_index("c")
    lane = lax.iota(jnp.int32, 16)
    pltpu.sync_copy(kv_hbm, kv_v)

    for r in range(2):
        row = wid * 2 + r
        pltpu.sync_copy(cni_hbm.at[row], rowbuf)
        pltpu.sync_copy(cnf_hbm.at[row], rowbuf_f)
        kch = kv_v[pl.ds((row // 16) * 16, 16)]
        k = _bf_sum(jnp.where(lane == row % 16, kch, 0), lane)[0]

        def bit_step(j, carry):
            prefix, maskr, k_rem, n_part = carry
            b = 30 - j
            active = n_part > k_rem
            bitval = lax.shift_left(jnp.int32(1), b)
            newmask = maskr | bitval
            target = prefix | bitval

            def step(i, carry):
                ca, cb = carry
                base = i * 128
                for u in range(0, 8, 2):
                    va = rowbuf[pl.ds(base + u * 16, 16)]
                    vb = rowbuf[pl.ds(base + u * 16 + 16, 16)]
                    ca = ca + jnp.where((va & newmask) == target, 1, 0)
                    cb = cb + jnp.where((vb & newmask) == target, 1, 0)
                return ca, cb

            nch = jnp.where(active, _NCH // 8, 0)
            zi16 = jnp.zeros((16,), jnp.int32)
            ca, cb = lax.fori_loop(0, nch, step, (zi16, zi16))
            c_set = _bf_sum(ca + cb, lane)[0]
            ge = active & (c_set >= k_rem)
            lt = active & jnp.logical_not(ge)
            prefix = jnp.where(ge, target, prefix)
            n_part = jnp.where(ge, c_set,
                               jnp.where(lt, n_part - c_set, n_part))
            k_rem = jnp.where(lt, k_rem - c_set, k_rem)
            maskr = jnp.where(active, newmask, maskr)
            return prefix, maskr, k_rem, n_part

        prefix, maskr, k_rem, n_part = lax.fori_loop(
            0, 31, bit_step, (jnp.int32(0), jnp.int32(0), k, jnp.int32(_PP)))

        def fstep(i, carry):
            sg, se = carry
            base = i * 64
            for u in range(4):
                v = rowbuf_f[pl.ds(base + u * 16, 16)]
                vm = rowbuf[pl.ds(base + u * 16, 16)] & maskr
                sg = sg + jnp.where(vm > prefix, v, 0.0)
                se = se + jnp.where(vm == prefix, v, 0.0)
            return sg, se

        zf = jnp.zeros((16,), jnp.float32)
        sg, se = lax.fori_loop(0, _NCH // 4, fstep, (zf, zf))
        sgs = _bf_sum(sg, lane)
        ses = _bf_sum(se, lane)
        tmean = ses / jnp.maximum(n_part, 1).astype(jnp.float32)
        tie = jnp.where(n_part <= k_rem, ses,
                        k_rem.astype(jnp.float32) * tmean)
        resv = jnp.where(k > 0, sgs + tie, zf)
        res_v[...] = resv
        pltpu.sync_copy(res_v, out_hbm.at[row])


def _topk_call(cn, kv):
    cni = lax.bitcast_convert_type(cn, jnp.int32)
    mesh = plsc.VectorSubcoreMesh(core_axis_name="c", subcore_axis_name="s",
                                  num_cores=2, num_subcores=16)
    return pl.kernel(
        _topk_body,
        out_type=jax.ShapeDtypeStruct((_B, 16), jnp.float32),
        mesh=mesh,
        scratch_types=[
            pltpu.VMEM((_PP,), jnp.int32),
            pltpu.VMEM((_PP,), jnp.float32),
            pltpu.VMEM((_B,), jnp.int32),
            pltpu.VMEM((16,), jnp.float32),
        ],
    )(cni, cn, kv)


def kernel(predicted_locs, predicted_scores, data_locs, data_labels,
           priors_cxcy):
    boxes = data_locs[:, 0]
    labels = data_labels[:, 0, 0].astype(jnp.int32)
    pad = _PP - _P
    plocs_t = jnp.pad(predicted_locs.transpose(0, 2, 1),
                      ((0, 0), (0, 0), (0, pad))).reshape(_B, 4, _SL, _PL)
    pscores_t = jnp.pad(predicted_scores.transpose(0, 2, 1),
                        ((0, 0), (0, 0), (0, pad))).reshape(_B, _NCLS, _SL,
                                                            _PL)
    pxy = jnp.concatenate([priors_cxcy[:, :2] - priors_cxcy[:, 2:] / 2.0,
                           priors_cxcy[:, :2] + priors_cxcy[:, 2:] / 2.0],
                          axis=1)
    pxy_t = jnp.pad(pxy.T, ((0, 0), (0, pad)),
                    constant_values=2.0).reshape(4, _SL, _PL)
    pcxcy_t = jnp.pad(priors_cxcy.T, ((0, 0), (0, pad)),
                      constant_values=1.0).reshape(4, _SL, _PL)

    cn, stats = _dense_call(boxes, labels[:, None, :], plocs_t, pscores_t,
                            pxy_t, pcxcy_t)
    cn = cn.reshape(_B, _PP)
    npos = stats[:, 0, 0]
    cpos = stats[:, 0, 1]
    lsum = stats[:, 0, 2]
    kv = (_NEGPOS * npos).astype(jnp.int32)

    hard = _topk_call(cn, kv)[:, 0]

    n_pos_total = jnp.sum(npos)
    loc_loss = jnp.sum(lsum) / (n_pos_total * 4.0)
    conf_loss = (jnp.sum(hard) + jnp.sum(cpos)) / n_pos_total
    return conf_loss + loc_loss

# --- scband reference (transcript-rebuilt; emitter-appended) ---
"""Pipeline reference for scband-detection-loss-38577396253112 (READ-ONLY COPY).

The authoritative reference and input builder live on the scoring server;
editing this copy changes nothing except your own understanding.
"""

import jax, jax.numpy as jnp
import numpy as np

B = 64
P = 8732
N_OBJ = 24
N_CLASSES = 5
THRESHOLD = 0.5
NEG_POS_RATIO = 3
ALPHA = 1.0


def xy_to_cxcy(xy):
    return jnp.concatenate([(xy[:, :2] + xy[:, 2:]) / 2.0, xy[:, 2:] - xy[:, :2]], axis=1)


def cxcy_to_xy(cxcy):
    return jnp.concatenate([cxcy[:, :2] - cxcy[:, 2:] / 2.0, cxcy[:, :2] + cxcy[:, 2:] / 2.0], axis=1)


def cxcy_to_gcxgcy(cxcy, priors_cxcy):
    return jnp.concatenate([
        (cxcy[:, :2] - priors_cxcy[:, :2]) / (priors_cxcy[:, 2:] / 10.0),
        jnp.log(cxcy[:, 2:] / priors_cxcy[:, 2:]) * 5.0,
    ], axis=1)


def jaccard(a, b):
    lt = jnp.maximum(a[:, None, :2], b[None, :, :2])
    rb = jnp.minimum(a[:, None, 2:], b[None, :, 2:])
    wh = jnp.clip(rb - lt, 0.0, None)
    inter = wh[..., 0] * wh[..., 1]
    area_a = (a[:, 2] - a[:, 0]) * (a[:, 3] - a[:, 1])
    area_b = (b[:, 2] - b[:, 0]) * (b[:, 3] - b[:, 1])
    union = area_a[:, None] + area_b[None, :] - inter
    return inter / union


def setup_inputs(seed: int = 0) -> dict:
    key = jax.random.key(seed)
    k1, k2, k3, k4, k5, k6, k7 = jax.random.split(key, 7)
    predicted_locs = jax.random.normal(k1, (B, P, 4), dtype=jnp.float32)
    predicted_scores = jax.random.normal(k2, (B, P, N_CLASSES), dtype=jnp.float32)
    # valid ground-truth boundary boxes (x1 < x2, y1 < y2, inside [0,1])
    xy_min = jax.random.uniform(k3, (B, 1, N_OBJ, 2), minval=0.0, maxval=0.7)
    wh = jax.random.uniform(k4, (B, 1, N_OBJ, 2), minval=0.05, maxval=0.3)
    data_locs = jnp.concatenate([xy_min, jnp.minimum(xy_min + wh, 1.0)], axis=-1).astype(jnp.float32)
    data_labels = jax.random.randint(k5, (B, 1, 1, N_OBJ), 0, 4)
    # learned/constructor parameter: priors in center-size form with positive w,h
    pc = jax.random.uniform(k6, (P, 2), minval=0.0, maxval=1.0)
    pwh = jax.random.uniform(k7, (P, 2), minval=0.05, maxval=0.6)
    priors_cxcy = jnp.concatenate([pc, pwh], axis=-1).astype(jnp.float32)
    return {
        "predicted_locs": predicted_locs,
        "predicted_scores": predicted_scores,
        "data_locs": data_locs,
        "data_labels": data_labels,
        "priors_cxcy": priors_cxcy,
    }


def _match_one(boxes, labels, priors_cxcy, priors_xy):
    overlap = jaccard(boxes, priors_xy)  # [n_obj, P]
    overlap_for_each_prior = jnp.max(overlap, axis=0)
    object_for_each_prior = jnp.argmax(overlap, axis=0)
    prior_for_each_object = jnp.argmax(overlap, axis=1)
    n_obj = boxes.shape[0]
    object_for_each_prior = object_for_each_prior.at[prior_for_each_object].set(jnp.arange(n_obj))
    overlap_for_each_prior = overlap_for_each_prior.at[prior_for_each_object].set(1.0)
    label_for_each_prior = labels[object_for_each_prior]
    label_for_each_prior = jnp.where(overlap_for_each_prior < THRESHOLD, 4, label_for_each_prior)
    true_locs = cxcy_to_gcxgcy(xy_to_cxcy(boxes[object_for_each_prior]), priors_cxcy)
    return true_locs, label_for_each_prior


def reference(predicted_locs, predicted_scores, data_locs, data_labels, priors_cxcy):
    priors_xy = cxcy_to_xy(priors_cxcy)
    boxes = data_locs[:, 0]        # [B, n_obj, 4]
    labels = data_labels[:, 0, 0]  # [B, n_obj]
    true_locs, true_classes = jax.vmap(
        lambda b, l: _match_one(b, l, priors_cxcy, priors_xy)
    )(boxes, labels)
    positive = true_classes != 4
    pos_f = positive.astype(jnp.float32)
    n_pos_total = jnp.sum(pos_f)
    # localization loss: SmoothL1 (beta=1), mean over positive entries
    diff = predicted_locs - true_locs
    ad = jnp.abs(diff)
    sl1 = jnp.where(ad < 1.0, 0.5 * diff * diff, ad - 0.5)
    loc_loss = jnp.sum(sl1 * pos_f[..., None]) / (n_pos_total * 4.0)
    # confidence loss with hard negative mining
    logp = jax.nn.log_softmax(predicted_scores, axis=-1)
    conf_loss_all = -jnp.take_along_axis(logp, true_classes[..., None], axis=-1)[..., 0]  # [B, P]
    conf_loss_pos = jnp.sum(conf_loss_all * pos_f)
    conf_loss_neg = jnp.where(positive, 0.0, conf_loss_all)
    conf_loss_neg_sorted = -jnp.sort(-conf_loss_neg, axis=1)  # descending
    n_positives = jnp.sum(positive, axis=1)
    n_hard = NEG_POS_RATIO * n_positives
    ranks = jnp.arange(P)[None, :]
    hard_mask = (ranks < n_hard[:, None]).astype(jnp.float32)
    conf_loss_hard_neg = jnp.sum(conf_loss_neg_sorted * hard_mask)
    conf_loss = (conf_loss_hard_neg + conf_loss_pos) / n_pos_total
    return conf_loss + ALPHA * loc_loss


if False:  # reference __main__ guard neutralized (emitter)
    out = reference(**setup_inputs())
    print(out)

if __name__ == "__main__":
    import jax
    _d = setup_inputs()
    print(jax.jit(kernel)(*tuple(_d.values())))

</pallas_src>

<mosaic_0001>
#map = affine_map<(d0, d1) -> (0, 0)>
#map1 = affine_map<(d0, d1) -> (0)>
module attributes {stable_mosaic.version = 14 : i64} {
  func.func @_topk_body(%arg0: i32, %arg1: i32, %arg2: memref<64x9216xi32, #tpu.memory_space<hbm>>, %arg3: memref<64x9216xf32, #tpu.memory_space<hbm>>, %arg4: memref<64xi32, #tpu.memory_space<hbm>>, %arg5: memref<64x16xf32, #tpu.memory_space<hbm>>, %arg6: memref<9216xi32, #tpu.memory_space<vmem>>, %arg7: memref<9216xf32, #tpu.memory_space<vmem>>, %arg8: memref<64xi32, #tpu.memory_space<vmem>>, %arg9: memref<16xf32, #tpu.memory_space<vmem>>) attributes {dimension_semantics = [#tpu.dimension_semantics<core_parallel>, #tpu.dimension_semantics<subcore_parallel>], iteration_bounds = array<i64: 2, 16>, scalar_prefetch = 0 : i64, scratch_operands = 4 : i64, tpu.core_type = #tpu.core_type<sc_vector_subcore>, window_params = [{transform_indices = #map}, {transform_indices = #map}, {transform_indices = #map1}, {transform_indices = #map}]} {
    %mul3A = arith.constant 2 : i32
    %mul3A_0 = arith.muli %arg1, %mul3A : i32
    %add3A = arith.addi %mul3A_0, %arg0 : i32
    %iota3A = tpu.iota {dimensions = array<i32: 0>} : vector<16xi32>
    "tpu.region"() ({
      %run_scoped3A = tpu.sem_alloc : memref<!tpu.dma_semaphore, #tpu.memory_space<semaphore_mem>>
      tpu.enqueue_dma source(%arg4 : memref<64xi32, #tpu.memory_space<hbm>>) target(%arg8 : memref<64xi32, #tpu.memory_space<vmem>>) target_semaphore(%run_scoped3A : memref<!tpu.dma_semaphore, #tpu.memory_space<semaphore_mem>>)
      tpu.wait_dma2 semaphore(%run_scoped3A : memref<!tpu.dma_semaphore, #tpu.memory_space<semaphore_mem>>) src(%arg4 : memref<64xi32, #tpu.memory_space<hbm>>) dst(%arg8 : memref<64xi32, #tpu.memory_space<vmem>>)
      tpu.yield
    }) : () -> ()
    %mul3A_1 = arith.constant 2 : i32
    %mul3A_2 = arith.muli %add3A, %mul3A_1 : i32
    %add3A_3 = arith.constant 0 : i32
    %add3A_4 = arith.addi %mul3A_2, %add3A_3 : i32
    "tpu.region"() ({
      %run_scoped3A = tpu.sem_alloc : memref<!tpu.dma_semaphore, #tpu.memory_space<semaphore_mem>>
      %dma_start3A = arith.constant 0 : i32
      %dma_start3A_329 = tpu.memref_slice %arg2[%add3A_4, %dma_start3A] : memref<64x9216xi32, #tpu.memory_space<hbm>> -> memref<1x9216xi32, #tpu.memory_space<hbm>>
      %dma_start3A_330 = tpu.memref_squeeze %dma_start3A_329 : memref<1x9216xi32, #tpu.memory_space<hbm>> -> memref<9216xi32, #tpu.memory_space<hbm>>
      %dma_start3A_331 = arith.constant 0 : i32
      %dma_start3A_332 = tpu.memref_slice %arg2[%add3A_4, %dma_start3A_331] : memref<64x9216xi32, #tpu.memory_space<hbm>> -> memref<1x9216xi32, #tpu.memory_space<hbm>>
      %dma_start3A_333 = tpu.memref_squeeze %dma_start3A_332 : memref<1x9216xi32, #tpu.memory_space<hbm>> -> memref<9216xi32, #tpu.memory_space<hbm>>
      tpu.enqueue_dma source(%dma_start3A_333 : memref<9216xi32, #tpu.memory_space<hbm>>) target(%arg6 : memref<9216xi32, #tpu.memory_space<vmem>>) target_semaphore(%run_scoped3A : memref<!tpu.dma_semaphore, #tpu.memory_space<semaphore_mem>>)
      %dma_wait3A = arith.constant 0 : i32
      %dma_wait3A_334 = tpu.memref_slice %arg2[%add3A_4, %dma_wait3A] : memref<64x9216xi32, #tpu.memory_space<hbm>> -> memref<1x9216xi32, #tpu.memory_space<hbm>>
      %dma_wait3A_335 = tpu.memref_squeeze %dma_wait3A_334 : memref<1x9216xi32, #tpu.memory_space<hbm>> -> memref<9216xi32, #tpu.memory_space<hbm>>
      %dma_wait3A_336 = arith.constant 0 : i32
      %dma_wait3A_337 = tpu.memref_slice %arg2[%add3A_4, %dma_wait3A_336] : memref<64x9216xi32, #tpu.memory_space<hbm>> -> memref<1x9216xi32, #tpu.memory_space<hbm>>
      %dma_wait3A_338 = tpu.memref_squeeze %dma_wait3A_337 : memref<1x9216xi32, #tpu.memory_space<hbm>> -> memref<9216xi32, #tpu.memory_space<hbm>>
      tpu.wait_dma2 semaphore(%run_scoped3A : memref<!tpu.dma_semaphore, #tpu.memory_space<semaphore_mem>>) src(%dma_wait3A_338 : memref<9216xi32, #tpu.memory_space<hbm>>) dst(%arg6 : memref<9216xi32, #tpu.memory_space<vmem>>)
      tpu.yield
    }) : () -> ()
    "tpu.region"() ({
      %run_scoped3A = tpu.sem_alloc : memref<!tpu.dma_semaphore, #tpu.memory_space<semaphore_mem>>
      %dma_start3A = arith.constant 0 : i32
      %dma_start3A_329 = tpu.memref_slice %arg3[%add3A_4, %dma_start3A] : memref<64x9216xf32, #tpu.memory_space<hbm>> -> memref<1x9216xf32, #tpu.memory_space<hbm>>
      %dma_start3A_330 = tpu.memref_squeeze %dma_start3A_329 : memref<1x9216xf32, #tpu.memory_space<hbm>> -> memref<9216xf32, #tpu.memory_space<hbm>>
      %dma_start3A_331 = arith.constant 0 : i32
      %dma_start3A_332 = tpu.memref_slice %arg3[%add3A_4, %dma_start3A_331] : memref<64x9216xf32, #tpu.memory_space<hbm>> -> memref<1x9216xf32, #tpu.memory_space<hbm>>
      %dma_start3A_333 = tpu.memref_squeeze %dma_start3A_332 : memref<1x9216xf32, #tpu.memory_space<hbm>> -> memref<9216xf32, #tpu.memory_space<hbm>>
      tpu.enqueue_dma source(%dma_start3A_333 : memref<9216xf32, #tpu.memory_space<hbm>>) target(%arg7 : memref<9216xf32, #tpu.memory_space<vmem>>) target_semaphore(%run_scoped3A : memref<!tpu.dma_semaphore, #tpu.memory_space<semaphore_mem>>)
      %dma_wait3A = arith.constant 0 : i32
      %dma_wait3A_334 = tpu.memref_slice %arg3[%add3A_4, %dma_wait3A] : memref<64x9216xf32, #tpu.memory_space<hbm>> -> memref<1x9216xf32, #tpu.memory_space<hbm>>
      %dma_wait3A_335 = tpu.memref_squeeze %dma_wait3A_334 : memref<1x9216xf32, #tpu.memory_space<hbm>> -> memref<9216xf32, #tpu.memory_space<hbm>>
      %dma_wait3A_336 = arith.constant 0 : i32
      %dma_wait3A_337 = tpu.memref_slice %arg3[%add3A_4, %dma_wait3A_336] : memref<64x9216xf32, #tpu.memory_space<hbm>> -> memref<1x9216xf32, #tpu.memory_space<hbm>>
      %dma_wait3A_338 = tpu.memref_squeeze %dma_wait3A_337 : memref<1x9216xf32, #tpu.memory_space<hbm>> -> memref<9216xf32, #tpu.memory_space<hbm>>
      tpu.wait_dma2 semaphore(%run_scoped3A : memref<!tpu.dma_semaphore, #tpu.memory_space<semaphore_mem>>) src(%dma_wait3A_338 : memref<9216xf32, #tpu.memory_space<hbm>>) dst(%arg7 : memref<9216xf32, #tpu.memory_space<vmem>>)
      tpu.yield
    }) : () -> ()
    %jit3A = arith.constant 16 : i32
    %div3A = arith.divsi %add3A_4, %jit3A : i32
    %sign3A = arith.constant 0 : i32
    %sign3A_5 = arith.cmpi sgt, %add3A_4, %sign3A : i32
    %sign3A_6 = arith.extui %sign3A_5 : i1 to i32
    %sign3A_7 = arith.constant 0 : i32
    %sign3A_8 = arith.cmpi slt, %add3A_4, %sign3A_7 : i32
    %sign3A_9 = arith.extui %sign3A_8 : i1 to i32
    %sign3A_10 = arith.subi %sign3A_6, %sign3A_9 : i32
    %sign3A_11 = arith.constant 0 : i32
    %sign3A_12 = arith.cmpi sgt, %jit3A, %sign3A_11 : i32
    %sign3A_13 = arith.extui %sign3A_12 : i1 to i32
    %sign3A_14 = arith.constant 0 : i32
    %sign3A_15 = arith.cmpi slt, %jit3A, %sign3A_14 : i32
    %sign3A_16 = arith.extui %sign3A_15 : i1 to i32
    %sign3A_17 = arith.subi %sign3A_13, %sign3A_16 : i32
    %ne3A = arith.cmpi ne, %sign3A_10, %sign3A_17 : i32
    %rem3A = arith.remsi %add3A_4, %jit3A : i32
    %ne3A_18 = arith.constant 0 : i32
    %ne3A_19 = arith.cmpi ne, %rem3A, %ne3A_18 : i32
    %and3A = arith.andi %ne3A, %ne3A_19 : i1
    %sub3A = arith.constant 1 : i32
    %sub3A_20 = arith.subi %div3A, %sub3A : i32
    %select_n3A = arith.select %and3A, %sub3A_20, %div3A : i32
    %mul3A_21 = arith.constant 16 : i32
    %mul3A_22 = arith.muli %select_n3A, %mul3A_21 : i32
    %get3A = arith.index_cast %mul3A_22 : i32 to index
    %get3A_23 = tpu.vector_load %arg8[%get3A] {strides = array<i32>} : memref<64xi32, #tpu.memory_space<vmem>>, vector<16xi32>,
    %get3A_24 = vector.shape_cast %get3A_23 : vector<16xi32> to vector<16xi32>
    %jit3A_25 = arith.constant 16 : i32
    %eq3A = arith.constant 0 : i32
    %eq3A_26 = arith.cmpi eq, %jit3A_25, %eq3A : i32
    %jit3A_27 = arith.constant 1 : i32
    %select_n3A_28 = arith.select %eq3A_26, %jit3A_27, %jit3A_25 : i32
    %rem3A_29 = arith.remsi %add3A_4, %select_n3A_28 : i32
    %ne3A_30 = arith.constant 0 : i32
    %ne3A_31 = arith.cmpi ne, %rem3A_29, %ne3A_30 : i32
    %lt3A = arith.constant 0 : i32
    %lt3A_32 = arith.cmpi slt, %rem3A_29, %lt3A : i32
    %lt3A_33 = arith.constant 0 : i32
    %lt3A_34 = arith.cmpi slt, %select_n3A_28, %lt3A_33 : i32
    %ne3A_35 = arith.xori %lt3A_32, %lt3A_34 : i1
    %and3A_36 = arith.andi %ne3A_35, %ne3A_31 : i1
    %add3A_37 = arith.addi %rem3A_29, %select_n3A_28 : i32
    %select_n3A_38 = arith.select %and3A_36, %add3A_37, %rem3A_29 : i32
    %eq3A_39 = vector.broadcast %select_n3A_38 : i32 to vector<16xi32>
    %eq3A_40 = arith.cmpi eq, %iota3A, %eq3A_39 : vector<16xi32>
    %jit3A_41 = arith.constant 0 : i32
    %broadcast_in_dim3A = vector.broadcast %jit3A_41 : i32 to vector<16xi32>
    %select_n3A_42 = arith.select %eq3A_40, %get3A_24, %broadcast_in_dim3A : vector<16xi1>, vector<16xi32>
    %xor3A = arith.constant 8 : i32
    %xor3A_43 = vector.broadcast %xor3A : i32 to vector<16xi32>
    %xor3A_44 = arith.xori %iota3A, %xor3A_43 : vector<16xi32>
    %broadcast_in_dim3A_45 = vector.shape_cast %xor3A_44 : vector<16xi32> to vector<16x1xi32>
    %gather3A = vector.shape_cast %broadcast_in_dim3A_45 : vector<16x1xi32> to vector<16xi32>
    %gather3A_46 = tpu.dynamic_gather %select_n3A_42[%gather3A] in [0] : vector<16xi32>, vector<16xi32> -> vector<16xi32>
    %add3A_47 = arith.addi %select_n3A_42, %gather3A_46 : vector<16xi32>
    %xor3A_48 = arith.constant 4 : i32
    %xor3A_49 = vector.broadcast %xor3A_48 : i32 to vector<16xi32>
    %xor3A_50 = arith.xori %iota3A, %xor3A_49 : vector<16xi32>
    %broadcast_in_dim3A_51 = vector.shape_cast %xor3A_50 : vector<16xi32> to vector<16x1xi32>
    %gather3A_52 = vector.shape_cast %broadcast_in_dim3A_51 : vector<16x1xi32> to vector<16xi32>
    %gather3A_53 = tpu.dynamic_gather %add3A_47[%gather3A_52] in [0] : vector<16xi32>, vector<16xi32> -> vector<16xi32>
    %add3A_54 = arith.addi %add3A_47, %gather3A_53 : vector<16xi32>
    %xor3A_55 = arith.constant 2 : i32
    %xor3A_56 = vector.broadcast %xor3A_55 : i32 to vector<16xi32>
    %xor3A_57 = arith.xori %iota3A, %xor3A_56 : vector<16xi32>
    %broadcast_in_dim3A_58 = vector.shape_cast %xor3A_57 : vector<16xi32> to vector<16x1xi32>
    %gather3A_59 = vector.shape_cast %broadcast_in_dim3A_58 : vector<16x1xi32> to vector<16xi32>
    %gather3A_60 = tpu.dynamic_gather %add3A_54[%gather3A_59] in [0] : vector<16xi32>, vector<16xi32> -> vector<16xi32>
    %add3A_61 = arith.addi %add3A_54, %gather3A_60 : vector<16xi32>
    %xor3A_62 = arith.constant 1 : i32
    %xor3A_63 = vector.broadcast %xor3A_62 : i32 to vector<16xi32>
    %xor3A_64 = arith.xori %iota3A, %xor3A_63 : vector<16xi32>
    %broadcast_in_dim3A_65 = vector.shape_cast %xor3A_64 : vector<16xi32> to vector<16x1xi32>
    %gather3A_66 = vector.shape_cast %broadcast_in_dim3A_65 : vector<16x1xi32> to vector<16xi32>
    %gather3A_67 = tpu.dynamic_gather %add3A_61[%gather3A_66] in [0] : vector<16xi32>, vector<16xi32> -> vector<16xi32>
    %add3A_68 = arith.addi %add3A_61, %gather3A_67 : vector<16xi32>
    %slice3A = vector.extract_strided_slice %add3A_68 {offsets = [0], sizes = [1], strides = [1]} : vector<16xi32> to vector<1xi32>
    %squeeze3A = vector.extract %slice3A[0] : i32 from vector<1xi32>
    %scan3A = arith.constant 0 : i32
    %scan3A_69 = arith.constant 0 : i32
    %scan3A_70 = arith.constant 9216 : i32
    %scan3A_71 = arith.constant 0 : i32
    %scan3A_72 = arith.constant 31 : i32
    %scan3A_73 = arith.addi %scan3A_71, %scan3A_72 : i32
    %scan3A_74 = arith.constant 1 : i32
    %scan3A_75:4 = scf.for %scan3A_329 = %scan3A_71 to %scan3A_73 step %scan3A_74 iter_args(%scan3A_330 = %scan3A, %scan3A_331 = %scan3A_69, %scan3A_332 = %squeeze3A, %scan3A_333 = %scan3A_70) -> (i32, i32, i32, i32)  : i32 {
      %sub3A_334 = arith.constant 30 : i32
      %sub3A_335 = arith.subi %sub3A_334, %scan3A_329 : i32
      %gt3A_336 = arith.cmpi sgt, %scan3A_333, %scan3A_332 : i32
      %shift_left3A = arith.constant 1 : i32
      %shift_left3A_337 = arith.shli %shift_left3A, %sub3A_335 : i32
      %or3A = arith.ori %scan3A_331, %shift_left3A_337 : i32
      %or3A_338 = arith.ori %scan3A_330, %shift_left3A_337 : i32
      %jit3A_339 = arith.constant 72 : i32
      %jit3A_340 = arith.constant 0 : i32
      %select_n3A_341 = arith.select %gt3A_336, %jit3A_339, %jit3A_340 : i32
      %broadcast_in_dim3A_342 = arith.constant 0 : i32
      %broadcast_in_dim3A_343 = vector.broadcast %broadcast_in_dim3A_342 : i32 to vector<16xi32>
      %while3A = arith.constant 0 : i32
      %while3A_344 = arith.subi %select_n3A_341, %while3A : i32
      %while3A_345 = arith.addi %while3A, %while3A_344 : i32
      %while3A_346 = arith.constant 1 : i32
      %while3A_347 = arith.divsi %while3A_344, %while3A_346 : i32
      %while3A_348 = arith.muli %while3A_347, %while3A_346 : i32
      %while3A_349 = arith.addi %while3A, %while3A_348 : i32
      %while3A_350 = arith.constant 1 : i32
      %while3A_351:2 = scf.for %while3A_395 = %while3A to %while3A_349 step %while3A_350 iter_args(%while3A_396 = %broadcast_in_dim3A_343, %while3A_397 = %broadcast_in_dim3A_343) -> (vector<16xi32>, vector<16xi32>)  : i32 {
        %mul3A_398 = arith.constant 128 : i32
        %mul3A_399 = arith.muli %while3A_395, %mul3A_398 : i32
        %add3A_400 = arith.constant 0 : i32
        %add3A_401 = arith.addi %mul3A_399, %add3A_400 : i32
        %get3A_402 = arith.index_cast %add3A_401 : i32 to index
        %get3A_403 = tpu.vector_load %arg6[%get3A_402] {strides = array<i32>} : memref<9216xi32, #tpu.memory_space<vmem>>, vector<16xi32>,
        %get3A_404 = vector.shape_cast %get3A_403 : vector<16xi32> to vector<16xi32>
        %add3A_405 = arith.constant 0 : i32
        %add3A_406 = arith.addi %mul3A_399, %add3A_405 : i32
        %add3A_407 = arith.constant 16 : i32
        %add3A_408 = arith.addi %add3A_406, %add3A_407 : i32
        %get3A_409 = arith.index_cast %add3A_408 : i32 to index
        %get3A_410 = tpu.vector_load %arg6[%get3A_409] {strides = array<i32>} : memref<9216xi32, #tpu.memory_space<vmem>>, vector<16xi32>,
        %get3A_411 = vector.shape_cast %get3A_410 : vector<16xi32> to vector<16xi32>
        %and3A_412 = vector.broadcast %or3A : i32 to vector<16xi32>
        %and3A_413 = arith.andi %get3A_404, %and3A_412 : vector<16xi32>
        %eq3A_414 = vector.broadcast %or3A_338 : i32 to vector<16xi32>
        %eq3A_415 = arith.cmpi eq, %and3A_413, %eq3A_414 : vector<16xi32>
        %jit3A_416 = arith.constant 1 : i32
        %jit3A_417 = arith.constant 0 : i32
        %broadcast_in_dim3A_418 = vector.broadcast %jit3A_416 : i32 to vector<16xi32>
        %broadcast_in_dim3A_419 = vector.broadcast %jit3A_417 : i32 to vector<16xi32>
        %select_n3A_420 = arith.select %eq3A_415, %broadcast_in_dim3A_418, %broadcast_in_dim3A_419 : vector<16xi1>, vector<16xi32>
        %add3A_421 = arith.addi %while3A_396, %select_n3A_420 : vector<16xi32>
        %and3A_422 = vector.broadcast %or3A : i32 to vector<16xi32>
        %and3A_423 = arith.andi %get3A_411, %and3A_422 : vector<16xi32>
        %eq3A_424 = vector.broadcast %or3A_338 : i32 to vector<16xi32>
        %eq3A_425 = arith.cmpi eq, %and3A_423, %eq3A_424 : vector<16xi32>
        %jit3A_426 = arith.constant 1 : i32
        %jit3A_427 = arith.constant 0 : i32
        %broadcast_in_dim3A_428 = vector.broadcast %jit3A_426 : i32 to vector<16xi32>
        %broadcast_in_dim3A_429 = vector.broadcast %jit3A_427 : i32 to vector<16xi32>
        %select_n3A_430 = arith.select %eq3A_425, %broadcast_in_dim3A_428, %broadcast_in_dim3A_429 : vector<16xi1>, vector<16xi32>
        %add3A_431 = arith.addi %while3A_397, %select_n3A_430 : vector<16xi32>
        %add3A_432 = arith.constant 32 : i32
        %add3A_433 = arith.addi %mul3A_399, %add3A_432 : i32
        %get3A_434 = arith.index_cast %add3A_433 : i32 to index
        %get3A_435 = tpu.vector_load %arg6[%get3A_434] {strides = array<i32>} : memref<9216xi32, #tpu.memory_space<vmem>>, vector<16xi32>,
        %get3A_436 = vector.shape_cast %get3A_435 : vector<16xi32> to vector<16xi32>
        %add3A_437 = arith.constant 32 : i32
        %add3A_438 = arith.addi %mul3A_399, %add3A_437 : i32
        %add3A_439 = arith.constant 16 : i32
        %add3A_440 = arith.addi %add3A_438, %add3A_439 : i32
        %get3A_441 = arith.index_cast %add3A_440 : i32 to index
        %get3A_442 = tpu.vector_load %arg6[%get3A_441] {strides = array<i32>} : memref<9216xi32, #tpu.memory_space<vmem>>, vector<16xi32>,
        %get3A_443 = vector.shape_cast %get3A_442 : vector<16xi32> to vector<16xi32>
        %and3A_444 = vector.broadcast %or3A : i32 to vector<16xi32>
        %and3A_445 = arith.andi %get3A_436, %and3A_444 : vector<16xi32>
        %eq3A_446 = vector.broadcast %or3A_338 : i32 to vector<16xi32>
        %eq3A_447 = arith.cmpi eq, %and3A_445, %eq3A_446 : vector<16xi32>
        %jit3A_448 = arith.constant 1 : i32
        %jit3A_449 = arith.constant 0 : i32
        %broadcast_in_dim3A_450 = vector.broadcast %jit3A_448 : i32 to vector<16xi32>
        %broadcast_in_dim3A_451 = vector.broadcast %jit3A_449 : i32 to vector<16xi32>
        %select_n3A_452 = arith.select %eq3A_447, %broadcast_in_dim3A_450, %broadcast_in_dim3A_451 : vector<16xi1>, vector<16xi32>
        %add3A_453 = arith.addi %add3A_421, %select_n3A_452 : vector<16xi32>
        %and3A_454 = vector.broadcast %or3A : i32 to vector<16xi32>
        %and3A_455 = arith.andi %get3A_443, %and3A_454 : vector<16xi32>
        %eq3A_456 = vector.broadcast %or3A_338 : i32 to vector<16xi32>
        %eq3A_457 = arith.cmpi eq, %and3A_455, %eq3A_456 : vector<16xi32>
        %jit3A_458 = arith.constant 1 : i32
        %jit3A_459 = arith.constant 0 : i32
        %broadcast_in_dim3A_460 = vector.broadcast %jit3A_458 : i32 to vector<16xi32>
        %broadcast_in_dim3A_461 = vector.broadcast %jit3A_459 : i32 to vector<16xi32>
        %select_n3A_462 = arith.select %eq3A_457, %broadcast_in_dim3A_460, %broadcast_in_dim3A_461 : vector<16xi1>, vector<16xi32>
        %add3A_463 = arith.addi %add3A_431, %select_n3A_462 : vector<16xi32>
        %add3A_464 = arith.constant 64 : i32
        %add3A_465 = arith.addi %mul3A_399, %add3A_464 : i32
        %get3A_466 = arith.index_cast %add3A_465 : i32 to index
        %get3A_467 = tpu.vector_load %arg6[%get3A_466] {strides = array<i32>} : memref<9216xi32, #tpu.memory_space<vmem>>, vector<16xi32>,
        %get3A_468 = vector.shape_cast %get3A_467 : vector<16xi32> to vector<16xi32>
        %add3A_469 = arith.constant 64 : i32
        %add3A_470 = arith.addi %mul3A_399, %add3A_469 : i32
        %add3A_471 = arith.constant 16 : i32
        %add3A_472 = arith.addi %add3A_470, %add3A_471 : i32
        %get3A_473 = arith.index_cast %add3A_472 : i32 to index
        %get3A_474 = tpu.vector_load %arg6[%get3A_473] {strides = array<i32>} : memref<9216xi32, #tpu.memory_space<vmem>>, vector<16xi32>,
        %get3A_475 = vector.shape_cast %get3A_474 : vector<16xi32> to vector<16xi32>
        %and3A_476 = vector.broadcast %or3A : i32 to vector<16xi32>
        %and3A_477 = arith.andi %get3A_468, %and3A_476 : vector<16xi32>
        %eq3A_478 = vector.broadcast %or3A_338 : i32 to vector<16xi32>
        %eq3A_479 = arith.cmpi eq, %and3A_477, %eq3A_478 : vector<16xi32>
        %jit3A_480 = arith.constant 1 : i32
        %jit3A_481 = arith.constant 0 : i32
        %broadcast_in_dim3A_482 = vector.broadcast %jit3A_480 : i32 to vector<16xi32>
        %broadcast_in_dim3A_483 = vector.broadcast %jit3A_481 : i32 to vector<16xi32>
        %select_n3A_484 = arith.select %eq3A_479, %broadcast_in_dim3A_482, %broadcast_in_dim3A_483 : vector<16xi1>, vector<16xi32>
        %add3A_485 = arith.addi %add3A_453, %select_n3A_484 : vector<16xi32>
        %and3A_486 = vector.broadcast %or3A : i32 to vector<16xi32>
        %and3A_487 = arith.andi %get3A_475, %and3A_486 : vector<16xi32>
        %eq3A_488 = vector.broadcast %or3A_338 : i32 to vector<16xi32>
        %eq3A_489 = arith.cmpi eq, %and3A_487, %eq3A_488 : vector<16xi32>
        %jit3A_490 = arith.constant 1 : i32
        %jit3A_491 = arith.constant 0 : i32
        %broadcast_in_dim3A_492 = vector.broadcast %jit3A_490 : i32 to vector<16xi32>
        %broadcast_in_dim3A_493 = vector.broadcast %jit3A_491 : i32 to vector<16xi32>
        %select_n3A_494 = arith.select %eq3A_489, %broadcast_in_dim3A_492, %broadcast_in_dim3A_493 : vector<16xi1>, vector<16xi32>
        %add3A_495 = arith.addi %add3A_463, %select_n3A_494 : vector<16xi32>
        %add3A_496 = arith.constant 96 : i32
        %add3A_497 = arith.addi %mul3A_399, %add3A_496 : i32
        %get3A_498 = arith.index_cast %add3A_497 : i32 to index
        %get3A_499 = tpu.vector_load %arg6[%get3A_498] {strides = array<i32>} : memref<9216xi32, #tpu.memory_space<vmem>>, vector<16xi32>,
        %get3A_500 = vector.shape_cast %get3A_499 : vector<16xi32> to vector<16xi32>
        %add3A_501 = arith.constant 96 : i32
        %add3A_502 = arith.addi %mul3A_399, %add3A_501 : i32
        %add3A_503 = arith.constant 16 : i32
        %add3A_504 = arith.addi %add3A_502, %add3A_503 : i32
        %get3A_505 = arith.index_cast %add3A_504 : i32 to index
        %get3A_506 = tpu.vector_load %arg6[%get3A_505] {strides = array<i32>} : memref<9216xi32, #tpu.memory_space<vmem>>, vector<16xi32>,
        %get3A_507 = vector.shape_cast %get3A_506 : vector<16xi32> to vector<16xi32>
        %and3A_508 = vector.broadcast %or3A : i32 to vector<16xi32>
        %and3A_509 = arith.andi %get3A_500, %and3A_508 : vector<16xi32>
        %eq3A_510 = vector.broadcast %or3A_338 : i32 to vector<16xi32>
        %eq3A_511 = arith.cmpi eq, %and3A_509, %eq3A_510 : vector<16xi32>
        %jit3A_512 = arith.constant 1 : i32
        %jit3A_513 = arith.constant 0 : i32
        %broadcast_in_dim3A_514 = vector.broadcast %jit3A_512 : i32 to vector<16xi32>
        %broadcast_in_dim3A_515 = vector.broadcast %jit3A_513 : i32 to vector<16xi32>
        %select_n3A_516 = arith.select %eq3A_511, %broadcast_in_dim3A_514, %broadcast_in_dim3A_515 : vector<16xi1>, vector<16xi32>
        %add3A_517 = arith.addi %add3A_485, %select_n3A_516 : vector<16xi32>
        %and3A_518 = vector.broadcast %or3A : i32 to vector<16xi32>
        %and3A_519 = arith.andi %get3A_507, %and3A_518 : vector<16xi32>
        %eq3A_520 = vector.broadcast %or3A_338 : i32 to vector<16xi32>
        %eq3A_521 = arith.cmpi eq, %and3A_519, %eq3A_520 : vector<16xi32>
        %jit3A_522 = arith.constant 1 : i32
        %jit3A_523 = arith.constant 0 : i32
        %broadcast_in_dim3A_524 = vector.broadcast %jit3A_522 : i32 to vector<16xi32>
        %broadcast_in_dim3A_525 = vector.broadcast %jit3A_523 : i32 to vector<16xi32>
        %select_n3A_526 = arith.select %eq3A_521, %broadcast_in_dim3A_524, %broadcast_in_dim3A_525 : vector<16xi1>, vector<16xi32>
        %add3A_527 = arith.addi %add3A_495, %select_n3A_526 : vector<16xi32>
        scf.yield %add3A_517, %add3A_527 : vector<16xi32>, vector<16xi32>
      }
      %while3A_352 = arith.constant 1 : i32
      %while3A_353:2 = scf.for %while3A_395 = %while3A_349 to %while3A_345 step %while3A_352 iter_args(%while3A_396 = %while3A_351#0, %while3A_397 = %while3A_351#1) -> (vector<16xi32>, vector<16xi32>)  : i32 {
        %mul3A_398 = arith.constant 128 : i32
        %mul3A_399 = arith.muli %while3A_395, %mul3A_398 : i32
        %add3A_400 = arith.constant 0 : i32
        %add3A_401 = arith.addi %mul3A_399, %add3A_400 : i32
        %get3A_402 = arith.index_cast %add3A_401 : i32 to index
        %get3A_403 = tpu.vector_load %arg6[%get3A_402] {strides = array<i32>} : memref<9216xi32, #tpu.memory_space<vmem>>, vector<16xi32>,
        %get3A_404 = vector.shape_cast %get3A_403 : vector<16xi32> to vector<16xi32>
        %add3A_405 = arith.constant 0 : i32
        %add3A_406 = arith.addi %mul3A_399, %add3A_405 : i32
        %add3A_407 = arith.constant 16 : i32
        %add3A_408 = arith.addi %add3A_406, %add3A_407 : i32
        %get3A_409 = arith.index_cast %add3A_408 : i32 to index
        %get3A_410 = tpu.vector_load %arg6[%get3A_409] {strides = array<i32>} : memref<9216xi32, #tpu.memory_space<vmem>>, vector<16xi32>,
        %get3A_411 = vector.shape_cast %get3A_410 : vector<16xi32> to vector<16xi32>
        %and3A_412 = vector.broadcast %or3A : i32 to vector<16xi32>
        %and3A_413 = arith.andi %get3A_404, %and3A_412 : vector<16xi32>
        %eq3A_414 = vector.broadcast %or3A_338 : i32 to vector<16xi32>
        %eq3A_415 = arith.cmpi eq, %and3A_413, %eq3A_414 : vector<16xi32>
        %jit3A_416 = arith.constant 1 : i32
        %jit3A_417 = arith.constant 0 : i32
        %broadcast_in_dim3A_418 = vector.broadcast %jit3A_416 : i32 to vector<16xi32>
        %broadcast_in_dim3A_419 = vector.broadcast %jit3A_417 : i32 to vector<16xi32>
        %select_n3A_420 = arith.select %eq3A_415, %broadcast_in_dim3A_418, %broadcast_in_dim3A_419 : vector<16xi1>, vector<16xi32>
        %add3A_421 = arith.addi %while3A_396, %select_n3A_420 : vector<16xi32>
        %and3A_422 = vector.broadcast %or3A : i32 to vector<16xi32>
        %and3A_423 = arith.andi %get3A_411, %and3A_422 : vector<16xi32>
        %eq3A_424 = vector.broadcast %or3A_338 : i32 to vector<16xi32>
        %eq3A_425 = arith.cmpi eq, %and3A_423, %eq3A_424 : vector<16xi32>
        %jit3A_426 = arith.constant 1 : i32
        %jit3A_427 = arith.constant 0 : i32
        %broadcast_in_dim3A_428 = vector.broadcast %jit3A_426 : i32 to vector<16xi32>
        %broadcast_in_dim3A_429 = vector.broadcast %jit3A_427 : i32 to vector<16xi32>
        %select_n3A_430 = arith.select %eq3A_425, %broadcast_in_dim3A_428, %broadcast_in_dim3A_429 : vector<16xi1>, vector<16xi32>
        %add3A_431 = arith.addi %while3A_397, %select_n3A_430 : vector<16xi32>
        %add3A_432 = arith.constant 32 : i32
        %add3A_433 = arith.addi %mul3A_399, %add3A_432 : i32
        %get3A_434 = arith.index_cast %add3A_433 : i32 to index
        %get3A_435 = tpu.vector_load %arg6[%get3A_434] {strides = array<i32>} : memref<9216xi32, #tpu.memory_space<vmem>>, vector<16xi32>,
        %get3A_436 = vector.shape_cast %get3A_435 : vector<16xi32> to vector<16xi32>
        %add3A_437 = arith.constant 32 : i32
        %add3A_438 = arith.addi %mul3A_399, %add3A_437 : i32
        %add3A_439 = arith.constant 16 : i32
        %add3A_440 = arith.addi %add3A_438, %add3A_439 : i32
        %get3A_441 = arith.index_cast %add3A_440 : i32 to index
        %get3A_442 = tpu.vector_load %arg6[%get3A_441] {strides = array<i32>} : memref<9216xi32, #tpu.memory_space<vmem>>, vector<16xi32>,
        %get3A_443 = vector.shape_cast %get3A_442 : vector<16xi32> to vector<16xi32>
        %and3A_444 = vector.broadcast %or3A : i32 to vector<16xi32>
        %and3A_445 = arith.andi %get3A_436, %and3A_444 : vector<16xi32>
        %eq3A_446 = vector.broadcast %or3A_338 : i32 to vector<16xi32>
        %eq3A_447 = arith.cmpi eq, %and3A_445, %eq3A_446 : vector<16xi32>
        %jit3A_448 = arith.constant 1 : i32
        %jit3A_449 = arith.constant 0 : i32
        %broadcast_in_dim3A_450 = vector.broadcast %jit3A_448 : i32 to vector<16xi32>
        %broadcast_in_dim3A_451 = vector.broadcast %jit3A_449 : i32 to vector<16xi32>
        %select_n3A_452 = arith.select %eq3A_447, %broadcast_in_dim3A_450, %broadcast_in_dim3A_451 : vector<16xi1>, vector<16xi32>
        %add3A_453 = arith.addi %add3A_421, %select_n3A_452 : vector<16xi32>
        %and3A_454 = vector.broadcast %or3A : i32 to vector<16xi32>
        %and3A_455 = arith.andi %get3A_443, %and3A_454 : vector<16xi32>
        %eq3A_456 = vector.broadcast %or3A_338 : i32 to vector<16xi32>
        %eq3A_457 = arith.cmpi eq, %and3A_455, %eq3A_456 : vector<16xi32>
        %jit3A_458 = arith.constant 1 : i32
        %jit3A_459 = arith.constant 0 : i32
        %broadcast_in_dim3A_460 = vector.broadcast %jit3A_458 : i32 to vector<16xi32>
        %broadcast_in_dim3A_461 = vector.broadcast %jit3A_459 : i32 to vector<16xi32>
        %select_n3A_462 = arith.select %eq3A_457, %broadcast_in_dim3A_460, %broadcast_in_dim3A_461 : vector<16xi1>, vector<16xi32>
        %add3A_463 = arith.addi %add3A_431, %select_n3A_462 : vector<16xi32>
        %add3A_464 = arith.constant 64 : i32
        %add3A_465 = arith.addi %mul3A_399, %add3A_464 : i32
        %get3A_466 = arith.index_cast %add3A_465 : i32 to index
        %get3A_467 = tpu.vector_load %arg6[%get3A_466] {strides = array<i32>} : memref<9216xi32, #tpu.memory_space<vmem>>, vector<16xi32>,
        %get3A_468 = vector.shape_cast %get3A_467 : vector<16xi32> to vector<16xi32>
        %add3A_469 = arith.constant 64 : i32
        %add3A_470 = arith.addi %mul3A_399, %add3A_469 : i32
        %add3A_471 = arith.constant 16 : i32
        %add3A_472 = arith.addi %add3A_470, %add3A_471 : i32
        %get3A_473 = arith.index_cast %add3A_472 : i32 to index
        %get3A_474 = tpu.vector_load %arg6[%get3A_473] {strides = array<i32>} : memref<9216xi32, #tpu.memory_space<vmem>>, vector<16xi32>,
        %get3A_475 = vector.shape_cast %get3A_474 : vector<16xi32> to vector<16xi32>
        %and3A_476 = vector.broadcast %or3A : i32 to vector<16xi32>
        %and3A_477 = arith.andi %get3A_468, %and3A_476 : vector<16xi32>
        %eq3A_478 = vector.broadcast %or3A_338 : i32 to vector<16xi32>
        %eq3A_479 = arith.cmpi eq, %and3A_477, %eq3A_478 : vector<16xi32>
        %jit3A_480 = arith.constant 1 : i32
        %jit3A_481 = arith.constant 0 : i32
        %broadcast_in_dim3A_482 = vector.broadcast %jit3A_480 : i32 to vector<16xi32>
        %broadcast_in_dim3A_483 = vector.broadcast %jit3A_481 : i32 to vector<16xi32>
        %select_n3A_484 = arith.select %eq3A_479, %broadcast_in_dim3A_482, %broadcast_in_dim3A_483 : vector<16xi1>, vector<16xi32>
        %add3A_485 = arith.addi %add3A_453, %select_n3A_484 : vector<16xi32>
        %and3A_486 = vector.broadcast %or3A : i32 to vector<16xi32>
        %and3A_487 = arith.andi %get3A_475, %and3A_486 : vector<16xi32>
        %eq3A_488 = vector.broadcast %or3A_338 : i32 to vector<16xi32>
        %eq3A_489 = arith.cmpi eq, %and3A_487, %eq3A_488 : vector<16xi32>
        %jit3A_490 = arith.constant 1 : i32
        %jit3A_491 = arith.constant 0 : i32
        %broadcast_in_dim3A_492 = vector.broadcast %jit3A_490 : i32 to vector<16xi32>
        %broadcast_in_dim3A_493 = vector.broadcast %jit3A_491 : i32 to vector<16xi32>
        %select_n3A_494 = arith.select %eq3A_489, %broadcast_in_dim3A_492, %broadcast_in_dim3A_493 : vector<16xi1>, vector<16xi32>
        %add3A_495 = arith.addi %add3A_463, %select_n3A_494 : vector<16xi32>
        %add3A_496 = arith.constant 96 : i32
        %add3A_497 = arith.addi %mul3A_399, %add3A_496 : i32
        %get3A_498 = arith.index_cast %add3A_497 : i32 to index
        %get3A_499 = tpu.vector_load %arg6[%get3A_498] {strides = array<i32>} : memref<9216xi32, #tpu.memory_space<vmem>>, vector<16xi32>,
        %get3A_500 = vector.shape_cast %get3A_499 : vector<16xi32> to vector<16xi32>
        %add3A_501 = arith.constant 96 : i32
        %add3A_502 = arith.addi %mul3A_399, %add3A_501 : i32
        %add3A_503 = arith.constant 16 : i32
        %add3A_504 = arith.addi %add3A_502, %add3A_503 : i32
        %get3A_505 = arith.index_cast %add3A_504 : i32 to index
        %get3A_506 = tpu.vector_load %arg6[%get3A_505] {strides = array<i32>} : memref<9216xi32, #tpu.memory_space<vmem>>, vector<16xi32>,
        %get3A_507 = vector.shape_cast %get3A_506 : vector<16xi32> to vector<16xi32>
        %and3A_508 = vector.broadcast %or3A : i32 to vector<16xi32>
        %and3A_509 = arith.andi %get3A_500, %and3A_508 : vector<16xi32>
        %eq3A_510 = vector.broadcast %or3A_338 : i32 to vector<16xi32>
        %eq3A_511 = arith.cmpi eq, %and3A_509, %eq3A_510 : vector<16xi32>
        %jit3A_512 = arith.constant 1 : i32
        %jit3A_513 = arith.constant 0 : i32
        %broadcast_in_dim3A_514 = vector.broadcast %jit3A_512 : i32 to vector<16xi32>
        %broadcast_in_dim3A_515 = vector.broadcast %jit3A_513 : i32 to vector<16xi32>
        %select_n3A_516 = arith.select %eq3A_511, %broadcast_in_dim3A_514, %broadcast_in_dim3A_515 : vector<16xi1>, vector<16xi32>
        %add3A_517 = arith.addi %add3A_485, %select_n3A_516 : vector<16xi32>
        %and3A_518 = vector.broadcast %or3A : i32 to vector<16xi32>
        %and3A_519 = arith.andi %get3A_507, %and3A_518 : vector<16xi32>
        %eq3A_520 = vector.broadcast %or3A_338 : i32 to vector<16xi32>
        %eq3A_521 = arith.cmpi eq, %and3A_519, %eq3A_520 : vector<16xi32>
        %jit3A_522 = arith.constant 1 : i32
        %jit3A_523 = arith.constant 0 : i32
        %broadcast_in_dim3A_524 = vector.broadcast %jit3A_522 : i32 to vector<16xi32>
        %broadcast_in_dim3A_525 = vector.broadcast %jit3A_523 : i32 to vector<16xi32>
        %select_n3A_526 = arith.select %eq3A_521, %broadcast_in_dim3A_524, %broadcast_in_dim3A_525 : vector<16xi1>, vector<16xi32>
        %add3A_527 = arith.addi %add3A_495, %select_n3A_526 : vector<16xi32>
        scf.yield %add3A_517, %add3A_527 : vector<16xi32>, vector<16xi32>
      }
      %add3A_354 = arith.addi %while3A_353#0, %while3A_353#1 : vector<16xi32>
      %xor3A_355 = arith.constant 8 : i32
      %xor3A_356 = vector.broadcast %xor3A_355 : i32 to vector<16xi32>
      %xor3A_357 = arith.xori %iota3A, %xor3A_356 : vector<16xi32>
      %broadcast_in_dim3A_358 = vector.shape_cast %xor3A_357 : vector<16xi32> to vector<16x1xi32>
      %gather3A_359 = vector.shape_cast %broadcast_in_dim3A_358 : vector<16x1xi32> to vector<16xi32>
      %gather3A_360 = tpu.dynamic_gather %add3A_354[%gather3A_359] in [0] : vector<16xi32>, vector<16xi32> -> vector<16xi32>
      %add3A_361 = arith.addi %add3A_354, %gather3A_360 : vector<16xi32>
      %xor3A_362 = arith.constant 4 : i32
      %xor3A_363 = vector.broadcast %xor3A_362 : i32 to vector<16xi32>
      %xor3A_364 = arith.xori %iota3A, %xor3A_363 : vector<16xi32>
      %broadcast_in_dim3A_365 = vector.shape_cast %xor3A_364 : vector<16xi32> to vector<16x1xi32>
      %gather3A_366 = vector.shape_cast %broadcast_in_dim3A_365 : vector<16x1xi32> to vector<16xi32>
      %gather3A_367 = tpu.dynamic_gather %add3A_361[%gather3A_366] in [0] : vector<16xi32>, vector<16xi32> -> vector<16xi32>
      %add3A_368 = arith.addi %add3A_361, %gather3A_367 : vector<16xi32>
      %xor3A_369 = arith.constant 2 : i32
      %xor3A_370 = vector.broadcast %xor3A_369 : i32 to vector<16xi32>
      %xor3A_371 = arith.xori %iota3A, %xor3A_370 : vector<16xi32>
      %broadcast_in_dim3A_372 = vector.shape_cast %xor3A_371 : vector<16xi32> to vector<16x1xi32>
      %gather3A_373 = vector.shape_cast %broadcast_in_dim3A_372 : vector<16x1xi32> to vector<16xi32>
      %gather3A_374 = tpu.dynamic_gather %add3A_368[%gather3A_373] in [0] : vector<16xi32>, vector<16xi32> -> vector<16xi32>
      %add3A_375 = arith.addi %add3A_368, %gather3A_374 : vector<16xi32>
      %xor3A_376 = arith.constant 1 : i32
      %xor3A_377 = vector.broadcast %xor3A_376 : i32 to vector<16xi32>
      %xor3A_378 = arith.xori %iota3A, %xor3A_377 : vector<16xi32>
      %broadcast_in_dim3A_379 = vector.shape_cast %xor3A_378 : vector<16xi32> to vector<16x1xi32>
      %gather3A_380 = vector.shape_cast %broadcast_in_dim3A_379 : vector<16x1xi32> to vector<16xi32>
      %gather3A_381 = tpu.dynamic_gather %add3A_375[%gather3A_380] in [0] : vector<16xi32>, vector<16xi32> -> vector<16xi32>
      %add3A_382 = arith.addi %add3A_375, %gather3A_381 : vector<16xi32>
      %slice3A_383 = vector.extract_strided_slice %add3A_382 {offsets = [0], sizes = [1], strides = [1]} : vector<16xi32> to vector<1xi32>
      %squeeze3A_384 = vector.extract %slice3A_383[0] : i32 from vector<1xi32>
      %ge3A = arith.cmpi sge, %squeeze3A_384, %scan3A_332 : i32
      %and3A_385 = arith.andi %gt3A_336, %ge3A : i1
      %not3A = arith.constant true
      %not3A_386 = arith.xori %and3A_385, %not3A : i1
      %and3A_387 = arith.andi %gt3A_336, %not3A_386 : i1
      %select_n3A_388 = arith.select %and3A_385, %or3A_338, %scan3A_330 : i32
      %sub3A_389 = arith.subi %scan3A_333, %squeeze3A_384 : i32
      %select_n3A_390 = arith.select %and3A_387, %sub3A_389, %scan3A_333 : i32
      %select_n3A_391 = arith.select %and3A_385, %squeeze3A_384, %select_n3A_390 : i32
      %sub3A_392 = arith.subi %scan3A_332, %squeeze3A_384 : i32
      %select_n3A_393 = arith.select %and3A_387, %sub3A_392, %scan3A_332 : i32
      %select_n3A_394 = arith.select %gt3A_336, %or3A, %scan3A_331 : i32
      scf.yield %select_n3A_388, %select_n3A_394, %select_n3A_393, %select_n3A_391 : i32, i32, i32, i32
    }
    %scan3A_76 = arith.constant 31 : i32
    %broadcast_in_dim3A_77 = arith.constant 0.000000e+00 : f32
    %broadcast_in_dim3A_78 = vector.broadcast %broadcast_in_dim3A_77 : f32 to vector<16xf32>
    %scan3A_79 = arith.constant 0 : i32
    %scan3A_80 = arith.constant 144 : i32
    %scan3A_81 = arith.addi %scan3A_79, %scan3A_80 : i32
    %scan3A_82 = arith.constant 1 : i32
    %scan3A_83:2 = scf.for %scan3A_329 = %scan3A_79 to %scan3A_81 step %scan3A_82 iter_args(%scan3A_330 = %broadcast_in_dim3A_78, %scan3A_331 = %broadcast_in_dim3A_78) -> (vector<16xf32>, vector<16xf32>)  : i32 {
      %mul3A_332 = arith.constant 64 : i32
      %mul3A_333 = arith.muli %scan3A_329, %mul3A_332 : i32
      %add3A_334 = arith.constant 0 : i32
      %add3A_335 = arith.addi %mul3A_333, %add3A_334 : i32
      %get3A_336 = arith.index_cast %add3A_335 : i32 to index
      %get3A_337 = tpu.vector_load %arg7[%get3A_336] {strides = array<i32>} : memref<9216xf32, #tpu.memory_space<vmem>>, vector<16xf32>,
      %get3A_338 = vector.shape_cast %get3A_337 : vector<16xf32> to vector<16xf32>
      %add3A_339 = arith.constant 0 : i32
      %add3A_340 = arith.addi %mul3A_333, %add3A_339 : i32
      %get3A_341 = arith.index_cast %add3A_340 : i32 to index
      %get3A_342 = tpu.vector_load %arg6[%get3A_341] {strides = array<i32>} : memref<9216xi32, #tpu.memory_space<vmem>>, vector<16xi32>,
      %get3A_343 = vector.shape_cast %get3A_342 : vector<16xi32> to vector<16xi32>
      %and3A_344 = vector.broadcast %scan3A_75#1 : i32 to vector<16xi32>
      %and3A_345 = arith.andi %get3A_343, %and3A_344 : vector<16xi32>
      %gt3A_346 = vector.broadcast %scan3A_75#0 : i32 to vector<16xi32>
      %gt3A_347 = arith.cmpi sgt, %and3A_345, %gt3A_346 : vector<16xi32>
      %jit3A_348 = arith.constant 0.000000e+00 : f32
      %broadcast_in_dim3A_349 = vector.broadcast %jit3A_348 : f32 to vector<16xf32>
      %select_n3A_350 = arith.select %gt3A_347, %get3A_338, %broadcast_in_dim3A_349 : vector<16xi1>, vector<16xf32>
      %add3A_351 = arith.addf %scan3A_330, %select_n3A_350 : vector<16xf32>
      %eq3A_352 = vector.broadcast %scan3A_75#0 : i32 to vector<16xi32>
      %eq3A_353 = arith.cmpi eq, %and3A_345, %eq3A_352 : vector<16xi32>
      %jit3A_354 = arith.constant 0.000000e+00 : f32
      %broadcast_in_dim3A_355 = vector.broadcast %jit3A_354 : f32 to vector<16xf32>
      %select_n3A_356 = arith.select %eq3A_353, %get3A_338, %broadcast_in_dim3A_355 : vector<16xi1>, vector<16xf32>
      %add3A_357 = arith.addf %scan3A_331, %select_n3A_356 : vector<16xf32>
      %add3A_358 = arith.constant 16 : i32
      %add3A_359 = arith.addi %mul3A_333, %add3A_358 : i32
      %get3A_360 = arith.index_cast %add3A_359 : i32 to index
      %get3A_361 = tpu.vector_load %arg7[%get3A_360] {strides = array<i32>} : memref<9216xf32, #tpu.memory_space<vmem>>, vector<16xf32>,
      %get3A_362 = vector.shape_cast %get3A_361 : vector<16xf32> to vector<16xf32>
      %add3A_363 = arith.constant 16 : i32
      %add3A_364 = arith.addi %mul3A_333, %add3A_363 : i32
      %get3A_365 = arith.index_cast %add3A_364 : i32 to index
      %get3A_366 = tpu.vector_load %arg6[%get3A_365] {strides = array<i32>} : memref<9216xi32, #tpu.memory_space<vmem>>, vector<16xi32>,
      %get3A_367 = vector.shape_cast %get3A_366 : vector<16xi32> to vector<16xi32>
      %and3A_368 = vector.broadcast %scan3A_75#1 : i32 to vector<16xi32>
      %and3A_369 = arith.andi %get3A_367, %and3A_368 : vector<16xi32>
      %gt3A_370 = vector.broadcast %scan3A_75#0 : i32 to vector<16xi32>
      %gt3A_371 = arith.cmpi sgt, %and3A_369, %gt3A_370 : vector<16xi32>
      %jit3A_372 = arith.constant 0.000000e+00 : f32
      %broadcast_in_dim3A_373 = vector.broadcast %jit3A_372 : f32 to vector<16xf32>
      %select_n3A_374 = arith.select %gt3A_371, %get3A_362, %broadcast_in_dim3A_373 : vector<16xi1>, vector<16xf32>
      %add3A_375 = arith.addf %add3A_351, %select_n3A_374 : vector<16xf32>
      %eq3A_376 = vector.broadcast %scan3A_75#0 : i32 to vector<16xi32>
      %eq3A_377 = arith.cmpi eq, %and3A_369, %eq3A_376 : vector<16xi32>
      %jit3A_378 = arith.constant 0.000000e+00 : f32
      %broadcast_in_dim3A_379 = vector.broadcast %jit3A_378 : f32 to vector<16xf32>
      %select_n3A_380 = arith.select %eq3A_377, %get3A_362, %broadcast_in_dim3A_379 : vector<16xi1>, vector<16xf32>
      %add3A_381 = arith.addf %add3A_357, %select_n3A_380 : vector<16xf32>
      %add3A_382 = arith.constant 32 : i32
      %add3A_383 = arith.addi %mul3A_333, %add3A_382 : i32
      %get3A_384 = arith.index_cast %add3A_383 : i32 to index
      %get3A_385 = tpu.vector_load %arg7[%get3A_384] {strides = array<i32>} : memref<9216xf32, #tpu.memory_space<vmem>>, vector<16xf32>,
      %get3A_386 = vector.shape_cast %get3A_385 : vector<16xf32> to vector<16xf32>
      %add3A_387 = arith.constant 32 : i32
      %add3A_388 = arith.addi %mul3A_333, %add3A_387 : i32
      %get3A_389 = arith.index_cast %add3A_388 : i32 to index
      %get3A_390 = tpu.vector_load %arg6[%get3A_389] {strides = array<i32>} : memref<9216xi32, #tpu.memory_space<vmem>>, vector<16xi32>,
      %get3A_391 = vector.shape_cast %get3A_390 : vector<16xi32> to vector<16xi32>
      %and3A_392 = vector.broadcast %scan3A_75#1 : i32 to vector<16xi32>
      %and3A_393 = arith.andi %get3A_391, %and3A_392 : vector<16xi32>
      %gt3A_394 = vector.broadcast %scan3A_75#0 : i32 to vector<16xi32>
      %gt3A_395 = arith.cmpi sgt, %and3A_393, %gt3A_394 : vector<16xi32>
      %jit3A_396 = arith.constant 0.000000e+00 : f32
      %broadcast_in_dim3A_397 = vector.broadcast %jit3A_396 : f32 to vector<16xf32>
      %select_n3A_398 = arith.select %gt3A_395, %get3A_386, %broadcast_in_dim3A_397 : vector<16xi1>, vector<16xf32>
      %add3A_399 = arith.addf %add3A_375, %select_n3A_398 : vector<16xf32>
      %eq3A_400 = vector.broadcast %scan3A_75#0 : i32 to vector<16xi32>
      %eq3A_401 = arith.cmpi eq, %and3A_393, %eq3A_400 : vector<16xi32>
      %jit3A_402 = arith.constant 0.000000e+00 : f32
      %broadcast_in_dim3A_403 = vector.broadcast %jit3A_402 : f32 to vector<16xf32>
      %select_n3A_404 = arith.select %eq3A_401, %get3A_386, %broadcast_in_dim3A_403 : vector<16xi1>, vector<16xf32>
      %add3A_405 = arith.addf %add3A_381, %select_n3A_404 : vector<16xf32>
      %add3A_406 = arith.constant 48 : i32
      %add3A_407 = arith.addi %mul3A_333, %add3A_406 : i32
      %get3A_408 = arith.index_cast %add3A_407 : i32 to index
      %get3A_409 = tpu.vector_load %arg7[%get3A_408] {strides = array<i32>} : memref<9216xf32, #tpu.memory_space<vmem>>, vector<16xf32>,
      %get3A_410 = vector.shape_cast %get3A_409 : vector<16xf32> to vector<16xf32>
      %add3A_411 = arith.constant 48 : i32
      %add3A_412 = arith.addi %mul3A_333, %add3A_411 : i32
      %get3A_413 = arith.index_cast %add3A_412 : i32 to index
      %get3A_414 = tpu.vector_load %arg6[%get3A_413] {strides = array<i32>} : memref<9216xi32, #tpu.memory_space<vmem>>, vector<16xi32>,
      %get3A_415 = vector.shape_cast %get3A_414 : vector<16xi32> to vector<16xi32>
      %and3A_416 = vector.broadcast %scan3A_75#1 : i32 to vector<16xi32>
      %and3A_417 = arith.andi %get3A_415, %and3A_416 : vector<16xi32>
      %gt3A_418 = vector.broadcast %scan3A_75#0 : i32 to vector<16xi32>
      %gt3A_419 = arith.cmpi sgt, %and3A_417, %gt3A_418 : vector<16xi32>
      %jit3A_420 = arith.constant 0.000000e+00 : f32
      %broadcast_in_dim3A_421 = vector.broadcast %jit3A_420 : f32 to vector<16xf32>
      %select_n3A_422 = arith.select %gt3A_419, %get3A_410, %broadcast_in_dim3A_421 : vector<16xi1>, vector<16xf32>
      %add3A_423 = arith.addf %add3A_399, %select_n3A_422 : vector<16xf32>
      %eq3A_424 = vector.broadcast %scan3A_75#0 : i32 to vector<16xi32>
      %eq3A_425 = arith.cmpi eq, %and3A_417, %eq3A_424 : vector<16xi32>
      %jit3A_426 = arith.constant 0.000000e+00 : f32
      %broadcast_in_dim3A_427 = vector.broadcast %jit3A_426 : f32 to vector<16xf32>
      %select_n3A_428 = arith.select %eq3A_425, %get3A_410, %broadcast_in_dim3A_427 : vector<16xi1>, vector<16xf32>
      %add3A_429 = arith.addf %add3A_405, %select_n3A_428 : vector<16xf32>
      scf.yield %add3A_423, %add3A_429 : vector<16xf32>, vector<16xf32>
    }
    %scan3A_84 = arith.constant 144 : i32
    %xor3A_85 = arith.constant 8 : i32
    %xor3A_86 = vector.broadcast %xor3A_85 : i32 to vector<16xi32>
    %xor3A_87 = arith.xori %iota3A, %xor3A_86 : vector<16xi32>
    %broadcast_in_dim3A_88 = vector.shape_cast %xor3A_87 : vector<16xi32> to vector<16x1xi32>
    %gather3A_89 = vector.shape_cast %broadcast_in_dim3A_88 : vector<16x1xi32> to vector<16xi32>
    %gather3A_90 = tpu.dynamic_gather %scan3A_83#0[%gather3A_89] in [0] : vector<16xf32>, vector<16xi32> -> vector<16xf32>
    %add3A_91 = arith.addf %scan3A_83#0, %gather3A_90 : vector<16xf32>
    %xor3A_92 = arith.constant 4 : i32
    %xor3A_93 = vector.broadcast %xor3A_92 : i32 to vector<16xi32>
    %xor3A_94 = arith.xori %iota3A, %xor3A_93 : vector<16xi32>
    %broadcast_in_dim3A_95 = vector.shape_cast %xor3A_94 : vector<16xi32> to vector<16x1xi32>
    %gather3A_96 = vector.shape_cast %broadcast_in_dim3A_95 : vector<16x1xi32> to vector<16xi32>
    %gather3A_97 = tpu.dynamic_gather %add3A_91[%gather3A_96] in [0] : vector<16xf32>, vector<16xi32> -> vector<16xf32>
    %add3A_98 = arith.addf %add3A_91, %gather3A_97 : vector<16xf32>
    %xor3A_99 = arith.constant 2 : i32
    %xor3A_100 = vector.broadcast %xor3A_99 : i32 to vector<16xi32>
    %xor3A_101 = arith.xori %iota3A, %xor3A_100 : vector<16xi32>
    %broadcast_in_dim3A_102 = vector.shape_cast %xor3A_101 : vector<16xi32> to vector<16x1xi32>
    %gather3A_103 = vector.shape_cast %broadcast_in_dim3A_102 : vector<16x1xi32> to vector<16xi32>
    %gather3A_104 = tpu.dynamic_gather %add3A_98[%gather3A_103] in [0] : vector<16xf32>, vector<16xi32> -> vector<16xf32>
    %add3A_105 = arith.addf %add3A_98, %gather3A_104 : vector<16xf32>
    %xor3A_106 = arith.constant 1 : i32
    %xor3A_107 = vector.broadcast %xor3A_106 : i32 to vector<16xi32>
    %xor3A_108 = arith.xori %iota3A, %xor3A_107 : vector<16xi32>
    %broadcast_in_dim3A_109 = vector.shape_cast %xor3A_108 : vector<16xi32> to vector<16x1xi32>
    %gather3A_110 = vector.shape_cast %broadcast_in_dim3A_109 : vector<16x1xi32> to vector<16xi32>
    %gather3A_111 = tpu.dynamic_gather %add3A_105[%gather3A_110] in [0] : vector<16xf32>, vector<16xi32> -> vector<16xf32>
    %add3A_112 = arith.addf %add3A_105, %gather3A_111 : vector<16xf32>
    %xor3A_113 = arith.constant 8 : i32
    %xor3A_114 = vector.broadcast %xor3A_113 : i32 to vector<16xi32>
    %xor3A_115 = arith.xori %iota3A, %xor3A_114 : vector<16xi32>
    %broadcast_in_dim3A_116 = vector.shape_cast %xor3A_115 : vector<16xi32> to vector<16x1xi32>
    %gather3A_117 = vector.shape_cast %broadcast_in_dim3A_116 : vector<16x1xi32> to vector<16xi32>
    %gather3A_118 = tpu.dynamic_gather %scan3A_83#1[%gather3A_117] in [0] : vector<16xf32>, vector<16xi32> -> vector<16xf32>
    %add3A_119 = arith.addf %scan3A_83#1, %gather3A_118 : vector<16xf32>
    %xor3A_120 = arith.constant 4 : i32
    %xor3A_121 = vector.broadcast %xor3A_120 : i32 to vector<16xi32>
    %xor3A_122 = arith.xori %iota3A, %xor3A_121 : vector<16xi32>
    %broadcast_in_dim3A_123 = vector.shape_cast %xor3A_122 : vector<16xi32> to vector<16x1xi32>
    %gather3A_124 = vector.shape_cast %broadcast_in_dim3A_123 : vector<16x1xi32> to vector<16xi32>
    %gather3A_125 = tpu.dynamic_gather %add3A_119[%gather3A_124] in [0] : vector<16xf32>, vector<16xi32> -> vector<16xf32>
    %add3A_126 = arith.addf %add3A_119, %gather3A_125 : vector<16xf32>
    %xor3A_127 = arith.constant 2 : i32
    %xor3A_128 = vector.broadcast %xor3A_127 : i32 to vector<16xi32>
    %xor3A_129 = arith.xori %iota3A, %xor3A_128 : vector<16xi32>
    %broadcast_in_dim3A_130 = vector.shape_cast %xor3A_129 : vector<16xi32> to vector<16x1xi32>
    %gather3A_131 = vector.shape_cast %broadcast_in_dim3A_130 : vector<16x1xi32> to vector<16xi32>
    %gather3A_132 = tpu.dynamic_gather %add3A_126[%gather3A_131] in [0] : vector<16xf32>, vector<16xi32> -> vector<16xf32>
    %add3A_133 = arith.addf %add3A_126, %gather3A_132 : vector<16xf32>
    %xor3A_134 = arith.constant 1 : i32
    %xor3A_135 = vector.broadcast %xor3A_134 : i32 to vector<16xi32>
    %xor3A_136 = arith.xori %iota3A, %xor3A_135 : vector<16xi32>
    %broadcast_in_dim3A_137 = vector.shape_cast %xor3A_136 : vector<16xi32> to vector<16x1xi32>
    %gather3A_138 = vector.shape_cast %broadcast_in_dim3A_137 : vector<16x1xi32> to vector<16xi32>
    %gather3A_139 = tpu.dynamic_gather %add3A_133[%gather3A_138] in [0] : vector<16xf32>, vector<16xi32> -> vector<16xf32>
    %add3A_140 = arith.addf %add3A_133, %gather3A_139 : vector<16xf32>
    %max3A = arith.constant 1 : i32
    %max3A_141 = arith.maxsi %scan3A_75#3, %max3A : i32
    %convert_element_type3A = arith.sitofp %max3A_141 : i32 to f32
    %div3A_142 = vector.broadcast %convert_element_type3A : f32 to vector<16xf32>
    %div3A_143 = arith.divf %add3A_140, %div3A_142 : vector<16xf32>
    %le3A = arith.cmpi sle, %scan3A_75#3, %scan3A_75#2 : i32
    %convert_element_type3A_144 = arith.sitofp %scan3A_75#2 : i32 to f32
    %mul3A_145 = vector.broadcast %convert_element_type3A_144 : f32 to vector<16xf32>
    %mul3A_146 = arith.mulf %mul3A_145, %div3A_143 : vector<16xf32>
    %select_n3A_147 = arith.select %le3A, %add3A_140, %mul3A_146 : vector<16xf32>
    %gt3A = arith.constant 0 : i32
    %gt3A_148 = arith.cmpi sgt, %squeeze3A, %gt3A : i32
    %add3A_149 = arith.addf %add3A_112, %select_n3A_147 : vector<16xf32>
    %select_n3A_150 = arith.select %gt3A_148, %add3A_149, %broadcast_in_dim3A_78 : vector<16xf32>
    %swap3A = arith.constant 0 : index
    %swap3A_151 = tpu.vector_load %arg9[%swap3A] {strides = array<i32>} : memref<16xf32, #tpu.memory_space<vmem>>, vector<16xf32>,
    %swap3A_152 = vector.shape_cast %swap3A_151 : vector<16xf32> to vector<16xf32>
    %swap3A_153 = vector.shape_cast %select_n3A_150 : vector<16xf32> to vector<16xf32>
    tpu.vector_store %arg9[%swap3A], %swap3A_153 {strides = array<i32>} : memref<16xf32, #tpu.memory_space<vmem>>, vector<16xf32>,
    "tpu.region"() ({
      %run_scoped3A = tpu.sem_alloc : memref<!tpu.dma_semaphore, #tpu.memory_space<semaphore_mem>>
      %dma_start3A = arith.constant 0 : i32
      %dma_start3A_329 = tpu.memref_slice %arg5[%add3A_4, %dma_start3A] : memref<64x16xf32, #tpu.memory_space<hbm>> -> memref<1x16xf32, #tpu.memory_space<hbm>>
      %dma_start3A_330 = tpu.memref_squeeze %dma_start3A_329 : memref<1x16xf32, #tpu.memory_space<hbm>> -> memref<16xf32, #tpu.memory_space<hbm>>
      %dma_start3A_331 = arith.constant 0 : i32
      %dma_start3A_332 = tpu.memref_slice %arg5[%add3A_4, %dma_start3A_331] : memref<64x16xf32, #tpu.memory_space<hbm>> -> memref<1x16xf32, #tpu.memory_space<hbm>>
      %dma_start3A_333 = tpu.memref_squeeze %dma_start3A_332 : memref<1x16xf32, #tpu.memory_space<hbm>> -> memref<16xf32, #tpu.memory_space<hbm>>
      tpu.enqueue_dma source(%arg9 : memref<16xf32, #tpu.memory_space<vmem>>) target(%dma_start3A_333 : memref<16xf32, #tpu.memory_space<hbm>>) target_semaphore(%run_scoped3A : memref<!tpu.dma_semaphore, #tpu.memory_space<semaphore_mem>>)
      %dma_wait3A = arith.constant 0 : i32
      %dma_wait3A_334 = tpu.memref_slice %arg5[%add3A_4, %dma_wait3A] : memref<64x16xf32, #tpu.memory_space<hbm>> -> memref<1x16xf32, #tpu.memory_space<hbm>>
      %dma_wait3A_335 = tpu.memref_squeeze %dma_wait3A_334 : memref<1x16xf32, #tpu.memory_space<hbm>> -> memref<16xf32, #tpu.memory_space<hbm>>
      %dma_wait3A_336 = arith.constant 0 : i32
      %dma_wait3A_337 = tpu.memref_slice %arg5[%add3A_4, %dma_wait3A_336] : memref<64x16xf32, #tpu.memory_space<hbm>> -> memref<1x16xf32, #tpu.memory_space<hbm>>
      %dma_wait3A_338 = tpu.memref_squeeze %dma_wait3A_337 : memref<1x16xf32, #tpu.memory_space<hbm>> -> memref<16xf32, #tpu.memory_space<hbm>>
      tpu.wait_dma2 semaphore(%run_scoped3A : memref<!tpu.dma_semaphore, #tpu.memory_space<semaphore_mem>>) src(%arg9 : memref<16xf32, #tpu.memory_space<vmem>>) dst(%dma_wait3A_338 : memref<16xf32, #tpu.memory_space<hbm>>)
      tpu.yield
    }) : () -> ()
    %mul3A_154 = arith.constant 2 : i32
    %mul3A_155 = arith.muli %add3A, %mul3A_154 : i32
    %add3A_156 = arith.constant 1 : i32
    %add3A_157 = arith.addi %mul3A_155, %add3A_156 : i32
    "tpu.region"() ({
      %run_scoped3A = tpu.sem_alloc : memref<!tpu.dma_semaphore, #tpu.memory_space<semaphore_mem>>
      %dma_start3A = arith.constant 0 : i32
      %dma_start3A_329 = tpu.memref_slice %arg2[%add3A_157, %dma_start3A] : memref<64x9216xi32, #tpu.memory_space<hbm>> -> memref<1x9216xi32, #tpu.memory_space<hbm>>
      %dma_start3A_330 = tpu.memref_squeeze %dma_start3A_329 : memref<1x9216xi32, #tpu.memory_space<hbm>> -> memref<9216xi32, #tpu.memory_space<hbm>>
      %dma_start3A_331 = arith.constant 0 : i32
      %dma_start3A_332 = tpu.memref_slice %arg2[%add3A_157, %dma_start3A_331] : memref<64x9216xi32, #tpu.memory_space<hbm>> -> memref<1x9216xi32, #tpu.memory_space<hbm>>
      %dma_start3A_333 = tpu.memref_squeeze %dma_start3A_332 : memref<1x9216xi32, #tpu.memory_space<hbm>> -> memref<9216xi32, #tpu.memory_space<hbm>>
      tpu.enqueue_dma source(%dma_start3A_333 : memref<9216xi32, #tpu.memory_space<hbm>>) target(%arg6 : memref<9216xi32, #tpu.memory_space<vmem>>) target_semaphore(%run_scoped3A : memref<!tpu.dma_semaphore, #tpu.memory_space<semaphore_mem>>)
      %dma_wait3A = arith.constant 0 : i32
      %dma_wait3A_334 = tpu.memref_slice %arg2[%add3A_157, %dma_wait3A] : memref<64x9216xi32, #tpu.memory_space<hbm>> -> memref<1x9216xi32, #tpu.memory_space<hbm>>
      %dma_wait3A_335 = tpu.memref_squeeze %dma_wait3A_334 : memref<1x9216xi32, #tpu.memory_space<hbm>> -> memref<9216xi32, #tpu.memory_space<hbm>>
      %dma_wait3A_336 = arith.constant 0 : i32
      %dma_wait3A_337 = tpu.memref_slice %arg2[%add3A_157, %dma_wait3A_336] : memref<64x9216xi32, #tpu.memory_space<hbm>> -> memref<1x9216xi32, #tpu.memory_space<hbm>>
      %dma_wait3A_338 = tpu.memref_squeeze %dma_wait3A_337 : memref<1x9216xi32, #tpu.memory_space<hbm>> -> memref<9216xi32, #tpu.memory_space<hbm>>
      tpu.wait_dma2 semaphore(%run_scoped3A : memref<!tpu.dma_semaphore, #tpu.memory_space<semaphore_mem>>) src(%dma_wait3A_338 : memref<9216xi32, #tpu.memory_space<hbm>>) dst(%arg6 : memref<9216xi32, #tpu.memory_space<vmem>>)
      tpu.yield
    }) : () -> ()
    "tpu.region"() ({
      %run_scoped3A = tpu.sem_alloc : memref<!tpu.dma_semaphore, #tpu.memory_space<semaphore_mem>>
      %dma_start3A = arith.constant 0 : i32
      %dma_start3A_329 = tpu.memref_slice %arg3[%add3A_157, %dma_start3A] : memref<64x9216xf32, #tpu.memory_space<hbm>> -> memref<1x9216xf32, #tpu.memory_space<hbm>>
      %dma_start3A_330 = tpu.memref_squeeze %dma_start3A_329 : memref<1x9216xf32, #tpu.memory_space<hbm>> -> memref<9216xf32, #tpu.memory_space<hbm>>
      %dma_start3A_331 = arith.constant 0 : i32
      %dma_start3A_332 = tpu.memref_slice %arg3[%add3A_157, %dma_start3A_331] : memref<64x9216xf32, #tpu.memory_space<hbm>> -> memref<1x9216xf32, #tpu.memory_space<hbm>>
      %dma_start3A_333 = tpu.memref_squeeze %dma_start3A_332 : memref<1x9216xf32, #tpu.memory_space<hbm>> -> memref<9216xf32, #tpu.memory_space<hbm>>
      tpu.enqueue_dma source(%dma_start3A_333 : memref<9216xf32, #tpu.memory_space<hbm>>) target(%arg7 : memref<9216xf32, #tpu.memory_space<vmem>>) target_semaphore(%run_scoped3A : memref<!tpu.dma_semaphore, #tpu.memory_space<semaphore_mem>>)
      %dma_wait3A = arith.constant 0 : i32
      %dma_wait3A_334 = tpu.memref_slice %arg3[%add3A_157, %dma_wait3A] : memref<64x9216xf32, #tpu.memory_space<hbm>> -> memref<1x9216xf32, #tpu.memory_space<hbm>>
      %dma_wait3A_335 = tpu.memref_squeeze %dma_wait3A_334 : memref<1x9216xf32, #tpu.memory_space<hbm>> -> memref<9216xf32, #tpu.memory_space<hbm>>
      %dma_wait3A_336 = arith.constant 0 : i32
      %dma_wait3A_337 = tpu.memref_slice %arg3[%add3A_157, %dma_wait3A_336] : memref<64x9216xf32, #tpu.memory_space<hbm>> -> memref<1x9216xf32, #tpu.memory_space<hbm>>
      %dma_wait3A_338 = tpu.memref_squeeze %dma_wait3A_337 : memref<1x9216xf32, #tpu.memory_space<hbm>> -> memref<9216xf32, #tpu.memory_space<hbm>>
      tpu.wait_dma2 semaphore(%run_scoped3A : memref<!tpu.dma_semaphore, #tpu.memory_space<semaphore_mem>>) src(%dma_wait3A_338 : memref<9216xf32, #tpu.memory_space<hbm>>) dst(%arg7 : memref<9216xf32, #tpu.memory_space<vmem>>)
      tpu.yield
    }) : () -> ()
    %jit3A_158 = arith.constant 16 : i32
    %div3A_159 = arith.divsi %add3A_157, %jit3A_158 : i32
    %sign3A_160 = arith.constant 0 : i32
    %sign3A_161 = arith.cmpi sgt, %add3A_157, %sign3A_160 : i32
    %sign3A_162 = arith.extui %sign3A_161 : i1 to i32
    %sign3A_163 = arith.constant 0 : i32
    %sign3A_164 = arith.cmpi slt, %add3A_157, %sign3A_163 : i32
    %sign3A_165 = arith.extui %sign3A_164 : i1 to i32
    %sign3A_166 = arith.subi %sign3A_162, %sign3A_165 : i32
    %sign3A_167 = arith.constant 0 : i32
    %sign3A_168 = arith.cmpi sgt, %jit3A_158, %sign3A_167 : i32
    %sign3A_169 = arith.extui %sign3A_168 : i1 to i32
    %sign3A_170 = arith.constant 0 : i32
    %sign3A_171 = arith.cmpi slt, %jit3A_158, %sign3A_170 : i32
    %sign3A_172 = arith.extui %sign3A_171 : i1 to i32
    %sign3A_173 = arith.subi %sign3A_169, %sign3A_172 : i32
    %ne3A_174 = arith.cmpi ne, %sign3A_166, %sign3A_173 : i32
    %rem3A_175 = arith.remsi %add3A_157, %jit3A_158 : i32
    %ne3A_176 = arith.constant 0 : i32
    %ne3A_177 = arith.cmpi ne, %rem3A_175, %ne3A_176 : i32
    %and3A_178 = arith.andi %ne3A_174, %ne3A_177 : i1
    %sub3A_179 = arith.constant 1 : i32
    %sub3A_180 = arith.subi %div3A_159, %sub3A_179 : i32
    %select_n3A_181 = arith.select %and3A_178, %sub3A_180, %div3A_159 : i32
    %mul3A_182 = arith.constant 16 : i32
    %mul3A_183 = arith.muli %select_n3A_181, %mul3A_182 : i32
    %get3A_184 = arith.index_cast %mul3A_183 : i32 to index
    %get3A_185 = tpu.vector_load %arg8[%get3A_184] {strides = array<i32>} : memref<64xi32, #tpu.memory_space<vmem>>, vector<16xi32>,
    %get3A_186 = vector.shape_cast %get3A_185 : vector<16xi32> to vector<16xi32>
    %jit3A_187 = arith.constant 16 : i32
    %eq3A_188 = arith.constant 0 : i32
    %eq3A_189 = arith.cmpi eq, %jit3A_187, %eq3A_188 : i32
    %jit3A_190 = arith.constant 1 : i32
    %select_n3A_191 = arith.select %eq3A_189, %jit3A_190, %jit3A_187 : i32
    %rem3A_192 = arith.remsi %add3A_157, %select_n3A_191 : i32
    %ne3A_193 = arith.constant 0 : i32
    %ne3A_194 = arith.cmpi ne, %rem3A_192, %ne3A_193 : i32
    %lt3A_195 = arith.constant 0 : i32
    %lt3A_196 = arith.cmpi slt, %rem3A_192, %lt3A_195 : i32
    %lt3A_197 = arith.constant 0 : i32
    %lt3A_198 = arith.cmpi slt, %select_n3A_191, %lt3A_197 : i32
    %ne3A_199 = arith.xori %lt3A_196, %lt3A_198 : i1
    %and3A_200 = arith.andi %ne3A_199, %ne3A_194 : i1
    %add3A_201 = arith.addi %rem3A_192, %select_n3A_191 : i32
    %select_n3A_202 = arith.select %and3A_200, %add3A_201, %rem3A_192 : i32
    %eq3A_203 = vector.broadcast %select_n3A_202 : i32 to vector<16xi32>
    %eq3A_204 = arith.cmpi eq, %iota3A, %eq3A_203 : vector<16xi32>
    %jit3A_205 = arith.constant 0 : i32
    %broadcast_in_dim3A_206 = vector.broadcast %jit3A_205 : i32 to vector<16xi32>
    %select_n3A_207 = arith.select %eq3A_204, %get3A_186, %broadcast_in_dim3A_206 : vector<16xi1>, vector<16xi32>
    %xor3A_208 = arith.constant 8 : i32
    %xor3A_209 = vector.broadcast %xor3A_208 : i32 to vector<16xi32>
    %xor3A_210 = arith.xori %iota3A, %xor3A_209 : vector<16xi32>
    %broadcast_in_dim3A_211 = vector.shape_cast %xor3A_210 : vector<16xi32> to vector<16x1xi32>
    %gather3A_212 = vector.shape_cast %broadcast_in_dim3A_211 : vector<16x1xi32> to vector<16xi32>
    %gather3A_213 = tpu.dynamic_gather %select_n3A_207[%gather3A_212] in [0] : vector<16xi32>, vector<16xi32> -> vector<16xi32>
    %add3A_214 = arith.addi %select_n3A_207, %gather3A_213 : vector<16xi32>
    %xor3A_215 = arith.constant 4 : i32
    %xor3A_216 = vector.broadcast %xor3A_215 : i32 to vector<16xi32>
    %xor3A_217 = arith.xori %iota3A, %xor3A_216 : vector<16xi32>
    %broadcast_in_dim3A_218 = vector.shape_cast %xor3A_217 : vector<16xi32> to vector<16x1xi32>
    %gather3A_219 = vector.shape_cast %broadcast_in_dim3A_218 : vector<16x1xi32> to vector<16xi32>
    %gather3A_220 = tpu.dynamic_gather %add3A_214[%gather3A_219] in [0] : vector<16xi32>, vector<16xi32> -> vector<16xi32>
    %add3A_221 = arith.addi %add3A_214, %gather3A_220 : vector<16xi32>
    %xor3A_222 = arith.constant 2 : i32
    %xor3A_223 = vector.broadcast %xor3A_222 : i32 to vector<16xi32>
    %xor3A_224 = arith.xori %iota3A, %xor3A_223 : vector<16xi32>
    %broadcast_in_dim3A_225 = vector.shape_cast %xor3A_224 : vector<16xi32> to vector<16x1xi32>
    %gather3A_226 = vector.shape_cast %broadcast_in_dim3A_225 : vector<16x1xi32> to vector<16xi32>
    %gather3A_227 = tpu.dynamic_gather %add3A_221[%gather3A_226] in [0] : vector<16xi32>, vector<16xi32> -> vector<16xi32>
    %add3A_228 = arith.addi %add3A_221, %gather3A_227 : vector<16xi32>
    %xor3A_229 = arith.constant 1 : i32
    %xor3A_230 = vector.broadcast %xor3A_229 : i32 to vector<16xi32>
    %xor3A_231 = arith.xori %iota3A, %xor3A_230 : vector<16xi32>
    %broadcast_in_dim3A_232 = vector.shape_cast %xor3A_231 : vector<16xi32> to vector<16x1xi32>
    %gather3A_233 = vector.shape_cast %broadcast_in_dim3A_232 : vector<16x1xi32> to vector<16xi32>
    %gather3A_234 = tpu.dynamic_gather %add3A_228[%gather3A_233] in [0] : vector<16xi32>, vector<16xi32> -> vector<16xi32>
    %add3A_235 = arith.addi %add3A_228, %gather3A_234 : vector<16xi32>
    %slice3A_236 = vector.extract_strided_slice %add3A_235 {offsets = [0], sizes = [1], strides = [1]} : vector<16xi32> to vector<1xi32>
    %squeeze3A_237 = vector.extract %slice3A_236[0] : i32 from vector<1xi32>
    %scan3A_238 = arith.constant 0 : i32
    %scan3A_239 = arith.constant 0 : i32
    %scan3A_240 = arith.constant 9216 : i32
    %scan3A_241 = arith.constant 0 : i32
    %scan3A_242 = arith.constant 31 : i32
    %scan3A_243 = arith.addi %scan3A_241, %scan3A_242 : i32
    %scan3A_244 = arith.constant 1 : i32
    %scan3A_245:4 = scf.for %scan3A_329 = %scan3A_241 to %scan3A_243 step %scan3A_244 iter_args(%scan3A_330 = %scan3A_238, %scan3A_331 = %scan3A_239, %scan3A_332 = %squeeze3A_237, %scan3A_333 = %scan3A_240) -> (i32, i32, i32, i32)  : i32 {
      %sub3A_334 = arith.constant 30 : i32
      %sub3A_335 = arith.subi %sub3A_334, %scan3A_329 : i32
      %gt3A_336 = arith.cmpi sgt, %scan3A_333, %scan3A_332 : i32
      %shift_left3A = arith.constant 1 : i32
      %shift_left3A_337 = arith.shli %shift_left3A, %sub3A_335 : i32
      %or3A = arith.ori %scan3A_331, %shift_left3A_337 : i32
      %or3A_338 = arith.ori %scan3A_330, %shift_left3A_337 : i32
      %jit3A_339 = arith.constant 72 : i32
      %jit3A_340 = arith.constant 0 : i32
      %select_n3A_341 = arith.select %gt3A_336, %jit3A_339, %jit3A_340 : i32
      %broadcast_in_dim3A_342 = arith.constant 0 : i32
      %broadcast_in_dim3A_343 = vector.broadcast %broadcast_in_dim3A_342 : i32 to vector<16xi32>
      %while3A = arith.constant 0 : i32
      %while3A_344 = arith.subi %select_n3A_341, %while3A : i32
      %while3A_345 = arith.addi %while3A, %while3A_344 : i32
      %while3A_346 = arith.constant 1 : i32
      %while3A_347 = arith.divsi %while3A_344, %while3A_346 : i32
      %while3A_348 = arith.muli %while3A_347, %while3A_346 : i32
      %while3A_349 = arith.addi %while3A, %while3A_348 : i32
      %while3A_350 = arith.constant 1 : i32
      %while3A_351:2 = scf.for %while3A_395 = %while3A to %while3A_349 step %while3A_350 iter_args(%while3A_396 = %broadcast_in_dim3A_343, %while3A_397 = %broadcast_in_dim3A_343) -> (vector<16xi32>, vector<16xi32>)  : i32 {
        %mul3A_398 = arith.constant 128 : i32
        %mul3A_399 = arith.muli %while3A_395, %mul3A_398 : i32
        %add3A_400 = arith.constant 0 : i32
        %add3A_401 = arith.addi %mul3A_399, %add3A_400 : i32
        %get3A_402 = arith.index_cast %add3A_401 : i32 to index
        %get3A_403 = tpu.vector_load %arg6[%get3A_402] {strides = array<i32>} : memref<9216xi32, #tpu.memory_space<vmem>>, vector<16xi32>,
        %get3A_404 = vector.shape_cast %get3A_403 : vector<16xi32> to vector<16xi32>
        %add3A_405 = arith.constant 0 : i32
        %add3A_406 = arith.addi %mul3A_399, %add3A_405 : i32
        %add3A_407 = arith.constant 16 : i32
        %add3A_408 = arith.addi %add3A_406, %add3A_407 : i32
        %get3A_409 = arith.index_cast %add3A_408 : i32 to index
        %get3A_410 = tpu.vector_load %arg6[%get3A_409] {strides = array<i32>} : memref<9216xi32, #tpu.memory_space<vmem>>, vector<16xi32>,
        %get3A_411 = vector.shape_cast %get3A_410 : vector<16xi32> to vector<16xi32>
        %and3A_412 = vector.broadcast %or3A : i32 to vector<16xi32>
        %and3A_413 = arith.andi %get3A_404, %and3A_412 : vector<16xi32>
        %eq3A_414 = vector.broadcast %or3A_338 : i32 to vector<16xi32>
        %eq3A_415 = arith.cmpi eq, %and3A_413, %eq3A_414 : vector<16xi32>
        %jit3A_416 = arith.constant 1 : i32
        %jit3A_417 = arith.constant 0 : i32
        %broadcast_in_dim3A_418 = vector.broadcast %jit3A_416 : i32 to vector<16xi32>
        %broadcast_in_dim3A_419 = vector.broadcast %jit3A_417 : i32 to vector<16xi32>
        %select_n3A_420 = arith.select %eq3A_415, %broadcast_in_dim3A_418, %broadcast_in_dim3A_419 : vector<16xi1>, vector<16xi32>
        %add3A_421 = arith.addi %while3A_396, %select_n3A_420 : vector<16xi32>
        %and3A_422 = vector.broadcast %or3A : i32 to vector<16xi32>
        %and3A_423 = arith.andi %get3A_411, %and3A_422 : vector<16xi32>
        %eq3A_424 = vector.broadcast %or3A_338 : i32 to vector<16xi32>
        %eq3A_425 = arith.cmpi eq, %and3A_423, %eq3A_424 : vector<16xi32>
        %jit3A_426 = arith.constant 1 : i32
        %jit3A_427 = arith.constant 0 : i32
        %broadcast_in_dim3A_428 = vector.broadcast %jit3A_426 : i32 to vector<16xi32>
        %broadcast_in_dim3A_429 = vector.broadcast %jit3A_427 : i32 to vector<16xi32>
        %select_n3A_430 = arith.select %eq3A_425, %broadcast_in_dim3A_428, %broadcast_in_dim3A_429 : vector<16xi1>, vector<16xi32>
        %add3A_431 = arith.addi %while3A_397, %select_n3A_430 : vector<16xi32>
        %add3A_432 = arith.constant 32 : i32
        %add3A_433 = arith.addi %mul3A_399, %add3A_432 : i32
        %get3A_434 = arith.index_cast %add3A_433 : i32 to index
        %get3A_435 = tpu.vector_load %arg6[%get3A_434] {strides = array<i32>} : memref<9216xi32, #tpu.memory_space<vmem>>, vector<16xi32>,
        %get3A_436 = vector.shape_cast %get3A_435 : vector<16xi32> to vector<16xi32>
        %add3A_437 = arith.constant 32 : i32
        %add3A_438 = arith.addi %mul3A_399, %add3A_437 : i32
        %add3A_439 = arith.constant 16 : i32
        %add3A_440 = arith.addi %add3A_438, %add3A_439 : i32
        %get3A_441 = arith.index_cast %add3A_440 : i32 to index
        %get3A_442 = tpu.vector_load %arg6[%get3A_441] {strides = array<i32>} : memref<9216xi32, #tpu.memory_space<vmem>>, vector<16xi32>,
        %get3A_443 = vector.shape_cast %get3A_442 : vector<16xi32> to vector<16xi32>
        %and3A_444 = vector.broadcast %or3A : i32 to vector<16xi32>
        %and3A_445 = arith.andi %get3A_436, %and3A_444 : vector<16xi32>
        %eq3A_446 = vector.broadcast %or3A_338 : i32 to vector<16xi32>
        %eq3A_447 = arith.cmpi eq, %and3A_445, %eq3A_446 : vector<16xi32>
        %jit3A_448 = arith.constant 1 : i32
        %jit3A_449 = arith.constant 0 : i32
        %broadcast_in_dim3A_450 = vector.broadcast %jit3A_448 : i32 to vector<16xi32>
        %broadcast_in_dim3A_451 = vector.broadcast %jit3A_449 : i32 to vector<16xi32>
        %select_n3A_452 = arith.select %eq3A_447, %broadcast_in_dim3A_450, %broadcast_in_dim3A_451 : vector<16xi1>, vector<16xi32>
        %add3A_453 = arith.addi %add3A_421, %select_n3A_452 : vector<16xi32>
        %and3A_454 = vector.broadcast %or3A : i32 to vector<16xi32>
        %and3A_455 = arith.andi %get3A_443, %and3A_454 : vector<16xi32>
        %eq3A_456 = vector.broadcast %or3A_338 : i32 to vector<16xi32>
        %eq3A_457 = arith.cmpi eq, %and3A_455, %eq3A_456 : vector<16xi32>
        %jit3A_458 = arith.constant 1 : i32
        %jit3A_459 = arith.constant 0 : i32
        %broadcast_in_dim3A_460 = vector.broadcast %jit3A_458 : i32 to vector<16xi32>
        %broadcast_in_dim3A_461 = vector.broadcast %jit3A_459 : i32 to vector<16xi32>
        %select_n3A_462 = arith.select %eq3A_457, %broadcast_in_dim3A_460, %broadcast_in_dim3A_461 : vector<16xi1>, vector<16xi32>
        %add3A_463 = arith.addi %add3A_431, %select_n3A_462 : vector<16xi32>
        %add3A_464 = arith.constant 64 : i32
        %add3A_465 = arith.addi %mul3A_399, %add3A_464 : i32
        %get3A_466 = arith.index_cast %add3A_465 : i32 to index
        %get3A_467 = tpu.vector_load %arg6[%get3A_466] {strides = array<i32>} : memref<9216xi32, #tpu.memory_space<vmem>>, vector<16xi32>,
        %get3A_468 = vector.shape_cast %get3A_467 : vector<16xi32> to vector<16xi32>
        %add3A_469 = arith.constant 64 : i32
        %add3A_470 = arith.addi %mul3A_399, %add3A_469 : i32
        %add3A_471 = arith.constant 16 : i32
        %add3A_472 = arith.addi %add3A_470, %add3A_471 : i32
        %get3A_473 = arith.index_cast %add3A_472 : i32 to index
        %get3A_474 = tpu.vector_load %arg6[%get3A_473] {strides = array<i32>} : memref<9216xi32, #tpu.memory_space<vmem>>, vector<16xi32>,
        %get3A_475 = vector.shape_cast %get3A_474 : vector<16xi32> to vector<16xi32>
        %and3A_476 = vector.broadcast %or3A : i32 to vector<16xi32>
        %and3A_477 = arith.andi %get3A_468, %and3A_476 : vector<16xi32>
        %eq3A_478 = vector.broadcast %or3A_338 : i32 to vector<16xi32>
        %eq3A_479 = arith.cmpi eq, %and3A_477, %eq3A_478 : vector<16xi32>
        %jit3A_480 = arith.constant 1 : i32
        %jit3A_481 = arith.constant 0 : i32
        %broadcast_in_dim3A_482 = vector.broadcast %jit3A_480 : i32 to vector<16xi32>
        %broadcast_in_dim3A_483 = vector.broadcast %jit3A_481 : i32 to vector<16xi32>
        %select_n3A_484 = arith.select %eq3A_479, %broadcast_in_dim3A_482, %broadcast_in_dim3A_483 : vector<16xi1>, vector<16xi32>
        %add3A_485 = arith.addi %add3A_453, %select_n3A_484 : vector<16xi32>
        %and3A_486 = vector.broadcast %or3A : i32 to vector<16xi32>
        %and3A_487 = arith.andi %get3A_475, %and3A_486 : vector<16xi32>
        %eq3A_488 = vector.broadcast %or3A_338 : i32 to vector<16xi32>
        %eq3A_489 = arith.cmpi eq, %and3A_487, %eq3A_488 : vector<16xi32>
        %jit3A_490 = arith.constant 1 : i32
        %jit3A_491 = arith.constant 0 : i32
        %broadcast_in_dim3A_492 = vector.broadcast %jit3A_490 : i32 to vector<16xi32>
        %broadcast_in_dim3A_493 = vector.broadcast %jit3A_491 : i32 to vector<16xi32>
        %select_n3A_494 = arith.select %eq3A_489, %broadcast_in_dim3A_492, %broadcast_in_dim3A_493 : vector<16xi1>, vector<16xi32>
        %add3A_495 = arith.addi %add3A_463, %select_n3A_494 : vector<16xi32>
        %add3A_496 = arith.constant 96 : i32
        %add3A_497 = arith.addi %mul3A_399, %add3A_496 : i32
        %get3A_498 = arith.index_cast %add3A_497 : i32 to index
        %get3A_499 = tpu.vector_load %arg6[%get3A_498] {strides = array<i32>} : memref<9216xi32, #tpu.memory_space<vmem>>, vector<16xi32>,
        %get3A_500 = vector.shape_cast %get3A_499 : vector<16xi32> to vector<16xi32>
        %add3A_501 = arith.constant 96 : i32
        %add3A_502 = arith.addi %mul3A_399, %add3A_501 : i32
        %add3A_503 = arith.constant 16 : i32
        %add3A_504 = arith.addi %add3A_502, %add3A_503 : i32
        %get3A_505 = arith.index_cast %add3A_504 : i32 to index
        %get3A_506 = tpu.vector_load %arg6[%get3A_505] {strides = array<i32>} : memref<9216xi32, #tpu.memory_space<vmem>>, vector<16xi32>,
        %get3A_507 = vector.shape_cast %get3A_506 : vector<16xi32> to vector<16xi32>
        %and3A_508 = vector.broadcast %or3A : i32 to vector<16xi32>
        %and3A_509 = arith.andi %get3A_500, %and3A_508 : vector<16xi32>
        %eq3A_510 = vector.broadcast %or3A_338 : i32 to vector<16xi32>
        %eq3A_511 = arith.cmpi eq, %and3A_509, %eq3A_510 : vector<16xi32>
        %jit3A_512 = arith.constant 1 : i32
        %jit3A_513 = arith.constant 0 : i32
        %broadcast_in_dim3A_514 = vector.broadcast %jit3A_512 : i32 to vector<16xi32>
        %broadcast_in_dim3A_515 = vector.broadcast %jit3A_513 : i32 to vector<16xi32>
        %select_n3A_516 = arith.select %eq3A_511, %broadcast_in_dim3A_514, %broadcast_in_dim3A_515 : vector<16xi1>, vector<16xi32>
        %add3A_517 = arith.addi %add3A_485, %select_n3A_516 : vector<16xi32>
        %and3A_518 = vector.broadcast %or3A : i32 to vector<16xi32>
        %and3A_519 = arith.andi %get3A_507, %and3A_518 : vector<16xi32>
        %eq3A_520 = vector.broadcast %or3A_338 : i32 to vector<16xi32>
        %eq3A_521 = arith.cmpi eq, %and3A_519, %eq3A_520 : vector<16xi32>
        %jit3A_522 = arith.constant 1 : i32
        %jit3A_523 = arith.constant 0 : i32
        %broadcast_in_dim3A_524 = vector.broadcast %jit3A_522 : i32 to vector<16xi32>
        %broadcast_in_dim3A_525 = vector.broadcast %jit3A_523 : i32 to vector<16xi32>
        %select_n3A_526 = arith.select %eq3A_521, %broadcast_in_dim3A_524, %broadcast_in_dim3A_525 : vector<16xi1>, vector<16xi32>
        %add3A_527 = arith.addi %add3A_495, %select_n3A_526 : vector<16xi32>
        scf.yield %add3A_517, %add3A_527 : vector<16xi32>, vector<16xi32>
      }
      %while3A_352 = arith.constant 1 : i32
      %while3A_353:2 = scf.for %while3A_395 = %while3A_349 to %while3A_345 step %while3A_352 iter_args(%while3A_396 = %while3A_351#0, %while3A_397 = %while3A_351#1) -> (vector<16xi32>, vector<16xi32>)  : i32 {
        %mul3A_398 = arith.constant 128 : i32
        %mul3A_399 = arith.muli %while3A_395, %mul3A_398 : i32
        %add3A_400 = arith.constant 0 : i32
        %add3A_401 = arith.addi %mul3A_399, %add3A_400 : i32
        %get3A_402 = arith.index_cast %add3A_401 : i32 to index
        %get3A_403 = tpu.vector_load %arg6[%get3A_402] {strides = array<i32>} : memref<9216xi32, #tpu.memory_space<vmem>>, vector<16xi32>,
        %get3A_404 = vector.shape_cast %get3A_403 : vector<16xi32> to vector<16xi32>
        %add3A_405 = arith.constant 0 : i32
        %add3A_406 = arith.addi %mul3A_399, %add3A_405 : i32
        %add3A_407 = arith.constant 16 : i32
        %add3A_408 = arith.addi %add3A_406, %add3A_407 : i32
        %get3A_409 = arith.index_cast %add3A_408 : i32 to index
        %get3A_410 = tpu.vector_load %arg6[%get3A_409] {strides = array<i32>} : memref<9216xi32, #tpu.memory_space<vmem>>, vector<16xi32>,
        %get3A_411 = vector.shape_cast %get3A_410 : vector<16xi32> to vector<16xi32>
        %and3A_412 = vector.broadcast %or3A : i32 to vector<16xi32>
        %and3A_413 = arith.andi %get3A_404, %and3A_412 : vector<16xi32>
        %eq3A_414 = vector.broadcast %or3A_338 : i32 to vector<16xi32>
        %eq3A_415 = arith.cmpi eq, %and3A_413, %eq3A_414 : vector<16xi32>
        %jit3A_416 = arith.constant 1 : i32
        %jit3A_417 = arith.constant 0 : i32
        %broadcast_in_dim3A_418 = vector.broadcast %jit3A_416 : i32 to vector<16xi32>
        %broadcast_in_dim3A_419 = vector.broadcast %jit3A_417 : i32 to vector<16xi32>
        %select_n3A_420 = arith.select %eq3A_415, %broadcast_in_dim3A_418, %broadcast_in_dim3A_419 : vector<16xi1>, vector<16xi32>
        %add3A_421 = arith.addi %while3A_396, %select_n3A_420 : vector<16xi32>
        %and3A_422 = vector.broadcast %or3A : i32 to vector<16xi32>
        %and3A_423 = arith.andi %get3A_411, %and3A_422 : vector<16xi32>
        %eq3A_424 = vector.broadcast %or3A_338 : i32 to vector<16xi32>
        %eq3A_425 = arith.cmpi eq, %and3A_423, %eq3A_424 : vector<16xi32>
        %jit3A_426 = arith.constant 1 : i32
        %jit3A_427 = arith.constant 0 : i32
        %broadcast_in_dim3A_428 = vector.broadcast %jit3A_426 : i32 to vector<16xi32>
        %broadcast_in_dim3A_429 = vector.broadcast %jit3A_427 : i32 to vector<16xi32>
        %select_n3A_430 = arith.select %eq3A_425, %broadcast_in_dim3A_428, %broadcast_in_dim3A_429 : vector<16xi1>, vector<16xi32>
        %add3A_431 = arith.addi %while3A_397, %select_n3A_430 : vector<16xi32>
        %add3A_432 = arith.constant 32 : i32
        %add3A_433 = arith.addi %mul3A_399, %add3A_432 : i32
        %get3A_434 = arith.index_cast %add3A_433 : i32 to index
        %get3A_435 = tpu.vector_load %arg6[%get3A_434] {strides = array<i32>} : memref<9216xi32, #tpu.memory_space<vmem>>, vector<16xi32>,
        %get3A_436 = vector.shape_cast %get3A_435 : vector<16xi32> to vector<16xi32>
        %add3A_437 = arith.constant 32 : i32
        %add3A_438 = arith.addi %mul3A_399, %add3A_437 : i32
        %add3A_439 = arith.constant 16 : i32
        %add3A_440 = arith.addi %add3A_438, %add3A_439 : i32
        %get3A_441 = arith.index_cast %add3A_440 : i32 to index
        %get3A_442 = tpu.vector_load %arg6[%get3A_441] {strides = array<i32>} : memref<9216xi32, #tpu.memory_space<vmem>>, vector<16xi32>,
        %get3A_443 = vector.shape_cast %get3A_442 : vector<16xi32> to vector<16xi32>
        %and3A_444 = vector.broadcast %or3A : i32 to vector<16xi32>
        %and3A_445 = arith.andi %get3A_436, %and3A_444 : vector<16xi32>
        %eq3A_446 = vector.broadcast %or3A_338 : i32 to vector<16xi32>
        %eq3A_447 = arith.cmpi eq, %and3A_445, %eq3A_446 : vector<16xi32>
        %jit3A_448 = arith.constant 1 : i32
        %jit3A_449 = arith.constant 0 : i32
        %broadcast_in_dim3A_450 = vector.broadcast %jit3A_448 : i32 to vector<16xi32>
        %broadcast_in_dim3A_451 = vector.broadcast %jit3A_449 : i32 to vector<16xi32>
        %select_n3A_452 = arith.select %eq3A_447, %broadcast_in_dim3A_450, %broadcast_in_dim3A_451 : vector<16xi1>, vector<16xi32>
        %add3A_453 = arith.addi %add3A_421, %select_n3A_452 : vector<16xi32>
        %and3A_454 = vector.broadcast %or3A : i32 to vector<16xi32>
        %and3A_455 = arith.andi %get3A_443, %and3A_454 : vector<16xi32>
        %eq3A_456 = vector.broadcast %or3A_338 : i32 to vector<16xi32>
        %eq3A_457 = arith.cmpi eq, %and3A_455, %eq3A_456 : vector<16xi32>
        %jit3A_458 = arith.constant 1 : i32
        %jit3A_459 = arith.constant 0 : i32
        %broadcast_in_dim3A_460 = vector.broadcast %jit3A_458 : i32 to vector<16xi32>
        %broadcast_in_dim3A_461 = vector.broadcast %jit3A_459 : i32 to vector<16xi32>
        %select_n3A_462 = arith.select %eq3A_457, %broadcast_in_dim3A_460, %broadcast_in_dim3A_461 : vector<16xi1>, vector<16xi32>
        %add3A_463 = arith.addi %add3A_431, %select_n3A_462 : vector<16xi32>
        %add3A_464 = arith.constant 64 : i32
        %add3A_465 = arith.addi %mul3A_399, %add3A_464 : i32
        %get3A_466 = arith.index_cast %add3A_465 : i32 to index
        %get3A_467 = tpu.vector_load %arg6[%get3A_466] {strides = array<i32>} : memref<9216xi32, #tpu.memory_space<vmem>>, vector<16xi32>,
        %get3A_468 = vector.shape_cast %get3A_467 : vector<16xi32> to vector<16xi32>
        %add3A_469 = arith.constant 64 : i32
        %add3A_470 = arith.addi %mul3A_399, %add3A_469 : i32
        %add3A_471 = arith.constant 16 : i32
        %add3A_472 = arith.addi %add3A_470, %add3A_471 : i32
        %get3A_473 = arith.index_cast %add3A_472 : i32 to index
        %get3A_474 = tpu.vector_load %arg6[%get3A_473] {strides = array<i32>} : memref<9216xi32, #tpu.memory_space<vmem>>, vector<16xi32>,
        %get3A_475 = vector.shape_cast %get3A_474 : vector<16xi32> to vector<16xi32>
        %and3A_476 = vector.broadcast %or3A : i32 to vector<16xi32>
        %and3A_477 = arith.andi %get3A_468, %and3A_476 : vector<16xi32>
        %eq3A_478 = vector.broadcast %or3A_338 : i32 to vector<16xi32>
        %eq3A_479 = arith.cmpi eq, %and3A_477, %eq3A_478 : vector<16xi32>
        %jit3A_480 = arith.constant 1 : i32
        %jit3A_481 = arith.constant 0 : i32
        %broadcast_in_dim3A_482 = vector.broadcast %jit3A_480 : i32 to vector<16xi32>
        %broadcast_in_dim3A_483 = vector.broadcast %jit3A_481 : i32 to vector<16xi32>
        %select_n3A_484 = arith.select %eq3A_479, %broadcast_in_dim3A_482, %broadcast_in_dim3A_483 : vector<16xi1>, vector<16xi32>
        %add3A_485 = arith.addi %add3A_453, %select_n3A_484 : vector<16xi32>
        %and3A_486 = vector.broadcast %or3A : i32 to vector<16xi32>
        %and3A_487 = arith.andi %get3A_475, %and3A_486 : vector<16xi32>
        %eq3A_488 = vector.broadcast %or3A_338 : i32 to vector<16xi32>
        %eq3A_489 = arith.cmpi eq, %and3A_487, %eq3A_488 : vector<16xi32>
        %jit3A_490 = arith.constant 1 : i32
        %jit3A_491 = arith.constant 0 : i32
        %broadcast_in_dim3A_492 = vector.broadcast %jit3A_490 : i32 to vector<16xi32>
        %broadcast_in_dim3A_493 = vector.broadcast %jit3A_491 : i32 to vector<16xi32>
        %select_n3A_494 = arith.select %eq3A_489, %broadcast_in_dim3A_492, %broadcast_in_dim3A_493 : vector<16xi1>, vector<16xi32>
        %add3A_495 = arith.addi %add3A_463, %select_n3A_494 : vector<16xi32>
        %add3A_496 = arith.constant 96 : i32
        %add3A_497 = arith.addi %mul3A_399, %add3A_496 : i32
        %get3A_498 = arith.index_cast %add3A_497 : i32 to index
        %get3A_499 = tpu.vector_load %arg6[%get3A_498] {strides = array<i32>} : memref<9216xi32, #tpu.memory_space<vmem>>, vector<16xi32>,
        %get3A_500 = vector.shape_cast %get3A_499 : vector<16xi32> to vector<16xi32>
        %add3A_501 = arith.constant 96 : i32
        %add3A_502 = arith.addi %mul3A_399, %add3A_501 : i32
        %add3A_503 = arith.constant 16 : i32
        %add3A_504 = arith.addi %add3A_502, %add3A_503 : i32
        %get3A_505 = arith.index_cast %add3A_504 : i32 to index
        %get3A_506 = tpu.vector_load %arg6[%get3A_505] {strides = array<i32>} : memref<9216xi32, #tpu.memory_space<vmem>>, vector<16xi32>,
        %get3A_507 = vector.shape_cast %get3A_506 : vector<16xi32> to vector<16xi32>
        %and3A_508 = vector.broadcast %or3A : i32 to vector<16xi32>
        %and3A_509 = arith.andi %get3A_500, %and3A_508 : vector<16xi32>
        %eq3A_510 = vector.broadcast %or3A_338 : i32 to vector<16xi32>
        %eq3A_511 = arith.cmpi eq, %and3A_509, %eq3A_510 : vector<16xi32>
        %jit3A_512 = arith.constant 1 : i32
        %jit3A_513 = arith.constant 0 : i32
        %broadcast_in_dim3A_514 = vector.broadcast %jit3A_512 : i32 to vector<16xi32>
        %broadcast_in_dim3A_515 = vector.broadcast %jit3A_513 : i32 to vector<16xi32>
        %select_n3A_516 = arith.select %eq3A_511, %broadcast_in_dim3A_514, %broadcast_in_dim3A_515 : vector<16xi1>, vector<16xi32>
        %add3A_517 = arith.addi %add3A_485, %select_n3A_516 : vector<16xi32>
        %and3A_518 = vector.broadcast %or3A : i32 to vector<16xi32>
        %and3A_519 = arith.andi %get3A_507, %and3A_518 : vector<16xi32>
        %eq3A_520 = vector.broadcast %or3A_338 : i32 to vector<16xi32>
        %eq3A_521 = arith.cmpi eq, %and3A_519, %eq3A_520 : vector<16xi32>
        %jit3A_522 = arith.constant 1 : i32
        %jit3A_523 = arith.constant 0 : i32
        %broadcast_in_dim3A_524 = vector.broadcast %jit3A_522 : i32 to vector<16xi32>
        %broadcast_in_dim3A_525 = vector.broadcast %jit3A_523 : i32 to vector<16xi32>
        %select_n3A_526 = arith.select %eq3A_521, %broadcast_in_dim3A_524, %broadcast_in_dim3A_525 : vector<16xi1>, vector<16xi32>
        %add3A_527 = arith.addi %add3A_495, %select_n3A_526 : vector<16xi32>
        scf.yield %add3A_517, %add3A_527 : vector<16xi32>, vector<16xi32>
      }
      %add3A_354 = arith.addi %while3A_353#0, %while3A_353#1 : vector<16xi32>
      %xor3A_355 = arith.constant 8 : i32
      %xor3A_356 = vector.broadcast %xor3A_355 : i32 to vector<16xi32>
      %xor3A_357 = arith.xori %iota3A, %xor3A_356 : vector<16xi32>
      %broadcast_in_dim3A_358 = vector.shape_cast %xor3A_357 : vector<16xi32> to vector<16x1xi32>
      %gather3A_359 = vector.shape_cast %broadcast_in_dim3A_358 : vector<16x1xi32> to vector<16xi32>
      %gather3A_360 = tpu.dynamic_gather %add3A_354[%gather3A_359] in [0] : vector<16xi32>, vector<16xi32> -> vector<16xi32>
      %add3A_361 = arith.addi %add3A_354, %gather3A_360 : vector<16xi32>
      %xor3A_362 = arith.constant 4 : i32
      %xor3A_363 = vector.broadcast %xor3A_362 : i32 to vector<16xi32>
      %xor3A_364 = arith.xori %iota3A, %xor3A_363 : vector<16xi32>
      %broadcast_in_dim3A_365 = vector.shape_cast %xor3A_364 : vector<16xi32> to vector<16x1xi32>
      %gather3A_366 = vector.shape_cast %broadcast_in_dim3A_365 : vector<16x1xi32> to vector<16xi32>
      %gather3A_367 = tpu.dynamic_gather %add3A_361[%gather3A_366] in [0] : vector<16xi32>, vector<16xi32> -> vector<16xi32>
      %add3A_368 = arith.addi %add3A_361, %gather3A_367 : vector<16xi32>
      %xor3A_369 = arith.constant 2 : i32
      %xor3A_370 = vector.broadcast %xor3A_369 : i32 to vector<16xi32>
      %xor3A_371 = arith.xori %iota3A, %xor3A_370 : vector<16xi32>
      %broadcast_in_dim3A_372 = vector.shape_cast %xor3A_371 : vector<16xi32> to vector<16x1xi32>
      %gather3A_373 = vector.shape_cast %broadcast_in_dim3A_372 : vector<16x1xi32> to vector<16xi32>
      %gather3A_374 = tpu.dynamic_gather %add3A_368[%gather3A_373] in [0] : vector<16xi32>, vector<16xi32> -> vector<16xi32>
      %add3A_375 = arith.addi %add3A_368, %gather3A_374 : vector<16xi32>
      %xor3A_376 = arith.constant 1 : i32
      %xor3A_377 = vector.broadcast %xor3A_376 : i32 to vector<16xi32>
      %xor3A_378 = arith.xori %iota3A, %xor3A_377 : vector<16xi32>
      %broadcast_in_dim3A_379 = vector.shape_cast %xor3A_378 : vector<16xi32> to vector<16x1xi32>
      %gather3A_380 = vector.shape_cast %broadcast_in_dim3A_379 : vector<16x1xi32> to vector<16xi32>
      %gather3A_381 = tpu.dynamic_gather %add3A_375[%gather3A_380] in [0] : vector<16xi32>, vector<16xi32> -> vector<16xi32>
      %add3A_382 = arith.addi %add3A_375, %gather3A_381 : vector<16xi32>
      %slice3A_383 = vector.extract_strided_slice %add3A_382 {offsets = [0], sizes = [1], strides = [1]} : vector<16xi32> to vector<1xi32>
      %squeeze3A_384 = vector.extract %slice3A_383[0] : i32 from vector<1xi32>
      %ge3A = arith.cmpi sge, %squeeze3A_384, %scan3A_332 : i32
      %and3A_385 = arith.andi %gt3A_336, %ge3A : i1
      %not3A = arith.constant true
      %not3A_386 = arith.xori %and3A_385, %not3A : i1
      %and3A_387 = arith.andi %gt3A_336, %not3A_386 : i1
      %select_n3A_388 = arith.select %and3A_385, %or3A_338, %scan3A_330 : i32
      %sub3A_389 = arith.subi %scan3A_333, %squeeze3A_384 : i32
      %select_n3A_390 = arith.select %and3A_387, %sub3A_389, %scan3A_333 : i32
      %select_n3A_391 = arith.select %and3A_385, %squeeze3A_384, %select_n3A_390 : i32
      %sub3A_392 = arith.subi %scan3A_332, %squeeze3A_384 : i32
      %select_n3A_393 = arith.select %and3A_387, %sub3A_392, %scan3A_332 : i32
      %select_n3A_394 = arith.select %gt3A_336, %or3A, %scan3A_331 : i32
      scf.yield %select_n3A_388, %select_n3A_394, %select_n3A_393, %select_n3A_391 : i32, i32, i32, i32
    }
    %scan3A_246 = arith.constant 31 : i32
    %broadcast_in_dim3A_247 = arith.constant 0.000000e+00 : f32
    %broadcast_in_dim3A_248 = vector.broadcast %broadcast_in_dim3A_247 : f32 to vector<16xf32>
    %scan3A_249 = arith.constant 0 : i32
    %scan3A_250 = arith.constant 144 : i32
    %scan3A_251 = arith.addi %scan3A_249, %scan3A_250 : i32
    %scan3A_252 = arith.constant 1 : i32
    %scan3A_253:2 = scf.for %scan3A_329 = %scan3A_249 to %scan3A_251 step %scan3A_252 iter_args(%scan3A_330 = %broadcast_in_dim3A_248, %scan3A_331 = %broadcast_in_dim3A_248) -> (vector<16xf32>, vector<16xf32>)  : i32 {
      %mul3A_332 = arith.constant 64 : i32
      %mul3A_333 = arith.muli %scan3A_329, %mul3A_332 : i32
      %add3A_334 = arith.constant 0 : i32
      %add3A_335 = arith.addi %mul3A_333, %add3A_334 : i32
      %get3A_336 = arith.index_cast %add3A_335 : i32 to index
      %get3A_337 = tpu.vector_load %arg7[%get3A_336] {strides = array<i32>} : memref<9216xf32, #tpu.memory_space<vmem>>, vector<16xf32>,
      %get3A_338 = vector.shape_cast %get3A_337 : vector<16xf32> to vector<16xf32>
      %add3A_339 = arith.constant 0 : i32
      %add3A_340 = arith.addi %mul3A_333, %add3A_339 : i32
      %get3A_341 = arith.index_cast %add3A_340 : i32 to index
      %get3A_342 = tpu.vector_load %arg6[%get3A_341] {strides = array<i32>} : memref<9216xi32, #tpu.memory_space<vmem>>, vector<16xi32>,
      %get3A_343 = vector.shape_cast %get3A_342 : vector<16xi32> to vector<16xi32>
      %and3A_344 = vector.broadcast %scan3A_245#1 : i32 to vector<16xi32>
      %and3A_345 = arith.andi %get3A_343, %and3A_344 : vector<16xi32>
      %gt3A_346 = vector.broadcast %scan3A_245#0 : i32 to vector<16xi32>
      %gt3A_347 = arith.cmpi sgt, %and3A_345, %gt3A_346 : vector<16xi32>
      %jit3A_348 = arith.constant 0.000000e+00 : f32
      %broadcast_in_dim3A_349 = vector.broadcast %jit3A_348 : f32 to vector<16xf32>
      %select_n3A_350 = arith.select %gt3A_347, %get3A_338, %broadcast_in_dim3A_349 : vector<16xi1>, vector<16xf32>
      %add3A_351 = arith.addf %scan3A_330, %select_n3A_350 : vector<16xf32>
      %eq3A_352 = vector.broadcast %scan3A_245#0 : i32 to vector<16xi32>
      %eq3A_353 = arith.cmpi eq, %and3A_345, %eq3A_352 : vector<16xi32>
      %jit3A_354 = arith.constant 0.000000e+00 : f32
      %broadcast_in_dim3A_355 = vector.broadcast %jit3A_354 : f32 to vector<16xf32>
      %select_n3A_356 = arith.select %eq3A_353, %get3A_338, %broadcast_in_dim3A_355 : vector<16xi1>, vector<16xf32>
      %add3A_357 = arith.addf %scan3A_331, %select_n3A_356 : vector<16xf32>
      %add3A_358 = arith.constant 16 : i32
      %add3A_359 = arith.addi %mul3A_333, %add3A_358 : i32
      %get3A_360 = arith.index_cast %add3A_359 : i32 to index
      %get3A_361 = tpu.vector_load %arg7[%get3A_360] {strides = array<i32>} : memref<9216xf32, #tpu.memory_space<vmem>>, vector<16xf32>,
      %get3A_362 = vector.shape_cast %get3A_361 : vector<16xf32> to vector<16xf32>
      %add3A_363 = arith.constant 16 : i32
      %add3A_364 = arith.addi %mul3A_333, %add3A_363 : i32
      %get3A_365 = arith.index_cast %add3A_364 : i32 to index
      %get3A_366 = tpu.vector_load %arg6[%get3A_365] {strides = array<i32>} : memref<9216xi32, #tpu.memory_space<vmem>>, vector<16xi32>,
      %get3A_367 = vector.shape_cast %get3A_366 : vector<16xi32> to vector<16xi32>
      %and3A_368 = vector.broadcast %scan3A_245#1 : i32 to vector<16xi32>
      %and3A_369 = arith.andi %get3A_367, %and3A_368 : vector<16xi32>
      %gt3A_370 = vector.broadcast %scan3A_245#0 : i32 to vector<16xi32>
      %gt3A_371 = arith.cmpi sgt, %and3A_369, %gt3A_370 : vector<16xi32>
      %jit3A_372 = arith.constant 0.000000e+00 : f32
      %broadcast_in_dim3A_373 = vector.broadcast %jit3A_372 : f32 to vector<16xf32>
      %select_n3A_374 = arith.select %gt3A_371, %get3A_362, %broadcast_in_dim3A_373 : vector<16xi1>, vector<16xf32>
      %add3A_375 = arith.addf %add3A_351, %select_n3A_374 : vector<16xf32>
      %eq3A_376 = vector.broadcast %scan3A_245#0 : i32 to vector<16xi32>
      %eq3A_377 = arith.cmpi eq, %and3A_369, %eq3A_376 : vector<16xi32>
      %jit3A_378 = arith.constant 0.000000e+00 : f32
      %broadcast_in_dim3A_379 = vector.broadcast %jit3A_378 : f32 to vector<16xf32>
      %select_n3A_380 = arith.select %eq3A_377, %get3A_362, %broadcast_in_dim3A_379 : vector<16xi1>, vector<16xf32>
      %add3A_381 = arith.addf %add3A_357, %select_n3A_380 : vector<16xf32>
      %add3A_382 = arith.constant 32 : i32
      %add3A_383 = arith.addi %mul3A_333, %add3A_382 : i32
      %get3A_384 = arith.index_cast %add3A_383 : i32 to index
      %get3A_385 = tpu.vector_load %arg7[%get3A_384] {strides = array<i32>} : memref<9216xf32, #tpu.memory_space<vmem>>, vector<16xf32>,
      %get3A_386 = vector.shape_cast %get3A_385 : vector<16xf32> to vector<16xf32>
      %add3A_387 = arith.constant 32 : i32
      %add3A_388 = arith.addi %mul3A_333, %add3A_387 : i32
      %get3A_389 = arith.index_cast %add3A_388 : i32 to index
      %get3A_390 = tpu.vector_load %arg6[%get3A_389] {strides = array<i32>} : memref<9216xi32, #tpu.memory_space<vmem>>, vector<16xi32>,
      %get3A_391 = vector.shape_cast %get3A_390 : vector<16xi32> to vector<16xi32>
      %and3A_392 = vector.broadcast %scan3A_245#1 : i32 to vector<16xi32>
      %and3A_393 = arith.andi %get3A_391, %and3A_392 : vector<16xi32>
      %gt3A_394 = vector.broadcast %scan3A_245#0 : i32 to vector<16xi32>
      %gt3A_395 = arith.cmpi sgt, %and3A_393, %gt3A_394 : vector<16xi32>
      %jit3A_396 = arith.constant 0.000000e+00 : f32
      %broadcast_in_dim3A_397 = vector.broadcast %jit3A_396 : f32 to vector<16xf32>
      %select_n3A_398 = arith.select %gt3A_395, %get3A_386, %broadcast_in_dim3A_397 : vector<16xi1>, vector<16xf32>
      %add3A_399 = arith.addf %add3A_375, %select_n3A_398 : vector<16xf32>
      %eq3A_400 = vector.broadcast %scan3A_245#0 : i32 to vector<16xi32>
      %eq3A_401 = arith.cmpi eq, %and3A_393, %eq3A_400 : vector<16xi32>
      %jit3A_402 = arith.constant 0.000000e+00 : f32
      %broadcast_in_dim3A_403 = vector.broadcast %jit3A_402 : f32 to vector<16xf32>
      %select_n3A_404 = arith.select %eq3A_401, %get3A_386, %broadcast_in_dim3A_403 : vector<16xi1>, vector<16xf32>
      %add3A_405 = arith.addf %add3A_381, %select_n3A_404 : vector<16xf32>
      %add3A_406 = arith.constant 48 : i32
      %add3A_407 = arith.addi %mul3A_333, %add3A_406 : i32
      %get3A_408 = arith.index_cast %add3A_407 : i32 to index
      %get3A_409 = tpu.vector_load %arg7[%get3A_408] {strides = array<i32>} : memref<9216xf32, #tpu.memory_space<vmem>>, vector<16xf32>,
      %get3A_410 = vector.shape_cast %get3A_409 : vector<16xf32> to vector<16xf32>
      %add3A_411 = arith.constant 48 : i32
      %add3A_412 = arith.addi %mul3A_333, %add3A_411 : i32
      %get3A_413 = arith.index_cast %add3A_412 : i32 to index
      %get3A_414 = tpu.vector_load %arg6[%get3A_413] {strides = array<i32>} : memref<9216xi32, #tpu.memory_space<vmem>>, vector<16xi32>,
      %get3A_415 = vector.shape_cast %get3A_414 : vector<16xi32> to vector<16xi32>
      %and3A_416 = vector.broadcast %scan3A_245#1 : i32 to vector<16xi32>
      %and3A_417 = arith.andi %get3A_415, %and3A_416 : vector<16xi32>
      %gt3A_418 = vector.broadcast %scan3A_245#0 : i32 to vector<16xi32>
      %gt3A_419 = arith.cmpi sgt, %and3A_417, %gt3A_418 : vector<16xi32>
      %jit3A_420 = arith.constant 0.000000e+00 : f32
      %broadcast_in_dim3A_421 = vector.broadcast %jit3A_420 : f32 to vector<16xf32>
      %select_n3A_422 = arith.select %gt3A_419, %get3A_410, %broadcast_in_dim3A_421 : vector<16xi1>, vector<16xf32>
      %add3A_423 = arith.addf %add3A_399, %select_n3A_422 : vector<16xf32>
      %eq3A_424 = vector.broadcast %scan3A_245#0 : i32 to vector<16xi32>
      %eq3A_425 = arith.cmpi eq, %and3A_417, %eq3A_424 : vector<16xi32>
      %jit3A_426 = arith.constant 0.000000e+00 : f32
      %broadcast_in_dim3A_427 = vector.broadcast %jit3A_426 : f32 to vector<16xf32>
      %select_n3A_428 = arith.select %eq3A_425, %get3A_410, %broadcast_in_dim3A_427 : vector<16xi1>, vector<16xf32>
      %add3A_429 = arith.addf %add3A_405, %select_n3A_428 : vector<16xf32>
      scf.yield %add3A_423, %add3A_429 : vector<16xf32>, vector<16xf32>
    }
    %scan3A_254 = arith.constant 144 : i32
    %xor3A_255 = arith.constant 8 : i32
    %xor3A_256 = vector.broadcast %xor3A_255 : i32 to vector<16xi32>
    %xor3A_257 = arith.xori %iota3A, %xor3A_256 : vector<16xi32>
    %broadcast_in_dim3A_258 = vector.shape_cast %xor3A_257 : vector<16xi32> to vector<16x1xi32>
    %gather3A_259 = vector.shape_cast %broadcast_in_dim3A_258 : vector<16x1xi32> to vector<16xi32>
    %gather3A_260 = tpu.dynamic_gather %scan3A_253#0[%gather3A_259] in [0] : vector<16xf32>, vector<16xi32> -> vector<16xf32>
    %add3A_261 = arith.addf %scan3A_253#0, %gather3A_260 : vector<16xf32>
    %xor3A_262 = arith.constant 4 : i32
    %xor3A_263 = vector.broadcast %xor3A_262 : i32 to vector<16xi32>
    %xor3A_264 = arith.xori %iota3A, %xor3A_263 : vector<16xi32>
    %broadcast_in_dim3A_265 = vector.shape_cast %xor3A_264 : vector<16xi32> to vector<16x1xi32>
    %gather3A_266 = vector.shape_cast %broadcast_in_dim3A_265 : vector<16x1xi32> to vector<16xi32>
    %gather3A_267 = tpu.dynamic_gather %add3A_261[%gather3A_266] in [0] : vector<16xf32>, vector<16xi32> -> vector<16xf32>
    %add3A_268 = arith.addf %add3A_261, %gather3A_267 : vector<16xf32>
    %xor3A_269 = arith.constant 2 : i32
    %xor3A_270 = vector.broadcast %xor3A_269 : i32 to vector<16xi32>
    %xor3A_271 = arith.xori %iota3A, %xor3A_270 : vector<16xi32>
    %broadcast_in_dim3A_272 = vector.shape_cast %xor3A_271 : vector<16xi32> to vector<16x1xi32>
    %gather3A_273 = vector.shape_cast %broadcast_in_dim3A_272 : vector<16x1xi32> to vector<16xi32>
    %gather3A_274 = tpu.dynamic_gather %add3A_268[%gather3A_273] in [0] : vector<16xf32>, vector<16xi32> -> vector<16xf32>
    %add3A_275 = arith.addf %add3A_268, %gather3A_274 : vector<16xf32>
    %xor3A_276 = arith.constant 1 : i32
    %xor3A_277 = vector.broadcast %xor3A_276 : i32 to vector<16xi32>
    %xor3A_278 = arith.xori %iota3A, %xor3A_277 : vector<16xi32>
    %broadcast_in_dim3A_279 = vector.shape_cast %xor3A_278 : vector<16xi32> to vector<16x1xi32>
    %gather3A_280 = vector.shape_cast %broadcast_in_dim3A_279 : vector<16x1xi32> to vector<16xi32>
    %gather3A_281 = tpu.dynamic_gather %add3A_275[%gather3A_280] in [0] : vector<16xf32>, vector<16xi32> -> vector<16xf32>
    %add3A_282 = arith.addf %add3A_275, %gather3A_281 : vector<16xf32>
    %xor3A_283 = arith.constant 8 : i32
    %xor3A_284 = vector.broadcast %xor3A_283 : i32 to vector<16xi32>
    %xor3A_285 = arith.xori %iota3A, %xor3A_284 : vector<16xi32>
    %broadcast_in_dim3A_286 = vector.shape_cast %xor3A_285 : vector<16xi32> to vector<16x1xi32>
    %gather3A_287 = vector.shape_cast %broadcast_in_dim3A_286 : vector<16x1xi32> to vector<16xi32>
    %gather3A_288 = tpu.dynamic_gather %scan3A_253#1[%gather3A_287] in [0] : vector<16xf32>, vector<16xi32> -> vector<16xf32>
    %add3A_289 = arith.addf %scan3A_253#1, %gather3A_288 : vector<16xf32>
    %xor3A_290 = arith.constant 4 : i32
    %xor3A_291 = vector.broadcast %xor3A_290 : i32 to vector<16xi32>
    %xor3A_292 = arith.xori %iota3A, %xor3A_291 : vector<16xi32>
    %broadcast_in_dim3A_293 = vector.shape_cast %xor3A_292 : vector<16xi32> to vector<16x1xi32>
    %gather3A_294 = vector.shape_cast %broadcast_in_dim3A_293 : vector<16x1xi32> to vector<16xi32>
    %gather3A_295 = tpu.dynamic_gather %add3A_289[%gather3A_294] in [0] : vector<16xf32>, vector<16xi32> -> vector<16xf32>
    %add3A_296 = arith.addf %add3A_289, %gather3A_295 : vector<16xf32>
    %xor3A_297 = arith.constant 2 : i32
    %xor3A_298 = vector.broadcast %xor3A_297 : i32 to vector<16xi32>
    %xor3A_299 = arith.xori %iota3A, %xor3A_298 : vector<16xi32>
    %broadcast_in_dim3A_300 = vector.shape_cast %xor3A_299 : vector<16xi32> to vector<16x1xi32>
    %gather3A_301 = vector.shape_cast %broadcast_in_dim3A_300 : vector<16x1xi32> to vector<16xi32>
    %gather3A_302 = tpu.dynamic_gather %add3A_296[%gather3A_301] in [0] : vector<16xf32>, vector<16xi32> -> vector<16xf32>
    %add3A_303 = arith.addf %add3A_296, %gather3A_302 : vector<16xf32>
    %xor3A_304 = arith.constant 1 : i32
    %xor3A_305 = vector.broadcast %xor3A_304 : i32 to vector<16xi32>
    %xor3A_306 = arith.xori %iota3A, %xor3A_305 : vector<16xi32>
    %broadcast_in_dim3A_307 = vector.shape_cast %xor3A_306 : vector<16xi32> to vector<16x1xi32>
    %gather3A_308 = vector.shape_cast %broadcast_in_dim3A_307 : vector<16x1xi32> to vector<16xi32>
    %gather3A_309 = tpu.dynamic_gather %add3A_303[%gather3A_308] in [0] : vector<16xf32>, vector<16xi32> -> vector<16xf32>
    %add3A_310 = arith.addf %add3A_303, %gather3A_309 : vector<16xf32>
    %max3A_311 = arith.constant 1 : i32
    %max3A_312 = arith.maxsi %scan3A_245#3, %max3A_311 : i32
    %convert_element_type3A_313 = arith.sitofp %max3A_312 : i32 to f32
    %div3A_314 = vector.broadcast %convert_element_type3A_313 : f32 to vector<16xf32>
    %div3A_315 = arith.divf %add3A_310, %div3A_314 : vector<16xf32>
    %le3A_316 = arith.cmpi sle, %scan3A_245#3, %scan3A_245#2 : i32
    %convert_element_type3A_317 = arith.sitofp %scan3A_245#2 : i32 to f32
    %mul3A_318 = vector.broadcast %convert_element_type3A_317 : f32 to vector<16xf32>
    %mul3A_319 = arith.mulf %mul3A_318, %div3A_315 : vector<16xf32>
    %select_n3A_320 = arith.select %le3A_316, %add3A_310, %mul3A_319 : vector<16xf32>
    %gt3A_321 = arith.constant 0 : i32
    %gt3A_322 = arith.cmpi sgt, %squeeze3A_237, %gt3A_321 : i32
    %add3A_323 = arith.addf %add3A_282, %select_n3A_320 : vector<16xf32>
    %select_n3A_324 = arith.select %gt3A_322, %add3A_323, %broadcast_in_dim3A_248 : vector<16xf32>
    %swap3A_325 = arith.constant 0 : index
    %swap3A_326 = tpu.vector_load %arg9[%swap3A_325] {strides = array<i32>} : memref<16xf32, #tpu.memory_space<vmem>>, vector<16xf32>,
    %swap3A_327 = vector.shape_cast %swap3A_326 : vector<16xf32> to vector<16xf32>
    %swap3A_328 = vector.shape_cast %select_n3A_324 : vector<16xf32> to vector<16xf32>
    tpu.vector_store %arg9[%swap3A_325], %swap3A_328 {strides = array<i32>} : memref<16xf32, #tpu.memory_space<vmem>>, vector<16xf32>,
    "tpu.region"() ({
      %run_scoped3A = tpu.sem_alloc : memref<!tpu.dma_semaphore, #tpu.memory_space<semaphore_mem>>
      %dma_start3A = arith.constant 0 : i32
      %dma_start3A_329 = tpu.memref_slice %arg5[%add3A_157, %dma_start3A] : memref<64x16xf32, #tpu.memory_space<hbm>> -> memref<1x16xf32, #tpu.memory_space<hbm>>
      %dma_start3A_330 = tpu.memref_squeeze %dma_start3A_329 : memref<1x16xf32, #tpu.memory_space<hbm>> -> memref<16xf32, #tpu.memory_space<hbm>>
      %dma_start3A_331 = arith.constant 0 : i32
      %dma_start3A_332 = tpu.memref_slice %arg5[%add3A_157, %dma_start3A_331] : memref<64x16xf32, #tpu.memory_space<hbm>> -> memref<1x16xf32, #tpu.memory_space<hbm>>
      %dma_start3A_333 = tpu.memref_squeeze %dma_start3A_332 : memref<1x16xf32, #tpu.memory_space<hbm>> -> memref<16xf32, #tpu.memory_space<hbm>>
      tpu.enqueue_dma source(%arg9 : memref<16xf32, #tpu.memory_space<vmem>>) target(%dma_start3A_333 : memref<16xf32, #tpu.memory_space<hbm>>) target_semaphore(%run_scoped3A : memref<!tpu.dma_semaphore, #tpu.memory_space<semaphore_mem>>)
      %dma_wait3A = arith.constant 0 : i32
      %dma_wait3A_334 = tpu.memref_slice %arg5[%add3A_157, %dma_wait3A] : memref<64x16xf32, #tpu.memory_space<hbm>> -> memref<1x16xf32, #tpu.memory_space<hbm>>
      %dma_wait3A_335 = tpu.memref_squeeze %dma_wait3A_334 : memref<1x16xf32, #tpu.memory_space<hbm>> -> memref<16xf32, #tpu.memory_space<hbm>>
      %dma_wait3A_336 = arith.constant 0 : i32
      %dma_wait3A_337 = tpu.memref_slice %arg5[%add3A_157, %dma_wait3A_336] : memref<64x16xf32, #tpu.memory_space<hbm>> -> memref<1x16xf32, #tpu.memory_space<hbm>>
      %dma_wait3A_338 = tpu.memref_squeeze %dma_wait3A_337 : memref<1x16xf32, #tpu.memory_space<hbm>> -> memref<16xf32, #tpu.memory_space<hbm>>
      tpu.wait_dma2 semaphore(%run_scoped3A : memref<!tpu.dma_semaphore, #tpu.memory_space<semaphore_mem>>) src(%arg9 : memref<16xf32, #tpu.memory_space<vmem>>) dst(%dma_wait3A_338 : memref<16xf32, #tpu.memory_space<hbm>>)
      tpu.yield
    }) : () -> ()
    return
  }
}

module attributes {stable_mosaic.version = 14 : i64} {
  func.func @_dense_body(%arg0: i32, %arg1: memref<1x24x4xf32, #tpu.memory_space<smem>>, %arg2: memref<1x1x24xi32, #tpu.memory_space<smem>>, %arg3: memref<1x4x8x1152xf32, #tpu.memory_space<vmem>>, %arg4: memref<1x5x8x1152xf32, #tpu.memory_space<vmem>>, %arg5: memref<4x8x1152xf32, #tpu.memory_space<vmem>>, %arg6: memref<4x8x1152xf32, #tpu.memory_space<vmem>>, %arg7: memref<1x8x1152xf32, #tpu.memory_space<vmem>>, %arg8: memref<1x1x128xf32, #tpu.memory_space<vmem>>, %arg9: memref<24x8x1152xf32, #tpu.memory_space<vmem>>) attributes {dimension_semantics = [#tpu.dimension_semantics<arbitrary>], iteration_bounds = array<i64: 64>, scalar_prefetch = 0 : i64, scratch_operands = 1 : i64, tpu.core_type = #tpu.core_type<tc>, window_params = [{transform_indices = @transform_0, window_bounds = array<i64: 1, 24, 4>}, {transform_indices = @transform_1, window_bounds = array<i64: 1, 1, 24>}, {transform_indices = @transform_2, window_bounds = array<i64: 1, 4, 8, 1152>}, {transform_indices = @transform_3, window_bounds = array<i64: 1, 5, 8, 1152>}, {pipeline_mode = #tpu.pipeline_mode<synchronous>, transform_indices = @transform_4, window_bounds = array<i64: 4, 8, 1152>}, {pipeline_mode = #tpu.pipeline_mode<synchronous>, transform_indices = @transform_5, window_bounds = array<i64: 4, 8, 1152>}, {transform_indices = @transform_6, window_bounds = array<i64: 1, 8, 1152>}, {transform_indices = @transform_7, window_bounds = array<i64: 1, 1, 128>}]} {
    %get3A = arith.constant 0 : index
    %get3A_0 = arith.constant 0 : index
    %get3A_1 = arith.constant 0 : index
    %get3A_2 = vector.load %arg5[%get3A, %get3A_0, %get3A_1] : memref<4x8x1152xf32, #tpu.memory_space<vmem>>, vector<1x8x1152xf32>
    %get3A_3 = vector.shape_cast %get3A_2 : vector<1x8x1152xf32> to vector<8x1152xf32>
    %get3A_4 = arith.constant 1 : index
    %get3A_5 = arith.constant 0 : index
    %get3A_6 = arith.constant 0 : index
    %get3A_7 = vector.load %arg5[%get3A_4, %get3A_5, %get3A_6] : memref<4x8x1152xf32, #tpu.memory_space<vmem>>, vector<1x8x1152xf32>
    %get3A_8 = vector.shape_cast %get3A_7 : vector<1x8x1152xf32> to vector<8x1152xf32>
    %get3A_9 = arith.constant 2 : index
    %get3A_10 = arith.constant 0 : index
    %get3A_11 = arith.constant 0 : index
    %get3A_12 = vector.load %arg5[%get3A_9, %get3A_10, %get3A_11] : memref<4x8x1152xf32, #tpu.memory_space<vmem>>, vector<1x8x1152xf32>
    %get3A_13 = vector.shape_cast %get3A_12 : vector<1x8x1152xf32> to vector<8x1152xf32>
    %get3A_14 = arith.constant 3 : index
    %get3A_15 = arith.constant 0 : index
    %get3A_16 = arith.constant 0 : index
    %get3A_17 = vector.load %arg5[%get3A_14, %get3A_15, %get3A_16] : memref<4x8x1152xf32, #tpu.memory_space<vmem>>, vector<1x8x1152xf32>
    %get3A_18 = vector.shape_cast %get3A_17 : vector<1x8x1152xf32> to vector<8x1152xf32>
    %sub3A = arith.subf %get3A_13, %get3A_3 : vector<8x1152xf32>
    %sub3A_19 = arith.subf %get3A_18, %get3A_8 : vector<8x1152xf32>
    %mul3A = arith.mulf %sub3A, %sub3A_19 : vector<8x1152xf32>
    %iota3A = tpu.iota {dimensions = array<i32: 0>} : vector<8x1152xi32>
    %mul3A_20 = arith.constant 1152 : i32
    %mul3A_21 = vector.broadcast %mul3A_20 : i32 to vector<8x1152xi32>
    %mul3A_22 = arith.muli %iota3A, %mul3A_21 : vector<8x1152xi32>
    %iota3A_23 = tpu.iota {dimensions = array<i32: 1>} : vector<8x1152xi32>
    %add3A = arith.addi %mul3A_22, %iota3A_23 : vector<8x1152xi32>
    %broadcast_in_dim3A = arith.constant 0.000000e+00 : f32
    %broadcast_in_dim3A_24 = vector.broadcast %broadcast_in_dim3A : f32 to vector<8x1152xf32>
    %broadcast_in_dim3A_25 = arith.constant 0 : i32
    %broadcast_in_dim3A_26 = vector.broadcast %broadcast_in_dim3A_25 : i32 to vector<8x1152xi32>
    %get3A_27 = arith.constant 0 : index
    %get3A_28 = arith.constant 0 : index
    %get3A_29 = arith.constant 0 : index
    %get3A_30 = memref.load %arg1[%get3A_27, %get3A_28, %get3A_29] : memref<1x24x4xf32, #tpu.memory_space<smem>>
    %get3A_31 = arith.constant 0 : index
    %get3A_32 = arith.constant 0 : index
    %get3A_33 = arith.constant 1 : index
    %get3A_34 = memref.load %arg1[%get3A_31, %get3A_32, %get3A_33] : memref<1x24x4xf32, #tpu.memory_space<smem>>
    %get3A_35 = arith.constant 0 : index
    %get3A_36 = arith.constant 0 : index
    %get3A_37 = arith.constant 2 : index
    %get3A_38 = memref.load %arg1[%get3A_35, %get3A_36, %get3A_37] : memref<1x24x4xf32, #tpu.memory_space<smem>>
    %get3A_39 = arith.constant 0 : index
    %get3A_40 = arith.constant 0 : index
    %get3A_41 = arith.constant 3 : index
    %get3A_42 = memref.load %arg1[%get3A_39, %get3A_40, %get3A_41] : memref<1x24x4xf32, #tpu.memory_space<smem>>
    %min3A = vector.broadcast %get3A_38 : f32 to vector<8x1152xf32>
    %min3A_43 = arith.minimumf %min3A, %get3A_13 : vector<8x1152xf32>
    %max3A = vector.broadcast %get3A_30 : f32 to vector<8x1152xf32>
    %max3A_44 = arith.maximumf %max3A, %get3A_3 : vector<8x1152xf32>
    %sub3A_45 = arith.subf %min3A_43, %max3A_44 : vector<8x1152xf32>
    %max3A_46 = arith.constant 0.000000e+00 : f32
    %max3A_47 = vector.broadcast %max3A_46 : f32 to vector<8x1152xf32>
    %max3A_48 = arith.maximumf %sub3A_45, %max3A_47 : vector<8x1152xf32>
    %min3A_49 = vector.broadcast %get3A_42 : f32 to vector<8x1152xf32>
    %min3A_50 = arith.minimumf %min3A_49, %get3A_18 : vector<8x1152xf32>
    %max3A_51 = vector.broadcast %get3A_34 : f32 to vector<8x1152xf32>
    %max3A_52 = arith.maximumf %max3A_51, %get3A_8 : vector<8x1152xf32>
    %sub3A_53 = arith.subf %min3A_50, %max3A_52 : vector<8x1152xf32>
    %max3A_54 = arith.constant 0.000000e+00 : f32
    %max3A_55 = vector.broadcast %max3A_54 : f32 to vector<8x1152xf32>
    %max3A_56 = arith.maximumf %sub3A_53, %max3A_55 : vector<8x1152xf32>
    %mul3A_57 = arith.mulf %max3A_48, %max3A_56 : vector<8x1152xf32>
    %sub3A_58 = arith.subf %get3A_38, %get3A_30 : f32
    %sub3A_59 = arith.subf %get3A_42, %get3A_34 : f32
    %mul3A_60 = arith.mulf %sub3A_58, %sub3A_59 : f32
    %add3A_61 = vector.broadcast %mul3A_60 : f32 to vector<8x1152xf32>
    %add3A_62 = arith.addf %add3A_61, %mul3A : vector<8x1152xf32>
    %sub3A_63 = arith.subf %add3A_62, %mul3A_57 : vector<8x1152xf32>
    %div3A = arith.divf %mul3A_57, %sub3A_63 : vector<8x1152xf32>
    %gt3A = arith.cmpf ogt, %div3A, %broadcast_in_dim3A_24 : vector<8x1152xf32>
    %select_n3A = arith.select %gt3A, %div3A, %broadcast_in_dim3A_24 : vector<8x1152xi1>, vector<8x1152xf32>
    %jit3A = arith.constant 0 : i32
    %broadcast_in_dim3A_64 = vector.broadcast %jit3A : i32 to vector<8x1152xi32>
    %select_n3A_65 = arith.select %gt3A, %broadcast_in_dim3A_64, %broadcast_in_dim3A_26 : vector<8x1152xi1>, vector<8x1152xi32>
    %swap3A = arith.constant 0 : index
    %swap3A_66 = arith.constant 0 : index
    %swap3A_67 = arith.constant 0 : index
    %swap3A_68 = vector.load %arg9[%swap3A, %swap3A_66, %swap3A_67] : memref<24x8x1152xf32, #tpu.memory_space<vmem>>, vector<1x8x1152xf32>
    %swap3A_69 = vector.shape_cast %swap3A_68 : vector<1x8x1152xf32> to vector<8x1152xf32>
    %swap3A_70 = vector.shape_cast %div3A : vector<8x1152xf32> to vector<1x8x1152xf32>
    tpu.vector_store %arg9[%swap3A, %swap3A_66, %swap3A_67], %swap3A_70 {strides = array<i32>} : memref<24x8x1152xf32, #tpu.memory_space<vmem>>, vector<1x8x1152xf32>,
    %slice3A = vector.extract_strided_slice %div3A {offsets = [0, 0], sizes = [8, 128], strides = [1, 1]} : vector<8x1152xf32> to vector<8x128xf32>
    %slice3A_71 = vector.extract_strided_slice %div3A {offsets = [0, 128], sizes = [8, 128], strides = [1, 1]} : vector<8x1152xf32> to vector<8x128xf32>
    %max3A_72 = arith.maximumf %slice3A, %slice3A_71 : vector<8x128xf32>
    %slice3A_73 = vector.extract_strided_slice %div3A {offsets = [0, 256], sizes = [8, 128], strides = [1, 1]} : vector<8x1152xf32> to vector<8x128xf32>
    %max3A_74 = arith.maximumf %max3A_72, %slice3A_73 : vector<8x128xf32>
    %slice3A_75 = vector.extract_strided_slice %div3A {offsets = [0, 384], sizes = [8, 128], strides = [1, 1]} : vector<8x1152xf32> to vector<8x128xf32>
    %max3A_76 = arith.maximumf %max3A_74, %slice3A_75 : vector<8x128xf32>
    %slice3A_77 = vector.extract_strided_slice %div3A {offsets = [0, 512], sizes = [8, 128], strides = [1, 1]} : vector<8x1152xf32> to vector<8x128xf32>
    %max3A_78 = arith.maximumf %max3A_76, %slice3A_77 : vector<8x128xf32>
    %slice3A_79 = vector.extract_strided_slice %div3A {offsets = [0, 640], sizes = [8, 128], strides = [1, 1]} : vector<8x1152xf32> to vector<8x128xf32>
    %max3A_80 = arith.maximumf %max3A_78, %slice3A_79 : vector<8x128xf32>
    %slice3A_81 = vector.extract_strided_slice %div3A {offsets = [0, 768], sizes = [8, 128], strides = [1, 1]} : vector<8x1152xf32> to vector<8x128xf32>
    %max3A_82 = arith.maximumf %max3A_80, %slice3A_81 : vector<8x128xf32>
    %slice3A_83 = vector.extract_strided_slice %div3A {offsets = [0, 896], sizes = [8, 128], strides = [1, 1]} : vector<8x1152xf32> to vector<8x128xf32>
    %max3A_84 = arith.maximumf %max3A_82, %slice3A_83 : vector<8x128xf32>
    %slice3A_85 = vector.extract_strided_slice %div3A {offsets = [0, 1024], sizes = [8, 128], strides = [1, 1]} : vector<8x1152xf32> to vector<8x128xf32>
    %max3A_86 = arith.maximumf %max3A_84, %slice3A_85 : vector<8x128xf32>
    %get3A_87 = arith.constant 0 : index
    %get3A_88 = arith.constant 1 : index
    %get3A_89 = arith.constant 0 : index
    %get3A_90 = memref.load %arg1[%get3A_87, %get3A_88, %get3A_89] : memref<1x24x4xf32, #tpu.memory_space<smem>>
    %get3A_91 = arith.constant 0 : index
    %get3A_92 = arith.constant 1 : index
    %get3A_93 = arith.constant 1 : index
    %get3A_94 = memref.load %arg1[%get3A_91, %get3A_92, %get3A_93] : memref<1x24x4xf32, #tpu.memory_space<smem>>
    %get3A_95 = arith.constant 0 : index
    %get3A_96 = arith.constant 1 : index
    %get3A_97 = arith.constant 2 : index
    %get3A_98 = memref.load %arg1[%get3A_95, %get3A_96, %get3A_97] : memref<1x24x4xf32, #tpu.memory_space<smem>>
    %get3A_99 = arith.constant 0 : index
    %get3A_100 = arith.constant 1 : index
    %get3A_101 = arith.constant 3 : index
    %get3A_102 = memref.load %arg1[%get3A_99, %get3A_100, %get3A_101] : memref<1x24x4xf32, #tpu.memory_space<smem>>
    %min3A_103 = vector.broadcast %get3A_98 : f32 to vector<8x1152xf32>
    %min3A_104 = arith.minimumf %min3A_103, %get3A_13 : vector<8x1152xf32>
    %max3A_105 = vector.broadcast %get3A_90 : f32 to vector<8x1152xf32>
    %max3A_106 = arith.maximumf %max3A_105, %get3A_3 : vector<8x1152xf32>
    %sub3A_107 = arith.subf %min3A_104, %max3A_106 : vector<8x1152xf32>
    %max3A_108 = arith.constant 0.000000e+00 : f32
    %max3A_109 = vector.broadcast %max3A_108 : f32 to vector<8x1152xf32>
    %max3A_110 = arith.maximumf %sub3A_107, %max3A_109 : vector<8x1152xf32>
    %min3A_111 = vector.broadcast %get3A_102 : f32 to vector<8x1152xf32>
    %min3A_112 = arith.minimumf %min3A_111, %get3A_18 : vector<8x1152xf32>
    %max3A_113 = vector.broadcast %get3A_94 : f32 to vector<8x1152xf32>
    %max3A_114 = arith.maximumf %max3A_113, %get3A_8 : vector<8x1152xf32>
    %sub3A_115 = arith.subf %min3A_112, %max3A_114 : vector<8x1152xf32>
    %max3A_116 = arith.constant 0.000000e+00 : f32
    %max3A_117 = vector.broadcast %max3A_116 : f32 to vector<8x1152xf32>
    %max3A_118 = arith.maximumf %sub3A_115, %max3A_117 : vector<8x1152xf32>
    %mul3A_119 = arith.mulf %max3A_110, %max3A_118 : vector<8x1152xf32>
    %sub3A_120 = arith.subf %get3A_98, %get3A_90 : f32
    %sub3A_121 = arith.subf %get3A_102, %get3A_94 : f32
    %mul3A_122 = arith.mulf %sub3A_120, %sub3A_121 : f32
    %add3A_123 = vector.broadcast %mul3A_122 : f32 to vector<8x1152xf32>
    %add3A_124 = arith.addf %add3A_123, %mul3A : vector<8x1152xf32>
    %sub3A_125 = arith.subf %add3A_124, %mul3A_119 : vector<8x1152xf32>
    %div3A_126 = arith.divf %mul3A_119, %sub3A_125 : vector<8x1152xf32>
    %gt3A_127 = arith.cmpf ogt, %div3A_126, %select_n3A : vector<8x1152xf32>
    %select_n3A_128 = arith.select %gt3A_127, %div3A_126, %select_n3A : vector<8x1152xi1>, vector<8x1152xf32>
    %jit3A_129 = arith.constant 1 : i32
    %broadcast_in_dim3A_130 = vector.broadcast %jit3A_129 : i32 to vector<8x1152xi32>
    %select_n3A_131 = arith.select %gt3A_127, %broadcast_in_dim3A_130, %select_n3A_65 : vector<8x1152xi1>, vector<8x1152xi32>
    %swap3A_132 = arith.constant 1 : index
    %swap3A_133 = arith.constant 0 : index
    %swap3A_134 = arith.constant 0 : index
    %swap3A_135 = vector.load %arg9[%swap3A_132, %swap3A_133, %swap3A_134] : memref<24x8x1152xf32, #tpu.memory_space<vmem>>, vector<1x8x1152xf32>
    %swap3A_136 = vector.shape_cast %swap3A_135 : vector<1x8x1152xf32> to vector<8x1152xf32>
    %swap3A_137 = vector.shape_cast %div3A_126 : vector<8x1152xf32> to vector<1x8x1152xf32>
    tpu.vector_store %arg9[%swap3A_132, %swap3A_133, %swap3A_134], %swap3A_137 {strides = array<i32>} : memref<24x8x1152xf32, #tpu.memory_space<vmem>>, vector<1x8x1152xf32>,
    %slice3A_138 = vector.extract_strided_slice %div3A_126 {offsets = [0, 0], sizes = [8, 128], strides = [1, 1]} : vector<8x1152xf32> to vector<8x128xf32>
    %slice3A_139 = vector.extract_strided_slice %div3A_126 {offsets = [0, 128], sizes = [8, 128], strides = [1, 1]} : vector<8x1152xf32> to vector<8x128xf32>
    %max3A_140 = arith.maximumf %slice3A_138, %slice3A_139 : vector<8x128xf32>
    %slice3A_141 = vector.extract_strided_slice %div3A_126 {offsets = [0, 256], sizes = [8, 128], strides = [1, 1]} : vector<8x1152xf32> to vector<8x128xf32>
    %max3A_142 = arith.maximumf %max3A_140, %slice3A_141 : vector<8x128xf32>
    %slice3A_143 = vector.extract_strided_slice %div3A_126 {offsets = [0, 384], sizes = [8, 128], strides = [1, 1]} : vector<8x1152xf32> to vector<8x128xf32>
    %max3A_144 = arith.maximumf %max3A_142, %slice3A_143 : vector<8x128xf32>
    %slice3A_145 = vector.extract_strided_slice %div3A_126 {offsets = [0, 512], sizes = [8, 128], strides = [1, 1]} : vector<8x1152xf32> to vector<8x128xf32>
    %max3A_146 = arith.maximumf %max3A_144, %slice3A_145 : vector<8x128xf32>
    %slice3A_147 = vector.extract_strided_slice %div3A_126 {offsets = [0, 640], sizes = [8, 128], strides = [1, 1]} : vector<8x1152xf32> to vector<8x128xf32>
    %max3A_148 = arith.maximumf %max3A_146, %slice3A_147 : vector<8x128xf32>
    %slice3A_149 = vector.extract_strided_slice %div3A_126 {offsets = [0, 768], sizes = [8, 128], strides = [1, 1]} : vector<8x1152xf32> to vector<8x128xf32>
    %max3A_150 = arith.maximumf %max3A_148, %slice3A_149 : vector<8x128xf32>
    %slice3A_151 = vector.extract_strided_slice %div3A_126 {offsets = [0, 896], sizes = [8, 128], strides = [1, 1]} : vector<8x1152xf32> to vector<8x128xf32>
    %max3A_152 = arith.maximumf %max3A_150, %slice3A_151 : vector<8x128xf32>
    %slice3A_153 = vector.extract_strided_slice %div3A_126 {offsets = [0, 1024], sizes = [8, 128], strides = [1, 1]} : vector<8x1152xf32> to vector<8x128xf32>
    %max3A_154 = arith.maximumf %max3A_152, %slice3A_153 : vector<8x128xf32>
    %get3A_155 = arith.constant 0 : index
    %get3A_156 = arith.constant 2 : index
    %get3A_157 = arith.constant 0 : index
    %get3A_158 = memref.load %arg1[%get3A_155, %get3A_156, %get3A_157] : memref<1x24x4xf32, #tpu.memory_space<smem>>
    %get3A_159 = arith.constant 0 : index
    %get3A_160 = arith.constant 2 : index
    %get3A_161 = arith.constant 1 : index
    %get3A_162 = memref.load %arg1[%get3A_159, %get3A_160, %get3A_161] : memref<1x24x4xf32, #tpu.memory_space<smem>>
    %get3A_163 = arith.constant 0 : index
    %get3A_164 = arith.constant 2 : index
    %get3A_165 = arith.constant 2 : index
    %get3A_166 = memref.load %arg1[%get3A_163, %get3A_164, %get3A_165] : memref<1x24x4xf32, #tpu.memory_space<smem>>
    %get3A_167 = arith.constant 0 : index
    %get3A_168 = arith.constant 2 : index
    %get3A_169 = arith.constant 3 : index
    %get3A_170 = memref.load %arg1[%get3A_167, %get3A_168, %get3A_169] : memref<1x24x4xf32, #tpu.memory_space<smem>>
    %min3A_171 = vector.broadcast %get3A_166 : f32 to vector<8x1152xf32>
    %min3A_172 = arith.minimumf %min3A_171, %get3A_13 : vector<8x1152xf32>
    %max3A_173 = vector.broadcast %get3A_158 : f32 to vector<8x1152xf32>
    %max3A_174 = arith.maximumf %max3A_173, %get3A_3 : vector<8x1152xf32>
    %sub3A_175 = arith.subf %min3A_172, %max3A_174 : vector<8x1152xf32>
    %max3A_176 = arith.constant 0.000000e+00 : f32
    %max3A_177 = vector.broadcast %max3A_176 : f32 to vector<8x1152xf32>
    %max3A_178 = arith.maximumf %sub3A_175, %max3A_177 : vector<8x1152xf32>
    %min3A_179 = vector.broadcast %get3A_170 : f32 to vector<8x1152xf32>
    %min3A_180 = arith.minimumf %min3A_179, %get3A_18 : vector<8x1152xf32>
    %max3A_181 = vector.broadcast %get3A_162 : f32 to vector<8x1152xf32>
    %max3A_182 = arith.maximumf %max3A_181, %get3A_8 : vector<8x1152xf32>
    %sub3A_183 = arith.subf %min3A_180, %max3A_182 : vector<8x1152xf32>
    %max3A_184 = arith.constant 0.000000e+00 : f32
    %max3A_185 = vector.broadcast %max3A_184 : f32 to vector<8x1152xf32>
    %max3A_186 = arith.maximumf %sub3A_183, %max3A_185 : vector<8x1152xf32>
    %mul3A_187 = arith.mulf %max3A_178, %max3A_186 : vector<8x1152xf32>
    %sub3A_188 = arith.subf %get3A_166, %get3A_158 : f32
    %sub3A_189 = arith.subf %get3A_170, %get3A_162 : f32
    %mul3A_190 = arith.mulf %sub3A_188, %sub3A_189 : f32
    %add3A_191 = vector.broadcast %mul3A_190 : f32 to vector<8x1152xf32>
    %add3A_192 = arith.addf %add3A_191, %mul3A : vector<8x1152xf32>
    %sub3A_193 = arith.subf %add3A_192, %mul3A_187 : vector<8x1152xf32>
    %div3A_194 = arith.divf %mul3A_187, %sub3A_193 : vector<8x1152xf32>
    %gt3A_195 = arith.cmpf ogt, %div3A_194, %select_n3A_128 : vector<8x1152xf32>
    %select_n3A_196 = arith.select %gt3A_195, %div3A_194, %select_n3A_128 : vector<8x1152xi1>, vector<8x1152xf32>
    %jit3A_197 = arith.constant 2 : i32
    %broadcast_in_dim3A_198 = vector.broadcast %jit3A_197 : i32 to vector<8x1152xi32>
    %select_n3A_199 = arith.select %gt3A_195, %broadcast_in_dim3A_198, %select_n3A_131 : vector<8x1152xi1>, vector<8x1152xi32>
    %swap3A_200 = arith.constant 2 : index
    %swap3A_201 = arith.constant 0 : index
    %swap3A_202 = arith.constant 0 : index
    %swap3A_203 = vector.load %arg9[%swap3A_200, %swap3A_201, %swap3A_202] : memref<24x8x1152xf32, #tpu.memory_space<vmem>>, vector<1x8x1152xf32>
    %swap3A_204 = vector.shape_cast %swap3A_203 : vector<1x8x1152xf32> to vector<8x1152xf32>
    %swap3A_205 = vector.shape_cast %div3A_194 : vector<8x1152xf32> to vector<1x8x1152xf32>
    tpu.vector_store %arg9[%swap3A_200, %swap3A_201, %swap3A_202], %swap3A_205 {strides = array<i32>} : memref<24x8x1152xf32, #tpu.memory_space<vmem>>, vector<1x8x1152xf32>,
    %slice3A_206 = vector.extract_strided_slice %div3A_194 {offsets = [0, 0], sizes = [8, 128], strides = [1, 1]} : vector<8x1152xf32> to vector<8x128xf32>
    %slice3A_207 = vector.extract_strided_slice %div3A_194 {offsets = [0, 128], sizes = [8, 128], strides = [1, 1]} : vector<8x1152xf32> to vector<8x128xf32>
    %max3A_208 = arith.maximumf %slice3A_206, %slice3A_207 : vector<8x128xf32>
    %slice3A_209 = vector.extract_strided_slice %div3A_194 {offsets = [0, 256], sizes = [8, 128], strides = [1, 1]} : vector<8x1152xf32> to vector<8x128xf32>
    %max3A_210 = arith.maximumf %max3A_208, %slice3A_209 : vector<8x128xf32>
    %slice3A_211 = vector.extract_strided_slice %div3A_194 {offsets = [0, 384], sizes = [8, 128], strides = [1, 1]} : vector<8x1152xf32> to vector<8x128xf32>
    %max3A_212 = arith.maximumf %max3A_210, %slice3A_211 : vector<8x128xf32>
    %slice3A_213 = vector.extract_strided_slice %div3A_194 {offsets = [0, 512], sizes = [8, 128], strides = [1, 1]} : vector<8x1152xf32> to vector<8x128xf32>
    %max3A_214 = arith.maximumf %max3A_212, %slice3A_213 : vector<8x128xf32>
    %slice3A_215 = vector.extract_strided_slice %div3A_194 {offsets = [0, 640], sizes = [8, 128], strides = [1, 1]} : vector<8x1152xf32> to vector<8x128xf32>
    %max3A_216 = arith.maximumf %max3A_214, %slice3A_215 : vector<8x128xf32>
    %slice3A_217 = vector.extract_strided_slice %div3A_194 {offsets = [0, 768], sizes = [8, 128], strides = [1, 1]} : vector<8x1152xf32> to vector<8x128xf32>
    %max3A_218 = arith.maximumf %max3A_216, %slice3A_217 : vector<8x128xf32>
    %slice3A_219 = vector.extract_strided_slice %div3A_194 {offsets = [0, 896], sizes = [8, 128], strides = [1, 1]} : vector<8x1152xf32> to vector<8x128xf32>
    %max3A_220 = arith.maximumf %max3A_218, %slice3A_219 : vector<8x128xf32>
    %slice3A_221 = vector.extract_strided_slice %div3A_194 {offsets = [0, 1024], sizes = [8, 128], strides = [1, 1]} : vector<8x1152xf32> to vector<8x128xf32>
    %max3A_222 = arith.maximumf %max3A_220, %slice3A_221 : vector<8x128xf32>
    %get3A_223 = arith.constant 0 : index
    %get3A_224 = arith.constant 3 : index
    %get3A_225 = arith.constant 0 : index
    %get3A_226 = memref.load %arg1[%get3A_223, %get3A_224, %get3A_225] : memref<1x24x4xf32, #tpu.memory_space<smem>>
    %get3A_227 = arith.constant 0 : index
    %get3A_228 = arith.constant 3 : index
    %get3A_229 = arith.constant 1 : index
    %get3A_230 = memref.load %arg1[%get3A_227, %get3A_228, %get3A_229] : memref<1x24x4xf32, #tpu.memory_space<smem>>
    %get3A_231 = arith.constant 0 : index
    %get3A_232 = arith.constant 3 : index
    %get3A_233 = arith.constant 2 : index
    %get3A_234 = memref.load %arg1[%get3A_231, %get3A_232, %get3A_233] : memref<1x24x4xf32, #tpu.memory_space<smem>>
    %get3A_235 = arith.constant 0 : index
    %get3A_236 = arith.constant 3 : index
    %get3A_237 = arith.constant 3 : index
    %get3A_238 = memref.load %arg1[%get3A_235, %get3A_236, %get3A_237] : memref<1x24x4xf32, #tpu.memory_space<smem>>
    %min3A_239 = vector.broadcast %get3A_234 : f32 to vector<8x1152xf32>
    %min3A_240 = arith.minimumf %min3A_239, %get3A_13 : vector<8x1152xf32>
    %max3A_241 = vector.broadcast %get3A_226 : f32 to vector<8x1152xf32>
    %max3A_242 = arith.maximumf %max3A_241, %get3A_3 : vector<8x1152xf32>
    %sub3A_243 = arith.subf %min3A_240, %max3A_242 : vector<8x1152xf32>
    %max3A_244 = arith.constant 0.000000e+00 : f32
    %max3A_245 = vector.broadcast %max3A_244 : f32 to vector<8x1152xf32>
    %max3A_246 = arith.maximumf %sub3A_243, %max3A_245 : vector<8x1152xf32>
    %min3A_247 = vector.broadcast %get3A_238 : f32 to vector<8x1152xf32>
    %min3A_248 = arith.minimumf %min3A_247, %get3A_18 : vector<8x1152xf32>
    %max3A_249 = vector.broadcast %get3A_230 : f32 to vector<8x1152xf32>
    %max3A_250 = arith.maximumf %max3A_249, %get3A_8 : vector<8x1152xf32>
    %sub3A_251 = arith.subf %min3A_248, %max3A_250 : vector<8x1152xf32>
    %max3A_252 = arith.constant 0.000000e+00 : f32
    %max3A_253 = vector.broadcast %max3A_252 : f32 to vector<8x1152xf32>
    %max3A_254 = arith.maximumf %sub3A_251, %max3A_253 : vector<8x1152xf32>
    %mul3A_255 = arith.mulf %max3A_246, %max3A_254 : vector<8x1152xf32>
    %sub3A_256 = arith.subf %get3A_234, %get3A_226 : f32
    %sub3A_257 = arith.subf %get3A_238, %get3A_230 : f32
    %mul3A_258 = arith.mulf %sub3A_256, %sub3A_257 : f32
    %add3A_259 = vector.broadcast %mul3A_258 : f32 to vector<8x1152xf32>
    %add3A_260 = arith.addf %add3A_259, %mul3A : vector<8x1152xf32>
    %sub3A_261 = arith.subf %add3A_260, %mul3A_255 : vector<8x1152xf32>
    %div3A_262 = arith.divf %mul3A_255, %sub3A_261 : vector<8x1152xf32>
    %gt3A_263 = arith.cmpf ogt, %div3A_262, %select_n3A_196 : vector<8x1152xf32>
    %select_n3A_264 = arith.select %gt3A_263, %div3A_262, %select_n3A_196 : vector<8x1152xi1>, vector<8x1152xf32>
    %jit3A_265 = arith.constant 3 : i32
    %broadcast_in_dim3A_266 = vector.broadcast %jit3A_265 : i32 to vector<8x1152xi32>
    %select_n3A_267 = arith.select %gt3A_263, %broadcast_in_dim3A_266, %select_n3A_199 : vector<8x1152xi1>, vector<8x1152xi32>
    %swap3A_268 = arith.constant 3 : index
    %swap3A_269 = arith.constant 0 : index
    %swap3A_270 = arith.constant 0 : index
    %swap3A_271 = vector.load %arg9[%swap3A_268, %swap3A_269, %swap3A_270] : memref<24x8x1152xf32, #tpu.memory_space<vmem>>, vector<1x8x1152xf32>
    %swap3A_272 = vector.shape_cast %swap3A_271 : vector<1x8x1152xf32> to vector<8x1152xf32>
    %swap3A_273 = vector.shape_cast %div3A_262 : vector<8x1152xf32> to vector<1x8x1152xf32>
    tpu.vector_store %arg9[%swap3A_268, %swap3A_269, %swap3A_270], %swap3A_273 {strides = array<i32>} : memref<24x8x1152xf32, #tpu.memory_space<vmem>>, vector<1x8x1152xf32>,
    %slice3A_274 = vector.extract_strided_slice %div3A_262 {offsets = [0, 0], sizes = [8, 128], strides = [1, 1]} : vector<8x1152xf32> to vector<8x128xf32>
    %slice3A_275 = vector.extract_strided_slice %div3A_262 {offsets = [0, 128], sizes = [8, 128], strides = [1, 1]} : vector<8x1152xf32> to vector<8x128xf32>
    %max3A_276 = arith.maximumf %slice3A_274, %slice3A_275 : vector<8x128xf32>
    %slice3A_277 = vector.extract_strided_slice %div3A_262 {offsets = [0, 256], sizes = [8, 128], strides = [1, 1]} : vector<8x1152xf32> to vector<8x128xf32>
    %max3A_278 = arith.maximumf %max3A_276, %slice3A_277 : vector<8x128xf32>
    %slice3A_279 = vector.extract_strided_slice %div3A_262 {offsets = [0, 384], sizes = [8, 128], strides = [1, 1]} : vector<8x1152xf32> to vector<8x128xf32>
    %max3A_280 = arith.maximumf %max3A_278, %slice3A_279 : vector<8x128xf32>
    %slice3A_281 = vector.extract_strided_slice %div3A_262 {offsets = [0, 512], sizes = [8, 128], strides = [1, 1]} : vector<8x1152xf32> to vector<8x128xf32>
    %max3A_282 = arith.maximumf %max3A_280, %slice3A_281 : vector<8x128xf32>
    %slice3A_283 = vector.extract_strided_slice %div3A_262 {offsets = [0, 640], sizes = [8, 128], strides = [1, 1]} : vector<8x1152xf32> to vector<8x128xf32>
    %max3A_284 = arith.maximumf %max3A_282, %slice3A_283 : vector<8x128xf32>
    %slice3A_285 = vector.extract_strided_slice %div3A_262 {offsets = [0, 768], sizes = [8, 128], strides = [1, 1]} : vector<8x1152xf32> to vector<8x128xf32>
    %max3A_286 = arith.maximumf %max3A_284, %slice3A_285 : vector<8x128xf32>
    %slice3A_287 = vector.extract_strided_slice %div3A_262 {offsets = [0, 896], sizes = [8, 128], strides = [1, 1]} : vector<8x1152xf32> to vector<8x128xf32>
    %max3A_288 = arith.maximumf %max3A_286, %slice3A_287 : vector<8x128xf32>
    %slice3A_289 = vector.extract_strided_slice %div3A_262 {offsets = [0, 1024], sizes = [8, 128], strides = [1, 1]} : vector<8x1152xf32> to vector<8x128xf32>
    %max3A_290 = arith.maximumf %max3A_288, %slice3A_289 : vector<8x128xf32>
    %get3A_291 = arith.constant 0 : index
    %get3A_292 = arith.constant 4 : index
    %get3A_293 = arith.constant 0 : index
    %get3A_294 = memref.load %arg1[%get3A_291, %get3A_292, %get3A_293] : memref<1x24x4xf32, #tpu.memory_space<smem>>
    %get3A_295 = arith.constant 0 : index
    %get3A_296 = arith.constant 4 : index
    %get3A_297 = arith.constant 1 : index
    %get3A_298 = memref.load %arg1[%get3A_295, %get3A_296, %get3A_297] : memref<1x24x4xf32, #tpu.memory_space<smem>>
    %get3A_299 = arith.constant 0 : index
    %get3A_300 = arith.constant 4 : index
    %get3A_301 = arith.constant 2 : index
    %get3A_302 = memref.load %arg1[%get3A_299, %get3A_300, %get3A_301] : memref<1x24x4xf32, #tpu.memory_space<smem>>
    %get3A_303 = arith.constant 0 : index
    %get3A_304 = arith.constant 4 : index
    %get3A_305 = arith.constant 3 : index
    %get3A_306 = memref.load %arg1[%get3A_303, %get3A_304, %get3A_305] : memref<1x24x4xf32, #tpu.memory_space<smem>>
    %min3A_307 = vector.broadcast %get3A_302 : f32 to vector<8x1152xf32>
    %min3A_308 = arith.minimumf %min3A_307, %get3A_13 : vector<8x1152xf32>
    %max3A_309 = vector.broadcast %get3A_294 : f32 to vector<8x1152xf32>
    %max3A_310 = arith.maximumf %max3A_309, %get3A_3 : vector<8x1152xf32>
    %sub3A_311 = arith.subf %min3A_308, %max3A_310 : vector<8x1152xf32>
    %max3A_312 = arith.constant 0.000000e+00 : f32
    %max3A_313 = vector.broadcast %max3A_312 : f32 to vector<8x1152xf32>
    %max3A_314 = arith.maximumf %sub3A_311, %max3A_313 : vector<8x1152xf32>
    %min3A_315 = vector.broadcast %get3A_306 : f32 to vector<8x1152xf32>
    %min3A_316 = arith.minimumf %min3A_315, %get3A_18 : vector<8x1152xf32>
    %max3A_317 = vector.broadcast %get3A_298 : f32 to vector<8x1152xf32>
    %max3A_318 = arith.maximumf %max3A_317, %get3A_8 : vector<8x1152xf32>
    %sub3A_319 = arith.subf %min3A_316, %max3A_318 : vector<8x1152xf32>
    %max3A_320 = arith.constant 0.000000e+00 : f32
    %max3A_321 = vector.broadcast %max3A_320 : f32 to vector<8x1152xf32>
    %max3A_322 = arith.maximumf %sub3A_319, %max3A_321 : vector<8x1152xf32>
    %mul3A_323 = arith.mulf %max3A_314, %max3A_322 : vector<8x1152xf32>
    %sub3A_324 = arith.subf %get3A_302, %get3A_294 : f32
    %sub3A_325 = arith.subf %get3A_306, %get3A_298 : f32
    %mul3A_326 = arith.mulf %sub3A_324, %sub3A_325 : f32
    %add3A_327 = vector.broadcast %mul3A_326 : f32 to vector<8x1152xf32>
    %add3A_328 = arith.addf %add3A_327, %mul3A : vector<8x1152xf32>
    %sub3A_329 = arith.subf %add3A_328, %mul3A_323 : vector<8x1152xf32>
    %div3A_330 = arith.divf %mul3A_323, %sub3A_329 : vector<8x1152xf32>
    %gt3A_331 = arith.cmpf ogt, %div3A_330, %select_n3A_264 : vector<8x1152xf32>
    %select_n3A_332 = arith.select %gt3A_331, %div3A_330, %select_n3A_264 : vector<8x1152xi1>, vector<8x1152xf32>
    %jit3A_333 = arith.constant 4 : i32
    %broadcast_in_dim3A_334 = vector.broadcast %jit3A_333 : i32 to vector<8x1152xi32>
    %select_n3A_335 = arith.select %gt3A_331, %broadcast_in_dim3A_334, %select_n3A_267 : vector<8x1152xi1>, vector<8x1152xi32>
    %swap3A_336 = arith.constant 4 : index
    %swap3A_337 = arith.constant 0 : index
    %swap3A_338 = arith.constant 0 : index
    %swap3A_339 = vector.load %arg9[%swap3A_336, %swap3A_337, %swap3A_338] : memref<24x8x1152xf32, #tpu.memory_space<vmem>>, vector<1x8x1152xf32>
    %swap3A_340 = vector.shape_cast %swap3A_339 : vector<1x8x1152xf32> to vector<8x1152xf32>
    %swap3A_341 = vector.shape_cast %div3A_330 : vector<8x1152xf32> to vector<1x8x1152xf32>
    tpu.vector_store %arg9[%swap3A_336, %swap3A_337, %swap3A_338], %swap3A_341 {strides = array<i32>} : memref<24x8x1152xf32, #tpu.memory_space<vmem>>, vector<1x8x1152xf32>,
    %slice3A_342 = vector.extract_strided_slice %div3A_330 {offsets = [0, 0], sizes = [8, 128], strides = [1, 1]} : vector<8x1152xf32> to vector<8x128xf32>
    %slice3A_343 = vector.extract_strided_slice %div3A_330 {offsets = [0, 128], sizes = [8, 128], strides = [1, 1]} : vector<8x1152xf32> to vector<8x128xf32>
    %max3A_344 = arith.maximumf %slice3A_342, %slice3A_343 : vector<8x128xf32>
    %slice3A_345 = vector.extract_strided_slice %div3A_330 {offsets = [0, 256], sizes = [8, 128], strides = [1, 1]} : vector<8x1152xf32> to vector<8x128xf32>
    %max3A_346 = arith.maximumf %max3A_344, %slice3A_345 : vector<8x128xf32>
    %slice3A_347 = vector.extract_strided_slice %div3A_330 {offsets = [0, 384], sizes = [8, 128], strides = [1, 1]} : vector<8x1152xf32> to vector<8x128xf32>
    %max3A_348 = arith.maximumf %max3A_346, %slice3A_347 : vector<8x128xf32>
    %slice3A_349 = vector.extract_strided_slice %div3A_330 {offsets = [0, 512], sizes = [8, 128], strides = [1, 1]} : vector<8x1152xf32> to vector<8x128xf32>
    %max3A_350 = arith.maximumf %max3A_348, %slice3A_349 : vector<8x128xf32>
    %slice3A_351 = vector.extract_strided_slice %div3A_330 {offsets = [0, 640], sizes = [8, 128], strides = [1, 1]} : vector<8x1152xf32> to vector<8x128xf32>
    %max3A_352 = arith.maximumf %max3A_350, %slice3A_351 : vector<8x128xf32>
    %slice3A_353 = vector.extract_strided_slice %div3A_330 {offsets = [0, 768], sizes = [8, 128], strides = [1, 1]} : vector<8x1152xf32> to vector<8x128xf32>
    %max3A_354 = arith.maximumf %max3A_352, %slice3A_353 : vector<8x128xf32>
    %slice3A_355 = vector.extract_strided_slice %div3A_330 {offsets = [0, 896], sizes = [8, 128], strides = [1, 1]} : vector<8x1152xf32> to vector<8x128xf32>
    %max3A_356 = arith.maximumf %max3A_354, %slice3A_355 : vector<8x128xf32>
    %slice3A_357 = vector.extract_strided_slice %div3A_330 {offsets = [0, 1024], sizes = [8, 128], strides = [1, 1]} : vector<8x1152xf32> to vector<8x128xf32>
    %max3A_358 = arith.maximumf %max3A_356, %slice3A_357 : vector<8x128xf32>
    %get3A_359 = arith.constant 0 : index
    %get3A_360 = arith.constant 5 : index
    %get3A_361 = arith.constant 0 : index
    %get3A_362 = memref.load %arg1[%get3A_359, %get3A_360, %get3A_361] : memref<1x24x4xf32, #tpu.memory_space<smem>>
    %get3A_363 = arith.constant 0 : index
    %get3A_364 = arith.constant 5 : index
    %get3A_365 = arith.constant 1 : index
    %get3A_366 = memref.load %arg1[%get3A_363, %get3A_364, %get3A_365] : memref<1x24x4xf32, #tpu.memory_space<smem>>
    %get3A_367 = arith.constant 0 : index
    %get3A_368 = arith.constant 5 : index
    %get3A_369 = arith.constant 2 : index
    %get3A_370 = memref.load %arg1[%get3A_367, %get3A_368, %get3A_369] : memref<1x24x4xf32, #tpu.memory_space<smem>>
    %get3A_371 = arith.constant 0 : index
    %get3A_372 = arith.constant 5 : index
    %get3A_373 = arith.constant 3 : index
    %get3A_374 = memref.load %arg1[%get3A_371, %get3A_372, %get3A_373] : memref<1x24x4xf32, #tpu.memory_space<smem>>
    %min3A_375 = vector.broadcast %get3A_370 : f32 to vector<8x1152xf32>
    %min3A_376 = arith.minimumf %min3A_375, %get3A_13 : vector<8x1152xf32>
    %max3A_377 = vector.broadcast %get3A_362 : f32 to vector<8x1152xf32>
    %max3A_378 = arith.maximumf %max3A_377, %get3A_3 : vector<8x1152xf32>
    %sub3A_379 = arith.subf %min3A_376, %max3A_378 : vector<8x1152xf32>
    %max3A_380 = arith.constant 0.000000e+00 : f32
    %max3A_381 = vector.broadcast %max3A_380 : f32 to vector<8x1152xf32>
    %max3A_382 = arith.maximumf %sub3A_379, %max3A_381 : vector<8x1152xf32>
    %min3A_383 = vector.broadcast %get3A_374 : f32 to vector<8x1152xf32>
    %min3A_384 = arith.minimumf %min3A_383, %get3A_18 : vector<8x1152xf32>
    %max3A_385 = vector.broadcast %get3A_366 : f32 to vector<8x1152xf32>
    %max3A_386 = arith.maximumf %max3A_385, %get3A_8 : vector<8x1152xf32>
    %sub3A_387 = arith.subf %min3A_384, %max3A_386 : vector<8x1152xf32>
    %max3A_388 = arith.constant 0.000000e+00 : f32
    %max3A_389 = vector.broadcast %max3A_388 : f32 to vector<8x1152xf32>
    %max3A_390 = arith.maximumf %sub3A_387, %max3A_389 : vector<8x1152xf32>
    %mul3A_391 = arith.mulf %max3A_382, %max3A_390 : vector<8x1152xf32>
    %sub3A_392 = arith.subf %get3A_370, %get3A_362 : f32
    %sub3A_393 = arith.subf %get3A_374, %get3A_366 : f32
    %mul3A_394 = arith.mulf %sub3A_392, %sub3A_393 : f32
    %add3A_395 = vector.broadcast %mul3A_394 : f32 to vector<8x1152xf32>
    %add3A_396 = arith.addf %add3A_395, %mul3A : vector<8x1152xf32>
    %sub3A_397 = arith.subf %add3A_396, %mul3A_391 : vector<8x1152xf32>
    %div3A_398 = arith.divf %mul3A_391, %sub3A_397 : vector<8x1152xf32>
    %gt3A_399 = arith.cmpf ogt, %div3A_398, %select_n3A_332 : vector<8x1152xf32>
    %select_n3A_400 = arith.select %gt3A_399, %div3A_398, %select_n3A_332 : vector<8x1152xi1>, vector<8x1152xf32>
    %jit3A_401 = arith.constant 5 : i32
    %broadcast_in_dim3A_402 = vector.broadcast %jit3A_401 : i32 to vector<8x1152xi32>
    %select_n3A_403 = arith.select %gt3A_399, %broadcast_in_dim3A_402, %select_n3A_335 : vector<8x1152xi1>, vector<8x1152xi32>
    %swap3A_404 = arith.constant 5 : index
    %swap3A_405 = arith.constant 0 : index
    %swap3A_406 = arith.constant 0 : index
    %swap3A_407 = vector.load %arg9[%swap3A_404, %swap3A_405, %swap3A_406] : memref<24x8x1152xf32, #tpu.memory_space<vmem>>, vector<1x8x1152xf32>
    %swap3A_408 = vector.shape_cast %swap3A_407 : vector<1x8x1152xf32> to vector<8x1152xf32>
    %swap3A_409 = vector.shape_cast %div3A_398 : vector<8x1152xf32> to vector<1x8x1152xf32>
    tpu.vector_store %arg9[%swap3A_404, %swap3A_405, %swap3A_406], %swap3A_409 {strides = array<i32>} : memref<24x8x1152xf32, #tpu.memory_space<vmem>>, vector<1x8x1152xf32>,
    %slice3A_410 = vector.extract_strided_slice %div3A_398 {offsets = [0, 0], sizes = [8, 128], strides = [1, 1]} : vector<8x1152xf32> to vector<8x128xf32>
    %slice3A_411 = vector.extract_strided_slice %div3A_398 {offsets = [0, 128], sizes = [8, 128], strides = [1, 1]} : vector<8x1152xf32> to vector<8x128xf32>
    %max3A_412 = arith.maximumf %slice3A_410, %slice3A_411 : vector<8x128xf32>
    %slice3A_413 = vector.extract_strided_slice %div3A_398 {offsets = [0, 256], sizes = [8, 128], strides = [1, 1]} : vector<8x1152xf32> to vector<8x128xf32>
    %max3A_414 = arith.maximumf %max3A_412, %slice3A_413 : vector<8x128xf32>
    %slice3A_415 = vector.extract_strided_slice %div3A_398 {offsets = [0, 384], sizes = [8, 128], strides = [1, 1]} : vector<8x1152xf32> to vector<8x128xf32>
    %max3A_416 = arith.maximumf %max3A_414, %slice3A_415 : vector<8x128xf32>
    %slice3A_417 = vector.extract_strided_slice %div3A_398 {offsets = [0, 512], sizes = [8, 128], strides = [1, 1]} : vector<8x1152xf32> to vector<8x128xf32>
    %max3A_418 = arith.maximumf %max3A_416, %slice3A_417 : vector<8x128xf32>
    %slice3A_419 = vector.extract_strided_slice %div3A_398 {offsets = [0, 640], sizes = [8, 128], strides = [1, 1]} : vector<8x1152xf32> to vector<8x128xf32>
    %max3A_420 = arith.maximumf %max3A_418, %slice3A_419 : vector<8x128xf32>
    %slice3A_421 = vector.extract_strided_slice %div3A_398 {offsets = [0, 768], sizes = [8, 128], strides = [1, 1]} : vector<8x1152xf32> to vector<8x128xf32>
    %max3A_422 = arith.maximumf %max3A_420, %slice3A_421 : vector<8x128xf32>
    %slice3A_423 = vector.extract_strided_slice %div3A_398 {offsets = [0, 896], sizes = [8, 128], strides = [1, 1]} : vector<8x1152xf32> to vector<8x128xf32>
    %max3A_424 = arith.maximumf %max3A_422, %slice3A_423 : vector<8x128xf32>
    %slice3A_425 = vector.extract_strided_slice %div3A_398 {offsets = [0, 1024], sizes = [8, 128], strides = [1, 1]} : vector<8x1152xf32> to vector<8x128xf32>
    %max3A_426 = arith.maximumf %max3A_424, %slice3A_425 : vector<8x128xf32>
    %get3A_427 = arith.constant 0 : index
    %get3A_428 = arith.constant 6 : index
    %get3A_429 = arith.constant 0 : index
    %get3A_430 = memref.load %arg1[%get3A_427, %get3A_428, %get3A_429] : memref<1x24x4xf32, #tpu.memory_space<smem>>
    %get3A_431 = arith.constant 0 : index
    %get3A_432 = arith.constant 6 : index
    %get3A_433 = arith.constant 1 : index
    %get3A_434 = memref.load %arg1[%get3A_431, %get3A_432, %get3A_433] : memref<1x24x4xf32, #tpu.memory_space<smem>>
    %get3A_435 = arith.constant 0 : index
    %get3A_436 = arith.constant 6 : index
    %get3A_437 = arith.constant 2 : index
    %get3A_438 = memref.load %arg1[%get3A_435, %get3A_436, %get3A_437] : memref<1x24x4xf32, #tpu.memory_space<smem>>
    %get3A_439 = arith.constant 0 : index
    %get3A_440 = arith.constant 6 : index
    %get3A_441 = arith.constant 3 : index
    %get3A_442 = memref.load %arg1[%get3A_439, %get3A_440, %get3A_441] : memref<1x24x4xf32, #tpu.memory_space<smem>>
    %min3A_443 = vector.broadcast %get3A_438 : f32 to vector<8x1152xf32>
    %min3A_444 = arith.minimumf %min3A_443, %get3A_13 : vector<8x1152xf32>
    %max3A_445 = vector.broadcast %get3A_430 : f32 to vector<8x1152xf32>
    %max3A_446 = arith.maximumf %max3A_445, %get3A_3 : vector<8x1152xf32>
    %sub3A_447 = arith.subf %min3A_444, %max3A_446 : vector<8x1152xf32>
    %max3A_448 = arith.constant 0.000000e+00 : f32
    %max3A_449 = vector.broadcast %max3A_448 : f32 to vector<8x1152xf32>
    %max3A_450 = arith.maximumf %sub3A_447, %max3A_449 : vector<8x1152xf32>
    %min3A_451 = vector.broadcast %get3A_442 : f32 to vector<8x1152xf32>
    %min3A_452 = arith.minimumf %min3A_451, %get3A_18 : vector<8x1152xf32>
    %max3A_453 = vector.broadcast %get3A_434 : f32 to vector<8x1152xf32>
    %max3A_454 = arith.maximumf %max3A_453, %get3A_8 : vector<8x1152xf32>
    %sub3A_455 = arith.subf %min3A_452, %max3A_454 : vector<8x1152xf32>
    %max3A_456 = arith.constant 0.000000e+00 : f32
    %max3A_457 = vector.broadcast %max3A_456 : f32 to vector<8x1152xf32>
    %max3A_458 = arith.maximumf %sub3A_455, %max3A_457 : vector<8x1152xf32>
    %mul3A_459 = arith.mulf %max3A_450, %max3A_458 : vector<8x1152xf32>
    %sub3A_460 = arith.subf %get3A_438, %get3A_430 : f32
    %sub3A_461 = arith.subf %get3A_442, %get3A_434 : f32
    %mul3A_462 = arith.mulf %sub3A_460, %sub3A_461 : f32
    %add3A_463 = vector.broadcast %mul3A_462 : f32 to vector<8x1152xf32>
    %add3A_464 = arith.addf %add3A_463, %mul3A : vector<8x1152xf32>
    %sub3A_465 = arith.subf %add3A_464, %mul3A_459 : vector<8x1152xf32>
    %div3A_466 = arith.divf %mul3A_459, %sub3A_465 : vector<8x1152xf32>
    %gt3A_467 = arith.cmpf ogt, %div3A_466, %select_n3A_400 : vector<8x1152xf32>
    %select_n3A_468 = arith.select %gt3A_467, %div3A_466, %select_n3A_400 : vector<8x1152xi1>, vector<8x1152xf32>
    %jit3A_469 = arith.constant 6 : i32
    %broadcast_in_dim3A_470 = vector.broadcast %jit3A_469 : i32 to vector<8x1152xi32>
    %select_n3A_471 = arith.select %gt3A_467, %broadcast_in_dim3A_470, %select_n3A_403 : vector<8x1152xi1>, vector<8x1152xi32>
    %swap3A_472 = arith.constant 6 : index
    %swap3A_473 = arith.constant 0 : index
    %swap3A_474 = arith.constant 0 : index
    %swap3A_475 = vector.load %arg9[%swap3A_472, %swap3A_473, %swap3A_474] : memref<24x8x1152xf32, #tpu.memory_space<vmem>>, vector<1x8x1152xf32>
    %swap3A_476 = vector.shape_cast %swap3A_475 : vector<1x8x1152xf32> to vector<8x1152xf32>
    %swap3A_477 = vector.shape_cast %div3A_466 : vector<8x1152xf32> to vector<1x8x1152xf32>
    tpu.vector_store %arg9[%swap3A_472, %swap3A_473, %swap3A_474], %swap3A_477 {strides = array<i32>} : memref<24x8x1152xf32, #tpu.memory_space<vmem>>, vector<1x8x1152xf32>,
    %slice3A_478 = vector.extract_strided_slice %div3A_466 {offsets = [0, 0], sizes = [8, 128], strides = [1, 1]} : vector<8x1152xf32> to vector<8x128xf32>
    %slice3A_479 = vector.extract_strided_slice %div3A_466 {offsets = [0, 128], sizes = [8, 128], strides = [1, 1]} : vector<8x1152xf32> to vector<8x128xf32>
    %max3A_480 = arith.maximumf %slice3A_478, %slice3A_479 : vector<8x128xf32>
    %slice3A_481 = vector.extract_strided_slice %div3A_466 {offsets = [0, 256], sizes = [8, 128], strides = [1, 1]} : vector<8x1152xf32> to vector<8x128xf32>
    %max3A_482 = arith.maximumf %max3A_480, %slice3A_481 : vector<8x128xf32>
    %slice3A_483 = vector.extract_strided_slice %div3A_466 {offsets = [0, 384], sizes = [8, 128], strides = [1, 1]} : vector<8x1152xf32> to vector<8x128xf32>
    %max3A_484 = arith.maximumf %max3A_482, %slice3A_483 : vector<8x128xf32>
    %slice3A_485 = vector.extract_strided_slice %div3A_466 {offsets = [0, 512], sizes = [8, 128], strides = [1, 1]} : vector<8x1152xf32> to vector<8x128xf32>
    %max3A_486 = arith.maximumf %max3A_484, %slice3A_485 : vector<8x128xf32>
    %slice3A_487 = vector.extract_strided_slice %div3A_466 {offsets = [0, 640], sizes = [8, 128], strides = [1, 1]} : vector<8x1152xf32> to vector<8x128xf32>
    %max3A_488 = arith.maximumf %max3A_486, %slice3A_487 : vector<8x128xf32>
    %slice3A_489 = vector.extract_strided_slice %div3A_466 {offsets = [0, 768], sizes = [8, 128], strides = [1, 1]} : vector<8x1152xf32> to vector<8x128xf32>
    %max3A_490 = arith.maximumf %max3A_488, %slice3A_489 : vector<8x128xf32>
    %slice3A_491 = vector.extract_strided_slice %div3A_466 {offsets = [0, 896], sizes = [8, 128], strides = [1, 1]} : vector<8x1152xf32> to vector<8x128xf32>
    %max3A_492 = arith.maximumf %max3A_490, %slice3A_491 : vector<8x128xf32>
    %slice3A_493 = vector.extract_strided_slice %div3A_466 {offsets = [0, 1024], sizes = [8, 128], strides = [1, 1]} : vector<8x1152xf32> to vector<8x128xf32>
    %max3A_494 = arith.maximumf %max3A_492, %slice3A_493 : vector<8x128xf32>
    %get3A_495 = arith.constant 0 : index
    %get3A_496 = arith.constant 7 : index
    %get3A_497 = arith.constant 0 : index
    %get3A_498 = memref.load %arg1[%get3A_495, %get3A_496, %get3A_497] : memref<1x24x4xf32, #tpu.memory_space<smem>>
    %get3A_499 = arith.constant 0 : index
    %get3A_500 = arith.constant 7 : index
    %get3A_501 = arith.constant 1 : index
    %get3A_502 = memref.load %arg1[%get3A_499, %get3A_500, %get3A_501] : memref<1x24x4xf32, #tpu.memory_space<smem>>
    %get3A_503 = arith.constant 0 : index
    %get3A_504 = arith.constant 7 : index
    %get3A_505 = arith.constant 2 : index
    %get3A_506 = memref.load %arg1[%get3A_503, %get3A_504, %get3A_505] : memref<1x24x4xf32, #tpu.memory_space<smem>>
    %get3A_507 = arith.constant 0 : index
    %get3A_508 = arith.constant 7 : index
    %get3A_509 = arith.constant 3 : index
    %get3A_510 = memref.load %arg1[%get3A_507, %get3A_508, %get3A_509] : memref<1x24x4xf32, #tpu.memory_space<smem>>
    %min3A_511 = vector.broadcast %get3A_506 : f32 to vector<8x1152xf32>
    %min3A_512 = arith.minimumf %min3A_511, %get3A_13 : vector<8x1152xf32>
    %max3A_513 = vector.broadcast %get3A_498 : f32 to vector<8x1152xf32>
    %max3A_514 = arith.maximumf %max3A_513, %get3A_3 : vector<8x1152xf32>
    %sub3A_515 = arith.subf %min3A_512, %max3A_514 : vector<8x1152xf32>
    %max3A_516 = arith.constant 0.000000e+00 : f32
    %max3A_517 = vector.broadcast %max3A_516 : f32 to vector<8x1152xf32>
    %max3A_518 = arith.maximumf %sub3A_515, %max3A_517 : vector<8x1152xf32>
    %min3A_519 = vector.broadcast %get3A_510 : f32 to vector<8x1152xf32>
    %min3A_520 = arith.minimumf %min3A_519, %get3A_18 : vector<8x1152xf32>
    %max3A_521 = vector.broadcast %get3A_502 : f32 to vector<8x1152xf32>
    %max3A_522 = arith.maximumf %max3A_521, %get3A_8 : vector<8x1152xf32>
    %sub3A_523 = arith.subf %min3A_520, %max3A_522 : vector<8x1152xf32>
    %max3A_524 = arith.constant 0.000000e+00 : f32
    %max3A_525 = vector.broadcast %max3A_524 : f32 to vector<8x1152xf32>
    %max3A_526 = arith.maximumf %sub3A_523, %max3A_525 : vector<8x1152xf32>
    %mul3A_527 = arith.mulf %max3A_518, %max3A_526 : vector<8x1152xf32>
    %sub3A_528 = arith.subf %get3A_506, %get3A_498 : f32
    %sub3A_529 = arith.subf %get3A_510, %get3A_502 : f32
    %mul3A_530 = arith.mulf %sub3A_528, %sub3A_529 : f32
    %add3A_531 = vector.broadcast %mul3A_530 : f32 to vector<8x1152xf32>
    %add3A_532 = arith.addf %add3A_531, %mul3A : vector<8x1152xf32>
    %sub3A_533 = arith.subf %add3A_532, %mul3A_527 : vector<8x1152xf32>
    %div3A_534 = arith.divf %mul3A_527, %sub3A_533 : vector<8x1152xf32>
    %gt3A_535 = arith.cmpf ogt, %div3A_534, %select_n3A_468 : vector<8x1152xf32>
    %select_n3A_536 = arith.select %gt3A_535, %div3A_534, %select_n3A_468 : vector<8x1152xi1>, vector<8x1152xf32>
    %jit3A_537 = arith.constant 7 : i32
    %broadcast_in_dim3A_538 = vector.broadcast %jit3A_537 : i32 to vector<8x1152xi32>
    %select_n3A_539 = arith.select %gt3A_535, %broadcast_in_dim3A_538, %select_n3A_471 : vector<8x1152xi1>, vector<8x1152xi32>
    %swap3A_540 = arith.constant 7 : index
    %swap3A_541 = arith.constant 0 : index
    %swap3A_542 = arith.constant 0 : index
    %swap3A_543 = vector.load %arg9[%swap3A_540, %swap3A_541, %swap3A_542] : memref<24x8x1152xf32, #tpu.memory_space<vmem>>, vector<1x8x1152xf32>
    %swap3A_544 = vector.shape_cast %swap3A_543 : vector<1x8x1152xf32> to vector<8x1152xf32>
    %swap3A_545 = vector.shape_cast %div3A_534 : vector<8x1152xf32> to vector<1x8x1152xf32>
    tpu.vector_store %arg9[%swap3A_540, %swap3A_541, %swap3A_542], %swap3A_545 {strides = array<i32>} : memref<24x8x1152xf32, #tpu.memory_space<vmem>>, vector<1x8x1152xf32>,
    %slice3A_546 = vector.extract_strided_slice %div3A_534 {offsets = [0, 0], sizes = [8, 128], strides = [1, 1]} : vector<8x1152xf32> to vector<8x128xf32>
    %slice3A_547 = vector.extract_strided_slice %div3A_534 {offsets = [0, 128], sizes = [8, 128], strides = [1, 1]} : vector<8x1152xf32> to vector<8x128xf32>
    %max3A_548 = arith.maximumf %slice3A_546, %slice3A_547 : vector<8x128xf32>
    %slice3A_549 = vector.extract_strided_slice %div3A_534 {offsets = [0, 256], sizes = [8, 128], strides = [1, 1]} : vector<8x1152xf32> to vector<8x128xf32>
    %max3A_550 = arith.maximumf %max3A_548, %slice3A_549 : vector<8x128xf32>
    %slice3A_551 = vector.extract_strided_slice %div3A_534 {offsets = [0, 384], sizes = [8, 128], strides = [1, 1]} : vector<8x1152xf32> to vector<8x128xf32>
    %max3A_552 = arith.maximumf %max3A_550, %slice3A_551 : vector<8x128xf32>
    %slice3A_553 = vector.extract_strided_slice %div3A_534 {offsets = [0, 512], sizes = [8, 128], strides = [1, 1]} : vector<8x1152xf32> to vector<8x128xf32>
    %max3A_554 = arith.maximumf %max3A_552, %slice3A_553 : vector<8x128xf32>
    %slice3A_555 = vector.extract_strided_slice %div3A_534 {offsets = [0, 640], sizes = [8, 128], strides = [1, 1]} : vector<8x1152xf32> to vector<8x128xf32>
    %max3A_556 = arith.maximumf %max3A_554, %slice3A_555 : vector<8x128xf32>
    %slice3A_557 = vector.extract_strided_slice %div3A_534 {offsets = [0, 768], sizes = [8, 128], strides = [1, 1]} : vector<8x1152xf32> to vector<8x128xf32>
    %max3A_558 = arith.maximumf %max3A_556, %slice3A_557 : vector<8x128xf32>
    %slice3A_559 = vector.extract_strided_slice %div3A_534 {offsets = [0, 896], sizes = [8, 128], strides = [1, 1]} : vector<8x1152xf32> to vector<8x128xf32>
    %max3A_560 = arith.maximumf %max3A_558, %slice3A_559 : vector<8x128xf32>
    %slice3A_561 = vector.extract_strided_slice %div3A_534 {offsets = [0, 1024], sizes = [8, 128], strides = [1, 1]} : vector<8x1152xf32> to vector<8x128xf32>
    %max3A_562 = arith.maximumf %max3A_560, %slice3A_561 : vector<8x128xf32>
    %get3A_563 = arith.constant 0 : index
    %get3A_564 = arith.constant 8 : index
    %get3A_565 = arith.constant 0 : index
    %get3A_566 = memref.load %arg1[%get3A_563, %get3A_564, %get3A_565] : memref<1x24x4xf32, #tpu.memory_space<smem>>
    %get3A_567 = arith.constant 0 : index
    %get3A_568 = arith.constant 8 : index
    %get3A_569 = arith.constant 1 : index
    %get3A_570 = memref.load %arg1[%get3A_567, %get3A_568, %get3A_569] : memref<1x24x4xf32, #tpu.memory_space<smem>>
    %get3A_571 = arith.constant 0 : index
    %get3A_572 = arith.constant 8 : index
    %get3A_573 = arith.constant 2 : index
    %get3A_574 = memref.load %arg1[%get3A_571, %get3A_572, %get3A_573] : memref<1x24x4xf32, #tpu.memory_space<smem>>
    %get3A_575 = arith.constant 0 : index
    %get3A_576 = arith.constant 8 : index
    %get3A_577 = arith.constant 3 : index
    %get3A_578 = memref.load %arg1[%get3A_575, %get3A_576, %get3A_577] : memref<1x24x4xf32, #tpu.memory_space<smem>>
    %min3A_579 = vector.broadcast %get3A_574 : f32 to vector<8x1152xf32>
    %min3A_580 = arith.minimumf %min3A_579, %get3A_13 : vector<8x1152xf32>
    %max3A_581 = vector.broadcast %get3A_566 : f32 to vector<8x1152xf32>
    %max3A_582 = arith.maximumf %max3A_581, %get3A_3 : vector<8x1152xf32>
    %sub3A_583 = arith.subf %min3A_580, %max3A_582 : vector<8x1152xf32>
    %max3A_584 = arith.constant 0.000000e+00 : f32
    %max3A_585 = vector.broadcast %max3A_584 : f32 to vector<8x1152xf32>
    %max3A_586 = arith.maximumf %sub3A_583, %max3A_585 : vector<8x1152xf32>
    %min3A_587 = vector.broadcast %get3A_578 : f32 to vector<8x1152xf32>
    %min3A_588 = arith.minimumf %min3A_587, %get3A_18 : vector<8x1152xf32>
    %max3A_589 = vector.broadcast %get3A_570 : f32 to vector<8x1152xf32>
    %max3A_590 = arith.maximumf %max3A_589, %get3A_8 : vector<8x1152xf32>
    %sub3A_591 = arith.subf %min3A_588, %max3A_590 : vector<8x1152xf32>
    %max3A_592 = arith.constant 0.000000e+00 : f32
    %max3A_593 = vector.broadcast %max3A_592 : f32 to vector<8x1152xf32>
    %max3A_594 = arith.maximumf %sub3A_591, %max3A_593 : vector<8x1152xf32>
    %mul3A_595 = arith.mulf %max3A_586, %max3A_594 : vector<8x1152xf32>
    %sub3A_596 = arith.subf %get3A_574, %get3A_566 : f32
    %sub3A_597 = arith.subf %get3A_578, %get3A_570 : f32
    %mul3A_598 = arith.mulf %sub3A_596, %sub3A_597 : f32
    %add3A_599 = vector.broadcast %mul3A_598 : f32 to vector<8x1152xf32>
    %add3A_600 = arith.addf %add3A_599, %mul3A : vector<8x1152xf32>
    %sub3A_601 = arith.subf %add3A_600, %mul3A_595 : vector<8x1152xf32>
    %div3A_602 = arith.divf %mul3A_595, %sub3A_601 : vector<8x1152xf32>
    %gt3A_603 = arith.cmpf ogt, %div3A_602, %select_n3A_536 : vector<8x1152xf32>
    %select_n3A_604 = arith.select %gt3A_603, %div3A_602, %select_n3A_536 : vector<8x1152xi1>, vector<8x1152xf32>
    %jit3A_605 = arith.constant 8 : i32
    %broadcast_in_dim3A_606 = vector.broadcast %jit3A_605 : i32 to vector<8x1152xi32>
    %select_n3A_607 = arith.select %gt3A_603, %broadcast_in_dim3A_606, %select_n3A_539 : vector<8x1152xi1>, vector<8x1152xi32>
    %swap3A_608 = arith.constant 8 : index
    %swap3A_609 = arith.constant 0 : index
    %swap3A_610 = arith.constant 0 : index
    %swap3A_611 = vector.load %arg9[%swap3A_608, %swap3A_609, %swap3A_610] : memref<24x8x1152xf32, #tpu.memory_space<vmem>>, vector<1x8x1152xf32>
    %swap3A_612 = vector.shape_cast %swap3A_611 : vector<1x8x1152xf32> to vector<8x1152xf32>
    %swap3A_613 = vector.shape_cast %div3A_602 : vector<8x1152xf32> to vector<1x8x1152xf32>
    tpu.vector_store %arg9[%swap3A_608, %swap3A_609, %swap3A_610], %swap3A_613 {strides = array<i32>} : memref<24x8x1152xf32, #tpu.memory_space<vmem>>, vector<1x8x1152xf32>,
    %slice3A_614 = vector.extract_strided_slice %div3A_602 {offsets = [0, 0], sizes = [8, 128], strides = [1, 1]} : vector<8x1152xf32> to vector<8x128xf32>
    %slice3A_615 = vector.extract_strided_slice %div3A_602 {offsets = [0, 128], sizes = [8, 128], strides = [1, 1]} : vector<8x1152xf32> to vector<8x128xf32>
    %max3A_616 = arith.maximumf %slice3A_614, %slice3A_615 : vector<8x128xf32>
    %slice3A_617 = vector.extract_strided_slice %div3A_602 {offsets = [0, 256], sizes = [8, 128], strides = [1, 1]} : vector<8x1152xf32> to vector<8x128xf32>
    %max3A_618 = arith.maximumf %max3A_616, %slice3A_617 : vector<8x128xf32>
    %slice3A_619 = vector.extract_strided_slice %div3A_602 {offsets = [0, 384], sizes = [8, 128], strides = [1, 1]} : vector<8x1152xf32> to vector<8x128xf32>
    %max3A_620 = arith.maximumf %max3A_618, %slice3A_619 : vector<8x128xf32>
    %slice3A_621 = vector.extract_strided_slice %div3A_602 {offsets = [0, 512], sizes = [8, 128], strides = [1, 1]} : vector<8x1152xf32> to vector<8x128xf32>
    %max3A_622 = arith.maximumf %max3A_620, %slice3A_621 : vector<8x128xf32>
    %slice3A_623 = vector.extract_strided_slice %div3A_602 {offsets = [0, 640], sizes = [8, 128], strides = [1, 1]} : vector<8x1152xf32> to vector<8x128xf32>
    %max3A_624 = arith.maximumf %max3A_622, %slice3A_623 : vector<8x128xf32>
    %slice3A_625 = vector.extract_strided_slice %div3A_602 {offsets = [0, 768], sizes = [8, 128], strides = [1, 1]} : vector<8x1152xf32> to vector<8x128xf32>
    %max3A_626 = arith.maximumf %max3A_624, %slice3A_625 : vector<8x128xf32>
    %slice3A_627 = vector.extract_strided_slice %div3A_602 {offsets = [0, 896], sizes = [8, 128], strides = [1, 1]} : vector<8x1152xf32> to vector<8x128xf32>
    %max3A_628 = arith.maximumf %max3A_626, %slice3A_627 : vector<8x128xf32>
    %slice3A_629 = vector.extract_strided_slice %div3A_602 {offsets = [0, 1024], sizes = [8, 128], strides = [1, 1]} : vector<8x1152xf32> to vector<8x128xf32>
    %max3A_630 = arith.maximumf %max3A_628, %slice3A_629 : vector<8x128xf32>
    %get3A_631 = arith.constant 0 : index
    %get3A_632 = arith.constant 9 : index
    %get3A_633 = arith.constant 0 : index
    %get3A_634 = memref.load %arg1[%get3A_631, %get3A_632, %get3A_633] : memref<1x24x4xf32, #tpu.memory_space<smem>>
    %get3A_635 = arith.constant 0 : index
    %get3A_636 = arith.constant 9 : index
    %get3A_637 = arith.constant 1 : index
    %get3A_638 = memref.load %arg1[%get3A_635, %get3A_636, %get3A_637] : memref<1x24x4xf32, #tpu.memory_space<smem>>
    %get3A_639 = arith.constant 0 : index
    %get3A_640 = arith.constant 9 : index
    %get3A_641 = arith.constant 2 : index
    %get3A_642 = memref.load %arg1[%get3A_639, %get3A_640, %get3A_641] : memref<1x24x4xf32, #tpu.memory_space<smem>>
    %get3A_643 = arith.constant 0 : index
    %get3A_644 = arith.constant 9 : index
    %get3A_645 = arith.constant 3 : index
    %get3A_646 = memref.load %arg1[%get3A_643, %get3A_644, %get3A_645] : memref<1x24x4xf32, #tpu.memory_space<smem>>
    %min3A_647 = vector.broadcast %get3A_642 : f32 to vector<8x1152xf32>
    %min3A_648 = arith.minimumf %min3A_647, %get3A_13 : vector<8x1152xf32>
    %max3A_649 = vector.broadcast %get3A_634 : f32 to vector<8x1152xf32>
    %max3A_650 = arith.maximumf %max3A_649, %get3A_3 : vector<8x1152xf32>
    %sub3A_651 = arith.subf %min3A_648, %max3A_650 : vector<8x1152xf32>
    %max3A_652 = arith.constant 0.000000e+00 : f32
    %max3A_653 = vector.broadcast %max3A_652 : f32 to vector<8x1152xf32>
    %max3A_654 = arith.maximumf %sub3A_651, %max3A_653 : vector<8x1152xf32>
    %min3A_655 = vector.broadcast %get3A_646 : f32 to vector<8x1152xf32>
    %min3A_656 = arith.minimumf %min3A_655, %get3A_18 : vector<8x1152xf32>
    %max3A_657 = vector.broadcast %get3A_638 : f32 to vector<8x1152xf32>
    %max3A_658 = arith.maximumf %max3A_657, %get3A_8 : vector<8x1152xf32>
    %sub3A_659 = arith.subf %min3A_656, %max3A_658 : vector<8x1152xf32>
    %max3A_660 = arith.constant 0.000000e+00 : f32
    %max3A_661 = vector.broadcast %max3A_660 : f32 to vector<8x1152xf32>
    %max3A_662 = arith.maximumf %sub3A_659, %max3A_661 : vector<8x1152xf32>
    %mul3A_663 = arith.mulf %max3A_654, %max3A_662 : vector<8x1152xf32>
    %sub3A_664 = arith.subf %get3A_642, %get3A_634 : f32
    %sub3A_665 = arith.subf %get3A_646, %get3A_638 : f32
    %mul3A_666 = arith.mulf %sub3A_664, %sub3A_665 : f32
    %add3A_667 = vector.broadcast %mul3A_666 : f32 to vector<8x1152xf32>
    %add3A_668 = arith.addf %add3A_667, %mul3A : vector<8x1152xf32>
    %sub3A_669 = arith.subf %add3A_668, %mul3A_663 : vector<8x1152xf32>
    %div3A_670 = arith.divf %mul3A_663, %sub3A_669 : vector<8x1152xf32>
    %gt3A_671 = arith.cmpf ogt, %div3A_670, %select_n3A_604 : vector<8x1152xf32>
    %select_n3A_672 = arith.select %gt3A_671, %div3A_670, %select_n3A_604 : vector<8x1152xi1>, vector<8x1152xf32>
    %jit3A_673 = arith.constant 9 : i32
    %broadcast_in_dim3A_674 = vector.broadcast %jit3A_673 : i32 to vector<8x1152xi32>
    %select_n3A_675 = arith.select %gt3A_671, %broadcast_in_dim3A_674, %select_n3A_607 : vector<8x1152xi1>, vector<8x1152xi32>
    %swap3A_676 = arith.constant 9 : index
    %swap3A_677 = arith.constant 0 : index
    %swap3A_678 = arith.constant 0 : index
    %swap3A_679 = vector.load %arg9[%swap3A_676, %swap3A_677, %swap3A_678] : memref<24x8x1152xf32, #tpu.memory_space<vmem>>, vector<1x8x1152xf32>
    %swap3A_680 = vector.shape_cast %swap3A_679 : vector<1x8x1152xf32> to vector<8x1152xf32>
    %swap3A_681 = vector.shape_cast %div3A_670 : vector<8x1152xf32> to vector<1x8x1152xf32>
    tpu.vector_store %arg9[%swap3A_676, %swap3A_677, %swap3A_678], %swap3A_681 {strides = array<i32>} : memref<24x8x1152xf32, #tpu.memory_space<vmem>>, vector<1x8x1152xf32>,
    %slice3A_682 = vector.extract_strided_slice %div3A_670 {offsets = [0, 0], sizes = [8, 128], strides = [1, 1]} : vector<8x1152xf32> to vector<8x128xf32>
    %slice3A_683 = vector.extract_strided_slice %div3A_670 {offsets = [0, 128], sizes = [8, 128], strides = [1, 1]} : vector<8x1152xf32> to vector<8x128xf32>
    %max3A_684 = arith.maximumf %slice3A_682, %slice3A_683 : vector<8x128xf32>
    %slice3A_685 = vector.extract_strided_slice %div3A_670 {offsets = [0, 256], sizes = [8, 128], strides = [1, 1]} : vector<8x1152xf32> to vector<8x128xf32>
    %max3A_686 = arith.maximumf %max3A_684, %slice3A_685 : vector<8x128xf32>
    %slice3A_687 = vector.extract_strided_slice %div3A_670 {offsets = [0, 384], sizes = [8, 128], strides = [1, 1]} : vector<8x1152xf32> to vector<8x128xf32>
    %max3A_688 = arith.maximumf %max3A_686, %slice3A_687 : vector<8x128xf32>
    %slice3A_689 = vector.extract_strided_slice %div3A_670 {offsets = [0, 512], sizes = [8, 128], strides = [1, 1]} : vector<8x1152xf32> to vector<8x128xf32>
    %max3A_690 = arith.maximumf %max3A_688, %slice3A_689 : vector<8x128xf32>
    %slice3A_691 = vector.extract_strided_slice %div3A_670 {offsets = [0, 640], sizes = [8, 128], strides = [1, 1]} : vector<8x1152xf32> to vector<8x128xf32>
    %max3A_692 = arith.maximumf %max3A_690, %slice3A_691 : vector<8x128xf32>
    %slice3A_693 = vector.extract_strided_slice %div3A_670 {offsets = [0, 768], sizes = [8, 128], strides = [1, 1]} : vector<8x1152xf32> to vector<8x128xf32>
    %max3A_694 = arith.maximumf %max3A_692, %slice3A_693 : vector<8x128xf32>
    %slice3A_695 = vector.extract_strided_slice %div3A_670 {offsets = [0, 896], sizes = [8, 128], strides = [1, 1]} : vector<8x1152xf32> to vector<8x128xf32>
    %max3A_696 = arith.maximumf %max3A_694, %slice3A_695 : vector<8x128xf32>
    %slice3A_697 = vector.extract_strided_slice %div3A_670 {offsets = [0, 1024], sizes = [8, 128], strides = [1, 1]} : vector<8x1152xf32> to vector<8x128xf32>
    %max3A_698 = arith.maximumf %max3A_696, %slice3A_697 : vector<8x128xf32>
    %get3A_699 = arith.constant 0 : index
    %get3A_700 = arith.constant 10 : index
    %get3A_701 = arith.constant 0 : index
    %get3A_702 = memref.load %arg1[%get3A_699, %get3A_700, %get3A_701] : memref<1x24x4xf32, #tpu.memory_space<smem>>
    %get3A_703 = arith.constant 0 : index
    %get3A_704 = arith.constant 10 : index
    %get3A_705 = arith.constant 1 : index
    %get3A_706 = memref.load %arg1[%get3A_703, %get3A_704, %get3A_705] : memref<1x24x4xf32, #tpu.memory_space<smem>>
    %get3A_707 = arith.constant 0 : index
    %get3A_708 = arith.constant 10 : index
    %get3A_709 = arith.constant 2 : index
    %get3A_710 = memref.load %arg1[%get3A_707, %get3A_708, %get3A_709] : memref<1x24x4xf32, #tpu.memory_space<smem>>
    %get3A_711 = arith.constant 0 : index
    %get3A_712 = arith.constant 10 : index
    %get3A_713 = arith.constant 3 : index
    %get3A_714 = memref.load %arg1[%get3A_711, %get3A_712, %get3A_713] : memref<1x24x4xf32, #tpu.memory_space<smem>>
    %min3A_715 = vector.broadcast %get3A_710 : f32 to vector<8x1152xf32>
    %min3A_716 = arith.minimumf %min3A_715, %get3A_13 : vector<8x1152xf32>
    %max3A_717 = vector.broadcast %get3A_702 : f32 to vector<8x1152xf32>
    %max3A_718 = arith.maximumf %max3A_717, %get3A_3 : vector<8x1152xf32>
    %sub3A_719 = arith.subf %min3A_716, %max3A_718 : vector<8x1152xf32>
    %max3A_720 = arith.constant 0.000000e+00 : f32
    %max3A_721 = vector.broadcast %max3A_720 : f32 to vector<8x1152xf32>
    %max3A_722 = arith.maximumf %sub3A_719, %max3A_721 : vector<8x1152xf32>
    %min3A_723 = vector.broadcast %get3A_714 : f32 to vector<8x1152xf32>
    %min3A_724 = arith.minimumf %min3A_723, %get3A_18 : vector<8x1152xf32>
    %max3A_725 = vector.broadcast %get3A_706 : f32 to vector<8x1152xf32>
    %max3A_726 = arith.maximumf %max3A_725, %get3A_8 : vector<8x1152xf32>
    %sub3A_727 = arith.subf %min3A_724, %max3A_726 : vector<8x1152xf32>
    %max3A_728 = arith.constant 0.000000e+00 : f32
    %max3A_729 = vector.broadcast %max3A_728 : f32 to vector<8x1152xf32>
    %max3A_730 = arith.maximumf %sub3A_727, %max3A_729 : vector<8x1152xf32>
    %mul3A_731 = arith.mulf %max3A_722, %max3A_730 : vector<8x1152xf32>
    %sub3A_732 = arith.subf %get3A_710, %get3A_702 : f32
    %sub3A_733 = arith.subf %get3A_714, %get3A_706 : f32
    %mul3A_734 = arith.mulf %sub3A_732, %sub3A_733 : f32
    %add3A_735 = vector.broadcast %mul3A_734 : f32 to vector<8x1152xf32>
    %add3A_736 = arith.addf %add3A_735, %mul3A : vector<8x1152xf32>
    %sub3A_737 = arith.subf %add3A_736, %mul3A_731 : vector<8x1152xf32>
    %div3A_738 = arith.divf %mul3A_731, %sub3A_737 : vector<8x1152xf32>
    %gt3A_739 = arith.cmpf ogt, %div3A_738, %select_n3A_672 : vector<8x1152xf32>
    %select_n3A_740 = arith.select %gt3A_739, %div3A_738, %select_n3A_672 : vector<8x1152xi1>, vector<8x1152xf32>
    %jit3A_741 = arith.constant 10 : i32
    %broadcast_in_dim3A_742 = vector.broadcast %jit3A_741 : i32 to vector<8x1152xi32>
    %select_n3A_743 = arith.select %gt3A_739, %broadcast_in_dim3A_742, %select_n3A_675 : vector<8x1152xi1>, vector<8x1152xi32>
    %swap3A_744 = arith.constant 10 : index
    %swap3A_745 = arith.constant 0 : index
    %swap3A_746 = arith.constant 0 : index
    %swap3A_747 = vector.load %arg9[%swap3A_744, %swap3A_745, %swap3A_746] : memref<24x8x1152xf32, #tpu.memory_space<vmem>>, vector<1x8x1152xf32>
    %swap3A_748 = vector.shape_cast %swap3A_747 : vector<1x8x1152xf32> to vector<8x1152xf32>
    %swap3A_749 = vector.shape_cast %div3A_738 : vector<8x1152xf32> to vector<1x8x1152xf32>
    tpu.vector_store %arg9[%swap3A_744, %swap3A_745, %swap3A_746], %swap3A_749 {strides = array<i32>} : memref<24x8x1152xf32, #tpu.memory_space<vmem>>, vector<1x8x1152xf32>,
    %slice3A_750 = vector.extract_strided_slice %div3A_738 {offsets = [0, 0], sizes = [8, 128], strides = [1, 1]} : vector<8x1152xf32> to vector<8x128xf32>
    %slice3A_751 = vector.extract_strided_slice %div3A_738 {offsets = [0, 128], sizes = [8, 128], strides = [1, 1]} : vector<8x1152xf32> to vector<8x128xf32>
    %max3A_752 = arith.maximumf %slice3A_750, %slice3A_751 : vector<8x128xf32>
    %slice3A_753 = vector.extract_strided_slice %div3A_738 {offsets = [0, 256], sizes = [8, 128], strides = [1, 1]} : vector<8x1152xf32> to vector<8x128xf32>
    %max3A_754 = arith.maximumf %max3A_752, %slice3A_753 : vector<8x128xf32>
    %slice3A_755 = vector.extract_strided_slice %div3A_738 {offsets = [0, 384], sizes = [8, 128], strides = [1, 1]} : vector<8x1152xf32> to vector<8x128xf32>
    %max3A_756 = arith.maximumf %max3A_754, %slice3A_755 : vector<8x128xf32>
    %slice3A_757 = vector.extract_strided_slice %div3A_738 {offsets = [0, 512], sizes = [8, 128], strides = [1, 1]} : vector<8x1152xf32> to vector<8x128xf32>
    %max3A_758 = arith.maximumf %max3A_756, %slice3A_757 : vector<8x128xf32>
    %slice3A_759 = vector.extract_strided_slice %div3A_738 {offsets = [0, 640], sizes = [8, 128], strides = [1, 1]} : vector<8x1152xf32> to vector<8x128xf32>
    %max3A_760 = arith.maximumf %max3A_758, %slice3A_759 : vector<8x128xf32>
    %slice3A_761 = vector.extract_strided_slice %div3A_738 {offsets = [0, 768], sizes = [8, 128], strides = [1, 1]} : vector<8x1152xf32> to vector<8x128xf32>
    %max3A_762 = arith.maximumf %max3A_760, %slice3A_761 : vector<8x128xf32>
    %slice3A_763 = vector.extract_strided_slice %div3A_738 {offsets = [0, 896], sizes = [8, 128], strides = [1, 1]} : vector<8x1152xf32> to vector<8x128xf32>
    %max3A_764 = arith.maximumf %max3A_762, %slice3A_763 : vector<8x128xf32>
    %slice3A_765 = vector.extract_strided_slice %div3A_738 {offsets = [0, 1024], sizes = [8, 128], strides = [1, 1]} : vector<8x1152xf32> to vector<8x128xf32>
    %max3A_766 = arith.maximumf %max3A_764, %slice3A_765 : vector<8x128xf32>
    %get3A_767 = arith.constant 0 : index
    %get3A_768 = arith.constant 11 : index
    %get3A_769 = arith.constant 0 : index
    %get3A_770 = memref.load %arg1[%get3A_767, %get3A_768, %get3A_769] : memref<1x24x4xf32, #tpu.memory_space<smem>>
    %get3A_771 = arith.constant 0 : index
    %get3A_772 = arith.constant 11 : index
    %get3A_773 = arith.constant 1 : index
    %get3A_774 = memref.load %arg1[%get3A_771, %get3A_772, %get3A_773] : memref<1x24x4xf32, #tpu.memory_space<smem>>
    %get3A_775 = arith.constant 0 : index
    %get3A_776 = arith.constant 11 : index
    %get3A_777 = arith.constant 2 : index
    %get3A_778 = memref.load %arg1[%get3A_775, %get3A_776, %get3A_777] : memref<1x24x4xf32, #tpu.memory_space<smem>>
    %get3A_779 = arith.constant 0 : index
    %get3A_780 = arith.constant 11 : index
    %get3A_781 = arith.constant 3 : index
    %get3A_782 = memref.load %arg1[%get3A_779, %get3A_780, %get3A_781] : memref<1x24x4xf32, #tpu.memory_space<smem>>
    %min3A_783 = vector.broadcast %get3A_778 : f32 to vector<8x1152xf32>
    %min3A_784 = arith.minimumf %min3A_783, %get3A_13 : vector<8x1152xf32>
    %max3A_785 = vector.broadcast %get3A_770 : f32 to vector<8x1152xf32>
    %max3A_786 = arith.maximumf %max3A_785, %get3A_3 : vector<8x1152xf32>
    %sub3A_787 = arith.subf %min3A_784, %max3A_786 : vector<8x1152xf32>
    %max3A_788 = arith.constant 0.000000e+00 : f32
    %max3A_789 = vector.broadcast %max3A_788 : f32 to vector<8x1152xf32>
    %max3A_790 = arith.maximumf %sub3A_787, %max3A_789 : vector<8x1152xf32>
    %min3A_791 = vector.broadcast %get3A_782 : f32 to vector<8x1152xf32>
    %min3A_792 = arith.minimumf %min3A_791, %get3A_18 : vector<8x1152xf32>
    %max3A_793 = vector.broadcast %get3A_774 : f32 to vector<8x1152xf32>
    %max3A_794 = arith.maximumf %max3A_793, %get3A_8 : vector<8x1152xf32>
    %sub3A_795 = arith.subf %min3A_792, %max3A_794 : vector<8x1152xf32>
    %max3A_796 = arith.constant 0.000000e+00 : f32
    %max3A_797 = vector.broadcast %max3A_796 : f32 to vector<8x1152xf32>
    %max3A_798 = arith.maximumf %sub3A_795, %max3A_797 : vector<8x1152xf32>
    %mul3A_799 = arith.mulf %max3A_790, %max3A_798 : vector<8x1152xf32>
    %sub3A_800 = arith.subf %get3A_778, %get3A_770 : f32
    %sub3A_801 = arith.subf %get3A_782, %get3A_774 : f32
    %mul3A_802 = arith.mulf %sub3A_800, %sub3A_801 : f32
    %add3A_803 = vector.broadcast %mul3A_802 : f32 to vector<8x1152xf32>
    %add3A_804 = arith.addf %add3A_803, %mul3A : vector<8x1152xf32>
    %sub3A_805 = arith.subf %add3A_804, %mul3A_799 : vector<8x1152xf32>
    %div3A_806 = arith.divf %mul3A_799, %sub3A_805 : vector<8x1152xf32>
    %gt3A_807 = arith.cmpf ogt, %div3A_806, %select_n3A_740 : vector<8x1152xf32>
    %select_n3A_808 = arith.select %gt3A_807, %div3A_806, %select_n3A_740 : vector<8x1152xi1>, vector<8x1152xf32>
    %jit3A_809 = arith.constant 11 : i32
    %broadcast_in_dim3A_810 = vector.broadcast %jit3A_809 : i32 to vector<8x1152xi32>
    %select_n3A_811 = arith.select %gt3A_807, %broadcast_in_dim3A_810, %select_n3A_743 : vector<8x1152xi1>, vector<8x1152xi32>
    %swap3A_812 = arith.constant 11 : index
    %swap3A_813 = arith.constant 0 : index
    %swap3A_814 = arith.constant 0 : index
    %swap3A_815 = vector.load %arg9[%swap3A_812, %swap3A_813, %swap3A_814] : memref<24x8x1152xf32, #tpu.memory_space<vmem>>, vector<1x8x1152xf32>
    %swap3A_816 = vector.shape_cast %swap3A_815 : vector<1x8x1152xf32> to vector<8x1152xf32>
    %swap3A_817 = vector.shape_cast %div3A_806 : vector<8x1152xf32> to vector<1x8x1152xf32>
    tpu.vector_store %arg9[%swap3A_812, %swap3A_813, %swap3A_814], %swap3A_817 {strides = array<i32>} : memref<24x8x1152xf32, #tpu.memory_space<vmem>>, vector<1x8x1152xf32>,
    %slice3A_818 = vector.extract_strided_slice %div3A_806 {offsets = [0, 0], sizes = [8, 128], strides = [1, 1]} : vector<8x1152xf32> to vector<8x128xf32>
    %slice3A_819 = vector.extract_strided_slice %div3A_806 {offsets = [0, 128], sizes = [8, 128], strides = [1, 1]} : vector<8x1152xf32> to vector<8x128xf32>
    %max3A_820 = arith.maximumf %slice3A_818, %slice3A_819 : vector<8x128xf32>
    %slice3A_821 = vector.extract_strided_slice %div3A_806 {offsets = [0, 256], sizes = [8, 128], strides = [1, 1]} : vector<8x1152xf32> to vector<8x128xf32>
    %max3A_822 = arith.maximumf %max3A_820, %slice3A_821 : vector<8x128xf32>
    %slice3A_823 = vector.extract_strided_slice %div3A_806 {offsets = [0, 384], sizes = [8, 128], strides = [1, 1]} : vector<8x1152xf32> to vector<8x128xf32>
    %max3A_824 = arith.maximumf %max3A_822, %slice3A_823 : vector<8x128xf32>
    %slice3A_825 = vector.extract_strided_slice %div3A_806 {offsets = [0, 512], sizes = [8, 128], strides = [1, 1]} : vector<8x1152xf32> to vector<8x128xf32>
    %max3A_826 = arith.maximumf %max3A_824, %slice3A_825 : vector<8x128xf32>
    %slice3A_827 = vector.extract_strided_slice %div3A_806 {offsets = [0, 640], sizes = [8, 128], strides = [1, 1]} : vector<8x1152xf32> to vector<8x128xf32>
    %max3A_828 = arith.maximumf %max3A_826, %slice3A_827 : vector<8x128xf32>
    %slice3A_829 = vector.extract_strided_slice %div3A_806 {offsets = [0, 768], sizes = [8, 128], strides = [1, 1]} : vector<8x1152xf32> to vector<8x128xf32>
    %max3A_830 = arith.maximumf %max3A_828, %slice3A_829 : vector<8x128xf32>
    %slice3A_831 = vector.extract_strided_slice %div3A_806 {offsets = [0, 896], sizes = [8, 128], strides = [1, 1]} : vector<8x1152xf32> to vector<8x128xf32>
    %max3A_832 = arith.maximumf %max3A_830, %slice3A_831 : vector<8x128xf32>
    %slice3A_833 = vector.extract_strided_slice %div3A_806 {offsets = [0, 1024], sizes = [8, 128], strides = [1, 1]} : vector<8x1152xf32> to vector<8x128xf32>
    %max3A_834 = arith.maximumf %max3A_832, %slice3A_833 : vector<8x128xf32>
    %get3A_835 = arith.constant 0 : index
    %get3A_836 = arith.constant 12 : index
    %get3A_837 = arith.constant 0 : index
    %get3A_838 = memref.load %arg1[%get3A_835, %get3A_836, %get3A_837] : memref<1x24x4xf32, #tpu.memory_space<smem>>
    %get3A_839 = arith.constant 0 : index
    %get3A_840 = arith.constant 12 : index
    %get3A_841 = arith.constant 1 : index
    %get3A_842 = memref.load %arg1[%get3A_839, %get3A_840, %get3A_841] : memref<1x24x4xf32, #tpu.memory_space<smem>>
    %get3A_843 = arith.constant 0 : index
    %get3A_844 = arith.constant 12 : index
    %get3A_845 = arith.constant 2 : index
    %get3A_846 = memref.load %arg1[%get3A_843, %get3A_844, %get3A_845] : memref<1x24x4xf32, #tpu.memory_space<smem>>
    %get3A_847 = arith.constant 0 : index
    %get3A_848 = arith.constant 12 : index
    %get3A_849 = arith.constant 3 : index
    %get3A_850 = memref.load %arg1[%get3A_847, %get3A_848, %get3A_849] : memref<1x24x4xf32, #tpu.memory_space<smem>>
    %min3A_851 = vector.broadcast %get3A_846 : f32 to vector<8x1152xf32>
    %min3A_852 = arith.minimumf %min3A_851, %get3A_13 : vector<8x1152xf32>
    %max3A_853 = vector.broadcast %get3A_838 : f32 to vector<8x1152xf32>
    %max3A_854 = arith.maximumf %max3A_853, %get3A_3 : vector<8x1152xf32>
    %sub3A_855 = arith.subf %min3A_852, %max3A_854 : vector<8x1152xf32>
    %max3A_856 = arith.constant 0.000000e+00 : f32
    %max3A_857 = vector.broadcast %max3A_856 : f32 to vector<8x1152xf32>
    %max3A_858 = arith.maximumf %sub3A_855, %max3A_857 : vector<8x1152xf32>
    %min3A_859 = vector.broadcast %get3A_850 : f32 to vector<8x1152xf32>
    %min3A_860 = arith.minimumf %min3A_859, %get3A_18 : vector<8x1152xf32>
    %max3A_861 = vector.broadcast %get3A_842 : f32 to vector<8x1152xf32>
    %max3A_862 = arith.maximumf %max3A_861, %get3A_8 : vector<8x1152xf32>
    %sub3A_863 = arith.subf %min3A_860, %max3A_862 : vector<8x1152xf32>
    %max3A_864 = arith.constant 0.000000e+00 : f32
    %max3A_865 = vector.broadcast %max3A_864 : f32 to vector<8x1152xf32>
    %max3A_866 = arith.maximumf %sub3A_863, %max3A_865 : vector<8x1152xf32>
    %mul3A_867 = arith.mulf %max3A_858, %max3A_866 : vector<8x1152xf32>
    %sub3A_868 = arith.subf %get3A_846, %get3A_838 : f32
    %sub3A_869 = arith.subf %get3A_850, %get3A_842 : f32
    %mul3A_870 = arith.mulf %sub3A_868, %sub3A_869 : f32
    %add3A_871 = vector.broadcast %mul3A_870 : f32 to vector<8x1152xf32>
    %add3A_872 = arith.addf %add3A_871, %mul3A : vector<8x1152xf32>
    %sub3A_873 = arith.subf %add3A_872, %mul3A_867 : vector<8x1152xf32>
    %div3A_874 = arith.divf %mul3A_867, %sub3A_873 : vector<8x1152xf32>
    %gt3A_875 = arith.cmpf ogt, %div3A_874, %select_n3A_808 : vector<8x1152xf32>
    %select_n3A_876 = arith.select %gt3A_875, %div3A_874, %select_n3A_808 : vector<8x1152xi1>, vector<8x1152xf32>
    %jit3A_877 = arith.constant 12 : i32
    %broadcast_in_dim3A_878 = vector.broadcast %jit3A_877 : i32 to vector<8x1152xi32>
    %select_n3A_879 = arith.select %gt3A_875, %broadcast_in_dim3A_878, %select_n3A_811 : vector<8x1152xi1>, vector<8x1152xi32>
    %swap3A_880 = arith.constant 12 : index
    %swap3A_881 = arith.constant 0 : index
    %swap3A_882 = arith.constant 0 : index
    %swap3A_883 = vector.load %arg9[%swap3A_880, %swap3A_881, %swap3A_882] : memref<24x8x1152xf32, #tpu.memory_space<vmem>>, vector<1x8x1152xf32>
    %swap3A_884 = vector.shape_cast %swap3A_883 : vector<1x8x1152xf32> to vector<8x1152xf32>
    %swap3A_885 = vector.shape_cast %div3A_874 : vector<8x1152xf32> to vector<1x8x1152xf32>
    tpu.vector_store %arg9[%swap3A_880, %swap3A_881, %swap3A_882], %swap3A_885 {strides = array<i32>} : memref<24x8x1152xf32, #tpu.memory_space<vmem>>, vector<1x8x1152xf32>,
    %slice3A_886 = vector.extract_strided_slice %div3A_874 {offsets = [0, 0], sizes = [8, 128], strides = [1, 1]} : vector<8x1152xf32> to vector<8x128xf32>
    %slice3A_887 = vector.extract_strided_slice %div3A_874 {offsets = [0, 128], sizes = [8, 128], strides = [1, 1]} : vector<8x1152xf32> to vector<8x128xf32>
    %max3A_888 = arith.maximumf %slice3A_886, %slice3A_887 : vector<8x128xf32>
    %slice3A_889 = vector.extract_strided_slice %div3A_874 {offsets = [0, 256], sizes = [8, 128], strides = [1, 1]} : vector<8x1152xf32> to vector<8x128xf32>
    %max3A_890 = arith.maximumf %max3A_888, %slice3A_889 : vector<8x128xf32>
    %slice3A_891 = vector.extract_strided_slice %div3A_874 {offsets = [0, 384], sizes = [8, 128], strides = [1, 1]} : vector<8x1152xf32> to vector<8x128xf32>
    %max3A_892 = arith.maximumf %max3A_890, %slice3A_891 : vector<8x128xf32>
    %slice3A_893 = vector.extract_strided_slice %div3A_874 {offsets = [0, 512], sizes = [8, 128], strides = [1, 1]} : vector<8x1152xf32> to vector<8x128xf32>
    %max3A_894 = arith.maximumf %max3A_892, %slice3A_893 : vector<8x128xf32>
    %slice3A_895 = vector.extract_strided_slice %div3A_874 {offsets = [0, 640], sizes = [8, 128], strides = [1, 1]} : vector<8x1152xf32> to vector<8x128xf32>
    %max3A_896 = arith.maximumf %max3A_894, %slice3A_895 : vector<8x128xf32>
    %slice3A_897 = vector.extract_strided_slice %div3A_874 {offsets = [0, 768], sizes = [8, 128], strides = [1, 1]} : vector<8x1152xf32> to vector<8x128xf32>
    %max3A_898 = arith.maximumf %max3A_896, %slice3A_897 : vector<8x128xf32>
    %slice3A_899 = vector.extract_strided_slice %div3A_874 {offsets = [0, 896], sizes = [8, 128], strides = [1, 1]} : vector<8x1152xf32> to vector<8x128xf32>
    %max3A_900 = arith.maximumf %max3A_898, %slice3A_899 : vector<8x128xf32>
    %slice3A_901 = vector.extract_strided_slice %div3A_874 {offsets = [0, 1024], sizes = [8, 128], strides = [1, 1]} : vector<8x1152xf32> to vector<8x128xf32>
    %max3A_902 = arith.maximumf %max3A_900, %slice3A_901 : vector<8x128xf32>
    %get3A_903 = arith.constant 0 : index
    %get3A_904 = arith.constant 13 : index
    %get3A_905 = arith.constant 0 : index
    %get3A_906 = memref.load %arg1[%get3A_903, %get3A_904, %get3A_905] : memref<1x24x4xf32, #tpu.memory_space<smem>>
    %get3A_907 = arith.constant 0 : index
    %get3A_908 = arith.constant 13 : index
    %get3A_909 = arith.constant 1 : index
    %get3A_910 = memref.load %arg1[%get3A_907, %get3A_908, %get3A_909] : memref<1x24x4xf32, #tpu.memory_space<smem>>
    %get3A_911 = arith.constant 0 : index
    %get3A_912 = arith.constant 13 : index
    %get3A_913 = arith.constant 2 : index
    %get3A_914 = memref.load %arg1[%get3A_911, %get3A_912, %get3A_913] : memref<1x24x4xf32, #tpu.memory_space<smem>>
    %get3A_915 = arith.constant 0 : index
    %get3A_916 = arith.constant 13 : index
    %get3A_917 = arith.constant 3 : index
    %get3A_918 = memref.load %arg1[%get3A_915, %get3A_916, %get3A_917] : memref<1x24x4xf32, #tpu.memory_space<smem>>
    %min3A_919 = vector.broadcast %get3A_914 : f32 to vector<8x1152xf32>
    %min3A_920 = arith.minimumf %min3A_919, %get3A_13 : vector<8x1152xf32>
    %max3A_921 = vector.broadcast %get3A_906 : f32 to vector<8x1152xf32>
    %max3A_922 = arith.maximumf %max3A_921, %get3A_3 : vector<8x1152xf32>
    %sub3A_923 = arith.subf %min3A_920, %max3A_922 : vector<8x1152xf32>
    %max3A_924 = arith.constant 0.000000e+00 : f32
    %max3A_925 = vector.broadcast %max3A_924 : f32 to vector<8x1152xf32>
    %max3A_926 = arith.maximumf %sub3A_923, %max3A_925 : vector<8x1152xf32>
    %min3A_927 = vector.broadcast %get3A_918 : f32 to vector<8x1152xf32>
    %min3A_928 = arith.minimumf %min3A_927, %get3A_18 : vector<8x1152xf32>
    %max3A_929 = vector.broadcast %get3A_910 : f32 to vector<8x1152xf32>
    %max3A_930 = arith.maximumf %max3A_929, %get3A_8 : vector<8x1152xf32>
    %sub3A_931 = arith.subf %min3A_928, %max3A_930 : vector<8x1152xf32>
    %max3A_932 = arith.constant 0.000000e+00 : f32
    %max3A_933 = vector.broadcast %max3A_932 : f32 to vector<8x1152xf32>
    %max3A_934 = arith.maximumf %sub3A_931, %max3A_933 : vector<8x1152xf32>
    %mul3A_935 = arith.mulf %max3A_926, %max3A_934 : vector<8x1152xf32>
    %sub3A_936 = arith.subf %get3A_914, %get3A_906 : f32
    %sub3A_937 = arith.subf %get3A_918, %get3A_910 : f32
    %mul3A_938 = arith.mulf %sub3A_936, %sub3A_937 : f32
    %add3A_939 = vector.broadcast %mul3A_938 : f32 to vector<8x1152xf32>
    %add3A_940 = arith.addf %add3A_939, %mul3A : vector<8x1152xf32>
    %sub3A_941 = arith.subf %add3A_940, %mul3A_935 : vector<8x1152xf32>
    %div3A_942 = arith.divf %mul3A_935, %sub3A_941 : vector<8x1152xf32>
    %gt3A_943 = arith.cmpf ogt, %div3A_942, %select_n3A_876 : vector<8x1152xf32>
    %select_n3A_944 = arith.select %gt3A_943, %div3A_942, %select_n3A_876 : vector<8x1152xi1>, vector<8x1152xf32>
    %jit3A_945 = arith.constant 13 : i32
    %broadcast_in_dim3A_946 = vector.broadcast %jit3A_945 : i32 to vector<8x1152xi32>
    %select_n3A_947 = arith.select %gt3A_943, %broadcast_in_dim3A_946, %select_n3A_879 : vector<8x1152xi1>, vector<8x1152xi32>
    %swap3A_948 = arith.constant 13 : index
    %swap3A_949 = arith.constant 0 : index
    %swap3A_950 = arith.constant 0 : index
    %swap3A_951 = vector.load %arg9[%swap3A_948, %swap3A_949, %swap3A_950] : memref<24x8x1152xf32, #tpu.memory_space<vmem>>, vector<1x8x1152xf32>
    %swap3A_952 = vector.shape_cast %swap3A_951 : vector<1x8x1152xf32> to vector<8x1152xf32>
    %swap3A_953 = vector.shape_cast %div3A_942 : vector<8x1152xf32> to vector<1x8x1152xf32>
    tpu.vector_store %arg9[%swap3A_948, %swap3A_949, %swap3A_950], %swap3A_953 {strides = array<i32>} : memref<24x8x1152xf32, #tpu.memory_space<vmem>>, vector<1x8x1152xf32>,
    %slice3A_954 = vector.extract_strided_slice %div3A_942 {offsets = [0, 0], sizes = [8, 128], strides = [1, 1]} : vector<8x1152xf32> to vector<8x128xf32>
    %slice3A_955 = vector.extract_strided_slice %div3A_942 {offsets = [0, 128], sizes = [8, 128], strides = [1, 1]} : vector<8x1152xf32> to vector<8x128xf32>
    %max3A_956 = arith.maximumf %slice3A_954, %slice3A_955 : vector<8x128xf32>
    %slice3A_957 = vector.extract_strided_slice %div3A_942 {offsets = [0, 256], sizes = [8, 128], strides = [1, 1]} : vector<8x1152xf32> to vector<8x128xf32>
    %max3A_958 = arith.maximumf %max3A_956, %slice3A_957 : vector<8x128xf32>
    %slice3A_959 = vector.extract_strided_slice %div3A_942 {offsets = [0, 384], sizes = [8, 128], strides = [1, 1]} : vector<8x1152xf32> to vector<8x128xf32>
    %max3A_960 = arith.maximumf %max3A_958, %slice3A_959 : vector<8x128xf32>
    %slice3A_961 = vector.extract_strided_slice %div3A_942 {offsets = [0, 512], sizes = [8, 128], strides = [1, 1]} : vector<8x1152xf32> to vector<8x128xf32>
    %max3A_962 = arith.maximumf %max3A_960, %slice3A_961 : vector<8x128xf32>
    %slice3A_963 = vector.extract_strided_slice %div3A_942 {offsets = [0, 640], sizes = [8, 128], strides = [1, 1]} : vector<8x1152xf32> to vector<8x128xf32>
    %max3A_964 = arith.maximumf %max3A_962, %slice3A_963 : vector<8x128xf32>
    %slice3A_965 = vector.extract_strided_slice %div3A_942 {offsets = [0, 768], sizes = [8, 128], strides = [1, 1]} : vector<8x1152xf32> to vector<8x128xf32>
    %max3A_966 = arith.maximumf %max3A_964, %slice3A_965 : vector<8x128xf32>
    %slice3A_967 = vector.extract_strided_slice %div3A_942 {offsets = [0, 896], sizes = [8, 128], strides = [1, 1]} : vector<8x1152xf32> to vector<8x128xf32>
    %max3A_968 = arith.maximumf %max3A_966, %slice3A_967 : vector<8x128xf32>
    %slice3A_969 = vector.extract_strided_slice %div3A_942 {offsets = [0, 1024], sizes = [8, 128], strides = [1, 1]} : vector<8x1152xf32> to vector<8x128xf32>
    %max3A_970 = arith.maximumf %max3A_968, %slice3A_969 : vector<8x128xf32>
    %get3A_971 = arith.constant 0 : index
    %get3A_972 = arith.constant 14 : index
    %get3A_973 = arith.constant 0 : index
    %get3A_974 = memref.load %arg1[%get3A_971, %get3A_972, %get3A_973] : memref<1x24x4xf32, #tpu.memory_space<smem>>
    %get3A_975 = arith.constant 0 : index
    %get3A_976 = arith.constant 14 : index
    %get3A_977 = arith.constant 1 : index
    %get3A_978 = memref.load %arg1[%get3A_975, %get3A_976, %get3A_977] : memref<1x24x4xf32, #tpu.memory_space<smem>>
    %get3A_979 = arith.constant 0 : index
    %get3A_980 = arith.constant 14 : index
    %get3A_981 = arith.constant 2 : index
    %get3A_982 = memref.load %arg1[%get3A_979, %get3A_980, %get3A_981] : memref<1x24x4xf32, #tpu.memory_space<smem>>
    %get3A_983 = arith.constant 0 : index
    %get3A_984 = arith.constant 14 : index
    %get3A_985 = arith.constant 3 : index
    %get3A_986 = memref.load %arg1[%get3A_983, %get3A_984, %get3A_985] : memref<1x24x4xf32, #tpu.memory_space<smem>>
    %min3A_987 = vector.broadcast %get3A_982 : f32 to vector<8x1152xf32>
    %min3A_988 = arith.minimumf %min3A_987, %get3A_13 : vector<8x1152xf32>
    %max3A_989 = vector.broadcast %get3A_974 : f32 to vector<8x1152xf32>
    %max3A_990 = arith.maximumf %max3A_989, %get3A_3 : vector<8x1152xf32>
    %sub3A_991 = arith.subf %min3A_988, %max3A_990 : vector<8x1152xf32>
    %max3A_992 = arith.constant 0.000000e+00 : f32
    %max3A_993 = vector.broadcast %max3A_992 : f32 to vector<8x1152xf32>
    %max3A_994 = arith.maximumf %sub3A_991, %max3A_993 : vector<8x1152xf32>
    %min3A_995 = vector.broadcast %get3A_986 : f32 to vector<8x1152xf32>
    %min3A_996 = arith.minimumf %min3A_995, %get3A_18 : vector<8x1152xf32>
    %max3A_997 = vector.broadcast %get3A_978 : f32 to vector<8x1152xf32>
    %max3A_998 = arith.maximumf %max3A_997, %get3A_8 : vector<8x1152xf32>
    %sub3A_999 = arith.subf %min3A_996, %max3A_998 : vector<8x1152xf32>
    %max3A_1000 = arith.constant 0.000000e+00 : f32
    %max3A_1001 = vector.broadcast %max3A_1000 : f32 to vector<8x1152xf32>
    %max3A_1002 = arith.maximumf %sub3A_999, %max3A_1001 : vector<8x1152xf32>
    %mul3A_1003 = arith.mulf %max3A_994, %max3A_1002 : vector<8x1152xf32>
    %sub3A_1004 = arith.subf %get3A_982, %get3A_974 : f32
    %sub3A_1005 = arith.subf %get3A_986, %get3A_978 : f32
    %mul3A_1006 = arith.mulf %sub3A_1004, %sub3A_1005 : f32
    %add3A_1007 = vector.broadcast %mul3A_1006 : f32 to vector<8x1152xf32>
    %add3A_1008 = arith.addf %add3A_1007, %mul3A : vector<8x1152xf32>
    %sub3A_1009 = arith.subf %add3A_1008, %mul3A_1003 : vector<8x1152xf32>
    %div3A_1010 = arith.divf %mul3A_1003, %sub3A_1009 : vector<8x1152xf32>
    %gt3A_1011 = arith.cmpf ogt, %div3A_1010, %select_n3A_944 : vector<8x1152xf32>
    %select_n3A_1012 = arith.select %gt3A_1011, %div3A_1010, %select_n3A_944 : vector<8x1152xi1>, vector<8x1152xf32>
    %jit3A_1013 = arith.constant 14 : i32
    %broadcast_in_dim3A_1014 = vector.broadcast %jit3A_1013 : i32 to vector<8x1152xi32>
    %select_n3A_1015 = arith.select %gt3A_1011, %broadcast_in_dim3A_1014, %select_n3A_947 : vector<8x1152xi1>, vector<8x1152xi32>
    %swap3A_1016 = arith.constant 14 : index
    %swap3A_1017 = arith.constant 0 : index
    %swap3A_1018 = arith.constant 0 : index
    %swap3A_1019 = vector.load %arg9[%swap3A_1016, %swap3A_1017, %swap3A_1018] : memref<24x8x1152xf32, #tpu.memory_space<vmem>>, vector<1x8x1152xf32>
    %swap3A_1020 = vector.shape_cast %swap3A_1019 : vector<1x8x1152xf32> to vector<8x1152xf32>
    %swap3A_1021 = vector.shape_cast %div3A_1010 : vector<8x1152xf32> to vector<1x8x1152xf32>
    tpu.vector_store %arg9[%swap3A_1016, %swap3A_1017, %swap3A_1018], %swap3A_1021 {strides = array<i32>} : memref<24x8x1152xf32, #tpu.memory_space<vmem>>, vector<1x8x1152xf32>,
    %slice3A_1022 = vector.extract_strided_slice %div3A_1010 {offsets = [0, 0], sizes = [8, 128], strides = [1, 1]} : vector<8x1152xf32> to vector<8x128xf32>
    %slice3A_1023 = vector.extract_strided_slice %div3A_1010 {offsets = [0, 128], sizes = [8, 128], strides = [1, 1]} : vector<8x1152xf32> to vector<8x128xf32>
    %max3A_1024 = arith.maximumf %slice3A_1022, %slice3A_1023 : vector<8x128xf32>
    %slice3A_1025 = vector.extract_strided_slice %div3A_1010 {offsets = [0, 256], sizes = [8, 128], strides = [1, 1]} : vector<8x1152xf32> to vector<8x128xf32>
    %max3A_1026 = arith.maximumf %max3A_1024, %slice3A_1025 : vector<8x128xf32>
    %slice3A_1027 = vector.extract_strided_slice %div3A_1010 {offsets = [0, 384], sizes = [8, 128], strides = [1, 1]} : vector<8x1152xf32> to vector<8x128xf32>
    %max3A_1028 = arith.maximumf %max3A_1026, %slice3A_1027 : vector<8x128xf32>
    %slice3A_1029 = vector.extract_strided_slice %div3A_1010 {offsets = [0, 512], sizes = [8, 128], strides = [1, 1]} : vector<8x1152xf32> to vector<8x128xf32>
    %max3A_1030 = arith.maximumf %max3A_1028, %slice3A_1029 : vector<8x128xf32>
    %slice3A_1031 = vector.extract_strided_slice %div3A_1010 {offsets = [0, 640], sizes = [8, 128], strides = [1, 1]} : vector<8x1152xf32> to vector<8x128xf32>
    %max3A_1032 = arith.maximumf %max3A_1030, %slice3A_1031 : vector<8x128xf32>
    %slice3A_1033 = vector.extract_strided_slice %div3A_1010 {offsets = [0, 768], sizes = [8, 128], strides = [1, 1]} : vector<8x1152xf32> to vector<8x128xf32>
    %max3A_1034 = arith.maximumf %max3A_1032, %slice3A_1033 : vector<8x128xf32>
    %slice3A_1035 = vector.extract_strided_slice %div3A_1010 {offsets = [0, 896], sizes = [8, 128], strides = [1, 1]} : vector<8x1152xf32> to vector<8x128xf32>
    %max3A_1036 = arith.maximumf %max3A_1034, %slice3A_1035 : vector<8x128xf32>
    %slice3A_1037 = vector.extract_strided_slice %div3A_1010 {offsets = [0, 1024], sizes = [8, 128], strides = [1, 1]} : vector<8x1152xf32> to vector<8x128xf32>
    %max3A_1038 = arith.maximumf %max3A_1036, %slice3A_1037 : vector<8x128xf32>
    %get3A_1039 = arith.constant 0 : index
    %get3A_1040 = arith.constant 15 : index
    %get3A_1041 = arith.constant 0 : index
    %get3A_1042 = memref.load %arg1[%get3A_1039, %get3A_1040, %get3A_1041] : memref<1x24x4xf32, #tpu.memory_space<smem>>
    %get3A_1043 = arith.constant 0 : index
    %get3A_1044 = arith.constant 15 : index
    %get3A_1045 = arith.constant 1 : index
    %get3A_1046 = memref.load %arg1[%get3A_1043, %get3A_1044, %get3A_1045] : memref<1x24x4xf32, #tpu.memory_space<smem>>
    %get3A_1047 = arith.constant 0 : index
    %get3A_1048 = arith.constant 15 : index
    %get3A_1049 = arith.constant 2 : index
    %get3A_1050 = memref.load %arg1[%get3A_1047, %get3A_1048, %get3A_1049] : memref<1x24x4xf32, #tpu.memory_space<smem>>
    %get3A_1051 = arith.constant 0 : index
    %get3A_1052 = arith.constant 15 : index
    %get3A_1053 = arith.constant 3 : index
    %get3A_1054 = memref.load %arg1[%get3A_1051, %get3A_1052, %get3A_1053] : memref<1x24x4xf32, #tpu.memory_space<smem>>
    %min3A_1055 = vector.broadcast %get3A_1050 : f32 to vector<8x1152xf32>
    %min3A_1056 = arith.minimumf %min3A_1055, %get3A_13 : vector<8x1152xf32>
    %max3A_1057 = vector.broadcast %get3A_1042 : f32 to vector<8x1152xf32>
    %max3A_1058 = arith.maximumf %max3A_1057, %get3A_3 : vector<8x1152xf32>
    %sub3A_1059 = arith.subf %min3A_1056, %max3A_1058 : vector<8x1152xf32>
    %max3A_1060 = arith.constant 0.000000e+00 : f32
    %max3A_1061 = vector.broadcast %max3A_1060 : f32 to vector<8x1152xf32>
    %max3A_1062 = arith.maximumf %sub3A_1059, %max3A_1061 : vector<8x1152xf32>
    %min3A_1063 = vector.broadcast %get3A_1054 : f32 to vector<8x1152xf32>
    %min3A_1064 = arith.minimumf %min3A_1063, %get3A_18 : vector<8x1152xf32>
    %max3A_1065 = vector.broadcast %get3A_1046 : f32 to vector<8x1152xf32>
    %max3A_1066 = arith.maximumf %max3A_1065, %get3A_8 : vector<8x1152xf32>
    %sub3A_1067 = arith.subf %min3A_1064, %max3A_1066 : vector<8x1152xf32>
    %max3A_1068 = arith.constant 0.000000e+00 : f32
    %max3A_1069 = vector.broadcast %max3A_1068 : f32 to vector<8x1152xf32>
    %max3A_1070 = arith.maximumf %sub3A_1067, %max3A_1069 : vector<8x1152xf32>
    %mul3A_1071 = arith.mulf %max3A_1062, %max3A_1070 : vector<8x1152xf32>
    %sub3A_1072 = arith.subf %get3A_1050, %get3A_1042 : f32
    %sub3A_1073 = arith.subf %get3A_1054, %get3A_1046 : f32
    %mul3A_1074 = arith.mulf %sub3A_1072, %sub3A_1073 : f32
    %add3A_1075 = vector.broadcast %mul3A_1074 : f32 to vector<8x1152xf32>
    %add3A_1076 = arith.addf %add3A_1075, %mul3A : vector<8x1152xf32>
    %sub3A_1077 = arith.subf %add3A_1076, %mul3A_1071 : vector<8x1152xf32>
    %div3A_1078 = arith.divf %mul3A_1071, %sub3A_1077 : vector<8x1152xf32>
    %gt3A_1079 = arith.cmpf ogt, %div3A_1078, %select_n3A_1012 : vector<8x1152xf32>
    %select_n3A_1080 = arith.select %gt3A_1079, %div3A_1078, %select_n3A_1012 : vector<8x1152xi1>, vector<8x1152xf32>
    %jit3A_1081 = arith.constant 15 : i32
    %broadcast_in_dim3A_1082 = vector.broadcast %jit3A_1081 : i32 to vector<8x1152xi32>
    %select_n3A_1083 = arith.select %gt3A_1079, %broadcast_in_dim3A_1082, %select_n3A_1015 : vector<8x1152xi1>, vector<8x1152xi32>
    %swap3A_1084 = arith.constant 15 : index
    %swap3A_1085 = arith.constant 0 : index
    %swap3A_1086 = arith.constant 0 : index
    %swap3A_1087 = vector.load %arg9[%swap3A_1084, %swap3A_1085, %swap3A_1086] : memref<24x8x1152xf32, #tpu.memory_space<vmem>>, vector<1x8x1152xf32>
    %swap3A_1088 = vector.shape_cast %swap3A_1087 : vector<1x8x1152xf32> to vector<8x1152xf32>
    %swap3A_1089 = vector.shape_cast %div3A_1078 : vector<8x1152xf32> to vector<1x8x1152xf32>
    tpu.vector_store %arg9[%swap3A_1084, %swap3A_1085, %swap3A_1086], %swap3A_1089 {strides = array<i32>} : memref<24x8x1152xf32, #tpu.memory_space<vmem>>, vector<1x8x1152xf32>,
    %slice3A_1090 = vector.extract_strided_slice %div3A_1078 {offsets = [0, 0], sizes = [8, 128], strides = [1, 1]} : vector<8x1152xf32> to vector<8x128xf32>
    %slice3A_1091 = vector.extract_strided_slice %div3A_1078 {offsets = [0, 128], sizes = [8, 128], strides = [1, 1]} : vector<8x1152xf32> to vector<8x128xf32>
    %max3A_1092 = arith.maximumf %slice3A_1090, %slice3A_1091 : vector<8x128xf32>
    %slice3A_1093 = vector.extract_strided_slice %div3A_1078 {offsets = [0, 256], sizes = [8, 128], strides = [1, 1]} : vector<8x1152xf32> to vector<8x128xf32>
    %max3A_1094 = arith.maximumf %max3A_1092, %slice3A_1093 : vector<8x128xf32>
    %slice3A_1095 = vector.extract_strided_slice %div3A_1078 {offsets = [0, 384], sizes = [8, 128], strides = [1, 1]} : vector<8x1152xf32> to vector<8x128xf32>
    %max3A_1096 = arith.maximumf %max3A_1094, %slice3A_1095 : vector<8x128xf32>
    %slice3A_1097 = vector.extract_strided_slice %div3A_1078 {offsets = [0, 512], sizes = [8, 128], strides = [1, 1]} : vector<8x1152xf32> to vector<8x128xf32>
    %max3A_1098 = arith.maximumf %max3A_1096, %slice3A_1097 : vector<8x128xf32>
    %slice3A_1099 = vector.extract_strided_slice %div3A_1078 {offsets = [0, 640], sizes = [8, 128], strides = [1, 1]} : vector<8x1152xf32> to vector<8x128xf32>
    %max3A_1100 = arith.maximumf %max3A_1098, %slice3A_1099 : vector<8x128xf32>
    %slice3A_1101 = vector.extract_strided_slice %div3A_1078 {offsets = [0, 768], sizes = [8, 128], strides = [1, 1]} : vector<8x1152xf32> to vector<8x128xf32>
    %max3A_1102 = arith.maximumf %max3A_1100, %slice3A_1101 : vector<8x128xf32>
    %slice3A_1103 = vector.extract_strided_slice %div3A_1078 {offsets = [0, 896], sizes = [8, 128], strides = [1, 1]} : vector<8x1152xf32> to vector<8x128xf32>
    %max3A_1104 = arith.maximumf %max3A_1102, %slice3A_1103 : vector<8x128xf32>
    %slice3A_1105 = vector.extract_strided_slice %div3A_1078 {offsets = [0, 1024], sizes = [8, 128], strides = [1, 1]} : vector<8x1152xf32> to vector<8x128xf32>
    %max3A_1106 = arith.maximumf %max3A_1104, %slice3A_1105 : vector<8x128xf32>
    %get3A_1107 = arith.constant 0 : index
    %get3A_1108 = arith.constant 16 : index
    %get3A_1109 = arith.constant 0 : index
    %get3A_1110 = memref.load %arg1[%get3A_1107, %get3A_1108, %get3A_1109] : memref<1x24x4xf32, #tpu.memory_space<smem>>
    %get3A_1111 = arith.constant 0 : index
    %get3A_1112 = arith.constant 16 : index
    %get3A_1113 = arith.constant 1 : index
    %get3A_1114 = memref.load %arg1[%get3A_1111, %get3A_1112, %get3A_1113] : memref<1x24x4xf32, #tpu.memory_space<smem>>
    %get3A_1115 = arith.constant 0 : index
    %get3A_1116 = arith.constant 16 : index
    %get3A_1117 = arith.constant 2 : index
    %get3A_1118 = memref.load %arg1[%get3A_1115, %get3A_1116, %get3A_1117] : memref<1x24x4xf32, #tpu.memory_space<smem>>
    %get3A_1119 = arith.constant 0 : index
    %get3A_1120 = arith.constant 16 : index
    %get3A_1121 = arith.constant 3 : index
    %get3A_1122 = memref.load %arg1[%get3A_1119, %get3A_1120, %get3A_1121] : memref<1x24x4xf32, #tpu.memory_space<smem>>
    %min3A_1123 = vector.broadcast %get3A_1118 : f32 to vector<8x1152xf32>
    %min3A_1124 = arith.minimumf %min3A_1123, %get3A_13 : vector<8x1152xf32>
    %max3A_1125 = vector.broadcast %get3A_1110 : f32 to vector<8x1152xf32>
    %max3A_1126 = arith.maximumf %max3A_1125, %get3A_3 : vector<8x1152xf32>
    %sub3A_1127 = arith.subf %min3A_1124, %max3A_1126 : vector<8x1152xf32>
    %max3A_1128 = arith.constant 0.000000e+00 : f32
    %max3A_1129 = vector.broadcast %max3A_1128 : f32 to vector<8x1152xf32>
    %max3A_1130 = arith.maximumf %sub3A_1127, %max3A_1129 : vector<8x1152xf32>
    %min3A_1131 = vector.broadcast %get3A_1122 : f32 to vector<8x1152xf32>
    %min3A_1132 = arith.minimumf %min3A_1131, %get3A_18 : vector<8x1152xf32>
    %max3A_1133 = vector.broadcast %get3A_1114 : f32 to vector<8x1152xf32>
    %max3A_1134 = arith.maximumf %max3A_1133, %get3A_8 : vector<8x1152xf32>
    %sub3A_1135 = arith.subf %min3A_1132, %max3A_1134 : vector<8x1152xf32>
    %max3A_1136 = arith.constant 0.000000e+00 : f32
    %max3A_1137 = vector.broadcast %max3A_1136 : f32 to vector<8x1152xf32>
    %max3A_1138 = arith.maximumf %sub3A_1135, %max3A_1137 : vector<8x1152xf32>
    %mul3A_1139 = arith.mulf %max3A_1130, %max3A_1138 : vector<8x1152xf32>
    %sub3A_1140 = arith.subf %get3A_1118, %get3A_1110 : f32
    %sub3A_1141 = arith.subf %get3A_1122, %get3A_1114 : f32
    %mul3A_1142 = arith.mulf %sub3A_1140, %sub3A_1141 : f32
    %add3A_1143 = vector.broadcast %mul3A_1142 : f32 to vector<8x1152xf32>
    %add3A_1144 = arith.addf %add3A_1143, %mul3A : vector<8x1152xf32>
    %sub3A_1145 = arith.subf %add3A_1144, %mul3A_1139 : vector<8x1152xf32>
    %div3A_1146 = arith.divf %mul3A_1139, %sub3A_1145 : vector<8x1152xf32>
    %gt3A_1147 = arith.cmpf ogt, %div3A_1146, %select_n3A_1080 : vector<8x1152xf32>
    %select_n3A_1148 = arith.select %gt3A_1147, %div3A_1146, %select_n3A_1080 : vector<8x1152xi1>, vector<8x1152xf32>
    %jit3A_1149 = arith.constant 16 : i32
    %broadcast_in_dim3A_1150 = vector.broadcast %jit3A_1149 : i32 to vector<8x1152xi32>
    %select_n3A_1151 = arith.select %gt3A_1147, %broadcast_in_dim3A_1150, %select_n3A_1083 : vector<8x1152xi1>, vector<8x1152xi32>
    %swap3A_1152 = arith.constant 16 : index
    %swap3A_1153 = arith.constant 0 : index
    %swap3A_1154 = arith.constant 0 : index
    %swap3A_1155 = vector.load %arg9[%swap3A_1152, %swap3A_1153, %swap3A_1154] : memref<24x8x1152xf32, #tpu.memory_space<vmem>>, vector<1x8x1152xf32>
    %swap3A_1156 = vector.shape_cast %swap3A_1155 : vector<1x8x1152xf32> to vector<8x1152xf32>
    %swap3A_1157 = vector.shape_cast %div3A_1146 : vector<8x1152xf32> to vector<1x8x1152xf32>
    tpu.vector_store %arg9[%swap3A_1152, %swap3A_1153, %swap3A_1154], %swap3A_1157 {strides = array<i32>} : memref<24x8x1152xf32, #tpu.memory_space<vmem>>, vector<1x8x1152xf32>,
    %slice3A_1158 = vector.extract_strided_slice %div3A_1146 {offsets = [0, 0], sizes = [8, 128], strides = [1, 1]} : vector<8x1152xf32> to vector<8x128xf32>
    %slice3A_1159 = vector.extract_strided_slice %div3A_1146 {offsets = [0, 128], sizes = [8, 128], strides = [1, 1]} : vector<8x1152xf32> to vector<8x128xf32>
    %max3A_1160 = arith.maximumf %slice3A_1158, %slice3A_1159 : vector<8x128xf32>
    %slice3A_1161 = vector.extract_strided_slice %div3A_1146 {offsets = [0, 256], sizes = [8, 128], strides = [1, 1]} : vector<8x1152xf32> to vector<8x128xf32>
    %max3A_1162 = arith.maximumf %max3A_1160, %slice3A_1161 : vector<8x128xf32>
    %slice3A_1163 = vector.extract_strided_slice %div3A_1146 {offsets = [0, 384], sizes = [8, 128], strides = [1, 1]} : vector<8x1152xf32> to vector<8x128xf32>
    %max3A_1164 = arith.maximumf %max3A_1162, %slice3A_1163 : vector<8x128xf32>
    %slice3A_1165 = vector.extract_strided_slice %div3A_1146 {offsets = [0, 512], sizes = [8, 128], strides = [1, 1]} : vector<8x1152xf32> to vector<8x128xf32>
    %max3A_1166 = arith.maximumf %max3A_1164, %slice3A_1165 : vector<8x128xf32>
    %slice3A_1167 = vector.extract_strided_slice %div3A_1146 {offsets = [0, 640], sizes = [8, 128], strides = [1, 1]} : vector<8x1152xf32> to vector<8x128xf32>
    %max3A_1168 = arith.maximumf %max3A_1166, %slice3A_1167 : vector<8x128xf32>
    %slice3A_1169 = vector.extract_strided_slice %div3A_1146 {offsets = [0, 768], sizes = [8, 128], strides = [1, 1]} : vector<8x1152xf32> to vector<8x128xf32>
    %max3A_1170 = arith.maximumf %max3A_1168, %slice3A_1169 : vector<8x128xf32>
    %slice3A_1171 = vector.extract_strided_slice %div3A_1146 {offsets = [0, 896], sizes = [8, 128], strides = [1, 1]} : vector<8x1152xf32> to vector<8x128xf32>
    %max3A_1172 = arith.maximumf %max3A_1170, %slice3A_1171 : vector<8x128xf32>
    %slice3A_1173 = vector.extract_strided_slice %div3A_1146 {offsets = [0, 1024], sizes = [8, 128], strides = [1, 1]} : vector<8x1152xf32> to vector<8x128xf32>
    %max3A_1174 = arith.maximumf %max3A_1172, %slice3A_1173 : vector<8x128xf32>
    %get3A_1175 = arith.constant 0 : index
    %get3A_1176 = arith.constant 17 : index
    %get3A_1177 = arith.constant 0 : index
    %get3A_1178 = memref.load %arg1[%get3A_1175, %get3A_1176, %get3A_1177] : memref<1x24x4xf32, #tpu.memory_space<smem>>
    %get3A_1179 = arith.constant 0 : index
    %get3A_1180 = arith.constant 17 : index
    %get3A_1181 = arith.constant 1 : index
    %get3A_1182 = memref.load %arg1[%get3A_1179, %get3A_1180, %get3A_1181] : memref<1x24x4xf32, #tpu.memory_space<smem>>
    %get3A_1183 = arith.constant 0 : index
    %get3A_1184 = arith.constant 17 : index
    %get3A_1185 = arith.constant 2 : index
    %get3A_1186 = memref.load %arg1[%get3A_1183, %get3A_1184, %get3A_1185] : memref<1x24x4xf32, #tpu.memory_space<smem>>
    %get3A_1187 = arith.constant 0 : index
    %get3A_1188 = arith.constant 17 : index
    %get3A_1189 = arith.constant 3 : index
    %get3A_1190 = memref.load %arg1[%get3A_1187, %get3A_1188, %get3A_1189] : memref<1x24x4xf32, #tpu.memory_space<smem>>
    %min3A_1191 = vector.broadcast %get3A_1186 : f32 to vector<8x1152xf32>
    %min3A_1192 = arith.minimumf %min3A_1191, %get3A_13 : vector<8x1152xf32>
    %max3A_1193 = vector.broadcast %get3A_1178 : f32 to vector<8x1152xf32>
    %max3A_1194 = arith.maximumf %max3A_1193, %get3A_3 : vector<8x1152xf32>
    %sub3A_1195 = arith.subf %min3A_1192, %max3A_1194 : vector<8x1152xf32>
    %max3A_1196 = arith.constant 0.000000e+00 : f32
    %max3A_1197 = vector.broadcast %max3A_1196 : f32 to vector<8x1152xf32>
    %max3A_1198 = arith.maximumf %sub3A_1195, %max3A_1197 : vector<8x1152xf32>
    %min3A_1199 = vector.broadcast %get3A_1190 : f32 to vector<8x1152xf32>
    %min3A_1200 = arith.minimumf %min3A_1199, %get3A_18 : vector<8x1152xf32>
    %max3A_1201 = vector.broadcast %get3A_1182 : f32 to vector<8x1152xf32>
    %max3A_1202 = arith.maximumf %max3A_1201, %get3A_8 : vector<8x1152xf32>
    %sub3A_1203 = arith.subf %min3A_1200, %max3A_1202 : vector<8x1152xf32>
    %max3A_1204 = arith.constant 0.000000e+00 : f32
    %max3A_1205 = vector.broadcast %max3A_1204 : f32 to vector<8x1152xf32>
    %max3A_1206 = arith.maximumf %sub3A_1203, %max3A_1205 : vector<8x1152xf32>
    %mul3A_1207 = arith.mulf %max3A_1198, %max3A_1206 : vector<8x1152xf32>
    %sub3A_1208 = arith.subf %get3A_1186, %get3A_1178 : f32
    %sub3A_1209 = arith.subf %get3A_1190, %get3A_1182 : f32
    %mul3A_1210 = arith.mulf %sub3A_1208, %sub3A_1209 : f32
    %add3A_1211 = vector.broadcast %mul3A_1210 : f32 to vector<8x1152xf32>
    %add3A_1212 = arith.addf %add3A_1211, %mul3A : vector<8x1152xf32>
    %sub3A_1213 = arith.subf %add3A_1212, %mul3A_1207 : vector<8x1152xf32>
    %div3A_1214 = arith.divf %mul3A_1207, %sub3A_1213 : vector<8x1152xf32>
    %gt3A_1215 = arith.cmpf ogt, %div3A_1214, %select_n3A_1148 : vector<8x1152xf32>
    %select_n3A_1216 = arith.select %gt3A_1215, %div3A_1214, %select_n3A_1148 : vector<8x1152xi1>, vector<8x1152xf32>
    %jit3A_1217 = arith.constant 17 : i32
    %broadcast_in_dim3A_1218 = vector.broadcast %jit3A_1217 : i32 to vector<8x1152xi32>
    %select_n3A_1219 = arith.select %gt3A_1215, %broadcast_in_dim3A_1218, %select_n3A_1151 : vector<8x1152xi1>, vector<8x1152xi32>
    %swap3A_1220 = arith.constant 17 : index
    %swap3A_1221 = arith.constant 0 : index
    %swap3A_1222 = arith.constant 0 : index
    %swap3A_1223 = vector.load %arg9[%swap3A_1220, %swap3A_1221, %swap3A_1222] : memref<24x8x1152xf32, #tpu.memory_space<vmem>>, vector<1x8x1152xf32>
    %swap3A_1224 = vector.shape_cast %swap3A_1223 : vector<1x8x1152xf32> to vector<8x1152xf32>
    %swap3A_1225 = vector.shape_cast %div3A_1214 : vector<8x1152xf32> to vector<1x8x1152xf32>
    tpu.vector_store %arg9[%swap3A_1220, %swap3A_1221, %swap3A_1222], %swap3A_1225 {strides = array<i32>} : memref<24x8x1152xf32, #tpu.memory_space<vmem>>, vector<1x8x1152xf32>,
    %slice3A_1226 = vector.extract_strided_slice %div3A_1214 {offsets = [0, 0], sizes = [8, 128], strides = [1, 1]} : vector<8x1152xf32> to vector<8x128xf32>
    %slice3A_1227 = vector.extract_strided_slice %div3A_1214 {offsets = [0, 128], sizes = [8, 128], strides = [1, 1]} : vector<8x1152xf32> to vector<8x128xf32>
    %max3A_1228 = arith.maximumf %slice3A_1226, %slice3A_1227 : vector<8x128xf32>
    %slice3A_1229 = vector.extract_strided_slice %div3A_1214 {offsets = [0, 256], sizes = [8, 128], strides = [1, 1]} : vector<8x1152xf32> to vector<8x128xf32>
    %max3A_1230 = arith.maximumf %max3A_1228, %slice3A_1229 : vector<8x128xf32>
    %slice3A_1231 = vector.extract_strided_slice %div3A_1214 {offsets = [0, 384], sizes = [8, 128], strides = [1, 1]} : vector<8x1152xf32> to vector<8x128xf32>
    %max3A_1232 = arith.maximumf %max3A_1230, %slice3A_1231 : vector<8x128xf32>
    %slice3A_1233 = vector.extract_strided_slice %div3A_1214 {offsets = [0, 512], sizes = [8, 128], strides = [1, 1]} : vector<8x1152xf32> to vector<8x128xf32>
    %max3A_1234 = arith.maximumf %max3A_1232, %slice3A_1233 : vector<8x128xf32>
    %slice3A_1235 = vector.extract_strided_slice %div3A_1214 {offsets = [0, 640], sizes = [8, 128], strides = [1, 1]} : vector<8x1152xf32> to vector<8x128xf32>
    %max3A_1236 = arith.maximumf %max3A_1234, %slice3A_1235 : vector<8x128xf32>
    %slice3A_1237 = vector.extract_strided_slice %div3A_1214 {offsets = [0, 768], sizes = [8, 128], strides = [1, 1]} : vector<8x1152xf32> to vector<8x128xf32>
    %max3A_1238 = arith.maximumf %max3A_1236, %slice3A_1237 : vector<8x128xf32>
    %slice3A_1239 = vector.extract_strided_slice %div3A_1214 {offsets = [0, 896], sizes = [8, 128], strides = [1, 1]} : vector<8x1152xf32> to vector<8x128xf32>
    %max3A_1240 = arith.maximumf %max3A_1238, %slice3A_1239 : vector<8x128xf32>
    %slice3A_1241 = vector.extract_strided_slice %div3A_1214 {offsets = [0, 1024], sizes = [8, 128], strides = [1, 1]} : vector<8x1152xf32> to vector<8x128xf32>
    %max3A_1242 = arith.maximumf %max3A_1240, %slice3A_1241 : vector<8x128xf32>
    %get3A_1243 = arith.constant 0 : index
    %get3A_1244 = arith.constant 18 : index
    %get3A_1245 = arith.constant 0 : index
    %get3A_1246 = memref.load %arg1[%get3A_1243, %get3A_1244, %get3A_1245] : memref<1x24x4xf32, #tpu.memory_space<smem>>
    %get3A_1247 = arith.constant 0 : index
    %get3A_1248 = arith.constant 18 : index
    %get3A_1249 = arith.constant 1 : index
    %get3A_1250 = memref.load %arg1[%get3A_1247, %get3A_1248, %get3A_1249] : memref<1x24x4xf32, #tpu.memory_space<smem>>
    %get3A_1251 = arith.constant 0 : index
    %get3A_1252 = arith.constant 18 : index
    %get3A_1253 = arith.constant 2 : index
    %get3A_1254 = memref.load %arg1[%get3A_1251, %get3A_1252, %get3A_1253] : memref<1x24x4xf32, #tpu.memory_space<smem>>
    %get3A_1255 = arith.constant 0 : index
    %get3A_1256 = arith.constant 18 : index
    %get3A_1257 = arith.constant 3 : index
    %get3A_1258 = memref.load %arg1[%get3A_1255, %get3A_1256, %get3A_1257] : memref<1x24x4xf32, #tpu.memory_space<smem>>
    %min3A_1259 = vector.broadcast %get3A_1254 : f32 to vector<8x1152xf32>
    %min3A_1260 = arith.minimumf %min3A_1259, %get3A_13 : vector<8x1152xf32>
    %max3A_1261 = vector.broadcast %get3A_1246 : f32 to vector<8x1152xf32>
    %max3A_1262 = arith.maximumf %max3A_1261, %get3A_3 : vector<8x1152xf32>
    %sub3A_1263 = arith.subf %min3A_1260, %max3A_1262 : vector<8x1152xf32>
    %max3A_1264 = arith.constant 0.000000e+00 : f32
    %max3A_1265 = vector.broadcast %max3A_1264 : f32 to vector<8x1152xf32>
    %max3A_1266 = arith.maximumf %sub3A_1263, %max3A_1265 : vector<8x1152xf32>
    %min3A_1267 = vector.broadcast %get3A_1258 : f32 to vector<8x1152xf32>
    %min3A_1268 = arith.minimumf %min3A_1267, %get3A_18 : vector<8x1152xf32>
    %max3A_1269 = vector.broadcast %get3A_1250 : f32 to vector<8x1152xf32>
    %max3A_1270 = arith.maximumf %max3A_1269, %get3A_8 : vector<8x1152xf32>
    %sub3A_1271 = arith.subf %min3A_1268, %max3A_1270 : vector<8x1152xf32>
    %max3A_1272 = arith.constant 0.000000e+00 : f32
    %max3A_1273 = vector.broadcast %max3A_1272 : f32 to vector<8x1152xf32>
    %max3A_1274 = arith.maximumf %sub3A_1271, %max3A_1273 : vector<8x1152xf32>
    %mul3A_1275 = arith.mulf %max3A_1266, %max3A_1274 : vector<8x1152xf32>
    %sub3A_1276 = arith.subf %get3A_1254, %get3A_1246 : f32
    %sub3A_1277 = arith.subf %get3A_1258, %get3A_1250 : f32
    %mul3A_1278 = arith.mulf %sub3A_1276, %sub3A_1277 : f32
    %add3A_1279 = vector.broadcast %mul3A_1278 : f32 to vector<8x1152xf32>
    %add3A_1280 = arith.addf %add3A_1279, %mul3A : vector<8x1152xf32>
    %sub3A_1281 = arith.subf %add3A_1280, %mul3A_1275 : vector<8x1152xf32>
    %div3A_1282 = arith.divf %mul3A_1275, %sub3A_1281 : vector<8x1152xf32>
    %gt3A_1283 = arith.cmpf ogt, %div3A_1282, %select_n3A_1216 : vector<8x1152xf32>
    %select_n3A_1284 = arith.select %gt3A_1283, %div3A_1282, %select_n3A_1216 : vector<8x1152xi1>, vector<8x1152xf32>
    %jit3A_1285 = arith.constant 18 : i32
    %broadcast_in_dim3A_1286 = vector.broadcast %jit3A_1285 : i32 to vector<8x1152xi32>
    %select_n3A_1287 = arith.select %gt3A_1283, %broadcast_in_dim3A_1286, %select_n3A_1219 : vector<8x1152xi1>, vector<8x1152xi32>
    %swap3A_1288 = arith.constant 18 : index
    %swap3A_1289 = arith.constant 0 : index
    %swap3A_1290 = arith.constant 0 : index
    %swap3A_1291 = vector.load %arg9[%swap3A_1288, %swap3A_1289, %swap3A_1290] : memref<24x8x1152xf32, #tpu.memory_space<vmem>>, vector<1x8x1152xf32>
    %swap3A_1292 = vector.shape_cast %swap3A_1291 : vector<1x8x1152xf32> to vector<8x1152xf32>
    %swap3A_1293 = vector.shape_cast %div3A_1282 : vector<8x1152xf32> to vector<1x8x1152xf32>
    tpu.vector_store %arg9[%swap3A_1288, %swap3A_1289, %swap3A_1290], %swap3A_1293 {strides = array<i32>} : memref<24x8x1152xf32, #tpu.memory_space<vmem>>, vector<1x8x1152xf32>,
    %slice3A_1294 = vector.extract_strided_slice %div3A_1282 {offsets = [0, 0], sizes = [8, 128], strides = [1, 1]} : vector<8x1152xf32> to vector<8x128xf32>
    %slice3A_1295 = vector.extract_strided_slice %div3A_1282 {offsets = [0, 128], sizes = [8, 128], strides = [1, 1]} : vector<8x1152xf32> to vector<8x128xf32>
    %max3A_1296 = arith.maximumf %slice3A_1294, %slice3A_1295 : vector<8x128xf32>
    %slice3A_1297 = vector.extract_strided_slice %div3A_1282 {offsets = [0, 256], sizes = [8, 128], strides = [1, 1]} : vector<8x1152xf32> to vector<8x128xf32>
    %max3A_1298 = arith.maximumf %max3A_1296, %slice3A_1297 : vector<8x128xf32>
    %slice3A_1299 = vector.extract_strided_slice %div3A_1282 {offsets = [0, 384], sizes = [8, 128], strides = [1, 1]} : vector<8x1152xf32> to vector<8x128xf32>
    %max3A_1300 = arith.maximumf %max3A_1298, %slice3A_1299 : vector<8x128xf32>
    %slice3A_1301 = vector.extract_strided_slice %div3A_1282 {offsets = [0, 512], sizes = [8, 128], strides = [1, 1]} : vector<8x1152xf32> to vector<8x128xf32>
    %max3A_1302 = arith.maximumf %max3A_1300, %slice3A_1301 : vector<8x128xf32>
    %slice3A_1303 = vector.extract_strided_slice %div3A_1282 {offsets = [0, 640], sizes = [8, 128], strides = [1, 1]} : vector<8x1152xf32> to vector<8x128xf32>
    %max3A_1304 = arith.maximumf %max3A_1302, %slice3A_1303 : vector<8x128xf32>
    %slice3A_1305 = vector.extract_strided_slice %div3A_1282 {offsets = [0, 768], sizes = [8, 128], strides = [1, 1]} : vector<8x1152xf32> to vector<8x128xf32>
    %max3A_1306 = arith.maximumf %max3A_1304, %slice3A_1305 : vector<8x128xf32>
    %slice3A_1307 = vector.extract_strided_slice %div3A_1282 {offsets = [0, 896], sizes = [8, 128], strides = [1, 1]} : vector<8x1152xf32> to vector<8x128xf32>
    %max3A_1308 = arith.maximumf %max3A_1306, %slice3A_1307 : vector<8x128xf32>
    %slice3A_1309 = vector.extract_strided_slice %div3A_1282 {offsets = [0, 1024], sizes = [8, 128], strides = [1, 1]} : vector<8x1152xf32> to vector<8x128xf32>
    %max3A_1310 = arith.maximumf %max3A_1308, %slice3A_1309 : vector<8x128xf32>
    %get3A_1311 = arith.constant 0 : index
    %get3A_1312 = arith.constant 19 : index
    %get3A_1313 = arith.constant 0 : index
    %get3A_1314 = memref.load %arg1[%get3A_1311, %get3A_1312, %get3A_1313] : memref<1x24x4xf32, #tpu.memory_space<smem>>
    %get3A_1315 = arith.constant 0 : index
    %get3A_1316 = arith.constant 19 : index
    %get3A_1317 = arith.constant 1 : index
    %get3A_1318 = memref.load %arg1[%get3A_1315, %get3A_1316, %get3A_1317] : memref<1x24x4xf32, #tpu.memory_space<smem>>
    %get3A_1319 = arith.constant 0 : index
    %get3A_1320 = arith.constant 19 : index
    %get3A_1321 = arith.constant 2 : index
    %get3A_1322 = memref.load %arg1[%get3A_1319, %get3A_1320, %get3A_1321] : memref<1x24x4xf32, #tpu.memory_space<smem>>
    %get3A_1323 = arith.constant 0 : index
    %get3A_1324 = arith.constant 19 : index
    %get3A_1325 = arith.constant 3 : index
    %get3A_1326 = memref.load %arg1[%get3A_1323, %get3A_1324, %get3A_1325] : memref<1x24x4xf32, #tpu.memory_space<smem>>
    %min3A_1327 = vector.broadcast %get3A_1322 : f32 to vector<8x1152xf32>
    %min3A_1328 = arith.minimumf %min3A_1327, %get3A_13 : vector<8x1152xf32>
    %max3A_1329 = vector.broadcast %get3A_1314 : f32 to vector<8x1152xf32>
    %max3A_1330 = arith.maximumf %max3A_1329, %get3A_3 : vector<8x1152xf32>
    %sub3A_1331 = arith.subf %min3A_1328, %max3A_1330 : vector<8x1152xf32>
    %max3A_1332 = arith.constant 0.000000e+00 : f32
    %max3A_1333 = vector.broadcast %max3A_1332 : f32 to vector<8x1152xf32>
    %max3A_1334 = arith.maximumf %sub3A_1331, %max3A_1333 : vector<8x1152xf32>
    %min3A_1335 = vector.broadcast %get3A_1326 : f32 to vector<8x1152xf32>
    %min3A_1336 = arith.minimumf %min3A_1335, %get3A_18 : vector<8x1152xf32>
    %max3A_1337 = vector.broadcast %get3A_1318 : f32 to vector<8x1152xf32>
    %max3A_1338 = arith.maximumf %max3A_1337, %get3A_8 : vector<8x1152xf32>
    %sub3A_1339 = arith.subf %min3A_1336, %max3A_1338 : vector<8x1152xf32>
    %max3A_1340 = arith.constant 0.000000e+00 : f32
    %max3A_1341 = vector.broadcast %max3A_1340 : f32 to vector<8x1152xf32>
    %max3A_1342 = arith.maximumf %sub3A_1339, %max3A_1341 : vector<8x1152xf32>
    %mul3A_1343 = arith.mulf %max3A_1334, %max3A_1342 : vector<8x1152xf32>
    %sub3A_1344 = arith.subf %get3A_1322, %get3A_1314 : f32
    %sub3A_1345 = arith.subf %get3A_1326, %get3A_1318 : f32
    %mul3A_1346 = arith.mulf %sub3A_1344, %sub3A_1345 : f32
    %add3A_1347 = vector.broadcast %mul3A_1346 : f32 to vector<8x1152xf32>
    %add3A_1348 = arith.addf %add3A_1347, %mul3A : vector<8x1152xf32>
    %sub3A_1349 = arith.subf %add3A_1348, %mul3A_1343 : vector<8x1152xf32>
    %div3A_1350 = arith.divf %mul3A_1343, %sub3A_1349 : vector<8x1152xf32>
    %gt3A_1351 = arith.cmpf ogt, %div3A_1350, %select_n3A_1284 : vector<8x1152xf32>
    %select_n3A_1352 = arith.select %gt3A_1351, %div3A_1350, %select_n3A_1284 : vector<8x1152xi1>, vector<8x1152xf32>
    %jit3A_1353 = arith.constant 19 : i32
    %broadcast_in_dim3A_1354 = vector.broadcast %jit3A_1353 : i32 to vector<8x1152xi32>
    %select_n3A_1355 = arith.select %gt3A_1351, %broadcast_in_dim3A_1354, %select_n3A_1287 : vector<8x1152xi1>, vector<8x1152xi32>
    %swap3A_1356 = arith.constant 19 : index
    %swap3A_1357 = arith.constant 0 : index
    %swap3A_1358 = arith.constant 0 : index
    %swap3A_1359 = vector.load %arg9[%swap3A_1356, %swap3A_1357, %swap3A_1358] : memref<24x8x1152xf32, #tpu.memory_space<vmem>>, vector<1x8x1152xf32>
    %swap3A_1360 = vector.shape_cast %swap3A_1359 : vector<1x8x1152xf32> to vector<8x1152xf32>
    %swap3A_1361 = vector.shape_cast %div3A_1350 : vector<8x1152xf32> to vector<1x8x1152xf32>
    tpu.vector_store %arg9[%swap3A_1356, %swap3A_1357, %swap3A_1358], %swap3A_1361 {strides = array<i32>} : memref<24x8x1152xf32, #tpu.memory_space<vmem>>, vector<1x8x1152xf32>,
    %slice3A_1362 = vector.extract_strided_slice %div3A_1350 {offsets = [0, 0], sizes = [8, 128], strides = [1, 1]} : vector<8x1152xf32> to vector<8x128xf32>
    %slice3A_1363 = vector.extract_strided_slice %div3A_1350 {offsets = [0, 128], sizes = [8, 128], strides = [1, 1]} : vector<8x1152xf32> to vector<8x128xf32>
    %max3A_1364 = arith.maximumf %slice3A_1362, %slice3A_1363 : vector<8x128xf32>
    %slice3A_1365 = vector.extract_strided_slice %div3A_1350 {offsets = [0, 256], sizes = [8, 128], strides = [1, 1]} : vector<8x1152xf32> to vector<8x128xf32>
    %max3A_1366 = arith.maximumf %max3A_1364, %slice3A_1365 : vector<8x128xf32>
    %slice3A_1367 = vector.extract_strided_slice %div3A_1350 {offsets = [0, 384], sizes = [8, 128], strides = [1, 1]} : vector<8x1152xf32> to vector<8x128xf32>
    %max3A_1368 = arith.maximumf %max3A_1366, %slice3A_1367 : vector<8x128xf32>
    %slice3A_1369 = vector.extract_strided_slice %div3A_1350 {offsets = [0, 512], sizes = [8, 128], strides = [1, 1]} : vector<8x1152xf32> to vector<8x128xf32>
    %max3A_1370 = arith.maximumf %max3A_1368, %slice3A_1369 : vector<8x128xf32>
    %slice3A_1371 = vector.extract_strided_slice %div3A_1350 {offsets = [0, 640], sizes = [8, 128], strides = [1, 1]} : vector<8x1152xf32> to vector<8x128xf32>
    %max3A_1372 = arith.maximumf %max3A_1370, %slice3A_1371 : vector<8x128xf32>
    %slice3A_1373 = vector.extract_strided_slice %div3A_1350 {offsets = [0, 768], sizes = [8, 128], strides = [1, 1]} : vector<8x1152xf32> to vector<8x128xf32>
    %max3A_1374 = arith.maximumf %max3A_1372, %slice3A_1373 : vector<8x128xf32>
    %slice3A_1375 = vector.extract_strided_slice %div3A_1350 {offsets = [0, 896], sizes = [8, 128], strides = [1, 1]} : vector<8x1152xf32> to vector<8x128xf32>
    %max3A_1376 = arith.maximumf %max3A_1374, %slice3A_1375 : vector<8x128xf32>
    %slice3A_1377 = vector.extract_strided_slice %div3A_1350 {offsets = [0, 1024], sizes = [8, 128], strides = [1, 1]} : vector<8x1152xf32> to vector<8x128xf32>
    %max3A_1378 = arith.maximumf %max3A_1376, %slice3A_1377 : vector<8x128xf32>
    %get3A_1379 = arith.constant 0 : index
    %get3A_1380 = arith.constant 20 : index
    %get3A_1381 = arith.constant 0 : index
    %get3A_1382 = memref.load %arg1[%get3A_1379, %get3A_1380, %get3A_1381] : memref<1x24x4xf32, #tpu.memory_space<smem>>
    %get3A_1383 = arith.constant 0 : index
    %get3A_1384 = arith.constant 20 : index
    %get3A_1385 = arith.constant 1 : index
    %get3A_1386 = memref.load %arg1[%get3A_1383, %get3A_1384, %get3A_1385] : memref<1x24x4xf32, #tpu.memory_space<smem>>
    %get3A_1387 = arith.constant 0 : index
    %get3A_1388 = arith.constant 20 : index
    %get3A_1389 = arith.constant 2 : index
    %get3A_1390 = memref.load %arg1[%get3A_1387, %get3A_1388, %get3A_1389] : memref<1x24x4xf32, #tpu.memory_space<smem>>
    %get3A_1391 = arith.constant 0 : index
    %get3A_1392 = arith.constant 20 : index
    %get3A_1393 = arith.constant 3 : index
    %get3A_1394 = memref.load %arg1[%get3A_1391, %get3A_1392, %get3A_1393] : memref<1x24x4xf32, #tpu.memory_space<smem>>
    %min3A_1395 = vector.broadcast %get3A_1390 : f32 to vector<8x1152xf32>
    %min3A_1396 = arith.minimumf %min3A_1395, %get3A_13 : vector<8x1152xf32>
    %max3A_1397 = vector.broadcast %get3A_1382 : f32 to vector<8x1152xf32>
    %max3A_1398 = arith.maximumf %max3A_1397, %get3A_3 : vector<8x1152xf32>
    %sub3A_1399 = arith.subf %min3A_1396, %max3A_1398 : vector<8x1152xf32>
    %max3A_1400 = arith.constant 0.000000e+00 : f32
    %max3A_1401 = vector.broadcast %max3A_1400 : f32 to vector<8x1152xf32>
    %max3A_1402 = arith.maximumf %sub3A_1399, %max3A_1401 : vector<8x1152xf32>
    %min3A_1403 = vector.broadcast %get3A_1394 : f32 to vector<8x1152xf32>
    %min3A_1404 = arith.minimumf %min3A_1403, %get3A_18 : vector<8x1152xf32>
    %max3A_1405 = vector.broadcast %get3A_1386 : f32 to vector<8x1152xf32>
    %max3A_1406 = arith.maximumf %max3A_1405, %get3A_8 : vector<8x1152xf32>
    %sub3A_1407 = arith.subf %min3A_1404, %max3A_1406 : vector<8x1152xf32>
    %max3A_1408 = arith.constant 0.000000e+00 : f32
    %max3A_1409 = vector.broadcast %max3A_1408 : f32 to vector<8x1152xf32>
    %max3A_1410 = arith.maximumf %sub3A_1407, %max3A_1409 : vector<8x1152xf32>
    %mul3A_1411 = arith.mulf %max3A_1402, %max3A_1410 : vector<8x1152xf32>
    %sub3A_1412 = arith.subf %get3A_1390, %get3A_1382 : f32
    %sub3A_1413 = arith.subf %get3A_1394, %get3A_1386 : f32
    %mul3A_1414 = arith.mulf %sub3A_1412, %sub3A_1413 : f32
    %add3A_1415 = vector.broadcast %mul3A_1414 : f32 to vector<8x1152xf32>
    %add3A_1416 = arith.addf %add3A_1415, %mul3A : vector<8x1152xf32>
    %sub3A_1417 = arith.subf %add3A_1416, %mul3A_1411 : vector<8x1152xf32>
    %div3A_1418 = arith.divf %mul3A_1411, %sub3A_1417 : vector<8x1152xf32>
    %gt3A_1419 = arith.cmpf ogt, %div3A_1418, %select_n3A_1352 : vector<8x1152xf32>
    %select_n3A_1420 = arith.select %gt3A_1419, %div3A_1418, %select_n3A_1352 : vector<8x1152xi1>, vector<8x1152xf32>
    %jit3A_1421 = arith.constant 20 : i32
    %broadcast_in_dim3A_1422 = vector.broadcast %jit3A_1421 : i32 to vector<8x1152xi32>
    %select_n3A_1423 = arith.select %gt3A_1419, %broadcast_in_dim3A_1422, %select_n3A_1355 : vector<8x1152xi1>, vector<8x1152xi32>
    %swap3A_1424 = arith.constant 20 : index
    %swap3A_1425 = arith.constant 0 : index
    %swap3A_1426 = arith.constant 0 : index
    %swap3A_1427 = vector.load %arg9[%swap3A_1424, %swap3A_1425, %swap3A_1426] : memref<24x8x1152xf32, #tpu.memory_space<vmem>>, vector<1x8x1152xf32>
    %swap3A_1428 = vector.shape_cast %swap3A_1427 : vector<1x8x1152xf32> to vector<8x1152xf32>
    %swap3A_1429 = vector.shape_cast %div3A_1418 : vector<8x1152xf32> to vector<1x8x1152xf32>
    tpu.vector_store %arg9[%swap3A_1424, %swap3A_1425, %swap3A_1426], %swap3A_1429 {strides = array<i32>} : memref<24x8x1152xf32, #tpu.memory_space<vmem>>, vector<1x8x1152xf32>,
    %slice3A_1430 = vector.extract_strided_slice %div3A_1418 {offsets = [0, 0], sizes = [8, 128], strides = [1, 1]} : vector<8x1152xf32> to vector<8x128xf32>
    %slice3A_1431 = vector.extract_strided_slice %div3A_1418 {offsets = [0, 128], sizes = [8, 128], strides = [1, 1]} : vector<8x1152xf32> to vector<8x128xf32>
    %max3A_1432 = arith.maximumf %slice3A_1430, %slice3A_1431 : vector<8x128xf32>
    %slice3A_1433 = vector.extract_strided_slice %div3A_1418 {offsets = [0, 256], sizes = [8, 128], strides = [1, 1]} : vector<8x1152xf32> to vector<8x128xf32>
    %max3A_1434 = arith.maximumf %max3A_1432, %slice3A_1433 : vector<8x128xf32>
    %slice3A_1435 = vector.extract_strided_slice %div3A_1418 {offsets = [0, 384], sizes = [8, 128], strides = [1, 1]} : vector<8x1152xf32> to vector<8x128xf32>
    %max3A_1436 = arith.maximumf %max3A_1434, %slice3A_1435 : vector<8x128xf32>
    %slice3A_1437 = vector.extract_strided_slice %div3A_1418 {offsets = [0, 512], sizes = [8, 128], strides = [1, 1]} : vector<8x1152xf32> to vector<8x128xf32>
    %max3A_1438 = arith.maximumf %max3A_1436, %slice3A_1437 : vector<8x128xf32>
    %slice3A_1439 = vector.extract_strided_slice %div3A_1418 {offsets = [0, 640], sizes = [8, 128], strides = [1, 1]} : vector<8x1152xf32> to vector<8x128xf32>
    %max3A_1440 = arith.maximumf %max3A_1438, %slice3A_1439 : vector<8x128xf32>
    %slice3A_1441 = vector.extract_strided_slice %div3A_1418 {offsets = [0, 768], sizes = [8, 128], strides = [1, 1]} : vector<8x1152xf32> to vector<8x128xf32>
    %max3A_1442 = arith.maximumf %max3A_1440, %slice3A_1441 : vector<8x128xf32>
    %slice3A_1443 = vector.extract_strided_slice %div3A_1418 {offsets = [0, 896], sizes = [8, 128], strides = [1, 1]} : vector<8x1152xf32> to vector<8x128xf32>
    %max3A_1444 = arith.maximumf %max3A_1442, %slice3A_1443 : vector<8x128xf32>
    %slice3A_1445 = vector.extract_strided_slice %div3A_1418 {offsets = [0, 1024], sizes = [8, 128], strides = [1, 1]} : vector<8x1152xf32> to vector<8x128xf32>
    %max3A_1446 = arith.maximumf %max3A_1444, %slice3A_1445 : vector<8x128xf32>
    %get3A_1447 = arith.constant 0 : index
    %get3A_1448 = arith.constant 21 : index
    %get3A_1449 = arith.constant 0 : index
    %get3A_1450 = memref.load %arg1[%get3A_1447, %get3A_1448, %get3A_1449] : memref<1x24x4xf32, #tpu.memory_space<smem>>
    %get3A_1451 = arith.constant 0 : index
    %get3A_1452 = arith.constant 21 : index
    %get3A_1453 = arith.constant 1 : index
    %get3A_1454 = memref.load %arg1[%get3A_1451, %get3A_1452, %get3A_1453] : memref<1x24x4xf32, #tpu.memory_space<smem>>
    %get3A_1455 = arith.constant 0 : index
    %get3A_1456 = arith.constant 21 : index
    %get3A_1457 = arith.constant 2 : index
    %get3A_1458 = memref.load %arg1[%get3A_1455, %get3A_1456, %get3A_1457] : memref<1x24x4xf32, #tpu.memory_space<smem>>
    %get3A_1459 = arith.constant 0 : index
    %get3A_1460 = arith.constant 21 : index
    %get3A_1461 = arith.constant 3 : index
    %get3A_1462 = memref.load %arg1[%get3A_1459, %get3A_1460, %get3A_1461] : memref<1x24x4xf32, #tpu.memory_space<smem>>
    %min3A_1463 = vector.broadcast %get3A_1458 : f32 to vector<8x1152xf32>
    %min3A_1464 = arith.minimumf %min3A_1463, %get3A_13 : vector<8x1152xf32>
    %max3A_1465 = vector.broadcast %get3A_1450 : f32 to vector<8x1152xf32>
    %max3A_1466 = arith.maximumf %max3A_1465, %get3A_3 : vector<8x1152xf32>
    %sub3A_1467 = arith.subf %min3A_1464, %max3A_1466 : vector<8x1152xf32>
    %max3A_1468 = arith.constant 0.000000e+00 : f32
    %max3A_1469 = vector.broadcast %max3A_1468 : f32 to vector<8x1152xf32>
    %max3A_1470 = arith.maximumf %sub3A_1467, %max3A_1469 : vector<8x1152xf32>
    %min3A_1471 = vector.broadcast %get3A_1462 : f32 to vector<8x1152xf32>
    %min3A_1472 = arith.minimumf %min3A_1471, %get3A_18 : vector<8x1152xf32>
    %max3A_1473 = vector.broadcast %get3A_1454 : f32 to vector<8x1152xf32>
    %max3A_1474 = arith.maximumf %max3A_1473, %get3A_8 : vector<8x1152xf32>
    %sub3A_1475 = arith.subf %min3A_1472, %max3A_1474 : vector<8x1152xf32>
    %max3A_1476 = arith.constant 0.000000e+00 : f32
    %max3A_1477 = vector.broadcast %max3A_1476 : f32 to vector<8x1152xf32>
    %max3A_1478 = arith.maximumf %sub3A_1475, %max3A_1477 : vector<8x1152xf32>
    %mul3A_1479 = arith.mulf %max3A_1470, %max3A_1478 : vector<8x1152xf32>
    %sub3A_1480 = arith.subf %get3A_1458, %get3A_1450 : f32
    %sub3A_1481 = arith.subf %get3A_1462, %get3A_1454 : f32
    %mul3A_1482 = arith.mulf %sub3A_1480, %sub3A_1481 : f32
    %add3A_1483 = vector.broadcast %mul3A_1482 : f32 to vector<8x1152xf32>
    %add3A_1484 = arith.addf %add3A_1483, %mul3A : vector<8x1152xf32>
    %sub3A_1485 = arith.subf %add3A_1484, %mul3A_1479 : vector<8x1152xf32>
    %div3A_1486 = arith.divf %mul3A_1479, %sub3A_1485 : vector<8x1152xf32>
    %gt3A_1487 = arith.cmpf ogt, %div3A_1486, %select_n3A_1420 : vector<8x1152xf32>
    %select_n3A_1488 = arith.select %gt3A_1487, %div3A_1486, %select_n3A_1420 : vector<8x1152xi1>, vector<8x1152xf32>
    %jit3A_1489 = arith.constant 21 : i32
    %broadcast_in_dim3A_1490 = vector.broadcast %jit3A_1489 : i32 to vector<8x1152xi32>
    %select_n3A_1491 = arith.select %gt3A_1487, %broadcast_in_dim3A_1490, %select_n3A_1423 : vector<8x1152xi1>, vector<8x1152xi32>
    %swap3A_1492 = arith.constant 21 : index
    %swap3A_1493 = arith.constant 0 : index
    %swap3A_1494 = arith.constant 0 : index
    %swap3A_1495 = vector.load %arg9[%swap3A_1492, %swap3A_1493, %swap3A_1494] : memref<24x8x1152xf32, #tpu.memory_space<vmem>>, vector<1x8x1152xf32>
    %swap3A_1496 = vector.shape_cast %swap3A_1495 : vector<1x8x1152xf32> to vector<8x1152xf32>
    %swap3A_1497 = vector.shape_cast %div3A_1486 : vector<8x1152xf32> to vector<1x8x1152xf32>
    tpu.vector_store %arg9[%swap3A_1492, %swap3A_1493, %swap3A_1494], %swap3A_1497 {strides = array<i32>} : memref<24x8x1152xf32, #tpu.memory_space<vmem>>, vector<1x8x1152xf32>,
    %slice3A_1498 = vector.extract_strided_slice %div3A_1486 {offsets = [0, 0], sizes = [8, 128], strides = [1, 1]} : vector<8x1152xf32> to vector<8x128xf32>
    %slice3A_1499 = vector.extract_strided_slice %div3A_1486 {offsets = [0, 128], sizes = [8, 128], strides = [1, 1]} : vector<8x1152xf32> to vector<8x128xf32>
    %max3A_1500 = arith.maximumf %slice3A_1498, %slice3A_1499 : vector<8x128xf32>
    %slice3A_1501 = vector.extract_strided_slice %div3A_1486 {offsets = [0, 256], sizes = [8, 128], strides = [1, 1]} : vector<8x1152xf32> to vector<8x128xf32>
    %max3A_1502 = arith.maximumf %max3A_1500, %slice3A_1501 : vector<8x128xf32>
    %slice3A_1503 = vector.extract_strided_slice %div3A_1486 {offsets = [0, 384], sizes = [8, 128], strides = [1, 1]} : vector<8x1152xf32> to vector<8x128xf32>
    %max3A_1504 = arith.maximumf %max3A_1502, %slice3A_1503 : vector<8x128xf32>
    %slice3A_1505 = vector.extract_strided_slice %div3A_1486 {offsets = [0, 512], sizes = [8, 128], strides = [1, 1]} : vector<8x1152xf32> to vector<8x128xf32>
    %max3A_1506 = arith.maximumf %max3A_1504, %slice3A_1505 : vector<8x128xf32>
    %slice3A_1507 = vector.extract_strided_slice %div3A_1486 {offsets = [0, 640], sizes = [8, 128], strides = [1, 1]} : vector<8x1152xf32> to vector<8x128xf32>
    %max3A_1508 = arith.maximumf %max3A_1506, %slice3A_1507 : vector<8x128xf32>
    %slice3A_1509 = vector.extract_strided_slice %div3A_1486 {offsets = [0, 768], sizes = [8, 128], strides = [1, 1]} : vector<8x1152xf32> to vector<8x128xf32>
    %max3A_1510 = arith.maximumf %max3A_1508, %slice3A_1509 : vector<8x128xf32>
    %slice3A_1511 = vector.extract_strided_slice %div3A_1486 {offsets = [0, 896], sizes = [8, 128], strides = [1, 1]} : vector<8x1152xf32> to vector<8x128xf32>
    %max3A_1512 = arith.maximumf %max3A_1510, %slice3A_1511 : vector<8x128xf32>
    %slice3A_1513 = vector.extract_strided_slice %div3A_1486 {offsets = [0, 1024], sizes = [8, 128], strides = [1, 1]} : vector<8x1152xf32> to vector<8x128xf32>
    %max3A_1514 = arith.maximumf %max3A_1512, %slice3A_1513 : vector<8x128xf32>
    %get3A_1515 = arith.constant 0 : index
    %get3A_1516 = arith.constant 22 : index
    %get3A_1517 = arith.constant 0 : index
    %get3A_1518 = memref.load %arg1[%get3A_1515, %get3A_1516, %get3A_1517] : memref<1x24x4xf32, #tpu.memory_space<smem>>
    %get3A_1519 = arith.constant 0 : index
    %get3A_1520 = arith.constant 22 : index
    %get3A_1521 = arith.constant 1 : index
    %get3A_1522 = memref.load %arg1[%get3A_1519, %get3A_1520, %get3A_1521] : memref<1x24x4xf32, #tpu.memory_space<smem>>
    %get3A_1523 = arith.constant 0 : index
    %get3A_1524 = arith.constant 22 : index
    %get3A_1525 = arith.constant 2 : index
    %get3A_1526 = memref.load %arg1[%get3A_1523, %get3A_1524, %get3A_1525] : memref<1x24x4xf32, #tpu.memory_space<smem>>
    %get3A_1527 = arith.constant 0 : index
    %get3A_1528 = arith.constant 22 : index
    %get3A_1529 = arith.constant 3 : index
    %get3A_1530 = memref.load %arg1[%get3A_1527, %get3A_1528, %get3A_1529] : memref<1x24x4xf32, #tpu.memory_space<smem>>
    %min3A_1531 = vector.broadcast %get3A_1526 : f32 to vector<8x1152xf32>
    %min3A_1532 = arith.minimumf %min3A_1531, %get3A_13 : vector<8x1152xf32>
    %max3A_1533 = vector.broadcast %get3A_1518 : f32 to vector<8x1152xf32>
    %max3A_1534 = arith.maximumf %max3A_1533, %get3A_3 : vector<8x1152xf32>
    %sub3A_1535 = arith.subf %min3A_1532, %max3A_1534 : vector<8x1152xf32>
    %max3A_1536 = arith.constant 0.000000e+00 : f32
    %max3A_1537 = vector.broadcast %max3A_1536 : f32 to vector<8x1152xf32>
    %max3A_1538 = arith.maximumf %sub3A_1535, %max3A_1537 : vector<8x1152xf32>
    %min3A_1539 = vector.broadcast %get3A_1530 : f32 to vector<8x1152xf32>
    %min3A_1540 = arith.minimumf %min3A_1539, %get3A_18 : vector<8x1152xf32>
    %max3A_1541 = vector.broadcast %get3A_1522 : f32 to vector<8x1152xf32>
    %max3A_1542 = arith.maximumf %max3A_1541, %get3A_8 : vector<8x1152xf32>
    %sub3A_1543 = arith.subf %min3A_1540, %max3A_1542 : vector<8x1152xf32>
    %max3A_1544 = arith.constant 0.000000e+00 : f32
    %max3A_1545 = vector.broadcast %max3A_1544 : f32 to vector<8x1152xf32>
    %max3A_1546 = arith.maximumf %sub3A_1543, %max3A_1545 : vector<8x1152xf32>
    %mul3A_1547 = arith.mulf %max3A_1538, %max3A_1546 : vector<8x1152xf32>
    %sub3A_1548 = arith.subf %get3A_1526, %get3A_1518 : f32
    %sub3A_1549 = arith.subf %get3A_1530, %get3A_1522 : f32
    %mul3A_1550 = arith.mulf %sub3A_1548, %sub3A_1549 : f32
    %add3A_1551 = vector.broadcast %mul3A_1550 : f32 to vector<8x1152xf32>
    %add3A_1552 = arith.addf %add3A_1551, %mul3A : vector<8x1152xf32>
    %sub3A_1553 = arith.subf %add3A_1552, %mul3A_1547 : vector<8x1152xf32>
    %div3A_1554 = arith.divf %mul3A_1547, %sub3A_1553 : vector<8x1152xf32>
    %gt3A_1555 = arith.cmpf ogt, %div3A_1554, %select_n3A_1488 : vector<8x1152xf32>
    %select_n3A_1556 = arith.select %gt3A_1555, %div3A_1554, %select_n3A_1488 : vector<8x1152xi1>, vector<8x1152xf32>
    %jit3A_1557 = arith.constant 22 : i32
    %broadcast_in_dim3A_1558 = vector.broadcast %jit3A_1557 : i32 to vector<8x1152xi32>
    %select_n3A_1559 = arith.select %gt3A_1555, %broadcast_in_dim3A_1558, %select_n3A_1491 : vector<8x1152xi1>, vector<8x1152xi32>
    %swap3A_1560 = arith.constant 22 : index
    %swap3A_1561 = arith.constant 0 : index
    %swap3A_1562 = arith.constant 0 : index
    %swap3A_1563 = vector.load %arg9[%swap3A_1560, %swap3A_1561, %swap3A_1562] : memref<24x8x1152xf32, #tpu.memory_space<vmem>>, vector<1x8x1152xf32>
    %swap3A_1564 = vector.shape_cast %swap3A_1563 : vector<1x8x1152xf32> to vector<8x1152xf32>
    %swap3A_1565 = vector.shape_cast %div3A_1554 : vector<8x1152xf32> to vector<1x8x1152xf32>
    tpu.vector_store %arg9[%swap3A_1560, %swap3A_1561, %swap3A_1562], %swap3A_1565 {strides = array<i32>} : memref<24x8x1152xf32, #tpu.memory_space<vmem>>, vector<1x8x1152xf32>,
    %slice3A_1566 = vector.extract_strided_slice %div3A_1554 {offsets = [0, 0], sizes = [8, 128], strides = [1, 1]} : vector<8x1152xf32> to vector<8x128xf32>
    %slice3A_1567 = vector.extract_strided_slice %div3A_1554 {offsets = [0, 128], sizes = [8, 128], strides = [1, 1]} : vector<8x1152xf32> to vector<8x128xf32>
    %max3A_1568 = arith.maximumf %slice3A_1566, %slice3A_1567 : vector<8x128xf32>
    %slice3A_1569 = vector.extract_strided_slice %div3A_1554 {offsets = [0, 256], sizes = [8, 128], strides = [1, 1]} : vector<8x1152xf32> to vector<8x128xf32>
    %max3A_1570 = arith.maximumf %max3A_1568, %slice3A_1569 : vector<8x128xf32>
    %slice3A_1571 = vector.extract_strided_slice %div3A_1554 {offsets = [0, 384], sizes = [8, 128], strides = [1, 1]} : vector<8x1152xf32> to vector<8x128xf32>
    %max3A_1572 = arith.maximumf %max3A_1570, %slice3A_1571 : vector<8x128xf32>
    %slice3A_1573 = vector.extract_strided_slice %div3A_1554 {offsets = [0, 512], sizes = [8, 128], strides = [1, 1]} : vector<8x1152xf32> to vector<8x128xf32>
    %max3A_1574 = arith.maximumf %max3A_1572, %slice3A_1573 : vector<8x128xf32>
    %slice3A_1575 = vector.extract_strided_slice %div3A_1554 {offsets = [0, 640], sizes = [8, 128], strides = [1, 1]} : vector<8x1152xf32> to vector<8x128xf32>
    %max3A_1576 = arith.maximumf %max3A_1574, %slice3A_1575 : vector<8x128xf32>
    %slice3A_1577 = vector.extract_strided_slice %div3A_1554 {offsets = [0, 768], sizes = [8, 128], strides = [1, 1]} : vector<8x1152xf32> to vector<8x128xf32>
    %max3A_1578 = arith.maximumf %max3A_1576, %slice3A_1577 : vector<8x128xf32>
    %slice3A_1579 = vector.extract_strided_slice %div3A_1554 {offsets = [0, 896], sizes = [8, 128], strides = [1, 1]} : vector<8x1152xf32> to vector<8x128xf32>
    %max3A_1580 = arith.maximumf %max3A_1578, %slice3A_1579 : vector<8x128xf32>
    %slice3A_1581 = vector.extract_strided_slice %div3A_1554 {offsets = [0, 1024], sizes = [8, 128], strides = [1, 1]} : vector<8x1152xf32> to vector<8x128xf32>
    %max3A_1582 = arith.maximumf %max3A_1580, %slice3A_1581 : vector<8x128xf32>
    %get3A_1583 = arith.constant 0 : index
    %get3A_1584 = arith.constant 23 : index
    %get3A_1585 = arith.constant 0 : index
    %get3A_1586 = memref.load %arg1[%get3A_1583, %get3A_1584, %get3A_1585] : memref<1x24x4xf32, #tpu.memory_space<smem>>
    %get3A_1587 = arith.constant 0 : index
    %get3A_1588 = arith.constant 23 : index
    %get3A_1589 = arith.constant 1 : index
    %get3A_1590 = memref.load %arg1[%get3A_1587, %get3A_1588, %get3A_1589] : memref<1x24x4xf32, #tpu.memory_space<smem>>
    %get3A_1591 = arith.constant 0 : index
    %get3A_1592 = arith.constant 23 : index
    %get3A_1593 = arith.constant 2 : index
    %get3A_1594 = memref.load %arg1[%get3A_1591, %get3A_1592, %get3A_1593] : memref<1x24x4xf32, #tpu.memory_space<smem>>
    %get3A_1595 = arith.constant 0 : index
    %get3A_1596 = arith.constant 23 : index
    %get3A_1597 = arith.constant 3 : index
    %get3A_1598 = memref.load %arg1[%get3A_1595, %get3A_1596, %get3A_1597] : memref<1x24x4xf32, #tpu.memory_space<smem>>
    %min3A_1599 = vector.broadcast %get3A_1594 : f32 to vector<8x1152xf32>
    %min3A_1600 = arith.minimumf %min3A_1599, %get3A_13 : vector<8x1152xf32>
    %max3A_1601 = vector.broadcast %get3A_1586 : f32 to vector<8x1152xf32>
    %max3A_1602 = arith.maximumf %max3A_1601, %get3A_3 : vector<8x1152xf32>
    %sub3A_1603 = arith.subf %min3A_1600, %max3A_1602 : vector<8x1152xf32>
    %max3A_1604 = arith.constant 0.000000e+00 : f32
    %max3A_1605 = vector.broadcast %max3A_1604 : f32 to vector<8x1152xf32>
    %max3A_1606 = arith.maximumf %sub3A_1603, %max3A_1605 : vector<8x1152xf32>
    %min3A_1607 = vector.broadcast %get3A_1598 : f32 to vector<8x1152xf32>
    %min3A_1608 = arith.minimumf %min3A_1607, %get3A_18 : vector<8x1152xf32>
    %max3A_1609 = vector.broadcast %get3A_1590 : f32 to vector<8x1152xf32>
    %max3A_1610 = arith.maximumf %max3A_1609, %get3A_8 : vector<8x1152xf32>
    %sub3A_1611 = arith.subf %min3A_1608, %max3A_1610 : vector<8x1152xf32>
    %max3A_1612 = arith.constant 0.000000e+00 : f32
    %max3A_1613 = vector.broadcast %max3A_1612 : f32 to vector<8x1152xf32>
    %max3A_1614 = arith.maximumf %sub3A_1611, %max3A_1613 : vector<8x1152xf32>
    %mul3A_1615 = arith.mulf %max3A_1606, %max3A_1614 : vector<8x1152xf32>
    %sub3A_1616 = arith.subf %get3A_1594, %get3A_1586 : f32
    %sub3A_1617 = arith.subf %get3A_1598, %get3A_1590 : f32
    %mul3A_1618 = arith.mulf %sub3A_1616, %sub3A_1617 : f32
    %add3A_1619 = vector.broadcast %mul3A_1618 : f32 to vector<8x1152xf32>
    %add3A_1620 = arith.addf %add3A_1619, %mul3A : vector<8x1152xf32>
    %sub3A_1621 = arith.subf %add3A_1620, %mul3A_1615 : vector<8x1152xf32>
    %div3A_1622 = arith.divf %mul3A_1615, %sub3A_1621 : vector<8x1152xf32>
    %gt3A_1623 = arith.cmpf ogt, %div3A_1622, %select_n3A_1556 : vector<8x1152xf32>
    %select_n3A_1624 = arith.select %gt3A_1623, %div3A_1622, %select_n3A_1556 : vector<8x1152xi1>, vector<8x1152xf32>
    %jit3A_1625 = arith.constant 23 : i32
    %broadcast_in_dim3A_1626 = vector.broadcast %jit3A_1625 : i32 to vector<8x1152xi32>
    %select_n3A_1627 = arith.select %gt3A_1623, %broadcast_in_dim3A_1626, %select_n3A_1559 : vector<8x1152xi1>, vector<8x1152xi32>
    %swap3A_1628 = arith.constant 23 : index
    %swap3A_1629 = arith.constant 0 : index
    %swap3A_1630 = arith.constant 0 : index
    %swap3A_1631 = vector.load %arg9[%swap3A_1628, %swap3A_1629, %swap3A_1630] : memref<24x8x1152xf32, #tpu.memory_space<vmem>>, vector<1x8x1152xf32>
    %swap3A_1632 = vector.shape_cast %swap3A_1631 : vector<1x8x1152xf32> to vector<8x1152xf32>
    %swap3A_1633 = vector.shape_cast %div3A_1622 : vector<8x1152xf32> to vector<1x8x1152xf32>
    tpu.vector_store %arg9[%swap3A_1628, %swap3A_1629, %swap3A_1630], %swap3A_1633 {strides = array<i32>} : memref<24x8x1152xf32, #tpu.memory_space<vmem>>, vector<1x8x1152xf32>,
    %slice3A_1634 = vector.extract_strided_slice %div3A_1622 {offsets = [0, 0], sizes = [8, 128], strides = [1, 1]} : vector<8x1152xf32> to vector<8x128xf32>
    %slice3A_1635 = vector.extract_strided_slice %div3A_1622 {offsets = [0, 128], sizes = [8, 128], strides = [1, 1]} : vector<8x1152xf32> to vector<8x128xf32>
    %max3A_1636 = arith.maximumf %slice3A_1634, %slice3A_1635 : vector<8x128xf32>
    %slice3A_1637 = vector.extract_strided_slice %div3A_1622 {offsets = [0, 256], sizes = [8, 128], strides = [1, 1]} : vector<8x1152xf32> to vector<8x128xf32>
    %max3A_1638 = arith.maximumf %max3A_1636, %slice3A_1637 : vector<8x128xf32>
    %slice3A_1639 = vector.extract_strided_slice %div3A_1622 {offsets = [0, 384], sizes = [8, 128], strides = [1, 1]} : vector<8x1152xf32> to vector<8x128xf32>
    %max3A_1640 = arith.maximumf %max3A_1638, %slice3A_1639 : vector<8x128xf32>
    %slice3A_1641 = vector.extract_strided_slice %div3A_1622 {offsets = [0, 512], sizes = [8, 128], strides = [1, 1]} : vector<8x1152xf32> to vector<8x128xf32>
    %max3A_1642 = arith.maximumf %max3A_1640, %slice3A_1641 : vector<8x128xf32>
    %slice3A_1643 = vector.extract_strided_slice %div3A_1622 {offsets = [0, 640], sizes = [8, 128], strides = [1, 1]} : vector<8x1152xf32> to vector<8x128xf32>
    %max3A_1644 = arith.maximumf %max3A_1642, %slice3A_1643 : vector<8x128xf32>
    %slice3A_1645 = vector.extract_strided_slice %div3A_1622 {offsets = [0, 768], sizes = [8, 128], strides = [1, 1]} : vector<8x1152xf32> to vector<8x128xf32>
    %max3A_1646 = arith.maximumf %max3A_1644, %slice3A_1645 : vector<8x128xf32>
    %slice3A_1647 = vector.extract_strided_slice %div3A_1622 {offsets = [0, 896], sizes = [8, 128], strides = [1, 1]} : vector<8x1152xf32> to vector<8x128xf32>
    %max3A_1648 = arith.maximumf %max3A_1646, %slice3A_1647 : vector<8x128xf32>
    %slice3A_1649 = vector.extract_strided_slice %div3A_1622 {offsets = [0, 1024], sizes = [8, 128], strides = [1, 1]} : vector<8x1152xf32> to vector<8x128xf32>
    %max3A_1650 = arith.maximumf %max3A_1648, %slice3A_1649 : vector<8x128xf32>
    %stack3A = vector.shape_cast %max3A_86 : vector<8x128xf32> to vector<1x8x128xf32>
    %stack3A_1651 = vector.shape_cast %max3A_154 : vector<8x128xf32> to vector<1x8x128xf32>
    %stack3A_1652 = vector.shape_cast %max3A_222 : vector<8x128xf32> to vector<1x8x128xf32>
    %stack3A_1653 = vector.shape_cast %max3A_290 : vector<8x128xf32> to vector<1x8x128xf32>
    %stack3A_1654 = vector.shape_cast %max3A_358 : vector<8x128xf32> to vector<1x8x128xf32>
    %stack3A_1655 = vector.shape_cast %max3A_426 : vector<8x128xf32> to vector<1x8x128xf32>
    %stack3A_1656 = vector.shape_cast %max3A_494 : vector<8x128xf32> to vector<1x8x128xf32>
    %stack3A_1657 = vector.shape_cast %max3A_562 : vector<8x128xf32> to vector<1x8x128xf32>
    %stack3A_1658 = vector.shape_cast %max3A_630 : vector<8x128xf32> to vector<1x8x128xf32>
    %stack3A_1659 = vector.shape_cast %max3A_698 : vector<8x128xf32> to vector<1x8x128xf32>
    %stack3A_1660 = vector.shape_cast %max3A_766 : vector<8x128xf32> to vector<1x8x128xf32>
    %stack3A_1661 = vector.shape_cast %max3A_834 : vector<8x128xf32> to vector<1x8x128xf32>
    %stack3A_1662 = vector.shape_cast %max3A_902 : vector<8x128xf32> to vector<1x8x128xf32>
    %stack3A_1663 = vector.shape_cast %max3A_970 : vector<8x128xf32> to vector<1x8x128xf32>
    %stack3A_1664 = vector.shape_cast %max3A_1038 : vector<8x128xf32> to vector<1x8x128xf32>
    %stack3A_1665 = vector.shape_cast %max3A_1106 : vector<8x128xf32> to vector<1x8x128xf32>
    %stack3A_1666 = vector.shape_cast %max3A_1174 : vector<8x128xf32> to vector<1x8x128xf32>
    %stack3A_1667 = vector.shape_cast %max3A_1242 : vector<8x128xf32> to vector<1x8x128xf32>
    %stack3A_1668 = vector.shape_cast %max3A_1310 : vector<8x128xf32> to vector<1x8x128xf32>
    %stack3A_1669 = vector.shape_cast %max3A_1378 : vector<8x128xf32> to vector<1x8x128xf32>
    %stack3A_1670 = vector.shape_cast %max3A_1446 : vector<8x128xf32> to vector<1x8x128xf32>
    %stack3A_1671 = vector.shape_cast %max3A_1514 : vector<8x128xf32> to vector<1x8x128xf32>
    %stack3A_1672 = vector.shape_cast %max3A_1582 : vector<8x128xf32> to vector<1x8x128xf32>
    %stack3A_1673 = vector.shape_cast %max3A_1650 : vector<8x128xf32> to vector<1x8x128xf32>
    %stack3A_1674 = tpu.concatenate %stack3A, %stack3A_1651, %stack3A_1652, %stack3A_1653, %stack3A_1654, %stack3A_1655, %stack3A_1656, %stack3A_1657, %stack3A_1658, %stack3A_1659, %stack3A_1660, %stack3A_1661, %stack3A_1662, %stack3A_1663, %stack3A_1664, %stack3A_1665, %stack3A_1666, %stack3A_1667, %stack3A_1668, %stack3A_1669, %stack3A_1670, %stack3A_1671, %stack3A_1672, %stack3A_1673 in 0 : vector<1x8x128xf32>, vector<1x8x128xf32>, vector<1x8x128xf32>, vector<1x8x128xf32>, vector<1x8x128xf32>, vector<1x8x128xf32>, vector<1x8x128xf32>, vector<1x8x128xf32>, vector<1x8x128xf32>, vector<1x8x128xf32>, vector<1x8x128xf32>, vector<1x8x128xf32>, vector<1x8x128xf32>, vector<1x8x128xf32>, vector<1x8x128xf32>, vector<1x8x128xf32>, vector<1x8x128xf32>, vector<1x8x128xf32>, vector<1x8x128xf32>, vector<1x8x128xf32>, vector<1x8x128xf32>, vector<1x8x128xf32>, vector<1x8x128xf32>, vector<1x8x128xf32> -> vector<24x8x128xf32>
    %reduce_max3A = arith.constant dense<0xFF800000> : vector<24xf32>
    %reduce_max3A_1675 = vector.multi_reduction <maximumf>, %stack3A_1674, %reduce_max3A [1, 2] : vector<24x8x128xf32> to vector<24xf32>
    %slice3A_1676 = vector.extract_strided_slice %reduce_max3A_1675 {offsets = [0], sizes = [1], strides = [1]} : vector<24xf32> to vector<1xf32>
    %reshape3A = vector.shape_cast %slice3A_1676 : vector<1xf32> to vector<1x1xf32>
    %get3A_1677 = arith.constant 0 : index
    %get3A_1678 = arith.constant 0 : index
    %get3A_1679 = arith.constant 0 : index
    %get3A_1680 = vector.load %arg9[%get3A_1677, %get3A_1678, %get3A_1679] : memref<24x8x1152xf32, #tpu.memory_space<vmem>>, vector<1x8x1152xf32>
    %get3A_1681 = vector.shape_cast %get3A_1680 : vector<1x8x1152xf32> to vector<8x1152xf32>
    %eq3A = vector.broadcast %reshape3A : vector<1x1xf32> to vector<8x1152xf32>
    %eq3A_1682 = arith.cmpf oeq, %get3A_1681, %eq3A : vector<8x1152xf32>
    %jit3A_1683 = arith.constant 9216 : i32
    %broadcast_in_dim3A_1684 = vector.broadcast %jit3A_1683 : i32 to vector<8x1152xi32>
    %select_n3A_1685 = arith.select %eq3A_1682, %add3A, %broadcast_in_dim3A_1684 : vector<8x1152xi1>, vector<8x1152xi32>
    %slice3A_1686 = vector.extract_strided_slice %select_n3A_1685 {offsets = [0, 0], sizes = [8, 128], strides = [1, 1]} : vector<8x1152xi32> to vector<8x128xi32>
    %slice3A_1687 = vector.extract_strided_slice %select_n3A_1685 {offsets = [0, 128], sizes = [8, 128], strides = [1, 1]} : vector<8x1152xi32> to vector<8x128xi32>
    %min3A_1688 = arith.minsi %slice3A_1686, %slice3A_1687 : vector<8x128xi32>
    %slice3A_1689 = vector.extract_strided_slice %select_n3A_1685 {offsets = [0, 256], sizes = [8, 128], strides = [1, 1]} : vector<8x1152xi32> to vector<8x128xi32>
    %min3A_1690 = arith.minsi %min3A_1688, %slice3A_1689 : vector<8x128xi32>
    %slice3A_1691 = vector.extract_strided_slice %select_n3A_1685 {offsets = [0, 384], sizes = [8, 128], strides = [1, 1]} : vector<8x1152xi32> to vector<8x128xi32>
    %min3A_1692 = arith.minsi %min3A_1690, %slice3A_1691 : vector<8x128xi32>
    %slice3A_1693 = vector.extract_strided_slice %select_n3A_1685 {offsets = [0, 512], sizes = [8, 128], strides = [1, 1]} : vector<8x1152xi32> to vector<8x128xi32>
    %min3A_1694 = arith.minsi %min3A_1692, %slice3A_1693 : vector<8x128xi32>
    %slice3A_1695 = vector.extract_strided_slice %select_n3A_1685 {offsets = [0, 640], sizes = [8, 128], strides = [1, 1]} : vector<8x1152xi32> to vector<8x128xi32>
    %min3A_1696 = arith.minsi %min3A_1694, %slice3A_1695 : vector<8x128xi32>
    %slice3A_1697 = vector.extract_strided_slice %select_n3A_1685 {offsets = [0, 768], sizes = [8, 128], strides = [1, 1]} : vector<8x1152xi32> to vector<8x128xi32>
    %min3A_1698 = arith.minsi %min3A_1696, %slice3A_1697 : vector<8x128xi32>
    %slice3A_1699 = vector.extract_strided_slice %select_n3A_1685 {offsets = [0, 896], sizes = [8, 128], strides = [1, 1]} : vector<8x1152xi32> to vector<8x128xi32>
    %min3A_1700 = arith.minsi %min3A_1698, %slice3A_1699 : vector<8x128xi32>
    %slice3A_1701 = vector.extract_strided_slice %select_n3A_1685 {offsets = [0, 1024], sizes = [8, 128], strides = [1, 1]} : vector<8x1152xi32> to vector<8x128xi32>
    %min3A_1702 = arith.minsi %min3A_1700, %slice3A_1701 : vector<8x128xi32>
    %slice3A_1703 = vector.extract_strided_slice %reduce_max3A_1675 {offsets = [1], sizes = [1], strides = [1]} : vector<24xf32> to vector<1xf32>
    %reshape3A_1704 = vector.shape_cast %slice3A_1703 : vector<1xf32> to vector<1x1xf32>
    %get3A_1705 = arith.constant 1 : index
    %get3A_1706 = arith.constant 0 : index
    %get3A_1707 = arith.constant 0 : index
    %get3A_1708 = vector.load %arg9[%get3A_1705, %get3A_1706, %get3A_1707] : memref<24x8x1152xf32, #tpu.memory_space<vmem>>, vector<1x8x1152xf32>
    %get3A_1709 = vector.shape_cast %get3A_1708 : vector<1x8x1152xf32> to vector<8x1152xf32>
    %eq3A_1710 = vector.broadcast %reshape3A_1704 : vector<1x1xf32> to vector<8x1152xf32>
    %eq3A_1711 = arith.cmpf oeq, %get3A_1709, %eq3A_1710 : vector<8x1152xf32>
    %jit3A_1712 = arith.constant 9216 : i32
    %broadcast_in_dim3A_1713 = vector.broadcast %jit3A_1712 : i32 to vector<8x1152xi32>
    %select_n3A_1714 = arith.select %eq3A_1711, %add3A, %broadcast_in_dim3A_1713 : vector<8x1152xi1>, vector<8x1152xi32>
    %slice3A_1715 = vector.extract_strided_slice %select_n3A_1714 {offsets = [0, 0], sizes = [8, 128], strides = [1, 1]} : vector<8x1152xi32> to vector<8x128xi32>
    %slice3A_1716 = vector.extract_strided_slice %select_n3A_1714 {offsets = [0, 128], sizes = [8, 128], strides = [1, 1]} : vector<8x1152xi32> to vector<8x128xi32>
    %min3A_1717 = arith.minsi %slice3A_1715, %slice3A_1716 : vector<8x128xi32>
    %slice3A_1718 = vector.extract_strided_slice %select_n3A_1714 {offsets = [0, 256], sizes = [8, 128], strides = [1, 1]} : vector<8x1152xi32> to vector<8x128xi32>
    %min3A_1719 = arith.minsi %min3A_1717, %slice3A_1718 : vector<8x128xi32>
    %slice3A_1720 = vector.extract_strided_slice %select_n3A_1714 {offsets = [0, 384], sizes = [8, 128], strides = [1, 1]} : vector<8x1152xi32> to vector<8x128xi32>
    %min3A_1721 = arith.minsi %min3A_1719, %slice3A_1720 : vector<8x128xi32>
    %slice3A_1722 = vector.extract_strided_slice %select_n3A_1714 {offsets = [0, 512], sizes = [8, 128], strides = [1, 1]} : vector<8x1152xi32> to vector<8x128xi32>
    %min3A_1723 = arith.minsi %min3A_1721, %slice3A_1722 : vector<8x128xi32>
    %slice3A_1724 = vector.extract_strided_slice %select_n3A_1714 {offsets = [0, 640], sizes = [8, 128], strides = [1, 1]} : vector<8x1152xi32> to vector<8x128xi32>
    %min3A_1725 = arith.minsi %min3A_1723, %slice3A_1724 : vector<8x128xi32>
    %slice3A_1726 = vector.extract_strided_slice %select_n3A_1714 {offsets = [0, 768], sizes = [8, 128], strides = [1, 1]} : vector<8x1152xi32> to vector<8x128xi32>
    %min3A_1727 = arith.minsi %min3A_1725, %slice3A_1726 : vector<8x128xi32>
    %slice3A_1728 = vector.extract_strided_slice %select_n3A_1714 {offsets = [0, 896], sizes = [8, 128], strides = [1, 1]} : vector<8x1152xi32> to vector<8x128xi32>
    %min3A_1729 = arith.minsi %min3A_1727, %slice3A_1728 : vector<8x128xi32>
    %slice3A_1730 = vector.extract_strided_slice %select_n3A_1714 {offsets = [0, 1024], sizes = [8, 128], strides = [1, 1]} : vector<8x1152xi32> to vector<8x128xi32>
    %min3A_1731 = arith.minsi %min3A_1729, %slice3A_1730 : vector<8x128xi32>
    %slice3A_1732 = vector.extract_strided_slice %reduce_max3A_1675 {offsets = [2], sizes = [1], strides = [1]} : vector<24xf32> to vector<1xf32>
    %reshape3A_1733 = vector.shape_cast %slice3A_1732 : vector<1xf32> to vector<1x1xf32>
    %get3A_1734 = arith.constant 2 : index
    %get3A_1735 = arith.constant 0 : index
    %get3A_1736 = arith.constant 0 : index
    %get3A_1737 = vector.load %arg9[%get3A_1734, %get3A_1735, %get3A_1736] : memref<24x8x1152xf32, #tpu.memory_space<vmem>>, vector<1x8x1152xf32>
    %get3A_1738 = vector.shape_cast %get3A_1737 : vector<1x8x1152xf32> to vector<8x1152xf32>
    %eq3A_1739 = vector.broadcast %reshape3A_1733 : vector<1x1xf32> to vector<8x1152xf32>
    %eq3A_1740 = arith.cmpf oeq, %get3A_1738, %eq3A_1739 : vector<8x1152xf32>
    %jit3A_1741 = arith.constant 9216 : i32
    %broadcast_in_dim3A_1742 = vector.broadcast %jit3A_1741 : i32 to vector<8x1152xi32>
    %select_n3A_1743 = arith.select %eq3A_1740, %add3A, %broadcast_in_dim3A_1742 : vector<8x1152xi1>, vector<8x1152xi32>
    %slice3A_1744 = vector.extract_strided_slice %select_n3A_1743 {offsets = [0, 0], sizes = [8, 128], strides = [1, 1]} : vector<8x1152xi32> to vector<8x128xi32>
    %slice3A_1745 = vector.extract_strided_slice %select_n3A_1743 {offsets = [0, 128], sizes = [8, 128], strides = [1, 1]} : vector<8x1152xi32> to vector<8x128xi32>
    %min3A_1746 = arith.minsi %slice3A_1744, %slice3A_1745 : vector<8x128xi32>
    %slice3A_1747 = vector.extract_strided_slice %select_n3A_1743 {offsets = [0, 256], sizes = [8, 128], strides = [1, 1]} : vector<8x1152xi32> to vector<8x128xi32>
    %min3A_1748 = arith.minsi %min3A_1746, %slice3A_1747 : vector<8x128xi32>
    %slice3A_1749 = vector.extract_strided_slice %select_n3A_1743 {offsets = [0, 384], sizes = [8, 128], strides = [1, 1]} : vector<8x1152xi32> to vector<8x128xi32>
    %min3A_1750 = arith.minsi %min3A_1748, %slice3A_1749 : vector<8x128xi32>
    %slice3A_1751 = vector.extract_strided_slice %select_n3A_1743 {offsets = [0, 512], sizes = [8, 128], strides = [1, 1]} : vector<8x1152xi32> to vector<8x128xi32>
    %min3A_1752 = arith.minsi %min3A_1750, %slice3A_1751 : vector<8x128xi32>
    %slice3A_1753 = vector.extract_strided_slice %select_n3A_1743 {offsets = [0, 640], sizes = [8, 128], strides = [1, 1]} : vector<8x1152xi32> to vector<8x128xi32>
    %min3A_1754 = arith.minsi %min3A_1752, %slice3A_1753 : vector<8x128xi32>
    %slice3A_1755 = vector.extract_strided_slice %select_n3A_1743 {offsets = [0, 768], sizes = [8, 128], strides = [1, 1]} : vector<8x1152xi32> to vector<8x128xi32>
    %min3A_1756 = arith.minsi %min3A_1754, %slice3A_1755 : vector<8x128xi32>
    %slice3A_1757 = vector.extract_strided_slice %select_n3A_1743 {offsets = [0, 896], sizes = [8, 128], strides = [1, 1]} : vector<8x1152xi32> to vector<8x128xi32>
    %min3A_1758 = arith.minsi %min3A_1756, %slice3A_1757 : vector<8x128xi32>
    %slice3A_1759 = vector.extract_strided_slice %select_n3A_1743 {offsets = [0, 1024], sizes = [8, 128], strides = [1, 1]} : vector<8x1152xi32> to vector<8x128xi32>
    %min3A_1760 = arith.minsi %min3A_1758, %slice3A_1759 : vector<8x128xi32>
    %slice3A_1761 = vector.extract_strided_slice %reduce_max3A_1675 {offsets = [3], sizes = [1], strides = [1]} : vector<24xf32> to vector<1xf32>
    %reshape3A_1762 = vector.shape_cast %slice3A_1761 : vector<1xf32> to vector<1x1xf32>
    %get3A_1763 = arith.constant 3 : index
    %get3A_1764 = arith.constant 0 : index
    %get3A_1765 = arith.constant 0 : index
    %get3A_1766 = vector.load %arg9[%get3A_1763, %get3A_1764, %get3A_1765] : memref<24x8x1152xf32, #tpu.memory_space<vmem>>, vector<1x8x1152xf32>
    %get3A_1767 = vector.shape_cast %get3A_1766 : vector<1x8x1152xf32> to vector<8x1152xf32>
    %eq3A_1768 = vector.broadcast %reshape3A_1762 : vector<1x1xf32> to vector<8x1152xf32>
    %eq3A_1769 = arith.cmpf oeq, %get3A_1767, %eq3A_1768 : vector<8x1152xf32>
    %jit3A_1770 = arith.constant 9216 : i32
    %broadcast_in_dim3A_1771 = vector.broadcast %jit3A_1770 : i32 to vector<8x1152xi32>
    %select_n3A_1772 = arith.select %eq3A_1769, %add3A, %broadcast_in_dim3A_1771 : vector<8x1152xi1>, vector<8x1152xi32>
    %slice3A_1773 = vector.extract_strided_slice %select_n3A_1772 {offsets = [0, 0], sizes = [8, 128], strides = [1, 1]} : vector<8x1152xi32> to vector<8x128xi32>
    %slice3A_1774 = vector.extract_strided_slice %select_n3A_1772 {offsets = [0, 128], sizes = [8, 128], strides = [1, 1]} : vector<8x1152xi32> to vector<8x128xi32>
    %min3A_1775 = arith.minsi %slice3A_1773, %slice3A_1774 : vector<8x128xi32>
    %slice3A_1776 = vector.extract_strided_slice %select_n3A_1772 {offsets = [0, 256], sizes = [8, 128], strides = [1, 1]} : vector<8x1152xi32> to vector<8x128xi32>
    %min3A_1777 = arith.minsi %min3A_1775, %slice3A_1776 : vector<8x128xi32>
    %slice3A_1778 = vector.extract_strided_slice %select_n3A_1772 {offsets = [0, 384], sizes = [8, 128], strides = [1, 1]} : vector<8x1152xi32> to vector<8x128xi32>
    %min3A_1779 = arith.minsi %min3A_1777, %slice3A_1778 : vector<8x128xi32>
    %slice3A_1780 = vector.extract_strided_slice %select_n3A_1772 {offsets = [0, 512], sizes = [8, 128], strides = [1, 1]} : vector<8x1152xi32> to vector<8x128xi32>
    %min3A_1781 = arith.minsi %min3A_1779, %slice3A_1780 : vector<8x128xi32>
    %slice3A_1782 = vector.extract_strided_slice %select_n3A_1772 {offsets = [0, 640], sizes = [8, 128], strides = [1, 1]} : vector<8x1152xi32> to vector<8x128xi32>
    %min3A_1783 = arith.minsi %min3A_1781, %slice3A_1782 : vector<8x128xi32>
    %slice3A_1784 = vector.extract_strided_slice %select_n3A_1772 {offsets = [0, 768], sizes = [8, 128], strides = [1, 1]} : vector<8x1152xi32> to vector<8x128xi32>
    %min3A_1785 = arith.minsi %min3A_1783, %slice3A_1784 : vector<8x128xi32>
    %slice3A_1786 = vector.extract_strided_slice %select_n3A_1772 {offsets = [0, 896], sizes = [8, 128], strides = [1, 1]} : vector<8x1152xi32> to vector<8x128xi32>
    %min3A_1787 = arith.minsi %min3A_1785, %slice3A_1786 : vector<8x128xi32>
    %slice3A_1788 = vector.extract_strided_slice %select_n3A_1772 {offsets = [0, 1024], sizes = [8, 128], strides = [1, 1]} : vector<8x1152xi32> to vector<8x128xi32>
    %min3A_1789 = arith.minsi %min3A_1787, %slice3A_1788 : vector<8x128xi32>
    %slice3A_1790 = vector.extract_strided_slice %reduce_max3A_1675 {offsets = [4], sizes = [1], strides = [1]} : vector<24xf32> to vector<1xf32>
    %reshape3A_1791 = vector.shape_cast %slice3A_1790 : vector<1xf32> to vector<1x1xf32>
    %get3A_1792 = arith.constant 4 : index
    %get3A_1793 = arith.constant 0 : index
    %get3A_1794 = arith.constant 0 : index
    %get3A_1795 = vector.load %arg9[%get3A_1792, %get3A_1793, %get3A_1794] : memref<24x8x1152xf32, #tpu.memory_space<vmem>>, vector<1x8x1152xf32>
    %get3A_1796 = vector.shape_cast %get3A_1795 : vector<1x8x1152xf32> to vector<8x1152xf32>
    %eq3A_1797 = vector.broadcast %reshape3A_1791 : vector<1x1xf32> to vector<8x1152xf32>
    %eq3A_1798 = arith.cmpf oeq, %get3A_1796, %eq3A_1797 : vector<8x1152xf32>
    %jit3A_1799 = arith.constant 9216 : i32
    %broadcast_in_dim3A_1800 = vector.broadcast %jit3A_1799 : i32 to vector<8x1152xi32>
    %select_n3A_1801 = arith.select %eq3A_1798, %add3A, %broadcast_in_dim3A_1800 : vector<8x1152xi1>, vector<8x1152xi32>
    %slice3A_1802 = vector.extract_strided_slice %select_n3A_1801 {offsets = [0, 0], sizes = [8, 128], strides = [1, 1]} : vector<8x1152xi32> to vector<8x128xi32>
    %slice3A_1803 = vector.extract_strided_slice %select_n3A_1801 {offsets = [0, 128], sizes = [8, 128], strides = [1, 1]} : vector<8x1152xi32> to vector<8x128xi32>
    %min3A_1804 = arith.minsi %slice3A_1802, %slice3A_1803 : vector<8x128xi32>
    %slice3A_1805 = vector.extract_strided_slice %select_n3A_1801 {offsets = [0, 256], sizes = [8, 128], strides = [1, 1]} : vector<8x1152xi32> to vector<8x128xi32>
    %min3A_1806 = arith.minsi %min3A_1804, %slice3A_1805 : vector<8x128xi32>
    %slice3A_1807 = vector.extract_strided_slice %select_n3A_1801 {offsets = [0, 384], sizes = [8, 128], strides = [1, 1]} : vector<8x1152xi32> to vector<8x128xi32>
    %min3A_1808 = arith.minsi %min3A_1806, %slice3A_1807 : vector<8x128xi32>
    %slice3A_1809 = vector.extract_strided_slice %select_n3A_1801 {offsets = [0, 512], sizes = [8, 128], strides = [1, 1]} : vector<8x1152xi32> to vector<8x128xi32>
    %min3A_1810 = arith.minsi %min3A_1808, %slice3A_1809 : vector<8x128xi32>
    %slice3A_1811 = vector.extract_strided_slice %select_n3A_1801 {offsets = [0, 640], sizes = [8, 128], strides = [1, 1]} : vector<8x1152xi32> to vector<8x128xi32>
    %min3A_1812 = arith.minsi %min3A_1810, %slice3A_1811 : vector<8x128xi32>
    %slice3A_1813 = vector.extract_strided_slice %select_n3A_1801 {offsets = [0, 768], sizes = [8, 128], strides = [1, 1]} : vector<8x1152xi32> to vector<8x128xi32>
    %min3A_1814 = arith.minsi %min3A_1812, %slice3A_1813 : vector<8x128xi32>
    %slice3A_1815 = vector.extract_strided_slice %select_n3A_1801 {offsets = [0, 896], sizes = [8, 128], strides = [1, 1]} : vector<8x1152xi32> to vector<8x128xi32>
    %min3A_1816 = arith.minsi %min3A_1814, %slice3A_1815 : vector<8x128xi32>
    %slice3A_1817 = vector.extract_strided_slice %select_n3A_1801 {offsets = [0, 1024], sizes = [8, 128], strides = [1, 1]} : vector<8x1152xi32> to vector<8x128xi32>
    %min3A_1818 = arith.minsi %min3A_1816, %slice3A_1817 : vector<8x128xi32>
    %slice3A_1819 = vector.extract_strided_slice %reduce_max3A_1675 {offsets = [5], sizes = [1], strides = [1]} : vector<24xf32> to vector<1xf32>
    %reshape3A_1820 = vector.shape_cast %slice3A_1819 : vector<1xf32> to vector<1x1xf32>
    %get3A_1821 = arith.constant 5 : index
    %get3A_1822 = arith.constant 0 : index
    %get3A_1823 = arith.constant 0 : index
    %get3A_1824 = vector.load %arg9[%get3A_1821, %get3A_1822, %get3A_1823] : memref<24x8x1152xf32, #tpu.memory_space<vmem>>, vector<1x8x1152xf32>
    %get3A_1825 = vector.shape_cast %get3A_1824 : vector<1x8x1152xf32> to vector<8x1152xf32>
    %eq3A_1826 = vector.broadcast %reshape3A_1820 : vector<1x1xf32> to vector<8x1152xf32>
    %eq3A_1827 = arith.cmpf oeq, %get3A_1825, %eq3A_1826 : vector<8x1152xf32>
    %jit3A_1828 = arith.constant 9216 : i32
    %broadcast_in_dim3A_1829 = vector.broadcast %jit3A_1828 : i32 to vector<8x1152xi32>
    %select_n3A_1830 = arith.select %eq3A_1827, %add3A, %broadcast_in_dim3A_1829 : vector<8x1152xi1>, vector<8x1152xi32>
    %slice3A_1831 = vector.extract_strided_slice %select_n3A_1830 {offsets = [0, 0], sizes = [8, 128], strides = [1, 1]} : vector<8x1152xi32> to vector<8x128xi32>
    %slice3A_1832 = vector.extract_strided_slice %select_n3A_1830 {offsets = [0, 128], sizes = [8, 128], strides = [1, 1]} : vector<8x1152xi32> to vector<8x128xi32>
    %min3A_1833 = arith.minsi %slice3A_1831, %slice3A_1832 : vector<8x128xi32>
    %slice3A_1834 = vector.extract_strided_slice %select_n3A_1830 {offsets = [0, 256], sizes = [8, 128], strides = [1, 1]} : vector<8x1152xi32> to vector<8x128xi32>
    %min3A_1835 = arith.minsi %min3A_1833, %slice3A_1834 : vector<8x128xi32>
    %slice3A_1836 = vector.extract_strided_slice %select_n3A_1830 {offsets = [0, 384], sizes = [8, 128], strides = [1, 1]} : vector<8x1152xi32> to vector<8x128xi32>
    %min3A_1837 = arith.minsi %min3A_1835, %slice3A_1836 : vector<8x128xi32>
    %slice3A_1838 = vector.extract_strided_slice %select_n3A_1830 {offsets = [0, 512], sizes = [8, 128], strides = [1, 1]} : vector<8x1152xi32> to vector<8x128xi32>
    %min3A_1839 = arith.minsi %min3A_1837, %slice3A_1838 : vector<8x128xi32>
    %slice3A_1840 = vector.extract_strided_slice %select_n3A_1830 {offsets = [0, 640], sizes = [8, 128], strides = [1, 1]} : vector<8x1152xi32> to vector<8x128xi32>
    %min3A_1841 = arith.minsi %min3A_1839, %slice3A_1840 : vector<8x128xi32>
    %slice3A_1842 = vector.extract_strided_slice %select_n3A_1830 {offsets = [0, 768], sizes = [8, 128], strides = [1, 1]} : vector<8x1152xi32> to vector<8x128xi32>
    %min3A_1843 = arith.minsi %min3A_1841, %slice3A_1842 : vector<8x128xi32>
    %slice3A_1844 = vector.extract_strided_slice %select_n3A_1830 {offsets = [0, 896], sizes = [8, 128], strides = [1, 1]} : vector<8x1152xi32> to vector<8x128xi32>
    %min3A_1845 = arith.minsi %min3A_1843, %slice3A_1844 : vector<8x128xi32>
    %slice3A_1846 = vector.extract_strided_slice %select_n3A_1830 {offsets = [0, 1024], sizes = [8, 128], strides = [1, 1]} : vector<8x1152xi32> to vector<8x128xi32>
    %min3A_1847 = arith.minsi %min3A_1845, %slice3A_1846 : vector<8x128xi32>
    %slice3A_1848 = vector.extract_strided_slice %reduce_max3A_1675 {offsets = [6], sizes = [1], strides = [1]} : vector<24xf32> to vector<1xf32>
    %reshape3A_1849 = vector.shape_cast %slice3A_1848 : vector<1xf32> to vector<1x1xf32>
    %get3A_1850 = arith.constant 6 : index
    %get3A_1851 = arith.constant 0 : index
    %get3A_1852 = arith.constant 0 : index
    %get3A_1853 = vector.load %arg9[%get3A_1850, %get3A_1851, %get3A_1852] : memref<24x8x1152xf32, #tpu.memory_space<vmem>>, vector<1x8x1152xf32>
    %get3A_1854 = vector.shape_cast %get3A_1853 : vector<1x8x1152xf32> to vector<8x1152xf32>
    %eq3A_1855 = vector.broadcast %reshape3A_1849 : vector<1x1xf32> to vector<8x1152xf32>
    %eq3A_1856 = arith.cmpf oeq, %get3A_1854, %eq3A_1855 : vector<8x1152xf32>
    %jit3A_1857 = arith.constant 9216 : i32
    %broadcast_in_dim3A_1858 = vector.broadcast %jit3A_1857 : i32 to vector<8x1152xi32>
    %select_n3A_1859 = arith.select %eq3A_1856, %add3A, %broadcast_in_dim3A_1858 : vector<8x1152xi1>, vector<8x1152xi32>
    %slice3A_1860 = vector.extract_strided_slice %select_n3A_1859 {offsets = [0, 0], sizes = [8, 128], strides = [1, 1]} : vector<8x1152xi32> to vector<8x128xi32>
    %slice3A_1861 = vector.extract_strided_slice %select_n3A_1859 {offsets = [0, 128], sizes = [8, 128], strides = [1, 1]} : vector<8x1152xi32> to vector<8x128xi32>
    %min3A_1862 = arith.minsi %slice3A_1860, %slice3A_1861 : vector<8x128xi32>
    %slice3A_1863 = vector.extract_strided_slice %select_n3A_1859 {offsets = [0, 256], sizes = [8, 128], strides = [1, 1]} : vector<8x1152xi32> to vector<8x128xi32>
    %min3A_1864 = arith.minsi %min3A_1862, %slice3A_1863 : vector<8x128xi32>
    %slice3A_1865 = vector.extract_strided_slice %select_n3A_1859 {offsets = [0, 384], sizes = [8, 128], strides = [1, 1]} : vector<8x1152xi32> to vector<8x128xi32>
    %min3A_1866 = arith.minsi %min3A_1864, %slice3A_1865 : vector<8x128xi32>
    %slice3A_1867 = vector.extract_strided_slice %select_n3A_1859 {offsets = [0, 512], sizes = [8, 128], strides = [1, 1]} : vector<8x1152xi32> to vector<8x128xi32>
    %min3A_1868 = arith.minsi %min3A_1866, %slice3A_1867 : vector<8x128xi32>
    %slice3A_1869 = vector.extract_strided_slice %select_n3A_1859 {offsets = [0, 640], sizes = [8, 128], strides = [1, 1]} : vector<8x1152xi32> to vector<8x128xi32>
    %min3A_1870 = arith.minsi %min3A_1868, %slice3A_1869 : vector<8x128xi32>
    %slice3A_1871 = vector.extract_strided_slice %select_n3A_1859 {offsets = [0, 768], sizes = [8, 128], strides = [1, 1]} : vector<8x1152xi32> to vector<8x128xi32>
    %min3A_1872 = arith.minsi %min3A_1870, %slice3A_1871 : vector<8x128xi32>
    %slice3A_1873 = vector.extract_strided_slice %select_n3A_1859 {offsets = [0, 896], sizes = [8, 128], strides = [1, 1]} : vector<8x1152xi32> to vector<8x128xi32>
    %min3A_1874 = arith.minsi %min3A_1872, %slice3A_1873 : vector<8x128xi32>
    %slice3A_1875 = vector.extract_strided_slice %select_n3A_1859 {offsets = [0, 1024], sizes = [8, 128], strides = [1, 1]} : vector<8x1152xi32> to vector<8x128xi32>
    %min3A_1876 = arith.minsi %min3A_1874, %slice3A_1875 : vector<8x128xi32>
    %slice3A_1877 = vector.extract_strided_slice %reduce_max3A_1675 {offsets = [7], sizes = [1], strides = [1]} : vector<24xf32> to vector<1xf32>
    %reshape3A_1878 = vector.shape_cast %slice3A_1877 : vector<1xf32> to vector<1x1xf32>
    %get3A_1879 = arith.constant 7 : index
    %get3A_1880 = arith.constant 0 : index
    %get3A_1881 = arith.constant 0 : index
    %get3A_1882 = vector.load %arg9[%get3A_1879, %get3A_1880, %get3A_1881] : memref<24x8x1152xf32, #tpu.memory_space<vmem>>, vector<1x8x1152xf32>
    %get3A_1883 = vector.shape_cast %get3A_1882 : vector<1x8x1152xf32> to vector<8x1152xf32>
    %eq3A_1884 = vector.broadcast %reshape3A_1878 : vector<1x1xf32> to vector<8x1152xf32>
    %eq3A_1885 = arith.cmpf oeq, %get3A_1883, %eq3A_1884 : vector<8x1152xf32>
    %jit3A_1886 = arith.constant 9216 : i32
    %broadcast_in_dim3A_1887 = vector.broadcast %jit3A_1886 : i32 to vector<8x1152xi32>
    %select_n3A_1888 = arith.select %eq3A_1885, %add3A, %broadcast_in_dim3A_1887 : vector<8x1152xi1>, vector<8x1152xi32>
    %slice3A_1889 = vector.extract_strided_slice %select_n3A_1888 {offsets = [0, 0], sizes = [8, 128], strides = [1, 1]} : vector<8x1152xi32> to vector<8x128xi32>
    %slice3A_1890 = vector.extract_strided_slice %select_n3A_1888 {offsets = [0, 128], sizes = [8, 128], strides = [1, 1]} : vector<8x1152xi32> to vector<8x128xi32>
    %min3A_1891 = arith.minsi %slice3A_1889, %slice3A_1890 : vector<8x128xi32>
    %slice3A_1892 = vector.extract_strided_slice %select_n3A_1888 {offsets = [0, 256], sizes = [8, 128], strides = [1, 1]} : vector<8x1152xi32> to vector<8x128xi32>
    %min3A_1893 = arith.minsi %min3A_1891, %slice3A_1892 : vector<8x128xi32>
    %slice3A_1894 = vector.extract_strided_slice %select_n3A_1888 {offsets = [0, 384], sizes = [8, 128], strides = [1, 1]} : vector<8x1152xi32> to vector<8x128xi32>
    %min3A_1895 = arith.minsi %min3A_1893, %slice3A_1894 : vector<8x128xi32>
    %slice3A_1896 = vector.extract_strided_slice %select_n3A_1888 {offsets = [0, 512], sizes = [8, 128], strides = [1, 1]} : vector<8x1152xi32> to vector<8x128xi32>
    %min3A_1897 = arith.minsi %min3A_1895, %slice3A_1896 : vector<8x128xi32>
    %slice3A_1898 = vector.extract_strided_slice %select_n3A_1888 {offsets = [0, 640], sizes = [8, 128], strides = [1, 1]} : vector<8x1152xi32> to vector<8x128xi32>
    %min3A_1899 = arith.minsi %min3A_1897, %slice3A_1898 : vector<8x128xi32>
    %slice3A_1900 = vector.extract_strided_slice %select_n3A_1888 {offsets = [0, 768], sizes = [8, 128], strides = [1, 1]} : vector<8x1152xi32> to vector<8x128xi32>
    %min3A_1901 = arith.minsi %min3A_1899, %slice3A_1900 : vector<8x128xi32>
    %slice3A_1902 = vector.extract_strided_slice %select_n3A_1888 {offsets = [0, 896], sizes = [8, 128], strides = [1, 1]} : vector<8x1152xi32> to vector<8x128xi32>
    %min3A_1903 = arith.minsi %min3A_1901, %slice3A_1902 : vector<8x128xi32>
    %slice3A_1904 = vector.extract_strided_slice %select_n3A_1888 {offsets = [0, 1024], sizes = [8, 128], strides = [1, 1]} : vector<8x1152xi32> to vector<8x128xi32>
    %min3A_1905 = arith.minsi %min3A_1903, %slice3A_1904 : vector<8x128xi32>
    %slice3A_1906 = vector.extract_strided_slice %reduce_max3A_1675 {offsets = [8], sizes = [1], strides = [1]} : vector<24xf32> to vector<1xf32>
    %reshape3A_1907 = vector.shape_cast %slice3A_1906 : vector<1xf32> to vector<1x1xf32>
    %get3A_1908 = arith.constant 8 : index
    %get3A_1909 = arith.constant 0 : index
    %get3A_1910 = arith.constant 0 : index
    %get3A_1911 = vector.load %arg9[%get3A_1908, %get3A_1909, %get3A_1910] : memref<24x8x1152xf32, #tpu.memory_space<vmem>>, vector<1x8x1152xf32>
    %get3A_1912 = vector.shape_cast %get3A_1911 : vector<1x8x1152xf32> to vector<8x1152xf32>
    %eq3A_1913 = vector.broadcast %reshape3A_1907 : vector<1x1xf32> to vector<8x1152xf32>
    %eq3A_1914 = arith.cmpf oeq, %get3A_1912, %eq3A_1913 : vector<8x1152xf32>
    %jit3A_1915 = arith.constant 9216 : i32
    %broadcast_in_dim3A_1916 = vector.broadcast %jit3A_1915 : i32 to vector<8x1152xi32>
    %select_n3A_1917 = arith.select %eq3A_1914, %add3A, %broadcast_in_dim3A_1916 : vector<8x1152xi1>, vector<8x1152xi32>
    %slice3A_1918 = vector.extract_strided_slice %select_n3A_1917 {offsets = [0, 0], sizes = [8, 128], strides = [1, 1]} : vector<8x1152xi32> to vector<8x128xi32>
    %slice3A_1919 = vector.extract_strided_slice %select_n3A_1917 {offsets = [0, 128], sizes = [8, 128], strides = [1, 1]} : vector<8x1152xi32> to vector<8x128xi32>
    %min3A_1920 = arith.minsi %slice3A_1918, %slice3A_1919 : vector<8x128xi32>
    %slice3A_1921 = vector.extract_strided_slice %select_n3A_1917 {offsets = [0, 256], sizes = [8, 128], strides = [1, 1]} : vector<8x1152xi32> to vector<8x128xi32>
    %min3A_1922 = arith.minsi %min3A_1920, %slice3A_1921 : vector<8x128xi32>
    %slice3A_1923 = vector.extract_strided_slice %select_n3A_1917 {offsets = [0, 384], sizes = [8, 128], strides = [1, 1]} : vector<8x1152xi32> to vector<8x128xi32>
    %min3A_1924 = arith.minsi %min3A_1922, %slice3A_1923 : vector<8x128xi32>
    %slice3A_1925 = vector.extract_strided_slice %select_n3A_1917 {offsets = [0, 512], sizes = [8, 128], strides = [1, 1]} : vector<8x1152xi32> to vector<8x128xi32>
    %min3A_1926 = arith.minsi %min3A_1924, %slice3A_1925 : vector<8x128xi32>
    %slice3A_1927 = vector.extract_strided_slice %select_n3A_1917 {offsets = [0, 640], sizes = [8, 128], strides = [1, 1]} : vector<8x1152xi32> to vector<8x128xi32>
    %min3A_1928 = arith.minsi %min3A_1926, %slice3A_1927 : vector<8x128xi32>
    %slice3A_1929 = vector.extract_strided_slice %select_n3A_1917 {offsets = [0, 768], sizes = [8, 128], strides = [1, 1]} : vector<8x1152xi32> to vector<8x128xi32>
    %min3A_1930 = arith.minsi %min3A_1928, %slice3A_1929 : vector<8x128xi32>
    %slice3A_1931 = vector.extract_strided_slice %select_n3A_1917 {offsets = [0, 896], sizes = [8, 128], strides = [1, 1]} : vector<8x1152xi32> to vector<8x128xi32>
    %min3A_1932 = arith.minsi %min3A_1930, %slice3A_1931 : vector<8x128xi32>
    %slice3A_1933 = vector.extract_strided_slice %select_n3A_1917 {offsets = [0, 1024], sizes = [8, 128], strides = [1, 1]} : vector<8x1152xi32> to vector<8x128xi32>
    %min3A_1934 = arith.minsi %min3A_1932, %slice3A_1933 : vector<8x128xi32>
    %slice3A_1935 = vector.extract_strided_slice %reduce_max3A_1675 {offsets = [9], sizes = [1], strides = [1]} : vector<24xf32> to vector<1xf32>
    %reshape3A_1936 = vector.shape_cast %slice3A_1935 : vector<1xf32> to vector<1x1xf32>
    %get3A_1937 = arith.constant 9 : index
    %get3A_1938 = arith.constant 0 : index
    %get3A_1939 = arith.constant 0 : index
    %get3A_1940 = vector.load %arg9[%get3A_1937, %get3A_1938, %get3A_1939] : memref<24x8x1152xf32, #tpu.memory_space<vmem>>, vector<1x8x1152xf32>
    %get3A_1941 = vector.shape_cast %get3A_1940 : vector<1x8x1152xf32> to vector<8x1152xf32>
    %eq3A_1942 = vector.broadcast %reshape3A_1936 : vector<1x1xf32> to vector<8x1152xf32>
    %eq3A_1943 = arith.cmpf oeq, %get3A_1941, %eq3A_1942 : vector<8x1152xf32>
    %jit3A_1944 = arith.constant 9216 : i32
    %broadcast_in_dim3A_1945 = vector.broadcast %jit3A_1944 : i32 to vector<8x1152xi32>
    %select_n3A_1946 = arith.select %eq3A_1943, %add3A, %broadcast_in_dim3A_1945 : vector<8x1152xi1>, vector<8x1152xi32>
    %slice3A_1947 = vector.extract_strided_slice %select_n3A_1946 {offsets = [0, 0], sizes = [8, 128], strides = [1, 1]} : vector<8x1152xi32> to vector<8x128xi32>
    %slice3A_1948 = vector.extract_strided_slice %select_n3A_1946 {offsets = [0, 128], sizes = [8, 128], strides = [1, 1]} : vector<8x1152xi32> to vector<8x128xi32>
    %min3A_1949 = arith.minsi %slice3A_1947, %slice3A_1948 : vector<8x128xi32>
    %slice3A_1950 = vector.extract_strided_slice %select_n3A_1946 {offsets = [0, 256], sizes = [8, 128], strides = [1, 1]} : vector<8x1152xi32> to vector<8x128xi32>
    %min3A_1951 = arith.minsi %min3A_1949, %slice3A_1950 : vector<8x128xi32>
    %slice3A_1952 = vector.extract_strided_slice %select_n3A_1946 {offsets = [0, 384], sizes = [8, 128], strides = [1, 1]} : vector<8x1152xi32> to vector<8x128xi32>
    %min3A_1953 = arith.minsi %min3A_1951, %slice3A_1952 : vector<8x128xi32>
    %slice3A_1954 = vector.extract_strided_slice %select_n3A_1946 {offsets = [0, 512], sizes = [8, 128], strides = [1, 1]} : vector<8x1152xi32> to vector<8x128xi32>
    %min3A_1955 = arith.minsi %min3A_1953, %slice3A_1954 : vector<8x128xi32>
    %slice3A_1956 = vector.extract_strided_slice %select_n3A_1946 {offsets = [0, 640], sizes = [8, 128], strides = [1, 1]} : vector<8x1152xi32> to vector<8x128xi32>
    %min3A_1957 = arith.minsi %min3A_1955, %slice3A_1956 : vector<8x128xi32>
    %slice3A_1958 = vector.extract_strided_slice %select_n3A_1946 {offsets = [0, 768], sizes = [8, 128], strides = [1, 1]} : vector<8x1152xi32> to vector<8x128xi32>
    %min3A_1959 = arith.minsi %min3A_1957, %slice3A_1958 : vector<8x128xi32>
    %slice3A_1960 = vector.extract_strided_slice %select_n3A_1946 {offsets = [0, 896], sizes = [8, 128], strides = [1, 1]} : vector<8x1152xi32> to vector<8x128xi32>
    %min3A_1961 = arith.minsi %min3A_1959, %slice3A_1960 : vector<8x128xi32>
    %slice3A_1962 = vector.extract_strided_slice %select_n3A_1946 {offsets = [0, 1024], sizes = [8, 128], strides = [1, 1]} : vector<8x1152xi32> to vector<8x128xi32>
    %min3A_1963 = arith.minsi %min3A_1961, %slice3A_1962 : vector<8x128xi32>
    %slice3A_1964 = vector.extract_strided_slice %reduce_max3A_1675 {offsets = [10], sizes = [1], strides = [1]} : vector<24xf32> to vector<1xf32>
    %reshape3A_1965 = vector.shape_cast %slice3A_1964 : vector<1xf32> to vector<1x1xf32>
    %get3A_1966 = arith.constant 10 : index
    %get3A_1967 = arith.constant 0 : index
    %get3A_1968 = arith.constant 0 : index
    %get3A_1969 = vector.load %arg9[%get3A_1966, %get3A_1967, %get3A_1968] : memref<24x8x1152xf32, #tpu.memory_space<vmem>>, vector<1x8x1152xf32>
    %get3A_1970 = vector.shape_cast %get3A_1969 : vector<1x8x1152xf32> to vector<8x1152xf32>
    %eq3A_1971 = vector.broadcast %reshape3A_1965 : vector<1x1xf32> to vector<8x1152xf32>
    %eq3A_1972 = arith.cmpf oeq, %get3A_1970, %eq3A_1971 : vector<8x1152xf32>
    %jit3A_1973 = arith.constant 9216 : i32
    %broadcast_in_dim3A_1974 = vector.broadcast %jit3A_1973 : i32 to vector<8x1152xi32>
    %select_n3A_1975 = arith.select %eq3A_1972, %add3A, %broadcast_in_dim3A_1974 : vector<8x1152xi1>, vector<8x1152xi32>
    %slice3A_1976 = vector.extract_strided_slice %select_n3A_1975 {offsets = [0, 0], sizes = [8, 128], strides = [1, 1]} : vector<8x1152xi32> to vector<8x128xi32>
    %slice3A_1977 = vector.extract_strided_slice %select_n3A_1975 {offsets = [0, 128], sizes = [8, 128], strides = [1, 1]} : vector<8x1152xi32> to vector<8x128xi32>
    %min3A_1978 = arith.minsi %slice3A_1976, %slice3A_1977 : vector<8x128xi32>
    %slice3A_1979 = vector.extract_strided_slice %select_n3A_1975 {offsets = [0, 256], sizes = [8, 128], strides = [1, 1]} : vector<8x1152xi32> to vector<8x128xi32>
    %min3A_1980 = arith.minsi %min3A_1978, %slice3A_1979 : vector<8x128xi32>
    %slice3A_1981 = vector.extract_strided_slice %select_n3A_1975 {offsets = [0, 384], sizes = [8, 128], strides = [1, 1]} : vector<8x1152xi32> to vector<8x128xi32>
    %min3A_1982 = arith.minsi %min3A_1980, %slice3A_1981 : vector<8x128xi32>
    %slice3A_1983 = vector.extract_strided_slice %select_n3A_1975 {offsets = [0, 512], sizes = [8, 128], strides = [1, 1]} : vector<8x1152xi32> to vector<8x128xi32>
    %min3A_1984 = arith.minsi %min3A_1982, %slice3A_1983 : vector<8x128xi32>
    %slice3A_1985 = vector.extract_strided_slice %select_n3A_1975 {offsets = [0, 640], sizes = [8, 128], strides = [1, 1]} : vector<8x1152xi32> to vector<8x128xi32>
    %min3A_1986 = arith.minsi %min3A_1984, %slice3A_1985 : vector<8x128xi32>
    %slice3A_1987 = vector.extract_strided_slice %select_n3A_1975 {offsets = [0, 768], sizes = [8, 128], strides = [1, 1]} : vector<8x1152xi32> to vector<8x128xi32>
    %min3A_1988 = arith.minsi %min3A_1986, %slice3A_1987 : vector<8x128xi32>
    %slice3A_1989 = vector.extract_strided_slice %select_n3A_1975 {offsets = [0, 896], sizes = [8, 128], strides = [1, 1]} : vector<8x1152xi32> to vector<8x128xi32>
    %min3A_1990 = arith.minsi %min3A_1988, %slice3A_1989 : vector<8x128xi32>
    %slice3A_1991 = vector.extract_strided_slice %select_n3A_1975 {offsets = [0, 1024], sizes = [8, 128], strides = [1, 1]} : vector<8x1152xi32> to vector<8x128xi32>
    %min3A_1992 = arith.minsi %min3A_1990, %slice3A_1991 : vector<8x128xi32>
    %slice3A_1993 = vector.extract_strided_slice %reduce_max3A_1675 {offsets = [11], sizes = [1], strides = [1]} : vector<24xf32> to vector<1xf32>
    %reshape3A_1994 = vector.shape_cast %slice3A_1993 : vector<1xf32> to vector<1x1xf32>
    %get3A_1995 = arith.constant 11 : index
    %get3A_1996 = arith.constant 0 : index
    %get3A_1997 = arith.constant 0 : index
    %get3A_1998 = vector.load %arg9[%get3A_1995, %get3A_1996, %get3A_1997] : memref<24x8x1152xf32, #tpu.memory_space<vmem>>, vector<1x8x1152xf32>
    %get3A_1999 = vector.shape_cast %get3A_1998 : vector<1x8x1152xf32> to vector<8x1152xf32>
    %eq3A_2000 = vector.broadcast %reshape3A_1994 : vector<1x1xf32> to vector<8x1152xf32>
    %eq3A_2001 = arith.cmpf oeq, %get3A_1999, %eq3A_2000 : vector<8x1152xf32>
    %jit3A_2002 = arith.constant 9216 : i32
    %broadcast_in_dim3A_2003 = vector.broadcast %jit3A_2002 : i32 to vector<8x1152xi32>
    %select_n3A_2004 = arith.select %eq3A_2001, %add3A, %broadcast_in_dim3A_2003 : vector<8x1152xi1>, vector<8x1152xi32>
    %slice3A_2005 = vector.extract_strided_slice %select_n3A_2004 {offsets = [0, 0], sizes = [8, 128], strides = [1, 1]} : vector<8x1152xi32> to vector<8x128xi32>
    %slice3A_2006 = vector.extract_strided_slice %select_n3A_2004 {offsets = [0, 128], sizes = [8, 128], strides = [1, 1]} : vector<8x1152xi32> to vector<8x128xi32>
    %min3A_2007 = arith.minsi %slice3A_2005, %slice3A_2006 : vector<8x128xi32>
    %slice3A_2008 = vector.extract_strided_slice %select_n3A_2004 {offsets = [0, 256], sizes = [8, 128], strides = [1, 1]} : vector<8x1152xi32> to vector<8x128xi32>
    %min3A_2009 = arith.minsi %min3A_2007, %slice3A_2008 : vector<8x128xi32>
    %slice3A_2010 = vector.extract_strided_slice %select_n3A_2004 {offsets = [0, 384], sizes = [8, 128], strides = [1, 1]} : vector<8x1152xi32> to vector<8x128xi32>
    %min3A_2011 = arith.minsi %min3A_2009, %slice3A_2010 : vector<8x128xi32>
    %slice3A_2012 = vector.extract_strided_slice %select_n3A_2004 {offsets = [0, 512], sizes = [8, 128], strides = [1, 1]} : vector<8x1152xi32> to vector<8x128xi32>
    %min3A_2013 = arith.minsi %min3A_2011, %slice3A_2012 : vector<8x128xi32>
    %slice3A_2014 = vector.extract_strided_slice %select_n3A_2004 {offsets = [0, 640], sizes = [8, 128], strides = [1, 1]} : vector<8x1152xi32> to vector<8x128xi32>
    %min3A_2015 = arith.minsi %min3A_2013, %slice3A_2014 : vector<8x128xi32>
    %slice3A_2016 = vector.extract_strided_slice %select_n3A_2004 {offsets = [0, 768], sizes = [8, 128], strides = [1, 1]} : vector<8x1152xi32> to vector<8x128xi32>
    %min3A_2017 = arith.minsi %min3A_2015, %slice3A_2016 : vector<8x128xi32>
    %slice3A_2018 = vector.extract_strided_slice %select_n3A_2004 {offsets = [0, 896], sizes = [8, 128], strides = [1, 1]} : vector<8x1152xi32> to vector<8x128xi32>
    %min3A_2019 = arith.minsi %min3A_2017, %slice3A_2018 : vector<8x128xi32>
    %slice3A_2020 = vector.extract_strided_slice %select_n3A_2004 {offsets = [0, 1024], sizes = [8, 128], strides = [1, 1]} : vector<8x1152xi32> to vector<8x128xi32>
    %min3A_2021 = arith.minsi %min3A_2019, %slice3A_2020 : vector<8x128xi32>
    %slice3A_2022 = vector.extract_strided_slice %reduce_max3A_1675 {offsets = [12], sizes = [1], strides = [1]} : vector<24xf32> to vector<1xf32>
    %reshape3A_2023 = vector.shape_cast %slice3A_2022 : vector<1xf32> to vector<1x1xf32>
    %get3A_2024 = arith.constant 12 : index
    %get3A_2025 = arith.constant 0 : index
    %get3A_2026 = arith.constant 0 : index
    %get3A_2027 = vector.load %arg9[%get3A_2024, %get3A_2025, %get3A_2026] : memref<24x8x1152xf32, #tpu.memory_space<vmem>>, vector<1x8x1152xf32>
    %get3A_2028 = vector.shape_cast %get3A_2027 : vector<1x8x1152xf32> to vector<8x1152xf32>
    %eq3A_2029 = vector.broadcast %reshape3A_2023 : vector<1x1xf32> to vector<8x1152xf32>
    %eq3A_2030 = arith.cmpf oeq, %get3A_2028, %eq3A_2029 : vector<8x1152xf32>
    %jit3A_2031 = arith.constant 9216 : i32
    %broadcast_in_dim3A_2032 = vector.broadcast %jit3A_2031 : i32 to vector<8x1152xi32>
    %select_n3A_2033 = arith.select %eq3A_2030, %add3A, %broadcast_in_dim3A_2032 : vector<8x1152xi1>, vector<8x1152xi32>
    %slice3A_2034 = vector.extract_strided_slice %select_n3A_2033 {offsets = [0, 0], sizes = [8, 128], strides = [1, 1]} : vector<8x1152xi32> to vector<8x128xi32>
    %slice3A_2035 = vector.extract_strided_slice %select_n3A_2033 {offsets = [0, 128], sizes = [8, 128], strides = [1, 1]} : vector<8x1152xi32> to vector<8x128xi32>
    %min3A_2036 = arith.minsi %slice3A_2034, %slice3A_2035 : vector<8x128xi32>
    %slice3A_2037 = vector.extract_strided_slice %select_n3A_2033 {offsets = [0, 256], sizes = [8, 128], strides = [1, 1]} : vector<8x1152xi32> to vector<8x128xi32>
    %min3A_2038 = arith.minsi %min3A_2036, %slice3A_2037 : vector<8x128xi32>
    %slice3A_2039 = vector.extract_strided_slice %select_n3A_2033 {offsets = [0, 384], sizes = [8, 128], strides = [1, 1]} : vector<8x1152xi32> to vector<8x128xi32>
    %min3A_2040 = arith.minsi %min3A_2038, %slice3A_2039 : vector<8x128xi32>
    %slice3A_2041 = vector.extract_strided_slice %select_n3A_2033 {offsets = [0, 512], sizes = [8, 128], strides = [1, 1]} : vector<8x1152xi32> to vector<8x128xi32>
    %min3A_2042 = arith.minsi %min3A_2040, %slice3A_2041 : vector<8x128xi32>
    %slice3A_2043 = vector.extract_strided_slice %select_n3A_2033 {offsets = [0, 640], sizes = [8, 128], strides = [1, 1]} : vector<8x1152xi32> to vector<8x128xi32>
    %min3A_2044 = arith.minsi %min3A_2042, %slice3A_2043 : vector<8x128xi32>
    %slice3A_2045 = vector.extract_strided_slice %select_n3A_2033 {offsets = [0, 768], sizes = [8, 128], strides = [1, 1]} : vector<8x1152xi32> to vector<8x128xi32>
    %min3A_2046 = arith.minsi %min3A_2044, %slice3A_2045 : vector<8x128xi32>
    %slice3A_2047 = vector.extract_strided_slice %select_n3A_2033 {offsets = [0, 896], sizes = [8, 128], strides = [1, 1]} : vector<8x1152xi32> to vector<8x128xi32>
    %min3A_2048 = arith.minsi %min3A_2046, %slice3A_2047 : vector<8x128xi32>
    %slice3A_2049 = vector.extract_strided_slice %select_n3A_2033 {offsets = [0, 1024], sizes = [8, 128], strides = [1, 1]} : vector<8x1152xi32> to vector<8x128xi32>
    %min3A_2050 = arith.minsi %min3A_2048, %slice3A_2049 : vector<8x128xi32>
    %slice3A_2051 = vector.extract_strided_slice %reduce_max3A_1675 {offsets = [13], sizes = [1], strides = [1]} : vector<24xf32> to vector<1xf32>
    %reshape3A_2052 = vector.shape_cast %slice3A_2051 : vector<1xf32> to vector<1x1xf32>
    %get3A_2053 = arith.constant 13 : index
    %get3A_2054 = arith.constant 0 : index
    %get3A_2055 = arith.constant 0 : index
    %get3A_2056 = vector.load %arg9[%get3A_2053, %get3A_2054, %get3A_2055] : memref<24x8x1152xf32, #tpu.memory_space<vmem>>, vector<1x8x1152xf32>
    %get3A_2057 = vector.shape_cast %get3A_2056 : vector<1x8x1152xf32> to vector<8x1152xf32>
    %eq3A_2058 = vector.broadcast %reshape3A_2052 : vector<1x1xf32> to vector<8x1152xf32>
    %eq3A_2059 = arith.cmpf oeq, %get3A_2057, %eq3A_2058 : vector<8x1152xf32>
    %jit3A_2060 = arith.constant 9216 : i32
    %broadcast_in_dim3A_2061 = vector.broadcast %jit3A_2060 : i32 to vector<8x1152xi32>
    %select_n3A_2062 = arith.select %eq3A_2059, %add3A, %broadcast_in_dim3A_2061 : vector<8x1152xi1>, vector<8x1152xi32>
    %slice3A_2063 = vector.extract_strided_slice %select_n3A_2062 {offsets = [0, 0], sizes = [8, 128], strides = [1, 1]} : vector<8x1152xi32> to vector<8x128xi32>
    %slice3A_2064 = vector.extract_strided_slice %select_n3A_2062 {offsets = [0, 128], sizes = [8, 128], strides = [1, 1]} : vector<8x1152xi32> to vector<8x128xi32>
    %min3A_2065 = arith.minsi %slice3A_2063, %slice3A_2064 : vector<8x128xi32>
    %slice3A_2066 = vector.extract_strided_slice %select_n3A_2062 {offsets = [0, 256], sizes = [8, 128], strides = [1, 1]} : vector<8x1152xi32> to vector<8x128xi32>
    %min3A_2067 = arith.minsi %min3A_2065, %slice3A_2066 : vector<8x128xi32>
    %slice3A_2068 = vector.extract_strided_slice %select_n3A_2062 {offsets = [0, 384], sizes = [8, 128], strides = [1, 1]} : vector<8x1152xi32> to vector<8x128xi32>
    %min3A_2069 = arith.minsi %min3A_2067, %slice3A_2068 : vector<8x128xi32>
    %slice3A_2070 = vector.extract_strided_slice %select_n3A_2062 {offsets = [0, 512], sizes = [8, 128], strides = [1, 1]} : vector<8x1152xi32> to vector<8x128xi32>
    %min3A_2071 = arith.minsi %min3A_2069, %slice3A_2070 : vector<8x128xi32>
    %slice3A_2072 = vector.extract_strided_slice %select_n3A_2062 {offsets = [0, 640], sizes = [8, 128], strides = [1, 1]} : vector<8x1152xi32> to vector<8x128xi32>
    %min3A_2073 = arith.minsi %min3A_2071, %slice3A_2072 : vector<8x128xi32>
    %slice3A_2074 = vector.extract_strided_slice %select_n3A_2062 {offsets = [0, 768], sizes = [8, 128], strides = [1, 1]} : vector<8x1152xi32> to vector<8x128xi32>
    %min3A_2075 = arith.minsi %min3A_2073, %slice3A_2074 : vector<8x128xi32>
    %slice3A_2076 = vector.extract_strided_slice %select_n3A_2062 {offsets = [0, 896], sizes = [8, 128], strides = [1, 1]} : vector<8x1152xi32> to vector<8x128xi32>
    %min3A_2077 = arith.minsi %min3A_2075, %slice3A_2076 : vector<8x128xi32>
    %slice3A_2078 = vector.extract_strided_slice %select_n3A_2062 {offsets = [0, 1024], sizes = [8, 128], strides = [1, 1]} : vector<8x1152xi32> to vector<8x128xi32>
    %min3A_2079 = arith.minsi %min3A_2077, %slice3A_2078 : vector<8x128xi32>
    %slice3A_2080 = vector.extract_strided_slice %reduce_max3A_1675 {offsets = [14], sizes = [1], strides = [1]} : vector<24xf32> to vector<1xf32>
    %reshape3A_2081 = vector.shape_cast %slice3A_2080 : vector<1xf32> to vector<1x1xf32>
    %get3A_2082 = arith.constant 14 : index
    %get3A_2083 = arith.constant 0 : index
    %get3A_2084 = arith.constant 0 : index
    %get3A_2085 = vector.load %arg9[%get3A_2082, %get3A_2083, %get3A_2084] : memref<24x8x1152xf32, #tpu.memory_space<vmem>>, vector<1x8x1152xf32>
    %get3A_2086 = vector.shape_cast %get3A_2085 : vector<1x8x1152xf32> to vector<8x1152xf32>
    %eq3A_2087 = vector.broadcast %reshape3A_2081 : vector<1x1xf32> to vector<8x1152xf32>
    %eq3A_2088 = arith.cmpf oeq, %get3A_2086, %eq3A_2087 : vector<8x1152xf32>
    %jit3A_2089 = arith.constant 9216 : i32
    %broadcast_in_dim3A_2090 = vector.broadcast %jit3A_2089 : i32 to vector<8x1152xi32>
    %select_n3A_2091 = arith.select %eq3A_2088, %add3A, %broadcast_in_dim3A_2090 : vector<8x1152xi1>, vector<8x1152xi32>
    %slice3A_2092 = vector.extract_strided_slice %select_n3A_2091 {offsets = [0, 0], sizes = [8, 128], strides = [1, 1]} : vector<8x1152xi32> to vector<8x128xi32>
    %slice3A_2093 = vector.extract_strided_slice %select_n3A_2091 {offsets = [0, 128], sizes = [8, 128], strides = [1, 1]} : vector<8x1152xi32> to vector<8x128xi32>
    %min3A_2094 = arith.minsi %slice3A_2092, %slice3A_2093 : vector<8x128xi32>
    %slice3A_2095 = vector.extract_strided_slice %select_n3A_2091 {offsets = [0, 256], sizes = [8, 128], strides = [1, 1]} : vector<8x1152xi32> to vector<8x128xi32>
    %min3A_2096 = arith.minsi %min3A_2094, %slice3A_2095 : vector<8x128xi32>
    %slice3A_2097 = vector.extract_strided_slice %select_n3A_2091 {offsets = [0, 384], sizes = [8, 128], strides = [1, 1]} : vector<8x1152xi32> to vector<8x128xi32>
    %min3A_2098 = arith.minsi %min3A_2096, %slice3A_2097 : vector<8x128xi32>
    %slice3A_2099 = vector.extract_strided_slice %select_n3A_2091 {offsets = [0, 512], sizes = [8, 128], strides = [1, 1]} : vector<8x1152xi32> to vector<8x128xi32>
    %min3A_2100 = arith.minsi %min3A_2098, %slice3A_2099 : vector<8x128xi32>
    %slice3A_2101 = vector.extract_strided_slice %select_n3A_2091 {offsets = [0, 640], sizes = [8, 128], strides = [1, 1]} : vector<8x1152xi32> to vector<8x128xi32>
    %min3A_2102 = arith.minsi %min3A_2100, %slice3A_2101 : vector<8x128xi32>
    %slice3A_2103 = vector.extract_strided_slice %select_n3A_2091 {offsets = [0, 768], sizes = [8, 128], strides = [1, 1]} : vector<8x1152xi32> to vector<8x128xi32>
    %min3A_2104 = arith.minsi %min3A_2102, %slice3A_2103 : vector<8x128xi32>
    %slice3A_2105 = vector.extract_strided_slice %select_n3A_2091 {offsets = [0, 896], sizes = [8, 128], strides = [1, 1]} : vector<8x1152xi32> to vector<8x128xi32>
    %min3A_2106 = arith.minsi %min3A_2104, %slice3A_2105 : vector<8x128xi32>
    %slice3A_2107 = vector.extract_strided_slice %select_n3A_2091 {offsets = [0, 1024], sizes = [8, 128], strides = [1, 1]} : vector<8x1152xi32> to vector<8x128xi32>
    %min3A_2108 = arith.minsi %min3A_2106, %slice3A_2107 : vector<8x128xi32>
    %slice3A_2109 = vector.extract_strided_slice %reduce_max3A_1675 {offsets = [15], sizes = [1], strides = [1]} : vector<24xf32> to vector<1xf32>
    %reshape3A_2110 = vector.shape_cast %slice3A_2109 : vector<1xf32> to vector<1x1xf32>
    %get3A_2111 = arith.constant 15 : index
    %get3A_2112 = arith.constant 0 : index
    %get3A_2113 = arith.constant 0 : index
    %get3A_2114 = vector.load %arg9[%get3A_2111, %get3A_2112, %get3A_2113] : memref<24x8x1152xf32, #tpu.memory_space<vmem>>, vector<1x8x1152xf32>
    %get3A_2115 = vector.shape_cast %get3A_2114 : vector<1x8x1152xf32> to vector<8x1152xf32>
    %eq3A_2116 = vector.broadcast %reshape3A_2110 : vector<1x1xf32> to vector<8x1152xf32>
    %eq3A_2117 = arith.cmpf oeq, %get3A_2115, %eq3A_2116 : vector<8x1152xf32>
    %jit3A_2118 = arith.constant 9216 : i32
    %broadcast_in_dim3A_2119 = vector.broadcast %jit3A_2118 : i32 to vector<8x1152xi32>
    %select_n3A_2120 = arith.select %eq3A_2117, %add3A, %broadcast_in_dim3A_2119 : vector<8x1152xi1>, vector<8x1152xi32>
    %slice3A_2121 = vector.extract_strided_slice %select_n3A_2120 {offsets = [0, 0], sizes = [8, 128], strides = [1, 1]} : vector<8x1152xi32> to vector<8x128xi32>
    %slice3A_2122 = vector.extract_strided_slice %select_n3A_2120 {offsets = [0, 128], sizes = [8, 128], strides = [1, 1]} : vector<8x1152xi32> to vector<8x128xi32>
    %min3A_2123 = arith.minsi %slice3A_2121, %slice3A_2122 : vector<8x128xi32>
    %slice3A_2124 = vector.extract_strided_slice %select_n3A_2120 {offsets = [0, 256], sizes = [8, 128], strides = [1, 1]} : vector<8x1152xi32> to vector<8x128xi32>
    %min3A_2125 = arith.minsi %min3A_2123, %slice3A_2124 : vector<8x128xi32>
    %slice3A_2126 = vector.extract_strided_slice %select_n3A_2120 {offsets = [0, 384], sizes = [8, 128], strides = [1, 1]} : vector<8x1152xi32> to vector<8x128xi32>
    %min3A_2127 = arith.minsi %min3A_2125, %slice3A_2126 : vector<8x128xi32>
    %slice3A_2128 = vector.extract_strided_slice %select_n3A_2120 {offsets = [0, 512], sizes = [8, 128], strides = [1, 1]} : vector<8x1152xi32> to vector<8x128xi32>
    %min3A_2129 = arith.minsi %min3A_2127, %slice3A_2128 : vector<8x128xi32>
    %slice3A_2130 = vector.extract_strided_slice %select_n3A_2120 {offsets = [0, 640], sizes = [8, 128], strides = [1, 1]} : vector<8x1152xi32> to vector<8x128xi32>
    %min3A_2131 = arith.minsi %min3A_2129, %slice3A_2130 : vector<8x128xi32>
    %slice3A_2132 = vector.extract_strided_slice %select_n3A_2120 {offsets = [0, 768], sizes = [8, 128], strides = [1, 1]} : vector<8x1152xi32> to vector<8x128xi32>
    %min3A_2133 = arith.minsi %min3A_2131, %slice3A_2132 : vector<8x128xi32>
    %slice3A_2134 = vector.extract_strided_slice %select_n3A_2120 {offsets = [0, 896], sizes = [8, 128], strides = [1, 1]} : vector<8x1152xi32> to vector<8x128xi32>
    %min3A_2135 = arith.minsi %min3A_2133, %slice3A_2134 : vector<8x128xi32>
    %slice3A_2136 = vector.extract_strided_slice %select_n3A_2120 {offsets = [0, 1024], sizes = [8, 128], strides = [1, 1]} : vector<8x1152xi32> to vector<8x128xi32>
    %min3A_2137 = arith.minsi %min3A_2135, %slice3A_2136 : vector<8x128xi32>
    %slice3A_2138 = vector.extract_strided_slice %reduce_max3A_1675 {offsets = [16], sizes = [1], strides = [1]} : vector<24xf32> to vector<1xf32>
    %reshape3A_2139 = vector.shape_cast %slice3A_2138 : vector<1xf32> to vector<1x1xf32>
    %get3A_2140 = arith.constant 16 : index
    %get3A_2141 = arith.constant 0 : index
    %get3A_2142 = arith.constant 0 : index
    %get3A_2143 = vector.load %arg9[%get3A_2140, %get3A_2141, %get3A_2142] : memref<24x8x1152xf32, #tpu.memory_space<vmem>>, vector<1x8x1152xf32>
    %get3A_2144 = vector.shape_cast %get3A_2143 : vector<1x8x1152xf32> to vector<8x1152xf32>
    %eq3A_2145 = vector.broadcast %reshape3A_2139 : vector<1x1xf32> to vector<8x1152xf32>
    %eq3A_2146 = arith.cmpf oeq, %get3A_2144, %eq3A_2145 : vector<8x1152xf32>
    %jit3A_2147 = arith.constant 9216 : i32
    %broadcast_in_dim3A_2148 = vector.broadcast %jit3A_2147 : i32 to vector<8x1152xi32>
    %select_n3A_2149 = arith.select %eq3A_2146, %add3A, %broadcast_in_dim3A_2148 : vector<8x1152xi1>, vector<8x1152xi32>
    %slice3A_2150 = vector.extract_strided_slice %select_n3A_2149 {offsets = [0, 0], sizes = [8, 128], strides = [1, 1]} : vector<8x1152xi32> to vector<8x128xi32>
    %slice3A_2151 = vector.extract_strided_slice %select_n3A_2149 {offsets = [0, 128], sizes = [8, 128], strides = [1, 1]} : vector<8x1152xi32> to vector<8x128xi32>
    %min3A_2152 = arith.minsi %slice3A_2150, %slice3A_2151 : vector<8x128xi32>
    %slice3A_2153 = vector.extract_strided_slice %select_n3A_2149 {offsets = [0, 256], sizes = [8, 128], strides = [1, 1]} : vector<8x1152xi32> to vector<8x128xi32>
    %min3A_2154 = arith.minsi %min3A_2152, %slice3A_2153 : vector<8x128xi32>
    %slice3A_2155 = vector.extract_strided_slice %select_n3A_2149 {offsets = [0, 384], sizes = [8, 128], strides = [1, 1]} : vector<8x1152xi32> to vector<8x128xi32>
    %min3A_2156 = arith.minsi %min3A_2154, %slice3A_2155 : vector<8x128xi32>
    %slice3A_2157 = vector.extract_strided_slice %select_n3A_2149 {offsets = [0, 512], sizes = [8, 128], strides = [1, 1]} : vector<8x1152xi32> to vector<8x128xi32>
    %min3A_2158 = arith.minsi %min3A_2156, %slice3A_2157 : vector<8x128xi32>
    %slice3A_2159 = vector.extract_strided_slice %select_n3A_2149 {offsets = [0, 640], sizes = [8, 128], strides = [1, 1]} : vector<8x1152xi32> to vector<8x128xi32>
    %min3A_2160 = arith.minsi %min3A_2158, %slice3A_2159 : vector<8x128xi32>
    %slice3A_2161 = vector.extract_strided_slice %select_n3A_2149 {offsets = [0, 768], sizes = [8, 128], strides = [1, 1]} : vector<8x1152xi32> to vector<8x128xi32>
    %min3A_2162 = arith.minsi %min3A_2160, %slice3A_2161 : vector<8x128xi32>
    %slice3A_2163 = vector.extract_strided_slice %select_n3A_2149 {offsets = [0, 896], sizes = [8, 128], strides = [1, 1]} : vector<8x1152xi32> to vector<8x128xi32>
    %min3A_2164 = arith.minsi %min3A_2162, %slice3A_2163 : vector<8x128xi32>
    %slice3A_2165 = vector.extract_strided_slice %select_n3A_2149 {offsets = [0, 1024], sizes = [8, 128], strides = [1, 1]} : vector<8x1152xi32> to vector<8x128xi32>
    %min3A_2166 = arith.minsi %min3A_2164, %slice3A_2165 : vector<8x128xi32>
    %slice3A_2167 = vector.extract_strided_slice %reduce_max3A_1675 {offsets = [17], sizes = [1], strides = [1]} : vector<24xf32> to vector<1xf32>
    %reshape3A_2168 = vector.shape_cast %slice3A_2167 : vector<1xf32> to vector<1x1xf32>
    %get3A_2169 = arith.constant 17 : index
    %get3A_2170 = arith.constant 0 : index
    %get3A_2171 = arith.constant 0 : index
    %get3A_2172 = vector.load %arg9[%get3A_2169, %get3A_2170, %get3A_2171] : memref<24x8x1152xf32, #tpu.memory_space<vmem>>, vector<1x8x1152xf32>
    %get3A_2173 = vector.shape_cast %get3A_2172 : vector<1x8x1152xf32> to vector<8x1152xf32>
    %eq3A_2174 = vector.broadcast %reshape3A_2168 : vector<1x1xf32> to vector<8x1152xf32>
    %eq3A_2175 = arith.cmpf oeq, %get3A_2173, %eq3A_2174 : vector<8x1152xf32>
    %jit3A_2176 = arith.constant 9216 : i32
    %broadcast_in_dim3A_2177 = vector.broadcast %jit3A_2176 : i32 to vector<8x1152xi32>
    %select_n3A_2178 = arith.select %eq3A_2175, %add3A, %broadcast_in_dim3A_2177 : vector<8x1152xi1>, vector<8x1152xi32>
    %slice3A_2179 = vector.extract_strided_slice %select_n3A_2178 {offsets = [0, 0], sizes = [8, 128], strides = [1, 1]} : vector<8x1152xi32> to vector<8x128xi32>
    %slice3A_2180 = vector.extract_strided_slice %select_n3A_2178 {offsets = [0, 128], sizes = [8, 128], strides = [1, 1]} : vector<8x1152xi32> to vector<8x128xi32>
    %min3A_2181 = arith.minsi %slice3A_2179, %slice3A_2180 : vector<8x128xi32>
    %slice3A_2182 = vector.extract_strided_slice %select_n3A_2178 {offsets = [0, 256], sizes = [8, 128], strides = [1, 1]} : vector<8x1152xi32> to vector<8x128xi32>
    %min3A_2183 = arith.minsi %min3A_2181, %slice3A_2182 : vector<8x128xi32>
    %slice3A_2184 = vector.extract_strided_slice %select_n3A_2178 {offsets = [0, 384], sizes = [8, 128], strides = [1, 1]} : vector<8x1152xi32> to vector<8x128xi32>
    %min3A_2185 = arith.minsi %min3A_2183, %slice3A_2184 : vector<8x128xi32>
    %slice3A_2186 = vector.extract_strided_slice %select_n3A_2178 {offsets = [0, 512], sizes = [8, 128], strides = [1, 1]} : vector<8x1152xi32> to vector<8x128xi32>
    %min3A_2187 = arith.minsi %min3A_2185, %slice3A_2186 : vector<8x128xi32>
    %slice3A_2188 = vector.extract_strided_slice %select_n3A_2178 {offsets = [0, 640], sizes = [8, 128], strides = [1, 1]} : vector<8x1152xi32> to vector<8x128xi32>
    %min3A_2189 = arith.minsi %min3A_2187, %slice3A_2188 : vector<8x128xi32>
    %slice3A_2190 = vector.extract_strided_slice %select_n3A_2178 {offsets = [0, 768], sizes = [8, 128], strides = [1, 1]} : vector<8x1152xi32> to vector<8x128xi32>
    %min3A_2191 = arith.minsi %min3A_2189, %slice3A_2190 : vector<8x128xi32>
    %slice3A_2192 = vector.extract_strided_slice %select_n3A_2178 {offsets = [0, 896], sizes = [8, 128], strides = [1, 1]} : vector<8x1152xi32> to vector<8x128xi32>
    %min3A_2193 = arith.minsi %min3A_2191, %slice3A_2192 : vector<8x128xi32>
    %slice3A_2194 = vector.extract_strided_slice %select_n3A_2178 {offsets = [0, 1024], sizes = [8, 128], strides = [1, 1]} : vector<8x1152xi32> to vector<8x128xi32>
    %min3A_2195 = arith.minsi %min3A_2193, %slice3A_2194 : vector<8x128xi32>
    %slice3A_2196 = vector.extract_strided_slice %reduce_max3A_1675 {offsets = [18], sizes = [1], strides = [1]} : vector<24xf32> to vector<1xf32>
    %reshape3A_2197 = vector.shape_cast %slice3A_2196 : vector<1xf32> to vector<1x1xf32>
    %get3A_2198 = arith.constant 18 : index
    %get3A_2199 = arith.constant 0 : index
    %get3A_2200 = arith.constant 0 : index
    %get3A_2201 = vector.load %arg9[%get3A_2198, %get3A_2199, %get3A_2200] : memref<24x8x1152xf32, #tpu.memory_space<vmem>>, vector<1x8x1152xf32>
    %get3A_2202 = vector.shape_cast %get3A_2201 : vector<1x8x1152xf32> to vector<8x1152xf32>
    %eq3A_2203 = vector.broadcast %reshape3A_2197 : vector<1x1xf32> to vector<8x1152xf32>
    %eq3A_2204 = arith.cmpf oeq, %get3A_2202, %eq3A_2203 : vector<8x1152xf32>
    %jit3A_2205 = arith.constant 9216 : i32
    %broadcast_in_dim3A_2206 = vector.broadcast %jit3A_2205 : i32 to vector<8x1152xi32>
    %select_n3A_2207 = arith.select %eq3A_2204, %add3A, %broadcast_in_dim3A_2206 : vector<8x1152xi1>, vector<8x1152xi32>
    %slice3A_2208 = vector.extract_strided_slice %select_n3A_2207 {offsets = [0, 0], sizes = [8, 128], strides = [1, 1]} : vector<8x1152xi32> to vector<8x128xi32>
    %slice3A_2209 = vector.extract_strided_slice %select_n3A_2207 {offsets = [0, 128], sizes = [8, 128], strides = [1, 1]} : vector<8x1152xi32> to vector<8x128xi32>
    %min3A_2210 = arith.minsi %slice3A_2208, %slice3A_2209 : vector<8x128xi32>
    %slice3A_2211 = vector.extract_strided_slice %select_n3A_2207 {offsets = [0, 256], sizes = [8, 128], strides = [1, 1]} : vector<8x1152xi32> to vector<8x128xi32>
    %min3A_2212 = arith.minsi %min3A_2210, %slice3A_2211 : vector<8x128xi32>
    %slice3A_2213 = vector.extract_strided_slice %select_n3A_2207 {offsets = [0, 384], sizes = [8, 128], strides = [1, 1]} : vector<8x1152xi32> to vector<8x128xi32>
    %min3A_2214 = arith.minsi %min3A_2212, %slice3A_2213 : vector<8x128xi32>
    %slice3A_2215 = vector.extract_strided_slice %select_n3A_2207 {offsets = [0, 512], sizes = [8, 128], strides = [1, 1]} : vector<8x1152xi32> to vector<8x128xi32>
    %min3A_2216 = arith.minsi %min3A_2214, %slice3A_2215 : vector<8x128xi32>
    %slice3A_2217 = vector.extract_strided_slice %select_n3A_2207 {offsets = [0, 640], sizes = [8, 128], strides = [1, 1]} : vector<8x1152xi32> to vector<8x128xi32>
    %min3A_2218 = arith.minsi %min3A_2216, %slice3A_2217 : vector<8x128xi32>
    %slice3A_2219 = vector.extract_strided_slice %select_n3A_2207 {offsets = [0, 768], sizes = [8, 128], strides = [1, 1]} : vector<8x1152xi32> to vector<8x128xi32>
    %min3A_2220 = arith.minsi %min3A_2218, %slice3A_2219 : vector<8x128xi32>
    %slice3A_2221 = vector.extract_strided_slice %select_n3A_2207 {offsets = [0, 896], sizes = [8, 128], strides = [1, 1]} : vector<8x1152xi32> to vector<8x128xi32>
    %min3A_2222 = arith.minsi %min3A_2220, %slice3A_2221 : vector<8x128xi32>
    %slice3A_2223 = vector.extract_strided_slice %select_n3A_2207 {offsets = [0, 1024], sizes = [8, 128], strides = [1, 1]} : vector<8x1152xi32> to vector<8x128xi32>
    %min3A_2224 = arith.minsi %min3A_2222, %slice3A_2223 : vector<8x128xi32>
    %slice3A_2225 = vector.extract_strided_slice %reduce_max3A_1675 {offsets = [19], sizes = [1], strides = [1]} : vector<24xf32> to vector<1xf32>
    %reshape3A_2226 = vector.shape_cast %slice3A_2225 : vector<1xf32> to vector<1x1xf32>
    %get3A_2227 = arith.constant 19 : index
    %get3A_2228 = arith.constant 0 : index
    %get3A_2229 = arith.constant 0 : index
    %get3A_2230 = vector.load %arg9[%get3A_2227, %get3A_2228, %get3A_2229] : memref<24x8x1152xf32, #tpu.memory_space<vmem>>, vector<1x8x1152xf32>
    %get3A_2231 = vector.shape_cast %get3A_2230 : vector<1x8x1152xf32> to vector<8x1152xf32>
    %eq3A_2232 = vector.broadcast %reshape3A_2226 : vector<1x1xf32> to vector<8x1152xf32>
    %eq3A_2233 = arith.cmpf oeq, %get3A_2231, %eq3A_2232 : vector<8x1152xf32>
    %jit3A_2234 = arith.constant 9216 : i32
    %broadcast_in_dim3A_2235 = vector.broadcast %jit3A_2234 : i32 to vector<8x1152xi32>
    %select_n3A_2236 = arith.select %eq3A_2233, %add3A, %broadcast_in_dim3A_2235 : vector<8x1152xi1>, vector<8x1152xi32>
    %slice3A_2237 = vector.extract_strided_slice %select_n3A_2236 {offsets = [0, 0], sizes = [8, 128], strides = [1, 1]} : vector<8x1152xi32> to vector<8x128xi32>
    %slice3A_2238 = vector.extract_strided_slice %select_n3A_2236 {offsets = [0, 128], sizes = [8, 128], strides = [1, 1]} : vector<8x1152xi32> to vector<8x128xi32>
    %min3A_2239 = arith.minsi %slice3A_2237, %slice3A_2238 : vector<8x128xi32>
    %slice3A_2240 = vector.extract_strided_slice %select_n3A_2236 {offsets = [0, 256], sizes = [8, 128], strides = [1, 1]} : vector<8x1152xi32> to vector<8x128xi32>
    %min3A_2241 = arith.minsi %min3A_2239, %slice3A_2240 : vector<8x128xi32>
    %slice3A_2242 = vector.extract_strided_slice %select_n3A_2236 {offsets = [0, 384], sizes = [8, 128], strides = [1, 1]} : vector<8x1152xi32> to vector<8x128xi32>
    %min3A_2243 = arith.minsi %min3A_2241, %slice3A_2242 : vector<8x128xi32>
    %slice3A_2244 = vector.extract_strided_slice %select_n3A_2236 {offsets = [0, 512], sizes = [8, 128], strides = [1, 1]} : vector<8x1152xi32> to vector<8x128xi32>
    %min3A_2245 = arith.minsi %min3A_2243, %slice3A_2244 : vector<8x128xi32>
    %slice3A_2246 = vector.extract_strided_slice %select_n3A_2236 {offsets = [0, 640], sizes = [8, 128], strides = [1, 1]} : vector<8x1152xi32> to vector<8x128xi32>
    %min3A_2247 = arith.minsi %min3A_2245, %slice3A_2246 : vector<8x128xi32>
    %slice3A_2248 = vector.extract_strided_slice %select_n3A_2236 {offsets = [0, 768], sizes = [8, 128], strides = [1, 1]} : vector<8x1152xi32> to vector<8x128xi32>
    %min3A_2249 = arith.minsi %min3A_2247, %slice3A_2248 : vector<8x128xi32>
    %slice3A_2250 = vector.extract_strided_slice %select_n3A_2236 {offsets = [0, 896], sizes = [8, 128], strides = [1, 1]} : vector<8x1152xi32> to vector<8x128xi32>
    %min3A_2251 = arith.minsi %min3A_2249, %slice3A_2250 : vector<8x128xi32>
    %slice3A_2252 = vector.extract_strided_slice %select_n3A_2236 {offsets = [0, 1024], sizes = [8, 128], strides = [1, 1]} : vector<8x1152xi32> to vector<8x128xi32>
    %min3A_2253 = arith.minsi %min3A_2251, %slice3A_2252 : vector<8x128xi32>
    %slice3A_2254 = vector.extract_strided_slice %reduce_max3A_1675 {offsets = [20], sizes = [1], strides = [1]} : vector<24xf32> to vector<1xf32>
    %reshape3A_2255 = vector.shape_cast %slice3A_2254 : vector<1xf32> to vector<1x1xf32>
    %get3A_2256 = arith.constant 20 : index
    %get3A_2257 = arith.constant 0 : index
    %get3A_2258 = arith.constant 0 : index
    %get3A_2259 = vector.load %arg9[%get3A_2256, %get3A_2257, %get3A_2258] : memref<24x8x1152xf32, #tpu.memory_space<vmem>>, vector<1x8x1152xf32>
    %get3A_2260 = vector.shape_cast %get3A_2259 : vector<1x8x1152xf32> to vector<8x1152xf32>
    %eq3A_2261 = vector.broadcast %reshape3A_2255 : vector<1x1xf32> to vector<8x1152xf32>
    %eq3A_2262 = arith.cmpf oeq, %get3A_2260, %eq3A_2261 : vector<8x1152xf32>
    %jit3A_2263 = arith.constant 9216 : i32
    %broadcast_in_dim3A_2264 = vector.broadcast %jit3A_2263 : i32 to vector<8x1152xi32>
    %select_n3A_2265 = arith.select %eq3A_2262, %add3A, %broadcast_in_dim3A_2264 : vector<8x1152xi1>, vector<8x1152xi32>
    %slice3A_2266 = vector.extract_strided_slice %select_n3A_2265 {offsets = [0, 0], sizes = [8, 128], strides = [1, 1]} : vector<8x1152xi32> to vector<8x128xi32>
    %slice3A_2267 = vector.extract_strided_slice %select_n3A_2265 {offsets = [0, 128], sizes = [8, 128], strides = [1, 1]} : vector<8x1152xi32> to vector<8x128xi32>
    %min3A_2268 = arith.minsi %slice3A_2266, %slice3A_2267 : vector<8x128xi32>
    %slice3A_2269 = vector.extract_strided_slice %select_n3A_2265 {offsets = [0, 256], sizes = [8, 128], strides = [1, 1]} : vector<8x1152xi32> to vector<8x128xi32>
    %min3A_2270 = arith.minsi %min3A_2268, %slice3A_2269 : vector<8x128xi32>
    %slice3A_2271 = vector.extract_strided_slice %select_n3A_2265 {offsets = [0, 384], sizes = [8, 128], strides = [1, 1]} : vector<8x1152xi32> to vector<8x128xi32>
    %min3A_2272 = arith.minsi %min3A_2270, %slice3A_2271 : vector<8x128xi32>
    %slice3A_2273 = vector.extract_strided_slice %select_n3A_2265 {offsets = [0, 512], sizes = [8, 128], strides = [1, 1]} : vector<8x1152xi32> to vector<8x128xi32>
    %min3A_2274 = arith.minsi %min3A_2272, %slice3A_2273 : vector<8x128xi32>
    %slice3A_2275 = vector.extract_strided_slice %select_n3A_2265 {offsets = [0, 640], sizes = [8, 128], strides = [1, 1]} : vector<8x1152xi32> to vector<8x128xi32>
    %min3A_2276 = arith.minsi %min3A_2274, %slice3A_2275 : vector<8x128xi32>
    %slice3A_2277 = vector.extract_strided_slice %select_n3A_2265 {offsets = [0, 768], sizes = [8, 128], strides = [1, 1]} : vector<8x1152xi32> to vector<8x128xi32>
    %min3A_2278 = arith.minsi %min3A_2276, %slice3A_2277 : vector<8x128xi32>
    %slice3A_2279 = vector.extract_strided_slice %select_n3A_2265 {offsets = [0, 896], sizes = [8, 128], strides = [1, 1]} : vector<8x1152xi32> to vector<8x128xi32>
    %min3A_2280 = arith.minsi %min3A_2278, %slice3A_2279 : vector<8x128xi32>
    %slice3A_2281 = vector.extract_strided_slice %select_n3A_2265 {offsets = [0, 1024], sizes = [8, 128], strides = [1, 1]} : vector<8x1152xi32> to vector<8x128xi32>
    %min3A_2282 = arith.minsi %min3A_2280, %slice3A_2281 : vector<8x128xi32>
    %slice3A_2283 = vector.extract_strided_slice %reduce_max3A_1675 {offsets = [21], sizes = [1], strides = [1]} : vector<24xf32> to vector<1xf32>
    %reshape3A_2284 = vector.shape_cast %slice3A_2283 : vector<1xf32> to vector<1x1xf32>
    %get3A_2285 = arith.constant 21 : index
    %get3A_2286 = arith.constant 0 : index
    %get3A_2287 = arith.constant 0 : index
    %get3A_2288 = vector.load %arg9[%get3A_2285, %get3A_2286, %get3A_2287] : memref<24x8x1152xf32, #tpu.memory_space<vmem>>, vector<1x8x1152xf32>
    %get3A_2289 = vector.shape_cast %get3A_2288 : vector<1x8x1152xf32> to vector<8x1152xf32>
    %eq3A_2290 = vector.broadcast %reshape3A_2284 : vector<1x1xf32> to vector<8x1152xf32>
    %eq3A_2291 = arith.cmpf oeq, %get3A_2289, %eq3A_2290 : vector<8x1152xf32>
    %jit3A_2292 = arith.constant 9216 : i32
    %broadcast_in_dim3A_2293 = vector.broadcast %jit3A_2292 : i32 to vector<8x1152xi32>
    %select_n3A_2294 = arith.select %eq3A_2291, %add3A, %broadcast_in_dim3A_2293 : vector<8x1152xi1>, vector<8x1152xi32>
    %slice3A_2295 = vector.extract_strided_slice %select_n3A_2294 {offsets = [0, 0], sizes = [8, 128], strides = [1, 1]} : vector<8x1152xi32> to vector<8x128xi32>
    %slice3A_2296 = vector.extract_strided_slice %select_n3A_2294 {offsets = [0, 128], sizes = [8, 128], strides = [1, 1]} : vector<8x1152xi32> to vector<8x128xi32>
    %min3A_2297 = arith.minsi %slice3A_2295, %slice3A_2296 : vector<8x128xi32>
    %slice3A_2298 = vector.extract_strided_slice %select_n3A_2294 {offsets = [0, 256], sizes = [8, 128], strides = [1, 1]} : vector<8x1152xi32> to vector<8x128xi32>
    %min3A_2299 = arith.minsi %min3A_2297, %slice3A_2298 : vector<8x128xi32>
    %slice3A_2300 = vector.extract_strided_slice %select_n3A_2294 {offsets = [0, 384], sizes = [8, 128], strides = [1, 1]} : vector<8x1152xi32> to vector<8x128xi32>
    %min3A_2301 = arith.minsi %min3A_2299, %slice3A_2300 : vector<8x128xi32>
    %slice3A_2302 = vector.extract_strided_slice %select_n3A_2294 {offsets = [0, 512], sizes = [8, 128], strides = [1, 1]} : vector<8x1152xi32> to vector<8x128xi32>
    %min3A_2303 = arith.minsi %min3A_2301, %slice3A_2302 : vector<8x128xi32>
    %slice3A_2304 = vector.extract_strided_slice %select_n3A_2294 {offsets = [0, 640], sizes = [8, 128], strides = [1, 1]} : vector<8x1152xi32> to vector<8x128xi32>
    %min3A_2305 = arith.minsi %min3A_2303, %slice3A_2304 : vector<8x128xi32>
    %slice3A_2306 = vector.extract_strided_slice %select_n3A_2294 {offsets = [0, 768], sizes = [8, 128], strides = [1, 1]} : vector<8x1152xi32> to vector<8x128xi32>
    %min3A_2307 = arith.minsi %min3A_2305, %slice3A_2306 : vector<8x128xi32>
    %slice3A_2308 = vector.extract_strided_slice %select_n3A_2294 {offsets = [0, 896], sizes = [8, 128], strides = [1, 1]} : vector<8x1152xi32> to vector<8x128xi32>
    %min3A_2309 = arith.minsi %min3A_2307, %slice3A_2308 : vector<8x128xi32>
    %slice3A_2310 = vector.extract_strided_slice %select_n3A_2294 {offsets = [0, 1024], sizes = [8, 128], strides = [1, 1]} : vector<8x1152xi32> to vector<8x128xi32>
    %min3A_2311 = arith.minsi %min3A_2309, %slice3A_2310 : vector<8x128xi32>
    %slice3A_2312 = vector.extract_strided_slice %reduce_max3A_1675 {offsets = [22], sizes = [1], strides = [1]} : vector<24xf32> to vector<1xf32>
    %reshape3A_2313 = vector.shape_cast %slice3A_2312 : vector<1xf32> to vector<1x1xf32>
    %get3A_2314 = arith.constant 22 : index
    %get3A_2315 = arith.constant 0 : index
    %get3A_2316 = arith.constant 0 : index
    %get3A_2317 = vector.load %arg9[%get3A_2314, %get3A_2315, %get3A_2316] : memref<24x8x1152xf32, #tpu.memory_space<vmem>>, vector<1x8x1152xf32>
    %get3A_2318 = vector.shape_cast %get3A_2317 : vector<1x8x1152xf32> to vector<8x1152xf32>
    %eq3A_2319 = vector.broadcast %reshape3A_2313 : vector<1x1xf32> to vector<8x1152xf32>
    %eq3A_2320 = arith.cmpf oeq, %get3A_2318, %eq3A_2319 : vector<8x1152xf32>
    %jit3A_2321 = arith.constant 9216 : i32
    %broadcast_in_dim3A_2322 = vector.broadcast %jit3A_2321 : i32 to vector<8x1152xi32>
    %select_n3A_2323 = arith.select %eq3A_2320, %add3A, %broadcast_in_dim3A_2322 : vector<8x1152xi1>, vector<8x1152xi32>
    %slice3A_2324 = vector.extract_strided_slice %select_n3A_2323 {offsets = [0, 0], sizes = [8, 128], strides = [1, 1]} : vector<8x1152xi32> to vector<8x128xi32>
    %slice3A_2325 = vector.extract_strided_slice %select_n3A_2323 {offsets = [0, 128], sizes = [8, 128], strides = [1, 1]} : vector<8x1152xi32> to vector<8x128xi32>
    %min3A_2326 = arith.minsi %slice3A_2324, %slice3A_2325 : vector<8x128xi32>
    %slice3A_2327 = vector.extract_strided_slice %select_n3A_2323 {offsets = [0, 256], sizes = [8, 128], strides = [1, 1]} : vector<8x1152xi32> to vector<8x128xi32>
    %min3A_2328 = arith.minsi %min3A_2326, %slice3A_2327 : vector<8x128xi32>
    %slice3A_2329 = vector.extract_strided_slice %select_n3A_2323 {offsets = [0, 384], sizes = [8, 128], strides = [1, 1]} : vector<8x1152xi32> to vector<8x128xi32>
    %min3A_2330 = arith.minsi %min3A_2328, %slice3A_2329 : vector<8x128xi32>
    %slice3A_2331 = vector.extract_strided_slice %select_n3A_2323 {offsets = [0, 512], sizes = [8, 128], strides = [1, 1]} : vector<8x1152xi32> to vector<8x128xi32>
    %min3A_2332 = arith.minsi %min3A_2330, %slice3A_2331 : vector<8x128xi32>
    %slice3A_2333 = vector.extract_strided_slice %select_n3A_2323 {offsets = [0, 640], sizes = [8, 128], strides = [1, 1]} : vector<8x1152xi32> to vector<8x128xi32>
    %min3A_2334 = arith.minsi %min3A_2332, %slice3A_2333 : vector<8x128xi32>
    %slice3A_2335 = vector.extract_strided_slice %select_n3A_2323 {offsets = [0, 768], sizes = [8, 128], strides = [1, 1]} : vector<8x1152xi32> to vector<8x128xi32>
    %min3A_2336 = arith.minsi %min3A_2334, %slice3A_2335 : vector<8x128xi32>
    %slice3A_2337 = vector.extract_strided_slice %select_n3A_2323 {offsets = [0, 896], sizes = [8, 128], strides = [1, 1]} : vector<8x1152xi32> to vector<8x128xi32>
    %min3A_2338 = arith.minsi %min3A_2336, %slice3A_2337 : vector<8x128xi32>
    %slice3A_2339 = vector.extract_strided_slice %select_n3A_2323 {offsets = [0, 1024], sizes = [8, 128], strides = [1, 1]} : vector<8x1152xi32> to vector<8x128xi32>
    %min3A_2340 = arith.minsi %min3A_2338, %slice3A_2339 : vector<8x128xi32>
    %slice3A_2341 = vector.extract_strided_slice %reduce_max3A_1675 {offsets = [23], sizes = [1], strides = [1]} : vector<24xf32> to vector<1xf32>
    %reshape3A_2342 = vector.shape_cast %slice3A_2341 : vector<1xf32> to vector<1x1xf32>
    %get3A_2343 = arith.constant 23 : index
    %get3A_2344 = arith.constant 0 : index
    %get3A_2345 = arith.constant 0 : index
    %get3A_2346 = vector.load %arg9[%get3A_2343, %get3A_2344, %get3A_2345] : memref<24x8x1152xf32, #tpu.memory_space<vmem>>, vector<1x8x1152xf32>
    %get3A_2347 = vector.shape_cast %get3A_2346 : vector<1x8x1152xf32> to vector<8x1152xf32>
    %eq3A_2348 = vector.broadcast %reshape3A_2342 : vector<1x1xf32> to vector<8x1152xf32>
    %eq3A_2349 = arith.cmpf oeq, %get3A_2347, %eq3A_2348 : vector<8x1152xf32>
    %jit3A_2350 = arith.constant 9216 : i32
    %broadcast_in_dim3A_2351 = vector.broadcast %jit3A_2350 : i32 to vector<8x1152xi32>
    %select_n3A_2352 = arith.select %eq3A_2349, %add3A, %broadcast_in_dim3A_2351 : vector<8x1152xi1>, vector<8x1152xi32>
    %slice3A_2353 = vector.extract_strided_slice %select_n3A_2352 {offsets = [0, 0], sizes = [8, 128], strides = [1, 1]} : vector<8x1152xi32> to vector<8x128xi32>
    %slice3A_2354 = vector.extract_strided_slice %select_n3A_2352 {offsets = [0, 128], sizes = [8, 128], strides = [1, 1]} : vector<8x1152xi32> to vector<8x128xi32>
    %min3A_2355 = arith.minsi %slice3A_2353, %slice3A_2354 : vector<8x128xi32>
    %slice3A_2356 = vector.extract_strided_slice %select_n3A_2352 {offsets = [0, 256], sizes = [8, 128], strides = [1, 1]} : vector<8x1152xi32> to vector<8x128xi32>
    %min3A_2357 = arith.minsi %min3A_2355, %slice3A_2356 : vector<8x128xi32>
    %slice3A_2358 = vector.extract_strided_slice %select_n3A_2352 {offsets = [0, 384], sizes = [8, 128], strides = [1, 1]} : vector<8x1152xi32> to vector<8x128xi32>
    %min3A_2359 = arith.minsi %min3A_2357, %slice3A_2358 : vector<8x128xi32>
    %slice3A_2360 = vector.extract_strided_slice %select_n3A_2352 {offsets = [0, 512], sizes = [8, 128], strides = [1, 1]} : vector<8x1152xi32> to vector<8x128xi32>
    %min3A_2361 = arith.minsi %min3A_2359, %slice3A_2360 : vector<8x128xi32>
    %slice3A_2362 = vector.extract_strided_slice %select_n3A_2352 {offsets = [0, 640], sizes = [8, 128], strides = [1, 1]} : vector<8x1152xi32> to vector<8x128xi32>
    %min3A_2363 = arith.minsi %min3A_2361, %slice3A_2362 : vector<8x128xi32>
    %slice3A_2364 = vector.extract_strided_slice %select_n3A_2352 {offsets = [0, 768], sizes = [8, 128], strides = [1, 1]} : vector<8x1152xi32> to vector<8x128xi32>
    %min3A_2365 = arith.minsi %min3A_2363, %slice3A_2364 : vector<8x128xi32>
    %slice3A_2366 = vector.extract_strided_slice %select_n3A_2352 {offsets = [0, 896], sizes = [8, 128], strides = [1, 1]} : vector<8x1152xi32> to vector<8x128xi32>
    %min3A_2367 = arith.minsi %min3A_2365, %slice3A_2366 : vector<8x128xi32>
    %slice3A_2368 = vector.extract_strided_slice %select_n3A_2352 {offsets = [0, 1024], sizes = [8, 128], strides = [1, 1]} : vector<8x1152xi32> to vector<8x128xi32>
    %min3A_2369 = arith.minsi %min3A_2367, %slice3A_2368 : vector<8x128xi32>
    %stack3A_2370 = vector.shape_cast %min3A_1702 : vector<8x128xi32> to vector<1x8x128xi32>
    %stack3A_2371 = vector.shape_cast %min3A_1731 : vector<8x128xi32> to vector<1x8x128xi32>
    %stack3A_2372 = vector.shape_cast %min3A_1760 : vector<8x128xi32> to vector<1x8x128xi32>
    %stack3A_2373 = vector.shape_cast %min3A_1789 : vector<8x128xi32> to vector<1x8x128xi32>
    %stack3A_2374 = vector.shape_cast %min3A_1818 : vector<8x128xi32> to vector<1x8x128xi32>
    %stack3A_2375 = vector.shape_cast %min3A_1847 : vector<8x128xi32> to vector<1x8x128xi32>
    %stack3A_2376 = vector.shape_cast %min3A_1876 : vector<8x128xi32> to vector<1x8x128xi32>
    %stack3A_2377 = vector.shape_cast %min3A_1905 : vector<8x128xi32> to vector<1x8x128xi32>
    %stack3A_2378 = vector.shape_cast %min3A_1934 : vector<8x128xi32> to vector<1x8x128xi32>
    %stack3A_2379 = vector.shape_cast %min3A_1963 : vector<8x128xi32> to vector<1x8x128xi32>
    %stack3A_2380 = vector.shape_cast %min3A_1992 : vector<8x128xi32> to vector<1x8x128xi32>
    %stack3A_2381 = vector.shape_cast %min3A_2021 : vector<8x128xi32> to vector<1x8x128xi32>
    %stack3A_2382 = vector.shape_cast %min3A_2050 : vector<8x128xi32> to vector<1x8x128xi32>
    %stack3A_2383 = vector.shape_cast %min3A_2079 : vector<8x128xi32> to vector<1x8x128xi32>
    %stack3A_2384 = vector.shape_cast %min3A_2108 : vector<8x128xi32> to vector<1x8x128xi32>
    %stack3A_2385 = vector.shape_cast %min3A_2137 : vector<8x128xi32> to vector<1x8x128xi32>
    %stack3A_2386 = vector.shape_cast %min3A_2166 : vector<8x128xi32> to vector<1x8x128xi32>
    %stack3A_2387 = vector.shape_cast %min3A_2195 : vector<8x128xi32> to vector<1x8x128xi32>
    %stack3A_2388 = vector.shape_cast %min3A_2224 : vector<8x128xi32> to vector<1x8x128xi32>
    %stack3A_2389 = vector.shape_cast %min3A_2253 : vector<8x128xi32> to vector<1x8x128xi32>
    %stack3A_2390 = vector.shape_cast %min3A_2282 : vector<8x128xi32> to vector<1x8x128xi32>
    %stack3A_2391 = vector.shape_cast %min3A_2311 : vector<8x128xi32> to vector<1x8x128xi32>
    %stack3A_2392 = vector.shape_cast %min3A_2340 : vector<8x128xi32> to vector<1x8x128xi32>
    %stack3A_2393 = vector.shape_cast %min3A_2369 : vector<8x128xi32> to vector<1x8x128xi32>
    %stack3A_2394 = tpu.concatenate %stack3A_2370, %stack3A_2371, %stack3A_2372, %stack3A_2373, %stack3A_2374, %stack3A_2375, %stack3A_2376, %stack3A_2377, %stack3A_2378, %stack3A_2379, %stack3A_2380, %stack3A_2381, %stack3A_2382, %stack3A_2383, %stack3A_2384, %stack3A_2385, %stack3A_2386, %stack3A_2387, %stack3A_2388, %stack3A_2389, %stack3A_2390, %stack3A_2391, %stack3A_2392, %stack3A_2393 in 0 : vector<1x8x128xi32>, vector<1x8x128xi32>, vector<1x8x128xi32>, vector<1x8x128xi32>, vector<1x8x128xi32>, vector<1x8x128xi32>, vector<1x8x128xi32>, vector<1x8x128xi32>, vector<1x8x128xi32>, vector<1x8x128xi32>, vector<1x8x128xi32>, vector<1x8x128xi32>, vector<1x8x128xi32>, vector<1x8x128xi32>, vector<1x8x128xi32>, vector<1x8x128xi32>, vector<1x8x128xi32>, vector<1x8x128xi32>, vector<1x8x128xi32>, vector<1x8x128xi32>, vector<1x8x128xi32>, vector<1x8x128xi32>, vector<1x8x128xi32>, vector<1x8x128xi32> -> vector<24x8x128xi32>
    %reduce_min3A = arith.constant dense<2147483647> : vector<24xi32>
    %reduce_min3A_2395 = vector.multi_reduction <minsi>, %stack3A_2394, %reduce_min3A [1, 2] : vector<24x8x128xi32> to vector<24xi32>
    %slice3A_2396 = vector.extract_strided_slice %reduce_min3A_2395 {offsets = [0], sizes = [1], strides = [1]} : vector<24xi32> to vector<1xi32>
    %reshape3A_2397 = vector.shape_cast %slice3A_2396 : vector<1xi32> to vector<1x1xi32>
    %eq3A_2398 = vector.broadcast %reshape3A_2397 : vector<1x1xi32> to vector<8x1152xi32>
    %eq3A_2399 = arith.cmpi eq, %add3A, %eq3A_2398 : vector<8x1152xi32>
    %jit3A_2400 = arith.constant 1.000000e+00 : f32
    %broadcast_in_dim3A_2401 = vector.broadcast %jit3A_2400 : f32 to vector<8x1152xf32>
    %select_n3A_2402 = arith.select %eq3A_2399, %broadcast_in_dim3A_2401, %select_n3A_1624 : vector<8x1152xi1>, vector<8x1152xf32>
    %jit3A_2403 = arith.constant 0 : i32
    %broadcast_in_dim3A_2404 = vector.broadcast %jit3A_2403 : i32 to vector<8x1152xi32>
    %select_n3A_2405 = arith.select %eq3A_2399, %broadcast_in_dim3A_2404, %select_n3A_1627 : vector<8x1152xi1>, vector<8x1152xi32>
    %slice3A_2406 = vector.extract_strided_slice %reduce_min3A_2395 {offsets = [1], sizes = [1], strides = [1]} : vector<24xi32> to vector<1xi32>
    %reshape3A_2407 = vector.shape_cast %slice3A_2406 : vector<1xi32> to vector<1x1xi32>
    %eq3A_2408 = vector.broadcast %reshape3A_2407 : vector<1x1xi32> to vector<8x1152xi32>
    %eq3A_2409 = arith.cmpi eq, %add3A, %eq3A_2408 : vector<8x1152xi32>
    %jit3A_2410 = arith.constant 1.000000e+00 : f32
    %broadcast_in_dim3A_2411 = vector.broadcast %jit3A_2410 : f32 to vector<8x1152xf32>
    %select_n3A_2412 = arith.select %eq3A_2409, %broadcast_in_dim3A_2411, %select_n3A_2402 : vector<8x1152xi1>, vector<8x1152xf32>
    %jit3A_2413 = arith.constant 1 : i32
    %broadcast_in_dim3A_2414 = vector.broadcast %jit3A_2413 : i32 to vector<8x1152xi32>
    %select_n3A_2415 = arith.select %eq3A_2409, %broadcast_in_dim3A_2414, %select_n3A_2405 : vector<8x1152xi1>, vector<8x1152xi32>
    %slice3A_2416 = vector.extract_strided_slice %reduce_min3A_2395 {offsets = [2], sizes = [1], strides = [1]} : vector<24xi32> to vector<1xi32>
    %reshape3A_2417 = vector.shape_cast %slice3A_2416 : vector<1xi32> to vector<1x1xi32>
    %eq3A_2418 = vector.broadcast %reshape3A_2417 : vector<1x1xi32> to vector<8x1152xi32>
    %eq3A_2419 = arith.cmpi eq, %add3A, %eq3A_2418 : vector<8x1152xi32>
    %jit3A_2420 = arith.constant 1.000000e+00 : f32
    %broadcast_in_dim3A_2421 = vector.broadcast %jit3A_2420 : f32 to vector<8x1152xf32>
    %select_n3A_2422 = arith.select %eq3A_2419, %broadcast_in_dim3A_2421, %select_n3A_2412 : vector<8x1152xi1>, vector<8x1152xf32>
    %jit3A_2423 = arith.constant 2 : i32
    %broadcast_in_dim3A_2424 = vector.broadcast %jit3A_2423 : i32 to vector<8x1152xi32>
    %select_n3A_2425 = arith.select %eq3A_2419, %broadcast_in_dim3A_2424, %select_n3A_2415 : vector<8x1152xi1>, vector<8x1152xi32>
    %slice3A_2426 = vector.extract_strided_slice %reduce_min3A_2395 {offsets = [3], sizes = [1], strides = [1]} : vector<24xi32> to vector<1xi32>
    %reshape3A_2427 = vector.shape_cast %slice3A_2426 : vector<1xi32> to vector<1x1xi32>
    %eq3A_2428 = vector.broadcast %reshape3A_2427 : vector<1x1xi32> to vector<8x1152xi32>
    %eq3A_2429 = arith.cmpi eq, %add3A, %eq3A_2428 : vector<8x1152xi32>
    %jit3A_2430 = arith.constant 1.000000e+00 : f32
    %broadcast_in_dim3A_2431 = vector.broadcast %jit3A_2430 : f32 to vector<8x1152xf32>
    %select_n3A_2432 = arith.select %eq3A_2429, %broadcast_in_dim3A_2431, %select_n3A_2422 : vector<8x1152xi1>, vector<8x1152xf32>
    %jit3A_2433 = arith.constant 3 : i32
    %broadcast_in_dim3A_2434 = vector.broadcast %jit3A_2433 : i32 to vector<8x1152xi32>
    %select_n3A_2435 = arith.select %eq3A_2429, %broadcast_in_dim3A_2434, %select_n3A_2425 : vector<8x1152xi1>, vector<8x1152xi32>
    %slice3A_2436 = vector.extract_strided_slice %reduce_min3A_2395 {offsets = [4], sizes = [1], strides = [1]} : vector<24xi32> to vector<1xi32>
    %reshape3A_2437 = vector.shape_cast %slice3A_2436 : vector<1xi32> to vector<1x1xi32>
    %eq3A_2438 = vector.broadcast %reshape3A_2437 : vector<1x1xi32> to vector<8x1152xi32>
    %eq3A_2439 = arith.cmpi eq, %add3A, %eq3A_2438 : vector<8x1152xi32>
    %jit3A_2440 = arith.constant 1.000000e+00 : f32
    %broadcast_in_dim3A_2441 = vector.broadcast %jit3A_2440 : f32 to vector<8x1152xf32>
    %select_n3A_2442 = arith.select %eq3A_2439, %broadcast_in_dim3A_2441, %select_n3A_2432 : vector<8x1152xi1>, vector<8x1152xf32>
    %jit3A_2443 = arith.constant 4 : i32
    %broadcast_in_dim3A_2444 = vector.broadcast %jit3A_2443 : i32 to vector<8x1152xi32>
    %select_n3A_2445 = arith.select %eq3A_2439, %broadcast_in_dim3A_2444, %select_n3A_2435 : vector<8x1152xi1>, vector<8x1152xi32>
    %slice3A_2446 = vector.extract_strided_slice %reduce_min3A_2395 {offsets = [5], sizes = [1], strides = [1]} : vector<24xi32> to vector<1xi32>
    %reshape3A_2447 = vector.shape_cast %slice3A_2446 : vector<1xi32> to vector<1x1xi32>
    %eq3A_2448 = vector.broadcast %reshape3A_2447 : vector<1x1xi32> to vector<8x1152xi32>
    %eq3A_2449 = arith.cmpi eq, %add3A, %eq3A_2448 : vector<8x1152xi32>
    %jit3A_2450 = arith.constant 1.000000e+00 : f32
    %broadcast_in_dim3A_2451 = vector.broadcast %jit3A_2450 : f32 to vector<8x1152xf32>
    %select_n3A_2452 = arith.select %eq3A_2449, %broadcast_in_dim3A_2451, %select_n3A_2442 : vector<8x1152xi1>, vector<8x1152xf32>
    %jit3A_2453 = arith.constant 5 : i32
    %broadcast_in_dim3A_2454 = vector.broadcast %jit3A_2453 : i32 to vector<8x1152xi32>
    %select_n3A_2455 = arith.select %eq3A_2449, %broadcast_in_dim3A_2454, %select_n3A_2445 : vector<8x1152xi1>, vector<8x1152xi32>
    %slice3A_2456 = vector.extract_strided_slice %reduce_min3A_2395 {offsets = [6], sizes = [1], strides = [1]} : vector<24xi32> to vector<1xi32>
    %reshape3A_2457 = vector.shape_cast %slice3A_2456 : vector<1xi32> to vector<1x1xi32>
    %eq3A_2458 = vector.broadcast %reshape3A_2457 : vector<1x1xi32> to vector<8x1152xi32>
    %eq3A_2459 = arith.cmpi eq, %add3A, %eq3A_2458 : vector<8x1152xi32>
    %jit3A_2460 = arith.constant 1.000000e+00 : f32
    %broadcast_in_dim3A_2461 = vector.broadcast %jit3A_2460 : f32 to vector<8x1152xf32>
    %select_n3A_2462 = arith.select %eq3A_2459, %broadcast_in_dim3A_2461, %select_n3A_2452 : vector<8x1152xi1>, vector<8x1152xf32>
    %jit3A_2463 = arith.constant 6 : i32
    %broadcast_in_dim3A_2464 = vector.broadcast %jit3A_2463 : i32 to vector<8x1152xi32>
    %select_n3A_2465 = arith.select %eq3A_2459, %broadcast_in_dim3A_2464, %select_n3A_2455 : vector<8x1152xi1>, vector<8x1152xi32>
    %slice3A_2466 = vector.extract_strided_slice %reduce_min3A_2395 {offsets = [7], sizes = [1], strides = [1]} : vector<24xi32> to vector<1xi32>
    %reshape3A_2467 = vector.shape_cast %slice3A_2466 : vector<1xi32> to vector<1x1xi32>
    %eq3A_2468 = vector.broadcast %reshape3A_2467 : vector<1x1xi32> to vector<8x1152xi32>
    %eq3A_2469 = arith.cmpi eq, %add3A, %eq3A_2468 : vector<8x1152xi32>
    %jit3A_2470 = arith.constant 1.000000e+00 : f32
    %broadcast_in_dim3A_2471 = vector.broadcast %jit3A_2470 : f32 to vector<8x1152xf32>
    %select_n3A_2472 = arith.select %eq3A_2469, %broadcast_in_dim3A_2471, %select_n3A_2462 : vector<8x1152xi1>, vector<8x1152xf32>
    %jit3A_2473 = arith.constant 7 : i32
    %broadcast_in_dim3A_2474 = vector.broadcast %jit3A_2473 : i32 to vector<8x1152xi32>
    %select_n3A_2475 = arith.select %eq3A_2469, %broadcast_in_dim3A_2474, %select_n3A_2465 : vector<8x1152xi1>, vector<8x1152xi32>
    %slice3A_2476 = vector.extract_strided_slice %reduce_min3A_2395 {offsets = [8], sizes = [1], strides = [1]} : vector<24xi32> to vector<1xi32>
    %reshape3A_2477 = vector.shape_cast %slice3A_2476 : vector<1xi32> to vector<1x1xi32>
    %eq3A_2478 = vector.broadcast %reshape3A_2477 : vector<1x1xi32> to vector<8x1152xi32>
    %eq3A_2479 = arith.cmpi eq, %add3A, %eq3A_2478 : vector<8x1152xi32>
    %jit3A_2480 = arith.constant 1.000000e+00 : f32
    %broadcast_in_dim3A_2481 = vector.broadcast %jit3A_2480 : f32 to vector<8x1152xf32>
    %select_n3A_2482 = arith.select %eq3A_2479, %broadcast_in_dim3A_2481, %select_n3A_2472 : vector<8x1152xi1>, vector<8x1152xf32>
    %jit3A_2483 = arith.constant 8 : i32
    %broadcast_in_dim3A_2484 = vector.broadcast %jit3A_2483 : i32 to vector<8x1152xi32>
    %select_n3A_2485 = arith.select %eq3A_2479, %broadcast_in_dim3A_2484, %select_n3A_2475 : vector<8x1152xi1>, vector<8x1152xi32>
    %slice3A_2486 = vector.extract_strided_slice %reduce_min3A_2395 {offsets = [9], sizes = [1], strides = [1]} : vector<24xi32> to vector<1xi32>
    %reshape3A_2487 = vector.shape_cast %slice3A_2486 : vector<1xi32> to vector<1x1xi32>
    %eq3A_2488 = vector.broadcast %reshape3A_2487 : vector<1x1xi32> to vector<8x1152xi32>
    %eq3A_2489 = arith.cmpi eq, %add3A, %eq3A_2488 : vector<8x1152xi32>
    %jit3A_2490 = arith.constant 1.000000e+00 : f32
    %broadcast_in_dim3A_2491 = vector.broadcast %jit3A_2490 : f32 to vector<8x1152xf32>
    %select_n3A_2492 = arith.select %eq3A_2489, %broadcast_in_dim3A_2491, %select_n3A_2482 : vector<8x1152xi1>, vector<8x1152xf32>
    %jit3A_2493 = arith.constant 9 : i32
    %broadcast_in_dim3A_2494 = vector.broadcast %jit3A_2493 : i32 to vector<8x1152xi32>
    %select_n3A_2495 = arith.select %eq3A_2489, %broadcast_in_dim3A_2494, %select_n3A_2485 : vector<8x1152xi1>, vector<8x1152xi32>
    %slice3A_2496 = vector.extract_strided_slice %reduce_min3A_2395 {offsets = [10], sizes = [1], strides = [1]} : vector<24xi32> to vector<1xi32>
    %reshape3A_2497 = vector.shape_cast %slice3A_2496 : vector<1xi32> to vector<1x1xi32>
    %eq3A_2498 = vector.broadcast %reshape3A_2497 : vector<1x1xi32> to vector<8x1152xi32>
    %eq3A_2499 = arith.cmpi eq, %add3A, %eq3A_2498 : vector<8x1152xi32>
    %jit3A_2500 = arith.constant 1.000000e+00 : f32
    %broadcast_in_dim3A_2501 = vector.broadcast %jit3A_2500 : f32 to vector<8x1152xf32>
    %select_n3A_2502 = arith.select %eq3A_2499, %broadcast_in_dim3A_2501, %select_n3A_2492 : vector<8x1152xi1>, vector<8x1152xf32>
    %jit3A_2503 = arith.constant 10 : i32
    %broadcast_in_dim3A_2504 = vector.broadcast %jit3A_2503 : i32 to vector<8x1152xi32>
    %select_n3A_2505 = arith.select %eq3A_2499, %broadcast_in_dim3A_2504, %select_n3A_2495 : vector<8x1152xi1>, vector<8x1152xi32>
    %slice3A_2506 = vector.extract_strided_slice %reduce_min3A_2395 {offsets = [11], sizes = [1], strides = [1]} : vector<24xi32> to vector<1xi32>
    %reshape3A_2507 = vector.shape_cast %slice3A_2506 : vector<1xi32> to vector<1x1xi32>
    %eq3A_2508 = vector.broadcast %reshape3A_2507 : vector<1x1xi32> to vector<8x1152xi32>
    %eq3A_2509 = arith.cmpi eq, %add3A, %eq3A_2508 : vector<8x1152xi32>
    %jit3A_2510 = arith.constant 1.000000e+00 : f32
    %broadcast_in_dim3A_2511 = vector.broadcast %jit3A_2510 : f32 to vector<8x1152xf32>
    %select_n3A_2512 = arith.select %eq3A_2509, %broadcast_in_dim3A_2511, %select_n3A_2502 : vector<8x1152xi1>, vector<8x1152xf32>
    %jit3A_2513 = arith.constant 11 : i32
    %broadcast_in_dim3A_2514 = vector.broadcast %jit3A_2513 : i32 to vector<8x1152xi32>
    %select_n3A_2515 = arith.select %eq3A_2509, %broadcast_in_dim3A_2514, %select_n3A_2505 : vector<8x1152xi1>, vector<8x1152xi32>
    %slice3A_2516 = vector.extract_strided_slice %reduce_min3A_2395 {offsets = [12], sizes = [1], strides = [1]} : vector<24xi32> to vector<1xi32>
    %reshape3A_2517 = vector.shape_cast %slice3A_2516 : vector<1xi32> to vector<1x1xi32>
    %eq3A_2518 = vector.broadcast %reshape3A_2517 : vector<1x1xi32> to vector<8x1152xi32>
    %eq3A_2519 = arith.cmpi eq, %add3A, %eq3A_2518 : vector<8x1152xi32>
    %jit3A_2520 = arith.constant 1.000000e+00 : f32
    %broadcast_in_dim3A_2521 = vector.broadcast %jit3A_2520 : f32 to vector<8x1152xf32>
    %select_n3A_2522 = arith.select %eq3A_2519, %broadcast_in_dim3A_2521, %select_n3A_2512 : vector<8x1152xi1>, vector<8x1152xf32>
    %jit3A_2523 = arith.constant 12 : i32
    %broadcast_in_dim3A_2524 = vector.broadcast %jit3A_2523 : i32 to vector<8x1152xi32>
    %select_n3A_2525 = arith.select %eq3A_2519, %broadcast_in_dim3A_2524, %select_n3A_2515 : vector<8x1152xi1>, vector<8x1152xi32>
    %slice3A_2526 = vector.extract_strided_slice %reduce_min3A_2395 {offsets = [13], sizes = [1], strides = [1]} : vector<24xi32> to vector<1xi32>
    %reshape3A_2527 = vector.shape_cast %slice3A_2526 : vector<1xi32> to vector<1x1xi32>
    %eq3A_2528 = vector.broadcast %reshape3A_2527 : vector<1x1xi32> to vector<8x1152xi32>
    %eq3A_2529 = arith.cmpi eq, %add3A, %eq3A_2528 : vector<8x1152xi32>
    %jit3A_2530 = arith.constant 1.000000e+00 : f32
    %broadcast_in_dim3A_2531 = vector.broadcast %jit3A_2530 : f32 to vector<8x1152xf32>
    %select_n3A_2532 = arith.select %eq3A_2529, %broadcast_in_dim3A_2531, %select_n3A_2522 : vector<8x1152xi1>, vector<8x1152xf32>
    %jit3A_2533 = arith.constant 13 : i32
    %broadcast_in_dim3A_2534 = vector.broadcast %jit3A_2533 : i32 to vector<8x1152xi32>
    %select_n3A_2535 = arith.select %eq3A_2529, %broadcast_in_dim3A_2534, %select_n3A_2525 : vector<8x1152xi1>, vector<8x1152xi32>
    %slice3A_2536 = vector.extract_strided_slice %reduce_min3A_2395 {offsets = [14], sizes = [1], strides = [1]} : vector<24xi32> to vector<1xi32>
    %reshape3A_2537 = vector.shape_cast %slice3A_2536 : vector<1xi32> to vector<1x1xi32>
    %eq3A_2538 = vector.broadcast %reshape3A_2537 : vector<1x1xi32> to vector<8x1152xi32>
    %eq3A_2539 = arith.cmpi eq, %add3A, %eq3A_2538 : vector<8x1152xi32>
    %jit3A_2540 = arith.constant 1.000000e+00 : f32
    %broadcast_in_dim3A_2541 = vector.broadcast %jit3A_2540 : f32 to vector<8x1152xf32>
    %select_n3A_2542 = arith.select %eq3A_2539, %broadcast_in_dim3A_2541, %select_n3A_2532 : vector<8x1152xi1>, vector<8x1152xf32>
    %jit3A_2543 = arith.constant 14 : i32
    %broadcast_in_dim3A_2544 = vector.broadcast %jit3A_2543 : i32 to vector<8x1152xi32>
    %select_n3A_2545 = arith.select %eq3A_2539, %broadcast_in_dim3A_2544, %select_n3A_2535 : vector<8x1152xi1>, vector<8x1152xi32>
    %slice3A_2546 = vector.extract_strided_slice %reduce_min3A_2395 {offsets = [15], sizes = [1], strides = [1]} : vector<24xi32> to vector<1xi32>
    %reshape3A_2547 = vector.shape_cast %slice3A_2546 : vector<1xi32> to vector<1x1xi32>
    %eq3A_2548 = vector.broadcast %reshape3A_2547 : vector<1x1xi32> to vector<8x1152xi32>
    %eq3A_2549 = arith.cmpi eq, %add3A, %eq3A_2548 : vector<8x1152xi32>
    %jit3A_2550 = arith.constant 1.000000e+00 : f32
    %broadcast_in_dim3A_2551 = vector.broadcast %jit3A_2550 : f32 to vector<8x1152xf32>
    %select_n3A_2552 = arith.select %eq3A_2549, %broadcast_in_dim3A_2551, %select_n3A_2542 : vector<8x1152xi1>, vector<8x1152xf32>
    %jit3A_2553 = arith.constant 15 : i32
    %broadcast_in_dim3A_2554 = vector.broadcast %jit3A_2553 : i32 to vector<8x1152xi32>
    %select_n3A_2555 = arith.select %eq3A_2549, %broadcast_in_dim3A_2554, %select_n3A_2545 : vector<8x1152xi1>, vector<8x1152xi32>
    %slice3A_2556 = vector.extract_strided_slice %reduce_min3A_2395 {offsets = [16], sizes = [1], strides = [1]} : vector<24xi32> to vector<1xi32>
    %reshape3A_2557 = vector.shape_cast %slice3A_2556 : vector<1xi32> to vector<1x1xi32>
    %eq3A_2558 = vector.broadcast %reshape3A_2557 : vector<1x1xi32> to vector<8x1152xi32>
    %eq3A_2559 = arith.cmpi eq, %add3A, %eq3A_2558 : vector<8x1152xi32>
    %jit3A_2560 = arith.constant 1.000000e+00 : f32
    %broadcast_in_dim3A_2561 = vector.broadcast %jit3A_2560 : f32 to vector<8x1152xf32>
    %select_n3A_2562 = arith.select %eq3A_2559, %broadcast_in_dim3A_2561, %select_n3A_2552 : vector<8x1152xi1>, vector<8x1152xf32>
    %jit3A_2563 = arith.constant 16 : i32
    %broadcast_in_dim3A_2564 = vector.broadcast %jit3A_2563 : i32 to vector<8x1152xi32>
    %select_n3A_2565 = arith.select %eq3A_2559, %broadcast_in_dim3A_2564, %select_n3A_2555 : vector<8x1152xi1>, vector<8x1152xi32>
    %slice3A_2566 = vector.extract_strided_slice %reduce_min3A_2395 {offsets = [17], sizes = [1], strides = [1]} : vector<24xi32> to vector<1xi32>
    %reshape3A_2567 = vector.shape_cast %slice3A_2566 : vector<1xi32> to vector<1x1xi32>
    %eq3A_2568 = vector.broadcast %reshape3A_2567 : vector<1x1xi32> to vector<8x1152xi32>
    %eq3A_2569 = arith.cmpi eq, %add3A, %eq3A_2568 : vector<8x1152xi32>
    %jit3A_2570 = arith.constant 1.000000e+00 : f32
    %broadcast_in_dim3A_2571 = vector.broadcast %jit3A_2570 : f32 to vector<8x1152xf32>
    %select_n3A_2572 = arith.select %eq3A_2569, %broadcast_in_dim3A_2571, %select_n3A_2562 : vector<8x1152xi1>, vector<8x1152xf32>
    %jit3A_2573 = arith.constant 17 : i32
    %broadcast_in_dim3A_2574 = vector.broadcast %jit3A_2573 : i32 to vector<8x1152xi32>
    %select_n3A_2575 = arith.select %eq3A_2569, %broadcast_in_dim3A_2574, %select_n3A_2565 : vector<8x1152xi1>, vector<8x1152xi32>
    %slice3A_2576 = vector.extract_strided_slice %reduce_min3A_2395 {offsets = [18], sizes = [1], strides = [1]} : vector<24xi32> to vector<1xi32>
    %reshape3A_2577 = vector.shape_cast %slice3A_2576 : vector<1xi32> to vector<1x1xi32>
    %eq3A_2578 = vector.broadcast %reshape3A_2577 : vector<1x1xi32> to vector<8x1152xi32>
    %eq3A_2579 = arith.cmpi eq, %add3A, %eq3A_2578 : vector<8x1152xi32>
    %jit3A_2580 = arith.constant 1.000000e+00 : f32
    %broadcast_in_dim3A_2581 = vector.broadcast %jit3A_2580 : f32 to vector<8x1152xf32>
    %select_n3A_2582 = arith.select %eq3A_2579, %broadcast_in_dim3A_2581, %select_n3A_2572 : vector<8x1152xi1>, vector<8x1152xf32>
    %jit3A_2583 = arith.constant 18 : i32
    %broadcast_in_dim3A_2584 = vector.broadcast %jit3A_2583 : i32 to vector<8x1152xi32>
    %select_n3A_2585 = arith.select %eq3A_2579, %broadcast_in_dim3A_2584, %select_n3A_2575 : vector<8x1152xi1>, vector<8x1152xi32>
    %slice3A_2586 = vector.extract_strided_slice %reduce_min3A_2395 {offsets = [19], sizes = [1], strides = [1]} : vector<24xi32> to vector<1xi32>
    %reshape3A_2587 = vector.shape_cast %slice3A_2586 : vector<1xi32> to vector<1x1xi32>
    %eq3A_2588 = vector.broadcast %reshape3A_2587 : vector<1x1xi32> to vector<8x1152xi32>
    %eq3A_2589 = arith.cmpi eq, %add3A, %eq3A_2588 : vector<8x1152xi32>
    %jit3A_2590 = arith.constant 1.000000e+00 : f32
    %broadcast_in_dim3A_2591 = vector.broadcast %jit3A_2590 : f32 to vector<8x1152xf32>
    %select_n3A_2592 = arith.select %eq3A_2589, %broadcast_in_dim3A_2591, %select_n3A_2582 : vector<8x1152xi1>, vector<8x1152xf32>
    %jit3A_2593 = arith.constant 19 : i32
    %broadcast_in_dim3A_2594 = vector.broadcast %jit3A_2593 : i32 to vector<8x1152xi32>
    %select_n3A_2595 = arith.select %eq3A_2589, %broadcast_in_dim3A_2594, %select_n3A_2585 : vector<8x1152xi1>, vector<8x1152xi32>
    %slice3A_2596 = vector.extract_strided_slice %reduce_min3A_2395 {offsets = [20], sizes = [1], strides = [1]} : vector<24xi32> to vector<1xi32>
    %reshape3A_2597 = vector.shape_cast %slice3A_2596 : vector<1xi32> to vector<1x1xi32>
    %eq3A_2598 = vector.broadcast %reshape3A_2597 : vector<1x1xi32> to vector<8x1152xi32>
    %eq3A_2599 = arith.cmpi eq, %add3A, %eq3A_2598 : vector<8x1152xi32>
    %jit3A_2600 = arith.constant 1.000000e+00 : f32
    %broadcast_in_dim3A_2601 = vector.broadcast %jit3A_2600 : f32 to vector<8x1152xf32>
    %select_n3A_2602 = arith.select %eq3A_2599, %broadcast_in_dim3A_2601, %select_n3A_2592 : vector<8x1152xi1>, vector<8x1152xf32>
    %jit3A_2603 = arith.constant 20 : i32
    %broadcast_in_dim3A_2604 = vector.broadcast %jit3A_2603 : i32 to vector<8x1152xi32>
    %select_n3A_2605 = arith.select %eq3A_2599, %broadcast_in_dim3A_2604, %select_n3A_2595 : vector<8x1152xi1>, vector<8x1152xi32>
    %slice3A_2606 = vector.extract_strided_slice %reduce_min3A_2395 {offsets = [21], sizes = [1], strides = [1]} : vector<24xi32> to vector<1xi32>
    %reshape3A_2607 = vector.shape_cast %slice3A_2606 : vector<1xi32> to vector<1x1xi32>
    %eq3A_2608 = vector.broadcast %reshape3A_2607 : vector<1x1xi32> to vector<8x1152xi32>
    %eq3A_2609 = arith.cmpi eq, %add3A, %eq3A_2608 : vector<8x1152xi32>
    %jit3A_2610 = arith.constant 1.000000e+00 : f32
    %broadcast_in_dim3A_2611 = vector.broadcast %jit3A_2610 : f32 to vector<8x1152xf32>
    %select_n3A_2612 = arith.select %eq3A_2609, %broadcast_in_dim3A_2611, %select_n3A_2602 : vector<8x1152xi1>, vector<8x1152xf32>
    %jit3A_2613 = arith.constant 21 : i32
    %broadcast_in_dim3A_2614 = vector.broadcast %jit3A_2613 : i32 to vector<8x1152xi32>
    %select_n3A_2615 = arith.select %eq3A_2609, %broadcast_in_dim3A_2614, %select_n3A_2605 : vector<8x1152xi1>, vector<8x1152xi32>
    %slice3A_2616 = vector.extract_strided_slice %reduce_min3A_2395 {offsets = [22], sizes = [1], strides = [1]} : vector<24xi32> to vector<1xi32>
    %reshape3A_2617 = vector.shape_cast %slice3A_2616 : vector<1xi32> to vector<1x1xi32>
    %eq3A_2618 = vector.broadcast %reshape3A_2617 : vector<1x1xi32> to vector<8x1152xi32>
    %eq3A_2619 = arith.cmpi eq, %add3A, %eq3A_2618 : vector<8x1152xi32>
    %jit3A_2620 = arith.constant 1.000000e+00 : f32
    %broadcast_in_dim3A_2621 = vector.broadcast %jit3A_2620 : f32 to vector<8x1152xf32>
    %select_n3A_2622 = arith.select %eq3A_2619, %broadcast_in_dim3A_2621, %select_n3A_2612 : vector<8x1152xi1>, vector<8x1152xf32>
    %jit3A_2623 = arith.constant 22 : i32
    %broadcast_in_dim3A_2624 = vector.broadcast %jit3A_2623 : i32 to vector<8x1152xi32>
    %select_n3A_2625 = arith.select %eq3A_2619, %broadcast_in_dim3A_2624, %select_n3A_2615 : vector<8x1152xi1>, vector<8x1152xi32>
    %slice3A_2626 = vector.extract_strided_slice %reduce_min3A_2395 {offsets = [23], sizes = [1], strides = [1]} : vector<24xi32> to vector<1xi32>
    %reshape3A_2627 = vector.shape_cast %slice3A_2626 : vector<1xi32> to vector<1x1xi32>
    %eq3A_2628 = vector.broadcast %reshape3A_2627 : vector<1x1xi32> to vector<8x1152xi32>
    %eq3A_2629 = arith.cmpi eq, %add3A, %eq3A_2628 : vector<8x1152xi32>
    %jit3A_2630 = arith.constant 1.000000e+00 : f32
    %broadcast_in_dim3A_2631 = vector.broadcast %jit3A_2630 : f32 to vector<8x1152xf32>
    %select_n3A_2632 = arith.select %eq3A_2629, %broadcast_in_dim3A_2631, %select_n3A_2622 : vector<8x1152xi1>, vector<8x1152xf32>
    %jit3A_2633 = arith.constant 23 : i32
    %broadcast_in_dim3A_2634 = vector.broadcast %jit3A_2633 : i32 to vector<8x1152xi32>
    %select_n3A_2635 = arith.select %eq3A_2629, %broadcast_in_dim3A_2634, %select_n3A_2625 : vector<8x1152xi1>, vector<8x1152xi32>
    %broadcast_in_dim3A_2636 = arith.constant 0.000000e+00 : f32
    %broadcast_in_dim3A_2637 = vector.broadcast %broadcast_in_dim3A_2636 : f32 to vector<8x1152xf32>
    %broadcast_in_dim3A_2638 = arith.constant 0 : i32
    %broadcast_in_dim3A_2639 = vector.broadcast %broadcast_in_dim3A_2638 : i32 to vector<8x1152xi32>
    %eq3A_2640 = arith.constant 0 : i32
    %eq3A_2641 = vector.broadcast %eq3A_2640 : i32 to vector<8x1152xi32>
    %eq3A_2642 = arith.cmpi eq, %select_n3A_2635, %eq3A_2641 : vector<8x1152xi32>
    %get3A_2643 = arith.constant 0 : index
    %get3A_2644 = arith.constant 0 : index
    %get3A_2645 = arith.constant 0 : index
    %get3A_2646 = memref.load %arg2[%get3A_2643, %get3A_2644, %get3A_2645] : memref<1x1x24xi32, #tpu.memory_space<smem>>
    %broadcast_in_dim3A_2647 = vector.broadcast %get3A_2646 : i32 to vector<8x1152xi32>
    %select_n3A_2648 = arith.select %eq3A_2642, %broadcast_in_dim3A_2647, %broadcast_in_dim3A_2639 : vector<8x1152xi1>, vector<8x1152xi32>
    %get3A_2649 = arith.constant 0 : index
    %get3A_2650 = arith.constant 0 : index
    %get3A_2651 = arith.constant 0 : index
    %get3A_2652 = memref.load %arg1[%get3A_2649, %get3A_2650, %get3A_2651] : memref<1x24x4xf32, #tpu.memory_space<smem>>
    %broadcast_in_dim3A_2653 = vector.broadcast %get3A_2652 : f32 to vector<8x1152xf32>
    %select_n3A_2654 = arith.select %eq3A_2642, %broadcast_in_dim3A_2653, %broadcast_in_dim3A_2637 : vector<8x1152xi1>, vector<8x1152xf32>
    %get3A_2655 = arith.constant 0 : index
    %get3A_2656 = arith.constant 0 : index
    %get3A_2657 = arith.constant 1 : index
    %get3A_2658 = memref.load %arg1[%get3A_2655, %get3A_2656, %get3A_2657] : memref<1x24x4xf32, #tpu.memory_space<smem>>
    %broadcast_in_dim3A_2659 = vector.broadcast %get3A_2658 : f32 to vector<8x1152xf32>
    %select_n3A_2660 = arith.select %eq3A_2642, %broadcast_in_dim3A_2659, %broadcast_in_dim3A_2637 : vector<8x1152xi1>, vector<8x1152xf32>
    %get3A_2661 = arith.constant 0 : index
    %get3A_2662 = arith.constant 0 : index
    %get3A_2663 = arith.constant 2 : index
    %get3A_2664 = memref.load %arg1[%get3A_2661, %get3A_2662, %get3A_2663] : memref<1x24x4xf32, #tpu.memory_space<smem>>
    %broadcast_in_dim3A_2665 = vector.broadcast %get3A_2664 : f32 to vector<8x1152xf32>
    %select_n3A_2666 = arith.select %eq3A_2642, %broadcast_in_dim3A_2665, %broadcast_in_dim3A_2637 : vector<8x1152xi1>, vector<8x1152xf32>
    %get3A_2667 = arith.constant 0 : index
    %get3A_2668 = arith.constant 0 : index
    %get3A_2669 = arith.constant 3 : index
    %get3A_2670 = memref.load %arg1[%get3A_2667, %get3A_2668, %get3A_2669] : memref<1x24x4xf32, #tpu.memory_space<smem>>
    %broadcast_in_dim3A_2671 = vector.broadcast %get3A_2670 : f32 to vector<8x1152xf32>
    %select_n3A_2672 = arith.select %eq3A_2642, %broadcast_in_dim3A_2671, %broadcast_in_dim3A_2637 : vector<8x1152xi1>, vector<8x1152xf32>
    %eq3A_2673 = arith.constant 1 : i32
    %eq3A_2674 = vector.broadcast %eq3A_2673 : i32 to vector<8x1152xi32>
    %eq3A_2675 = arith.cmpi eq, %select_n3A_2635, %eq3A_2674 : vector<8x1152xi32>
    %get3A_2676 = arith.constant 0 : index
    %get3A_2677 = arith.constant 0 : index
    %get3A_2678 = arith.constant 1 : index
    %get3A_2679 = memref.load %arg2[%get3A_2676, %get3A_2677, %get3A_2678] : memref<1x1x24xi32, #tpu.memory_space<smem>>
    %broadcast_in_dim3A_2680 = vector.broadcast %get3A_2679 : i32 to vector<8x1152xi32>
    %select_n3A_2681 = arith.select %eq3A_2675, %broadcast_in_dim3A_2680, %select_n3A_2648 : vector<8x1152xi1>, vector<8x1152xi32>
    %get3A_2682 = arith.constant 0 : index
    %get3A_2683 = arith.constant 1 : index
    %get3A_2684 = arith.constant 0 : index
    %get3A_2685 = memref.load %arg1[%get3A_2682, %get3A_2683, %get3A_2684] : memref<1x24x4xf32, #tpu.memory_space<smem>>
    %broadcast_in_dim3A_2686 = vector.broadcast %get3A_2685 : f32 to vector<8x1152xf32>
    %select_n3A_2687 = arith.select %eq3A_2675, %broadcast_in_dim3A_2686, %select_n3A_2654 : vector<8x1152xi1>, vector<8x1152xf32>
    %get3A_2688 = arith.constant 0 : index
    %get3A_2689 = arith.constant 1 : index
    %get3A_2690 = arith.constant 1 : index
    %get3A_2691 = memref.load %arg1[%get3A_2688, %get3A_2689, %get3A_2690] : memref<1x24x4xf32, #tpu.memory_space<smem>>
    %broadcast_in_dim3A_2692 = vector.broadcast %get3A_2691 : f32 to vector<8x1152xf32>
    %select_n3A_2693 = arith.select %eq3A_2675, %broadcast_in_dim3A_2692, %select_n3A_2660 : vector<8x1152xi1>, vector<8x1152xf32>
    %get3A_2694 = arith.constant 0 : index
    %get3A_2695 = arith.constant 1 : index
    %get3A_2696 = arith.constant 2 : index
    %get3A_2697 = memref.load %arg1[%get3A_2694, %get3A_2695, %get3A_2696] : memref<1x24x4xf32, #tpu.memory_space<smem>>
    %broadcast_in_dim3A_2698 = vector.broadcast %get3A_2697 : f32 to vector<8x1152xf32>
    %select_n3A_2699 = arith.select %eq3A_2675, %broadcast_in_dim3A_2698, %select_n3A_2666 : vector<8x1152xi1>, vector<8x1152xf32>
    %get3A_2700 = arith.constant 0 : index
    %get3A_2701 = arith.constant 1 : index
    %get3A_2702 = arith.constant 3 : index
    %get3A_2703 = memref.load %arg1[%get3A_2700, %get3A_2701, %get3A_2702] : memref<1x24x4xf32, #tpu.memory_space<smem>>
    %broadcast_in_dim3A_2704 = vector.broadcast %get3A_2703 : f32 to vector<8x1152xf32>
    %select_n3A_2705 = arith.select %eq3A_2675, %broadcast_in_dim3A_2704, %select_n3A_2672 : vector<8x1152xi1>, vector<8x1152xf32>
    %eq3A_2706 = arith.constant 2 : i32
    %eq3A_2707 = vector.broadcast %eq3A_2706 : i32 to vector<8x1152xi32>
    %eq3A_2708 = arith.cmpi eq, %select_n3A_2635, %eq3A_2707 : vector<8x1152xi32>
    %get3A_2709 = arith.constant 0 : index
    %get3A_2710 = arith.constant 0 : index
    %get3A_2711 = arith.constant 2 : index
    %get3A_2712 = memref.load %arg2[%get3A_2709, %get3A_2710, %get3A_2711] : memref<1x1x24xi32, #tpu.memory_space<smem>>
    %broadcast_in_dim3A_2713 = vector.broadcast %get3A_2712 : i32 to vector<8x1152xi32>
    %select_n3A_2714 = arith.select %eq3A_2708, %broadcast_in_dim3A_2713, %select_n3A_2681 : vector<8x1152xi1>, vector<8x1152xi32>
    %get3A_2715 = arith.constant 0 : index
    %get3A_2716 = arith.constant 2 : index
    %get3A_2717 = arith.constant 0 : index
    %get3A_2718 = memref.load %arg1[%get3A_2715, %get3A_2716, %get3A_2717] : memref<1x24x4xf32, #tpu.memory_space<smem>>
    %broadcast_in_dim3A_2719 = vector.broadcast %get3A_2718 : f32 to vector<8x1152xf32>
    %select_n3A_2720 = arith.select %eq3A_2708, %broadcast_in_dim3A_2719, %select_n3A_2687 : vector<8x1152xi1>, vector<8x1152xf32>
    %get3A_2721 = arith.constant 0 : index
    %get3A_2722 = arith.constant 2 : index
    %get3A_2723 = arith.constant 1 : index
    %get3A_2724 = memref.load %arg1[%get3A_2721, %get3A_2722, %get3A_2723] : memref<1x24x4xf32, #tpu.memory_space<smem>>
    %broadcast_in_dim3A_2725 = vector.broadcast %get3A_2724 : f32 to vector<8x1152xf32>
    %select_n3A_2726 = arith.select %eq3A_2708, %broadcast_in_dim3A_2725, %select_n3A_2693 : vector<8x1152xi1>, vector<8x1152xf32>
    %get3A_2727 = arith.constant 0 : index
    %get3A_2728 = arith.constant 2 : index
    %get3A_2729 = arith.constant 2 : index
    %get3A_2730 = memref.load %arg1[%get3A_2727, %get3A_2728, %get3A_2729] : memref<1x24x4xf32, #tpu.memory_space<smem>>
    %broadcast_in_dim3A_2731 = vector.broadcast %get3A_2730 : f32 to vector<8x1152xf32>
    %select_n3A_2732 = arith.select %eq3A_2708, %broadcast_in_dim3A_2731, %select_n3A_2699 : vector<8x1152xi1>, vector<8x1152xf32>
    %get3A_2733 = arith.constant 0 : index
    %get3A_2734 = arith.constant 2 : index
    %get3A_2735 = arith.constant 3 : index
    %get3A_2736 = memref.load %arg1[%get3A_2733, %get3A_2734, %get3A_2735] : memref<1x24x4xf32, #tpu.memory_space<smem>>
    %broadcast_in_dim3A_2737 = vector.broadcast %get3A_2736 : f32 to vector<8x1152xf32>
    %select_n3A_2738 = arith.select %eq3A_2708, %broadcast_in_dim3A_2737, %select_n3A_2705 : vector<8x1152xi1>, vector<8x1152xf32>
    %eq3A_2739 = arith.constant 3 : i32
    %eq3A_2740 = vector.broadcast %eq3A_2739 : i32 to vector<8x1152xi32>
    %eq3A_2741 = arith.cmpi eq, %select_n3A_2635, %eq3A_2740 : vector<8x1152xi32>
    %get3A_2742 = arith.constant 0 : index
    %get3A_2743 = arith.constant 0 : index
    %get3A_2744 = arith.constant 3 : index
    %get3A_2745 = memref.load %arg2[%get3A_2742, %get3A_2743, %get3A_2744] : memref<1x1x24xi32, #tpu.memory_space<smem>>
    %broadcast_in_dim3A_2746 = vector.broadcast %get3A_2745 : i32 to vector<8x1152xi32>
    %select_n3A_2747 = arith.select %eq3A_2741, %broadcast_in_dim3A_2746, %select_n3A_2714 : vector<8x1152xi1>, vector<8x1152xi32>
    %get3A_2748 = arith.constant 0 : index
    %get3A_2749 = arith.constant 3 : index
    %get3A_2750 = arith.constant 0 : index
    %get3A_2751 = memref.load %arg1[%get3A_2748, %get3A_2749, %get3A_2750] : memref<1x24x4xf32, #tpu.memory_space<smem>>
    %broadcast_in_dim3A_2752 = vector.broadcast %get3A_2751 : f32 to vector<8x1152xf32>
    %select_n3A_2753 = arith.select %eq3A_2741, %broadcast_in_dim3A_2752, %select_n3A_2720 : vector<8x1152xi1>, vector<8x1152xf32>
    %get3A_2754 = arith.constant 0 : index
    %get3A_2755 = arith.constant 3 : index
    %get3A_2756 = arith.constant 1 : index
    %get3A_2757 = memref.load %arg1[%get3A_2754, %get3A_2755, %get3A_2756] : memref<1x24x4xf32, #tpu.memory_space<smem>>
    %broadcast_in_dim3A_2758 = vector.broadcast %get3A_2757 : f32 to vector<8x1152xf32>
    %select_n3A_2759 = arith.select %eq3A_2741, %broadcast_in_dim3A_2758, %select_n3A_2726 : vector<8x1152xi1>, vector<8x1152xf32>
    %get3A_2760 = arith.constant 0 : index
    %get3A_2761 = arith.constant 3 : index
    %get3A_2762 = arith.constant 2 : index
    %get3A_2763 = memref.load %arg1[%get3A_2760, %get3A_2761, %get3A_2762] : memref<1x24x4xf32, #tpu.memory_space<smem>>
    %broadcast_in_dim3A_2764 = vector.broadcast %get3A_2763 : f32 to vector<8x1152xf32>
    %select_n3A_2765 = arith.select %eq3A_2741, %broadcast_in_dim3A_2764, %select_n3A_2732 : vector<8x1152xi1>, vector<8x1152xf32>
    %get3A_2766 = arith.constant 0 : index
    %get3A_2767 = arith.constant 3 : index
    %get3A_2768 = arith.constant 3 : index
    %get3A_2769 = memref.load %arg1[%get3A_2766, %get3A_2767, %get3A_2768] : memref<1x24x4xf32, #tpu.memory_space<smem>>
    %broadcast_in_dim3A_2770 = vector.broadcast %get3A_2769 : f32 to vector<8x1152xf32>
    %select_n3A_2771 = arith.select %eq3A_2741, %broadcast_in_dim3A_2770, %select_n3A_2738 : vector<8x1152xi1>, vector<8x1152xf32>
    %eq3A_2772 = arith.constant 4 : i32
    %eq3A_2773 = vector.broadcast %eq3A_2772 : i32 to vector<8x1152xi32>
    %eq3A_2774 = arith.cmpi eq, %select_n3A_2635, %eq3A_2773 : vector<8x1152xi32>
    %get3A_2775 = arith.constant 0 : index
    %get3A_2776 = arith.constant 0 : index
    %get3A_2777 = arith.constant 4 : index
    %get3A_2778 = memref.load %arg2[%get3A_2775, %get3A_2776, %get3A_2777] : memref<1x1x24xi32, #tpu.memory_space<smem>>
    %broadcast_in_dim3A_2779 = vector.broadcast %get3A_2778 : i32 to vector<8x1152xi32>
    %select_n3A_2780 = arith.select %eq3A_2774, %broadcast_in_dim3A_2779, %select_n3A_2747 : vector<8x1152xi1>, vector<8x1152xi32>
    %get3A_2781 = arith.constant 0 : index
    %get3A_2782 = arith.constant 4 : index
    %get3A_2783 = arith.constant 0 : index
    %get3A_2784 = memref.load %arg1[%get3A_2781, %get3A_2782, %get3A_2783] : memref<1x24x4xf32, #tpu.memory_space<smem>>
    %broadcast_in_dim3A_2785 = vector.broadcast %get3A_2784 : f32 to vector<8x1152xf32>
    %select_n3A_2786 = arith.select %eq3A_2774, %broadcast_in_dim3A_2785, %select_n3A_2753 : vector<8x1152xi1>, vector<8x1152xf32>
    %get3A_2787 = arith.constant 0 : index
    %get3A_2788 = arith.constant 4 : index
    %get3A_2789 = arith.constant 1 : index
    %get3A_2790 = memref.load %arg1[%get3A_2787, %get3A_2788, %get3A_2789] : memref<1x24x4xf32, #tpu.memory_space<smem>>
    %broadcast_in_dim3A_2791 = vector.broadcast %get3A_2790 : f32 to vector<8x1152xf32>
    %select_n3A_2792 = arith.select %eq3A_2774, %broadcast_in_dim3A_2791, %select_n3A_2759 : vector<8x1152xi1>, vector<8x1152xf32>
    %get3A_2793 = arith.constant 0 : index
    %get3A_2794 = arith.constant 4 : index
    %get3A_2795 = arith.constant 2 : index
    %get3A_2796 = memref.load %arg1[%get3A_2793, %get3A_2794, %get3A_2795] : memref<1x24x4xf32, #tpu.memory_space<smem>>
    %broadcast_in_dim3A_2797 = vector.broadcast %get3A_2796 : f32 to vector<8x1152xf32>
    %select_n3A_2798 = arith.select %eq3A_2774, %broadcast_in_dim3A_2797, %select_n3A_2765 : vector<8x1152xi1>, vector<8x1152xf32>
    %get3A_2799 = arith.constant 0 : index
    %get3A_2800 = arith.constant 4 : index
    %get3A_2801 = arith.constant 3 : index
    %get3A_2802 = memref.load %arg1[%get3A_2799, %get3A_2800, %get3A_2801] : memref<1x24x4xf32, #tpu.memory_space<smem>>
    %broadcast_in_dim3A_2803 = vector.broadcast %get3A_2802 : f32 to vector<8x1152xf32>
    %select_n3A_2804 = arith.select %eq3A_2774, %broadcast_in_dim3A_2803, %select_n3A_2771 : vector<8x1152xi1>, vector<8x1152xf32>
    %eq3A_2805 = arith.constant 5 : i32
    %eq3A_2806 = vector.broadcast %eq3A_2805 : i32 to vector<8x1152xi32>
    %eq3A_2807 = arith.cmpi eq, %select_n3A_2635, %eq3A_2806 : vector<8x1152xi32>
    %get3A_2808 = arith.constant 0 : index
    %get3A_2809 = arith.constant 0 : index
    %get3A_2810 = arith.constant 5 : index
    %get3A_2811 = memref.load %arg2[%get3A_2808, %get3A_2809, %get3A_2810] : memref<1x1x24xi32, #tpu.memory_space<smem>>
    %broadcast_in_dim3A_2812 = vector.broadcast %get3A_2811 : i32 to vector<8x1152xi32>
    %select_n3A_2813 = arith.select %eq3A_2807, %broadcast_in_dim3A_2812, %select_n3A_2780 : vector<8x1152xi1>, vector<8x1152xi32>
    %get3A_2814 = arith.constant 0 : index
    %get3A_2815 = arith.constant 5 : index
    %get3A_2816 = arith.constant 0 : index
    %get3A_2817 = memref.load %arg1[%get3A_2814, %get3A_2815, %get3A_2816] : memref<1x24x4xf32, #tpu.memory_space<smem>>
    %broadcast_in_dim3A_2818 = vector.broadcast %get3A_2817 : f32 to vector<8x1152xf32>
    %select_n3A_2819 = arith.select %eq3A_2807, %broadcast_in_dim3A_2818, %select_n3A_2786 : vector<8x1152xi1>, vector<8x1152xf32>
    %get3A_2820 = arith.constant 0 : index
    %get3A_2821 = arith.constant 5 : index
    %get3A_2822 = arith.constant 1 : index
    %get3A_2823 = memref.load %arg1[%get3A_2820, %get3A_2821, %get3A_2822] : memref<1x24x4xf32, #tpu.memory_space<smem>>
    %broadcast_in_dim3A_2824 = vector.broadcast %get3A_2823 : f32 to vector<8x1152xf32>
    %select_n3A_2825 = arith.select %eq3A_2807, %broadcast_in_dim3A_2824, %select_n3A_2792 : vector<8x1152xi1>, vector<8x1152xf32>
    %get3A_2826 = arith.constant 0 : index
    %get3A_2827 = arith.constant 5 : index
    %get3A_2828 = arith.constant 2 : index
    %get3A_2829 = memref.load %arg1[%get3A_2826, %get3A_2827, %get3A_2828] : memref<1x24x4xf32, #tpu.memory_space<smem>>
    %broadcast_in_dim3A_2830 = vector.broadcast %get3A_2829 : f32 to vector<8x1152xf32>
    %select_n3A_2831 = arith.select %eq3A_2807, %broadcast_in_dim3A_2830, %select_n3A_2798 : vector<8x1152xi1>, vector<8x1152xf32>
    %get3A_2832 = arith.constant 0 : index
    %get3A_2833 = arith.constant 5 : index
    %get3A_2834 = arith.constant 3 : index
    %get3A_2835 = memref.load %arg1[%get3A_2832, %get3A_2833, %get3A_2834] : memref<1x24x4xf32, #tpu.memory_space<smem>>
    %broadcast_in_dim3A_2836 = vector.broadcast %get3A_2835 : f32 to vector<8x1152xf32>
    %select_n3A_2837 = arith.select %eq3A_2807, %broadcast_in_dim3A_2836, %select_n3A_2804 : vector<8x1152xi1>, vector<8x1152xf32>
    %eq3A_2838 = arith.constant 6 : i32
    %eq3A_2839 = vector.broadcast %eq3A_2838 : i32 to vector<8x1152xi32>
    %eq3A_2840 = arith.cmpi eq, %select_n3A_2635, %eq3A_2839 : vector<8x1152xi32>
    %get3A_2841 = arith.constant 0 : index
    %get3A_2842 = arith.constant 0 : index
    %get3A_2843 = arith.constant 6 : index
    %get3A_2844 = memref.load %arg2[%get3A_2841, %get3A_2842, %get3A_2843] : memref<1x1x24xi32, #tpu.memory_space<smem>>
    %broadcast_in_dim3A_2845 = vector.broadcast %get3A_2844 : i32 to vector<8x1152xi32>
    %select_n3A_2846 = arith.select %eq3A_2840, %broadcast_in_dim3A_2845, %select_n3A_2813 : vector<8x1152xi1>, vector<8x1152xi32>
    %get3A_2847 = arith.constant 0 : index
    %get3A_2848 = arith.constant 6 : index
    %get3A_2849 = arith.constant 0 : index
    %get3A_2850 = memref.load %arg1[%get3A_2847, %get3A_2848, %get3A_2849] : memref<1x24x4xf32, #tpu.memory_space<smem>>
    %broadcast_in_dim3A_2851 = vector.broadcast %get3A_2850 : f32 to vector<8x1152xf32>
    %select_n3A_2852 = arith.select %eq3A_2840, %broadcast_in_dim3A_2851, %select_n3A_2819 : vector<8x1152xi1>, vector<8x1152xf32>
    %get3A_2853 = arith.constant 0 : index
    %get3A_2854 = arith.constant 6 : index
    %get3A_2855 = arith.constant 1 : index
    %get3A_2856 = memref.load %arg1[%get3A_2853, %get3A_2854, %get3A_2855] : memref<1x24x4xf32, #tpu.memory_space<smem>>
    %broadcast_in_dim3A_2857 = vector.broadcast %get3A_2856 : f32 to vector<8x1152xf32>
    %select_n3A_2858 = arith.select %eq3A_2840, %broadcast_in_dim3A_2857, %select_n3A_2825 : vector<8x1152xi1>, vector<8x1152xf32>
    %get3A_2859 = arith.constant 0 : index
    %get3A_2860 = arith.constant 6 : index
    %get3A_2861 = arith.constant 2 : index
    %get3A_2862 = memref.load %arg1[%get3A_2859, %get3A_2860, %get3A_2861] : memref<1x24x4xf32, #tpu.memory_space<smem>>
    %broadcast_in_dim3A_2863 = vector.broadcast %get3A_2862 : f32 to vector<8x1152xf32>
    %select_n3A_2864 = arith.select %eq3A_2840, %broadcast_in_dim3A_2863, %select_n3A_2831 : vector<8x1152xi1>, vector<8x1152xf32>
    %get3A_2865 = arith.constant 0 : index
    %get3A_2866 = arith.constant 6 : index
    %get3A_2867 = arith.constant 3 : index
    %get3A_2868 = memref.load %arg1[%get3A_2865, %get3A_2866, %get3A_2867] : memref<1x24x4xf32, #tpu.memory_space<smem>>
    %broadcast_in_dim3A_2869 = vector.broadcast %get3A_2868 : f32 to vector<8x1152xf32>
    %select_n3A_2870 = arith.select %eq3A_2840, %broadcast_in_dim3A_2869, %select_n3A_2837 : vector<8x1152xi1>, vector<8x1152xf32>
    %eq3A_2871 = arith.constant 7 : i32
    %eq3A_2872 = vector.broadcast %eq3A_2871 : i32 to vector<8x1152xi32>
    %eq3A_2873 = arith.cmpi eq, %select_n3A_2635, %eq3A_2872 : vector<8x1152xi32>
    %get3A_2874 = arith.constant 0 : index
    %get3A_2875 = arith.constant 0 : index
    %get3A_2876 = arith.constant 7 : index
    %get3A_2877 = memref.load %arg2[%get3A_2874, %get3A_2875, %get3A_2876] : memref<1x1x24xi32, #tpu.memory_space<smem>>
    %broadcast_in_dim3A_2878 = vector.broadcast %get3A_2877 : i32 to vector<8x1152xi32>
    %select_n3A_2879 = arith.select %eq3A_2873, %broadcast_in_dim3A_2878, %select_n3A_2846 : vector<8x1152xi1>, vector<8x1152xi32>
    %get3A_2880 = arith.constant 0 : index
    %get3A_2881 = arith.constant 7 : index
    %get3A_2882 = arith.constant 0 : index
    %get3A_2883 = memref.load %arg1[%get3A_2880, %get3A_2881, %get3A_2882] : memref<1x24x4xf32, #tpu.memory_space<smem>>
    %broadcast_in_dim3A_2884 = vector.broadcast %get3A_2883 : f32 to vector<8x1152xf32>
    %select_n3A_2885 = arith.select %eq3A_2873, %broadcast_in_dim3A_2884, %select_n3A_2852 : vector<8x1152xi1>, vector<8x1152xf32>
    %get3A_2886 = arith.constant 0 : index
    %get3A_2887 = arith.constant 7 : index
    %get3A_2888 = arith.constant 1 : index
    %get3A_2889 = memref.load %arg1[%get3A_2886, %get3A_2887, %get3A_2888] : memref<1x24x4xf32, #tpu.memory_space<smem>>
    %broadcast_in_dim3A_2890 = vector.broadcast %get3A_2889 : f32 to vector<8x1152xf32>
    %select_n3A_2891 = arith.select %eq3A_2873, %broadcast_in_dim3A_2890, %select_n3A_2858 : vector<8x1152xi1>, vector<8x1152xf32>
    %get3A_2892 = arith.constant 0 : index
    %get3A_2893 = arith.constant 7 : index
    %get3A_2894 = arith.constant 2 : index
    %get3A_2895 = memref.load %arg1[%get3A_2892, %get3A_2893, %get3A_2894] : memref<1x24x4xf32, #tpu.memory_space<smem>>
    %broadcast_in_dim3A_2896 = vector.broadcast %get3A_2895 : f32 to vector<8x1152xf32>
    %select_n3A_2897 = arith.select %eq3A_2873, %broadcast_in_dim3A_2896, %select_n3A_2864 : vector<8x1152xi1>, vector<8x1152xf32>
    %get3A_2898 = arith.constant 0 : index
    %get3A_2899 = arith.constant 7 : index
    %get3A_2900 = arith.constant 3 : index
    %get3A_2901 = memref.load %arg1[%get3A_2898, %get3A_2899, %get3A_2900] : memref<1x24x4xf32, #tpu.memory_space<smem>>
    %broadcast_in_dim3A_2902 = vector.broadcast %get3A_2901 : f32 to vector<8x1152xf32>
    %select_n3A_2903 = arith.select %eq3A_2873, %broadcast_in_dim3A_2902, %select_n3A_2870 : vector<8x1152xi1>, vector<8x1152xf32>
    %eq3A_2904 = arith.constant 8 : i32
    %eq3A_2905 = vector.broadcast %eq3A_2904 : i32 to vector<8x1152xi32>
    %eq3A_2906 = arith.cmpi eq, %select_n3A_2635, %eq3A_2905 : vector<8x1152xi32>
    %get3A_2907 = arith.constant 0 : index
    %get3A_2908 = arith.constant 0 : index
    %get3A_2909 = arith.constant 8 : index
    %get3A_2910 = memref.load %arg2[%get3A_2907, %get3A_2908, %get3A_2909] : memref<1x1x24xi32, #tpu.memory_space<smem>>
    %broadcast_in_dim3A_2911 = vector.broadcast %get3A_2910 : i32 to vector<8x1152xi32>
    %select_n3A_2912 = arith.select %eq3A_2906, %broadcast_in_dim3A_2911, %select_n3A_2879 : vector<8x1152xi1>, vector<8x1152xi32>
    %get3A_2913 = arith.constant 0 : index
    %get3A_2914 = arith.constant 8 : index
    %get3A_2915 = arith.constant 0 : index
    %get3A_2916 = memref.load %arg1[%get3A_2913, %get3A_2914, %get3A_2915] : memref<1x24x4xf32, #tpu.memory_space<smem>>
    %broadcast_in_dim3A_2917 = vector.broadcast %get3A_2916 : f32 to vector<8x1152xf32>
    %select_n3A_2918 = arith.select %eq3A_2906, %broadcast_in_dim3A_2917, %select_n3A_2885 : vector<8x1152xi1>, vector<8x1152xf32>
    %get3A_2919 = arith.constant 0 : index
    %get3A_2920 = arith.constant 8 : index
    %get3A_2921 = arith.constant 1 : index
    %get3A_2922 = memref.load %arg1[%get3A_2919, %get3A_2920, %get3A_2921] : memref<1x24x4xf32, #tpu.memory_space<smem>>
    %broadcast_in_dim3A_2923 = vector.broadcast %get3A_2922 : f32 to vector<8x1152xf32>
    %select_n3A_2924 = arith.select %eq3A_2906, %broadcast_in_dim3A_2923, %select_n3A_2891 : vector<8x1152xi1>, vector<8x1152xf32>
    %get3A_2925 = arith.constant 0 : index
    %get3A_2926 = arith.constant 8 : index
    %get3A_2927 = arith.constant 2 : index
    %get3A_2928 = memref.load %arg1[%get3A_2925, %get3A_2926, %get3A_2927] : memref<1x24x4xf32, #tpu.memory_space<smem>>
    %broadcast_in_dim3A_2929 = vector.broadcast %get3A_2928 : f32 to vector<8x1152xf32>
    %select_n3A_2930 = arith.select %eq3A_2906, %broadcast_in_dim3A_2929, %select_n3A_2897 : vector<8x1152xi1>, vector<8x1152xf32>
    %get3A_2931 = arith.constant 0 : index
    %get3A_2932 = arith.constant 8 : index
    %get3A_2933 = arith.constant 3 : index
    %get3A_2934 = memref.load %arg1[%get3A_2931, %get3A_2932, %get3A_2933] : memref<1x24x4xf32, #tpu.memory_space<smem>>
    %broadcast_in_dim3A_2935 = vector.broadcast %get3A_2934 : f32 to vector<8x1152xf32>
    %select_n3A_2936 = arith.select %eq3A_2906, %broadcast_in_dim3A_2935, %select_n3A_2903 : vector<8x1152xi1>, vector<8x1152xf32>
    %eq3A_2937 = arith.constant 9 : i32
    %eq3A_2938 = vector.broadcast %eq3A_2937 : i32 to vector<8x1152xi32>
    %eq3A_2939 = arith.cmpi eq, %select_n3A_2635, %eq3A_2938 : vector<8x1152xi32>
    %get3A_2940 = arith.constant 0 : index
    %get3A_2941 = arith.constant 0 : index
    %get3A_2942 = arith.constant 9 : index
    %get3A_2943 = memref.load %arg2[%get3A_2940, %get3A_2941, %get3A_2942] : memref<1x1x24xi32, #tpu.memory_space<smem>>
    %broadcast_in_dim3A_2944 = vector.broadcast %get3A_2943 : i32 to vector<8x1152xi32>
    %select_n3A_2945 = arith.select %eq3A_2939, %broadcast_in_dim3A_2944, %select_n3A_2912 : vector<8x1152xi1>, vector<8x1152xi32>
    %get3A_2946 = arith.constant 0 : index
    %get3A_2947 = arith.constant 9 : index
    %get3A_2948 = arith.constant 0 : index
    %get3A_2949 = memref.load %arg1[%get3A_2946, %get3A_2947, %get3A_2948] : memref<1x24x4xf32, #tpu.memory_space<smem>>
    %broadcast_in_dim3A_2950 = vector.broadcast %get3A_2949 : f32 to vector<8x1152xf32>
    %select_n3A_2951 = arith.select %eq3A_2939, %broadcast_in_dim3A_2950, %select_n3A_2918 : vector<8x1152xi1>, vector<8x1152xf32>
    %get3A_2952 = arith.constant 0 : index
    %get3A_2953 = arith.constant 9 : index
    %get3A_2954 = arith.constant 1 : index
    %get3A_2955 = memref.load %arg1[%get3A_2952, %get3A_2953, %get3A_2954] : memref<1x24x4xf32, #tpu.memory_space<smem>>
    %broadcast_in_dim3A_2956 = vector.broadcast %get3A_2955 : f32 to vector<8x1152xf32>
    %select_n3A_2957 = arith.select %eq3A_2939, %broadcast_in_dim3A_2956, %select_n3A_2924 : vector<8x1152xi1>, vector<8x1152xf32>
    %get3A_2958 = arith.constant 0 : index
    %get3A_2959 = arith.constant 9 : index
    %get3A_2960 = arith.constant 2 : index
    %get3A_2961 = memref.load %arg1[%get3A_2958, %get3A_2959, %get3A_2960] : memref<1x24x4xf32, #tpu.memory_space<smem>>
    %broadcast_in_dim3A_2962 = vector.broadcast %get3A_2961 : f32 to vector<8x1152xf32>
    %select_n3A_2963 = arith.select %eq3A_2939, %broadcast_in_dim3A_2962, %select_n3A_2930 : vector<8x1152xi1>, vector<8x1152xf32>
    %get3A_2964 = arith.constant 0 : index
    %get3A_2965 = arith.constant 9 : index
    %get3A_2966 = arith.constant 3 : index
    %get3A_2967 = memref.load %arg1[%get3A_2964, %get3A_2965, %get3A_2966] : memref<1x24x4xf32, #tpu.memory_space<smem>>
    %broadcast_in_dim3A_2968 = vector.broadcast %get3A_2967 : f32 to vector<8x1152xf32>
    %select_n3A_2969 = arith.select %eq3A_2939, %broadcast_in_dim3A_2968, %select_n3A_2936 : vector<8x1152xi1>, vector<8x1152xf32>
    %eq3A_2970 = arith.constant 10 : i32
    %eq3A_2971 = vector.broadcast %eq3A_2970 : i32 to vector<8x1152xi32>
    %eq3A_2972 = arith.cmpi eq, %select_n3A_2635, %eq3A_2971 : vector<8x1152xi32>
    %get3A_2973 = arith.constant 0 : index
    %get3A_2974 = arith.constant 0 : index
    %get3A_2975 = arith.constant 10 : index
    %get3A_2976 = memref.load %arg2[%get3A_2973, %get3A_2974, %get3A_2975] : memref<1x1x24xi32, #tpu.memory_space<smem>>
    %broadcast_in_dim3A_2977 = vector.broadcast %get3A_2976 : i32 to vector<8x1152xi32>
    %select_n3A_2978 = arith.select %eq3A_2972, %broadcast_in_dim3A_2977, %select_n3A_2945 : vector<8x1152xi1>, vector<8x1152xi32>
    %get3A_2979 = arith.constant 0 : index
    %get3A_2980 = arith.constant 10 : index
    %get3A_2981 = arith.constant 0 : index
    %get3A_2982 = memref.load %arg1[%get3A_2979, %get3A_2980, %get3A_2981] : memref<1x24x4xf32, #tpu.memory_space<smem>>
    %broadcast_in_dim3A_2983 = vector.broadcast %get3A_2982 : f32 to vector<8x1152xf32>
    %select_n3A_2984 = arith.select %eq3A_2972, %broadcast_in_dim3A_2983, %select_n3A_2951 : vector<8x1152xi1>, vector<8x1152xf32>
    %get3A_2985 = arith.constant 0 : index
    %get3A_2986 = arith.constant 10 : index
    %get3A_2987 = arith.constant 1 : index
    %get3A_2988 = memref.load %arg1[%get3A_2985, %get3A_2986, %get3A_2987] : memref<1x24x4xf32, #tpu.memory_space<smem>>
    %broadcast_in_dim3A_2989 = vector.broadcast %get3A_2988 : f32 to vector<8x1152xf32>
    %select_n3A_2990 = arith.select %eq3A_2972, %broadcast_in_dim3A_2989, %select_n3A_2957 : vector<8x1152xi1>, vector<8x1152xf32>
    %get3A_2991 = arith.constant 0 : index
    %get3A_2992 = arith.constant 10 : index
    %get3A_2993 = arith.constant 2 : index
    %get3A_2994 = memref.load %arg1[%get3A_2991, %get3A_2992, %get3A_2993] : memref<1x24x4xf32, #tpu.memory_space<smem>>
    %broadcast_in_dim3A_2995 = vector.broadcast %get3A_2994 : f32 to vector<8x1152xf32>
    %select_n3A_2996 = arith.select %eq3A_2972, %broadcast_in_dim3A_2995, %select_n3A_2963 : vector<8x1152xi1>, vector<8x1152xf32>
    %get3A_2997 = arith.constant 0 : index
    %get3A_2998 = arith.constant 10 : index
    %get3A_2999 = arith.constant 3 : index
    %get3A_3000 = memref.load %arg1[%get3A_2997, %get3A_2998, %get3A_2999] : memref<1x24x4xf32, #tpu.memory_space<smem>>
    %broadcast_in_dim3A_3001 = vector.broadcast %get3A_3000 : f32 to vector<8x1152xf32>
    %select_n3A_3002 = arith.select %eq3A_2972, %broadcast_in_dim3A_3001, %select_n3A_2969 : vector<8x1152xi1>, vector<8x1152xf32>
    %eq3A_3003 = arith.constant 11 : i32
    %eq3A_3004 = vector.broadcast %eq3A_3003 : i32 to vector<8x1152xi32>
    %eq3A_3005 = arith.cmpi eq, %select_n3A_2635, %eq3A_3004 : vector<8x1152xi32>
    %get3A_3006 = arith.constant 0 : index
    %get3A_3007 = arith.constant 0 : index
    %get3A_3008 = arith.constant 11 : index
    %get3A_3009 = memref.load %arg2[%get3A_3006, %get3A_3007, %get3A_3008] : memref<1x1x24xi32, #tpu.memory_space<smem>>
    %broadcast_in_dim3A_3010 = vector.broadcast %get3A_3009 : i32 to vector<8x1152xi32>
    %select_n3A_3011 = arith.select %eq3A_3005, %broadcast_in_dim3A_3010, %select_n3A_2978 : vector<8x1152xi1>, vector<8x1152xi32>
    %get3A_3012 = arith.constant 0 : index
    %get3A_3013 = arith.constant 11 : index
    %get3A_3014 = arith.constant 0 : index
    %get3A_3015 = memref.load %arg1[%get3A_3012, %get3A_3013, %get3A_3014] : memref<1x24x4xf32, #tpu.memory_space<smem>>
    %broadcast_in_dim3A_3016 = vector.broadcast %get3A_3015 : f32 to vector<8x1152xf32>
    %select_n3A_3017 = arith.select %eq3A_3005, %broadcast_in_dim3A_3016, %select_n3A_2984 : vector<8x1152xi1>, vector<8x1152xf32>
    %get3A_3018 = arith.constant 0 : index
    %get3A_3019 = arith.constant 11 : index
    %get3A_3020 = arith.constant 1 : index
    %get3A_3021 = memref.load %arg1[%get3A_3018, %get3A_3019, %get3A_3020] : memref<1x24x4xf32, #tpu.memory_space<smem>>
    %broadcast_in_dim3A_3022 = vector.broadcast %get3A_3021 : f32 to vector<8x1152xf32>
    %select_n3A_3023 = arith.select %eq3A_3005, %broadcast_in_dim3A_3022, %select_n3A_2990 : vector<8x1152xi1>, vector<8x1152xf32>
    %get3A_3024 = arith.constant 0 : index
    %get3A_3025 = arith.constant 11 : index
    %get3A_3026 = arith.constant 2 : index
    %get3A_3027 = memref.load %arg1[%get3A_3024, %get3A_3025, %get3A_3026] : memref<1x24x4xf32, #tpu.memory_space<smem>>
    %broadcast_in_dim3A_3028 = vector.broadcast %get3A_3027 : f32 to vector<8x1152xf32>
    %select_n3A_3029 = arith.select %eq3A_3005, %broadcast_in_dim3A_3028, %select_n3A_2996 : vector<8x1152xi1>, vector<8x1152xf32>
    %get3A_3030 = arith.constant 0 : index
    %get3A_3031 = arith.constant 11 : index
    %get3A_3032 = arith.constant 3 : index
    %get3A_3033 = memref.load %arg1[%get3A_3030, %get3A_3031, %get3A_3032] : memref<1x24x4xf32, #tpu.memory_space<smem>>
    %broadcast_in_dim3A_3034 = vector.broadcast %get3A_3033 : f32 to vector<8x1152xf32>
    %select_n3A_3035 = arith.select %eq3A_3005, %broadcast_in_dim3A_3034, %select_n3A_3002 : vector<8x1152xi1>, vector<8x1152xf32>
    %eq3A_3036 = arith.constant 12 : i32
    %eq3A_3037 = vector.broadcast %eq3A_3036 : i32 to vector<8x1152xi32>
    %eq3A_3038 = arith.cmpi eq, %select_n3A_2635, %eq3A_3037 : vector<8x1152xi32>
    %get3A_3039 = arith.constant 0 : index
    %get3A_3040 = arith.constant 0 : index
    %get3A_3041 = arith.constant 12 : index
    %get3A_3042 = memref.load %arg2[%get3A_3039, %get3A_3040, %get3A_3041] : memref<1x1x24xi32, #tpu.memory_space<smem>>
    %broadcast_in_dim3A_3043 = vector.broadcast %get3A_3042 : i32 to vector<8x1152xi32>
    %select_n3A_3044 = arith.select %eq3A_3038, %broadcast_in_dim3A_3043, %select_n3A_3011 : vector<8x1152xi1>, vector<8x1152xi32>
    %get3A_3045 = arith.constant 0 : index
    %get3A_3046 = arith.constant 12 : index
    %get3A_3047 = arith.constant 0 : index
    %get3A_3048 = memref.load %arg1[%get3A_3045, %get3A_3046, %get3A_3047] : memref<1x24x4xf32, #tpu.memory_space<smem>>
    %broadcast_in_dim3A_3049 = vector.broadcast %get3A_3048 : f32 to vector<8x1152xf32>
    %select_n3A_3050 = arith.select %eq3A_3038, %broadcast_in_dim3A_3049, %select_n3A_3017 : vector<8x1152xi1>, vector<8x1152xf32>
    %get3A_3051 = arith.constant 0 : index
    %get3A_3052 = arith.constant 12 : index
    %get3A_3053 = arith.constant 1 : index
    %get3A_3054 = memref.load %arg1[%get3A_3051, %get3A_3052, %get3A_3053] : memref<1x24x4xf32, #tpu.memory_space<smem>>
    %broadcast_in_dim3A_3055 = vector.broadcast %get3A_3054 : f32 to vector<8x1152xf32>
    %select_n3A_3056 = arith.select %eq3A_3038, %broadcast_in_dim3A_3055, %select_n3A_3023 : vector<8x1152xi1>, vector<8x1152xf32>
    %get3A_3057 = arith.constant 0 : index
    %get3A_3058 = arith.constant 12 : index
    %get3A_3059 = arith.constant 2 : index
    %get3A_3060 = memref.load %arg1[%get3A_3057, %get3A_3058, %get3A_3059] : memref<1x24x4xf32, #tpu.memory_space<smem>>
    %broadcast_in_dim3A_3061 = vector.broadcast %get3A_3060 : f32 to vector<8x1152xf32>
    %select_n3A_3062 = arith.select %eq3A_3038, %broadcast_in_dim3A_3061, %select_n3A_3029 : vector<8x1152xi1>, vector<8x1152xf32>
    %get3A_3063 = arith.constant 0 : index
    %get3A_3064 = arith.constant 12 : index
    %get3A_3065 = arith.constant 3 : index
    %get3A_3066 = memref.load %arg1[%get3A_3063, %get3A_3064, %get3A_3065] : memref<1x24x4xf32, #tpu.memory_space<smem>>
    %broadcast_in_dim3A_3067 = vector.broadcast %get3A_3066 : f32 to vector<8x1152xf32>
    %select_n3A_3068 = arith.select %eq3A_3038, %broadcast_in_dim3A_3067, %select_n3A_3035 : vector<8x1152xi1>, vector<8x1152xf32>
    %eq3A_3069 = arith.constant 13 : i32
    %eq3A_3070 = vector.broadcast %eq3A_3069 : i32 to vector<8x1152xi32>
    %eq3A_3071 = arith.cmpi eq, %select_n3A_2635, %eq3A_3070 : vector<8x1152xi32>
    %get3A_3072 = arith.constant 0 : index
    %get3A_3073 = arith.constant 0 : index
    %get3A_3074 = arith.constant 13 : index
    %get3A_3075 = memref.load %arg2[%get3A_3072, %get3A_3073, %get3A_3074] : memref<1x1x24xi32, #tpu.memory_space<smem>>
    %broadcast_in_dim3A_3076 = vector.broadcast %get3A_3075 : i32 to vector<8x1152xi32>
    %select_n3A_3077 = arith.select %eq3A_3071, %broadcast_in_dim3A_3076, %select_n3A_3044 : vector<8x1152xi1>, vector<8x1152xi32>
    %get3A_3078 = arith.constant 0 : index
    %get3A_3079 = arith.constant 13 : index
    %get3A_3080 = arith.constant 0 : index
    %get3A_3081 = memref.load %arg1[%get3A_3078, %get3A_3079, %get3A_3080] : memref<1x24x4xf32, #tpu.memory_space<smem>>
    %broadcast_in_dim3A_3082 = vector.broadcast %get3A_3081 : f32 to vector<8x1152xf32>
    %select_n3A_3083 = arith.select %eq3A_3071, %broadcast_in_dim3A_3082, %select_n3A_3050 : vector<8x1152xi1>, vector<8x1152xf32>
    %get3A_3084 = arith.constant 0 : index
    %get3A_3085 = arith.constant 13 : index
    %get3A_3086 = arith.constant 1 : index
    %get3A_3087 = memref.load %arg1[%get3A_3084, %get3A_3085, %get3A_3086] : memref<1x24x4xf32, #tpu.memory_space<smem>>
    %broadcast_in_dim3A_3088 = vector.broadcast %get3A_3087 : f32 to vector<8x1152xf32>
    %select_n3A_3089 = arith.select %eq3A_3071, %broadcast_in_dim3A_3088, %select_n3A_3056 : vector<8x1152xi1>, vector<8x1152xf32>
    %get3A_3090 = arith.constant 0 : index
    %get3A_3091 = arith.constant 13 : index
    %get3A_3092 = arith.constant 2 : index
    %get3A_3093 = memref.load %arg1[%get3A_3090, %get3A_3091, %get3A_3092] : memref<1x24x4xf32, #tpu.memory_space<smem>>
    %broadcast_in_dim3A_3094 = vector.broadcast %get3A_3093 : f32 to vector<8x1152xf32>
    %select_n3A_3095 = arith.select %eq3A_3071, %broadcast_in_dim3A_3094, %select_n3A_3062 : vector<8x1152xi1>, vector<8x1152xf32>
    %get3A_3096 = arith.constant 0 : index
    %get3A_3097 = arith.constant 13 : index
    %get3A_3098 = arith.constant 3 : index
    %get3A_3099 = memref.load %arg1[%get3A_3096, %get3A_3097, %get3A_3098] : memref<1x24x4xf32, #tpu.memory_space<smem>>
    %broadcast_in_dim3A_3100 = vector.broadcast %get3A_3099 : f32 to vector<8x1152xf32>
    %select_n3A_3101 = arith.select %eq3A_3071, %broadcast_in_dim3A_3100, %select_n3A_3068 : vector<8x1152xi1>, vector<8x1152xf32>
    %eq3A_3102 = arith.constant 14 : i32
    %eq3A_3103 = vector.broadcast %eq3A_3102 : i32 to vector<8x1152xi32>
    %eq3A_3104 = arith.cmpi eq, %select_n3A_2635, %eq3A_3103 : vector<8x1152xi32>
    %get3A_3105 = arith.constant 0 : index
    %get3A_3106 = arith.constant 0 : index
    %get3A_3107 = arith.constant 14 : index
    %get3A_3108 = memref.load %arg2[%get3A_3105, %get3A_3106, %get3A_3107] : memref<1x1x24xi32, #tpu.memory_space<smem>>
    %broadcast_in_dim3A_3109 = vector.broadcast %get3A_3108 : i32 to vector<8x1152xi32>
    %select_n3A_3110 = arith.select %eq3A_3104, %broadcast_in_dim3A_3109, %select_n3A_3077 : vector<8x1152xi1>, vector<8x1152xi32>
    %get3A_3111 = arith.constant 0 : index
    %get3A_3112 = arith.constant 14 : index
    %get3A_3113 = arith.constant 0 : index
    %get3A_3114 = memref.load %arg1[%get3A_3111, %get3A_3112, %get3A_3113] : memref<1x24x4xf32, #tpu.memory_space<smem>>
    %broadcast_in_dim3A_3115 = vector.broadcast %get3A_3114 : f32 to vector<8x1152xf32>
    %select_n3A_3116 = arith.select %eq3A_3104, %broadcast_in_dim3A_3115, %select_n3A_3083 : vector<8x1152xi1>, vector<8x1152xf32>
    %get3A_3117 = arith.constant 0 : index
    %get3A_3118 = arith.constant 14 : index
    %get3A_3119 = arith.constant 1 : index
    %get3A_3120 = memref.load %arg1[%get3A_3117, %get3A_3118, %get3A_3119] : memref<1x24x4xf32, #tpu.memory_space<smem>>
    %broadcast_in_dim3A_3121 = vector.broadcast %get3A_3120 : f32 to vector<8x1152xf32>
    %select_n3A_3122 = arith.select %eq3A_3104, %broadcast_in_dim3A_3121, %select_n3A_3089 : vector<8x1152xi1>, vector<8x1152xf32>
    %get3A_3123 = arith.constant 0 : index
    %get3A_3124 = arith.constant 14 : index
    %get3A_3125 = arith.constant 2 : index
    %get3A_3126 = memref.load %arg1[%get3A_3123, %get3A_3124, %get3A_3125] : memref<1x24x4xf32, #tpu.memory_space<smem>>
    %broadcast_in_dim3A_3127 = vector.broadcast %get3A_3126 : f32 to vector<8x1152xf32>
    %select_n3A_3128 = arith.select %eq3A_3104, %broadcast_in_dim3A_3127, %select_n3A_3095 : vector<8x1152xi1>, vector<8x1152xf32>
    %get3A_3129 = arith.constant 0 : index
    %get3A_3130 = arith.constant 14 : index
    %get3A_3131 = arith.constant 3 : index
    %get3A_3132 = memref.load %arg1[%get3A_3129, %get3A_3130, %get3A_3131] : memref<1x24x4xf32, #tpu.memory_space<smem>>
    %broadcast_in_dim3A_3133 = vector.broadcast %get3A_3132 : f32 to vector<8x1152xf32>
    %select_n3A_3134 = arith.select %eq3A_3104, %broadcast_in_dim3A_3133, %select_n3A_3101 : vector<8x1152xi1>, vector<8x1152xf32>
    %eq3A_3135 = arith.constant 15 : i32
    %eq3A_3136 = vector.broadcast %eq3A_3135 : i32 to vector<8x1152xi32>
    %eq3A_3137 = arith.cmpi eq, %select_n3A_2635, %eq3A_3136 : vector<8x1152xi32>
    %get3A_3138 = arith.constant 0 : index
    %get3A_3139 = arith.constant 0 : index
    %get3A_3140 = arith.constant 15 : index
    %get3A_3141 = memref.load %arg2[%get3A_3138, %get3A_3139, %get3A_3140] : memref<1x1x24xi32, #tpu.memory_space<smem>>
    %broadcast_in_dim3A_3142 = vector.broadcast %get3A_3141 : i32 to vector<8x1152xi32>
    %select_n3A_3143 = arith.select %eq3A_3137, %broadcast_in_dim3A_3142, %select_n3A_3110 : vector<8x1152xi1>, vector<8x1152xi32>
    %get3A_3144 = arith.constant 0 : index
    %get3A_3145 = arith.constant 15 : index
    %get3A_3146 = arith.constant 0 : index
    %get3A_3147 = memref.load %arg1[%get3A_3144, %get3A_3145, %get3A_3146] : memref<1x24x4xf32, #tpu.memory_space<smem>>
    %broadcast_in_dim3A_3148 = vector.broadcast %get3A_3147 : f32 to vector<8x1152xf32>
    %select_n3A_3149 = arith.select %eq3A_3137, %broadcast_in_dim3A_3148, %select_n3A_3116 : vector<8x1152xi1>, vector<8x1152xf32>
    %get3A_3150 = arith.constant 0 : index
    %get3A_3151 = arith.constant 15 : index
    %get3A_3152 = arith.constant 1 : index
    %get3A_3153 = memref.load %arg1[%get3A_3150, %get3A_3151, %get3A_3152] : memref<1x24x4xf32, #tpu.memory_space<smem>>
    %broadcast_in_dim3A_3154 = vector.broadcast %get3A_3153 : f32 to vector<8x1152xf32>
    %select_n3A_3155 = arith.select %eq3A_3137, %broadcast_in_dim3A_3154, %select_n3A_3122 : vector<8x1152xi1>, vector<8x1152xf32>
    %get3A_3156 = arith.constant 0 : index
    %get3A_3157 = arith.constant 15 : index
    %get3A_3158 = arith.constant 2 : index
    %get3A_3159 = memref.load %arg1[%get3A_3156, %get3A_3157, %get3A_3158] : memref<1x24x4xf32, #tpu.memory_space<smem>>
    %broadcast_in_dim3A_3160 = vector.broadcast %get3A_3159 : f32 to vector<8x1152xf32>
    %select_n3A_3161 = arith.select %eq3A_3137, %broadcast_in_dim3A_3160, %select_n3A_3128 : vector<8x1152xi1>, vector<8x1152xf32>
    %get3A_3162 = arith.constant 0 : index
    %get3A_3163 = arith.constant 15 : index
    %get3A_3164 = arith.constant 3 : index
    %get3A_3165 = memref.load %arg1[%get3A_3162, %get3A_3163, %get3A_3164] : memref<1x24x4xf32, #tpu.memory_space<smem>>
    %broadcast_in_dim3A_3166 = vector.broadcast %get3A_3165 : f32 to vector<8x1152xf32>
    %select_n3A_3167 = arith.select %eq3A_3137, %broadcast_in_dim3A_3166, %select_n3A_3134 : vector<8x1152xi1>, vector<8x1152xf32>
    %eq3A_3168 = arith.constant 16 : i32
    %eq3A_3169 = vector.broadcast %eq3A_3168 : i32 to vector<8x1152xi32>
    %eq3A_3170 = arith.cmpi eq, %select_n3A_2635, %eq3A_3169 : vector<8x1152xi32>
    %get3A_3171 = arith.constant 0 : index
    %get3A_3172 = arith.constant 0 : index
    %get3A_3173 = arith.constant 16 : index
    %get3A_3174 = memref.load %arg2[%get3A_3171, %get3A_3172, %get3A_3173] : memref<1x1x24xi32, #tpu.memory_space<smem>>
    %broadcast_in_dim3A_3175 = vector.broadcast %get3A_3174 : i32 to vector<8x1152xi32>
    %select_n3A_3176 = arith.select %eq3A_3170, %broadcast_in_dim3A_3175, %select_n3A_3143 : vector<8x1152xi1>, vector<8x1152xi32>
    %get3A_3177 = arith.constant 0 : index
    %get3A_3178 = arith.constant 16 : index
    %get3A_3179 = arith.constant 0 : index
    %get3A_3180 = memref.load %arg1[%get3A_3177, %get3A_3178, %get3A_3179] : memref<1x24x4xf32, #tpu.memory_space<smem>>
    %broadcast_in_dim3A_3181 = vector.broadcast %get3A_3180 : f32 to vector<8x1152xf32>
    %select_n3A_3182 = arith.select %eq3A_3170, %broadcast_in_dim3A_3181, %select_n3A_3149 : vector<8x1152xi1>, vector<8x1152xf32>
    %get3A_3183 = arith.constant 0 : index
    %get3A_3184 = arith.constant 16 : index
    %get3A_3185 = arith.constant 1 : index
    %get3A_3186 = memref.load %arg1[%get3A_3183, %get3A_3184, %get3A_3185] : memref<1x24x4xf32, #tpu.memory_space<smem>>
    %broadcast_in_dim3A_3187 = vector.broadcast %get3A_3186 : f32 to vector<8x1152xf32>
    %select_n3A_3188 = arith.select %eq3A_3170, %broadcast_in_dim3A_3187, %select_n3A_3155 : vector<8x1152xi1>, vector<8x1152xf32>
    %get3A_3189 = arith.constant 0 : index
    %get3A_3190 = arith.constant 16 : index
    %get3A_3191 = arith.constant 2 : index
    %get3A_3192 = memref.load %arg1[%get3A_3189, %get3A_3190, %get3A_3191] : memref<1x24x4xf32, #tpu.memory_space<smem>>
    %broadcast_in_dim3A_3193 = vector.broadcast %get3A_3192 : f32 to vector<8x1152xf32>
    %select_n3A_3194 = arith.select %eq3A_3170, %broadcast_in_dim3A_3193, %select_n3A_3161 : vector<8x1152xi1>, vector<8x1152xf32>
    %get3A_3195 = arith.constant 0 : index
    %get3A_3196 = arith.constant 16 : index
    %get3A_3197 = arith.constant 3 : index
    %get3A_3198 = memref.load %arg1[%get3A_3195, %get3A_3196, %get3A_3197] : memref<1x24x4xf32, #tpu.memory_space<smem>>
    %broadcast_in_dim3A_3199 = vector.broadcast %get3A_3198 : f32 to vector<8x1152xf32>
    %select_n3A_3200 = arith.select %eq3A_3170, %broadcast_in_dim3A_3199, %select_n3A_3167 : vector<8x1152xi1>, vector<8x1152xf32>
    %eq3A_3201 = arith.constant 17 : i32
    %eq3A_3202 = vector.broadcast %eq3A_3201 : i32 to vector<8x1152xi32>
    %eq3A_3203 = arith.cmpi eq, %select_n3A_2635, %eq3A_3202 : vector<8x1152xi32>
    %get3A_3204 = arith.constant 0 : index
    %get3A_3205 = arith.constant 0 : index
    %get3A_3206 = arith.constant 17 : index
    %get3A_3207 = memref.load %arg2[%get3A_3204, %get3A_3205, %get3A_3206] : memref<1x1x24xi32, #tpu.memory_space<smem>>
    %broadcast_in_dim3A_3208 = vector.broadcast %get3A_3207 : i32 to vector<8x1152xi32>
    %select_n3A_3209 = arith.select %eq3A_3203, %broadcast_in_dim3A_3208, %select_n3A_3176 : vector<8x1152xi1>, vector<8x1152xi32>
    %get3A_3210 = arith.constant 0 : index
    %get3A_3211 = arith.constant 17 : index
    %get3A_3212 = arith.constant 0 : index
    %get3A_3213 = memref.load %arg1[%get3A_3210, %get3A_3211, %get3A_3212] : memref<1x24x4xf32, #tpu.memory_space<smem>>
    %broadcast_in_dim3A_3214 = vector.broadcast %get3A_3213 : f32 to vector<8x1152xf32>
    %select_n3A_3215 = arith.select %eq3A_3203, %broadcast_in_dim3A_3214, %select_n3A_3182 : vector<8x1152xi1>, vector<8x1152xf32>
    %get3A_3216 = arith.constant 0 : index
    %get3A_3217 = arith.constant 17 : index
    %get3A_3218 = arith.constant 1 : index
    %get3A_3219 = memref.load %arg1[%get3A_3216, %get3A_3217, %get3A_3218] : memref<1x24x4xf32, #tpu.memory_space<smem>>
    %broadcast_in_dim3A_3220 = vector.broadcast %get3A_3219 : f32 to vector<8x1152xf32>
    %select_n3A_3221 = arith.select %eq3A_3203, %broadcast_in_dim3A_3220, %select_n3A_3188 : vector<8x1152xi1>, vector<8x1152xf32>
    %get3A_3222 = arith.constant 0 : index
    %get3A_3223 = arith.constant 17 : index
    %get3A_3224 = arith.constant 2 : index
    %get3A_3225 = memref.load %arg1[%get3A_3222, %get3A_3223, %get3A_3224] : memref<1x24x4xf32, #tpu.memory_space<smem>>
    %broadcast_in_dim3A_3226 = vector.broadcast %get3A_3225 : f32 to vector<8x1152xf32>
    %select_n3A_3227 = arith.select %eq3A_3203, %broadcast_in_dim3A_3226, %select_n3A_3194 : vector<8x1152xi1>, vector<8x1152xf32>
    %get3A_3228 = arith.constant 0 : index
    %get3A_3229 = arith.constant 17 : index
    %get3A_3230 = arith.constant 3 : index
    %get3A_3231 = memref.load %arg1[%get3A_3228, %get3A_3229, %get3A_3230] : memref<1x24x4xf32, #tpu.memory_space<smem>>
    %broadcast_in_dim3A_3232 = vector.broadcast %get3A_3231 : f32 to vector<8x1152xf32>
    %select_n3A_3233 = arith.select %eq3A_3203, %broadcast_in_dim3A_3232, %select_n3A_3200 : vector<8x1152xi1>, vector<8x1152xf32>
    %eq3A_3234 = arith.constant 18 : i32
    %eq3A_3235 = vector.broadcast %eq3A_3234 : i32 to vector<8x1152xi32>
    %eq3A_3236 = arith.cmpi eq, %select_n3A_2635, %eq3A_3235 : vector<8x1152xi32>
    %get3A_3237 = arith.constant 0 : index
    %get3A_3238 = arith.constant 0 : index
    %get3A_3239 = arith.constant 18 : index
    %get3A_3240 = memref.load %arg2[%get3A_3237, %get3A_3238, %get3A_3239] : memref<1x1x24xi32, #tpu.memory_space<smem>>
    %broadcast_in_dim3A_3241 = vector.broadcast %get3A_3240 : i32 to vector<8x1152xi32>
    %select_n3A_3242 = arith.select %eq3A_3236, %broadcast_in_dim3A_3241, %select_n3A_3209 : vector<8x1152xi1>, vector<8x1152xi32>
    %get3A_3243 = arith.constant 0 : index
    %get3A_3244 = arith.constant 18 : index
    %get3A_3245 = arith.constant 0 : index
    %get3A_3246 = memref.load %arg1[%get3A_3243, %get3A_3244, %get3A_3245] : memref<1x24x4xf32, #tpu.memory_space<smem>>
    %broadcast_in_dim3A_3247 = vector.broadcast %get3A_3246 : f32 to vector<8x1152xf32>
    %select_n3A_3248 = arith.select %eq3A_3236, %broadcast_in_dim3A_3247, %select_n3A_3215 : vector<8x1152xi1>, vector<8x1152xf32>
    %get3A_3249 = arith.constant 0 : index
    %get3A_3250 = arith.constant 18 : index
    %get3A_3251 = arith.constant 1 : index
    %get3A_3252 = memref.load %arg1[%get3A_3249, %get3A_3250, %get3A_3251] : memref<1x24x4xf32, #tpu.memory_space<smem>>
    %broadcast_in_dim3A_3253 = vector.broadcast %get3A_3252 : f32 to vector<8x1152xf32>
    %select_n3A_3254 = arith.select %eq3A_3236, %broadcast_in_dim3A_3253, %select_n3A_3221 : vector<8x1152xi1>, vector<8x1152xf32>
    %get3A_3255 = arith.constant 0 : index
    %get3A_3256 = arith.constant 18 : index
    %get3A_3257 = arith.constant 2 : index
    %get3A_3258 = memref.load %arg1[%get3A_3255, %get3A_3256, %get3A_3257] : memref<1x24x4xf32, #tpu.memory_space<smem>>
    %broadcast_in_dim3A_3259 = vector.broadcast %get3A_3258 : f32 to vector<8x1152xf32>
    %select_n3A_3260 = arith.select %eq3A_3236, %broadcast_in_dim3A_3259, %select_n3A_3227 : vector<8x1152xi1>, vector<8x1152xf32>
    %get3A_3261 = arith.constant 0 : index
    %get3A_3262 = arith.constant 18 : index
    %get3A_3263 = arith.constant 3 : index
    %get3A_3264 = memref.load %arg1[%get3A_3261, %get3A_3262, %get3A_3263] : memref<1x24x4xf32, #tpu.memory_space<smem>>
    %broadcast_in_dim3A_3265 = vector.broadcast %get3A_3264 : f32 to vector<8x1152xf32>
    %select_n3A_3266 = arith.select %eq3A_3236, %broadcast_in_dim3A_3265, %select_n3A_3233 : vector<8x1152xi1>, vector<8x1152xf32>
    %eq3A_3267 = arith.constant 19 : i32
    %eq3A_3268 = vector.broadcast %eq3A_3267 : i32 to vector<8x1152xi32>
    %eq3A_3269 = arith.cmpi eq, %select_n3A_2635, %eq3A_3268 : vector<8x1152xi32>
    %get3A_3270 = arith.constant 0 : index
    %get3A_3271 = arith.constant 0 : index
    %get3A_3272 = arith.constant 19 : index
    %get3A_3273 = memref.load %arg2[%get3A_3270, %get3A_3271, %get3A_3272] : memref<1x1x24xi32, #tpu.memory_space<smem>>
    %broadcast_in_dim3A_3274 = vector.broadcast %get3A_3273 : i32 to vector<8x1152xi32>
    %select_n3A_3275 = arith.select %eq3A_3269, %broadcast_in_dim3A_3274, %select_n3A_3242 : vector<8x1152xi1>, vector<8x1152xi32>
    %get3A_3276 = arith.constant 0 : index
    %get3A_3277 = arith.constant 19 : index
    %get3A_3278 = arith.constant 0 : index
    %get3A_3279 = memref.load %arg1[%get3A_3276, %get3A_3277, %get3A_3278] : memref<1x24x4xf32, #tpu.memory_space<smem>>
    %broadcast_in_dim3A_3280 = vector.broadcast %get3A_3279 : f32 to vector<8x1152xf32>
    %select_n3A_3281 = arith.select %eq3A_3269, %broadcast_in_dim3A_3280, %select_n3A_3248 : vector<8x1152xi1>, vector<8x1152xf32>
    %get3A_3282 = arith.constant 0 : index
    %get3A_3283 = arith.constant 19 : index
    %get3A_3284 = arith.constant 1 : index
    %get3A_3285 = memref.load %arg1[%get3A_3282, %get3A_3283, %get3A_3284] : memref<1x24x4xf32, #tpu.memory_space<smem>>
    %broadcast_in_dim3A_3286 = vector.broadcast %get3A_3285 : f32 to vector<8x1152xf32>
    %select_n3A_3287 = arith.select %eq3A_3269, %broadcast_in_dim3A_3286, %select_n3A_3254 : vector<8x1152xi1>, vector<8x1152xf32>
    %get3A_3288 = arith.constant 0 : index
    %get3A_3289 = arith.constant 19 : index
    %get3A_3290 = arith.constant 2 : index
    %get3A_3291 = memref.load %arg1[%get3A_3288, %get3A_3289, %get3A_3290] : memref<1x24x4xf32, #tpu.memory_space<smem>>
    %broadcast_in_dim3A_3292 = vector.broadcast %get3A_3291 : f32 to vector<8x1152xf32>
    %select_n3A_3293 = arith.select %eq3A_3269, %broadcast_in_dim3A_3292, %select_n3A_3260 : vector<8x1152xi1>, vector<8x1152xf32>
    %get3A_3294 = arith.constant 0 : index
    %get3A_3295 = arith.constant 19 : index
    %get3A_3296 = arith.constant 3 : index
    %get3A_3297 = memref.load %arg1[%get3A_3294, %get3A_3295, %get3A_3296] : memref<1x24x4xf32, #tpu.memory_space<smem>>
    %broadcast_in_dim3A_3298 = vector.broadcast %get3A_3297 : f32 to vector<8x1152xf32>
    %select_n3A_3299 = arith.select %eq3A_3269, %broadcast_in_dim3A_3298, %select_n3A_3266 : vector<8x1152xi1>, vector<8x1152xf32>
    %eq3A_3300 = arith.constant 20 : i32
    %eq3A_3301 = vector.broadcast %eq3A_3300 : i32 to vector<8x1152xi32>
    %eq3A_3302 = arith.cmpi eq, %select_n3A_2635, %eq3A_3301 : vector<8x1152xi32>
    %get3A_3303 = arith.constant 0 : index
    %get3A_3304 = arith.constant 0 : index
    %get3A_3305 = arith.constant 20 : index
    %get3A_3306 = memref.load %arg2[%get3A_3303, %get3A_3304, %get3A_3305] : memref<1x1x24xi32, #tpu.memory_space<smem>>
    %broadcast_in_dim3A_3307 = vector.broadcast %get3A_3306 : i32 to vector<8x1152xi32>
    %select_n3A_3308 = arith.select %eq3A_3302, %broadcast_in_dim3A_3307, %select_n3A_3275 : vector<8x1152xi1>, vector<8x1152xi32>
    %get3A_3309 = arith.constant 0 : index
    %get3A_3310 = arith.constant 20 : index
    %get3A_3311 = arith.constant 0 : index
    %get3A_3312 = memref.load %arg1[%get3A_3309, %get3A_3310, %get3A_3311] : memref<1x24x4xf32, #tpu.memory_space<smem>>
    %broadcast_in_dim3A_3313 = vector.broadcast %get3A_3312 : f32 to vector<8x1152xf32>
    %select_n3A_3314 = arith.select %eq3A_3302, %broadcast_in_dim3A_3313, %select_n3A_3281 : vector<8x1152xi1>, vector<8x1152xf32>
    %get3A_3315 = arith.constant 0 : index
    %get3A_3316 = arith.constant 20 : index
    %get3A_3317 = arith.constant 1 : index
    %get3A_3318 = memref.load %arg1[%get3A_3315, %get3A_3316, %get3A_3317] : memref<1x24x4xf32, #tpu.memory_space<smem>>
    %broadcast_in_dim3A_3319 = vector.broadcast %get3A_3318 : f32 to vector<8x1152xf32>
    %select_n3A_3320 = arith.select %eq3A_3302, %broadcast_in_dim3A_3319, %select_n3A_3287 : vector<8x1152xi1>, vector<8x1152xf32>
    %get3A_3321 = arith.constant 0 : index
    %get3A_3322 = arith.constant 20 : index
    %get3A_3323 = arith.constant 2 : index
    %get3A_3324 = memref.load %arg1[%get3A_3321, %get3A_3322, %get3A_3323] : memref<1x24x4xf32, #tpu.memory_space<smem>>
    %broadcast_in_dim3A_3325 = vector.broadcast %get3A_3324 : f32 to vector<8x1152xf32>
    %select_n3A_3326 = arith.select %eq3A_3302, %broadcast_in_dim3A_3325, %select_n3A_3293 : vector<8x1152xi1>, vector<8x1152xf32>
    %get3A_3327 = arith.constant 0 : index
    %get3A_3328 = arith.constant 20 : index
    %get3A_3329 = arith.constant 3 : index
    %get3A_3330 = memref.load %arg1[%get3A_3327, %get3A_3328, %get3A_3329] : memref<1x24x4xf32, #tpu.memory_space<smem>>
    %broadcast_in_dim3A_3331 = vector.broadcast %get3A_3330 : f32 to vector<8x1152xf32>
    %select_n3A_3332 = arith.select %eq3A_3302, %broadcast_in_dim3A_3331, %select_n3A_3299 : vector<8x1152xi1>, vector<8x1152xf32>
    %eq3A_3333 = arith.constant 21 : i32
    %eq3A_3334 = vector.broadcast %eq3A_3333 : i32 to vector<8x1152xi32>
    %eq3A_3335 = arith.cmpi eq, %select_n3A_2635, %eq3A_3334 : vector<8x1152xi32>
    %get3A_3336 = arith.constant 0 : index
    %get3A_3337 = arith.constant 0 : index
    %get3A_3338 = arith.constant 21 : index
    %get3A_3339 = memref.load %arg2[%get3A_3336, %get3A_3337, %get3A_3338] : memref<1x1x24xi32, #tpu.memory_space<smem>>
    %broadcast_in_dim3A_3340 = vector.broadcast %get3A_3339 : i32 to vector<8x1152xi32>
    %select_n3A_3341 = arith.select %eq3A_3335, %broadcast_in_dim3A_3340, %select_n3A_3308 : vector<8x1152xi1>, vector<8x1152xi32>
    %get3A_3342 = arith.constant 0 : index
    %get3A_3343 = arith.constant 21 : index
    %get3A_3344 = arith.constant 0 : index
    %get3A_3345 = memref.load %arg1[%get3A_3342, %get3A_3343, %get3A_3344] : memref<1x24x4xf32, #tpu.memory_space<smem>>
    %broadcast_in_dim3A_3346 = vector.broadcast %get3A_3345 : f32 to vector<8x1152xf32>
    %select_n3A_3347 = arith.select %eq3A_3335, %broadcast_in_dim3A_3346, %select_n3A_3314 : vector<8x1152xi1>, vector<8x1152xf32>
    %get3A_3348 = arith.constant 0 : index
    %get3A_3349 = arith.constant 21 : index
    %get3A_3350 = arith.constant 1 : index
    %get3A_3351 = memref.load %arg1[%get3A_3348, %get3A_3349, %get3A_3350] : memref<1x24x4xf32, #tpu.memory_space<smem>>
    %broadcast_in_dim3A_3352 = vector.broadcast %get3A_3351 : f32 to vector<8x1152xf32>
    %select_n3A_3353 = arith.select %eq3A_3335, %broadcast_in_dim3A_3352, %select_n3A_3320 : vector<8x1152xi1>, vector<8x1152xf32>
    %get3A_3354 = arith.constant 0 : index
    %get3A_3355 = arith.constant 21 : index
    %get3A_3356 = arith.constant 2 : index
    %get3A_3357 = memref.load %arg1[%get3A_3354, %get3A_3355, %get3A_3356] : memref<1x24x4xf32, #tpu.memory_space<smem>>
    %broadcast_in_dim3A_3358 = vector.broadcast %get3A_3357 : f32 to vector<8x1152xf32>
    %select_n3A_3359 = arith.select %eq3A_3335, %broadcast_in_dim3A_3358, %select_n3A_3326 : vector<8x1152xi1>, vector<8x1152xf32>
    %get3A_3360 = arith.constant 0 : index
    %get3A_3361 = arith.constant 21 : index
    %get3A_3362 = arith.constant 3 : index
    %get3A_3363 = memref.load %arg1[%get3A_3360, %get3A_3361, %get3A_3362] : memref<1x24x4xf32, #tpu.memory_space<smem>>
    %broadcast_in_dim3A_3364 = vector.broadcast %get3A_3363 : f32 to vector<8x1152xf32>
    %select_n3A_3365 = arith.select %eq3A_3335, %broadcast_in_dim3A_3364, %select_n3A_3332 : vector<8x1152xi1>, vector<8x1152xf32>
    %eq3A_3366 = arith.constant 22 : i32
    %eq3A_3367 = vector.broadcast %eq3A_3366 : i32 to vector<8x1152xi32>
    %eq3A_3368 = arith.cmpi eq, %select_n3A_2635, %eq3A_3367 : vector<8x1152xi32>
    %get3A_3369 = arith.constant 0 : index
    %get3A_3370 = arith.constant 0 : index
    %get3A_3371 = arith.constant 22 : index
    %get3A_3372 = memref.load %arg2[%get3A_3369, %get3A_3370, %get3A_3371] : memref<1x1x24xi32, #tpu.memory_space<smem>>
    %broadcast_in_dim3A_3373 = vector.broadcast %get3A_3372 : i32 to vector<8x1152xi32>
    %select_n3A_3374 = arith.select %eq3A_3368, %broadcast_in_dim3A_3373, %select_n3A_3341 : vector<8x1152xi1>, vector<8x1152xi32>
    %get3A_3375 = arith.constant 0 : index
    %get3A_3376 = arith.constant 22 : index
    %get3A_3377 = arith.constant 0 : index
    %get3A_3378 = memref.load %arg1[%get3A_3375, %get3A_3376, %get3A_3377] : memref<1x24x4xf32, #tpu.memory_space<smem>>
    %broadcast_in_dim3A_3379 = vector.broadcast %get3A_3378 : f32 to vector<8x1152xf32>
    %select_n3A_3380 = arith.select %eq3A_3368, %broadcast_in_dim3A_3379, %select_n3A_3347 : vector<8x1152xi1>, vector<8x1152xf32>
    %get3A_3381 = arith.constant 0 : index
    %get3A_3382 = arith.constant 22 : index
    %get3A_3383 = arith.constant 1 : index
    %get3A_3384 = memref.load %arg1[%get3A_3381, %get3A_3382, %get3A_3383] : memref<1x24x4xf32, #tpu.memory_space<smem>>
    %broadcast_in_dim3A_3385 = vector.broadcast %get3A_3384 : f32 to vector<8x1152xf32>
    %select_n3A_3386 = arith.select %eq3A_3368, %broadcast_in_dim3A_3385, %select_n3A_3353 : vector<8x1152xi1>, vector<8x1152xf32>
    %get3A_3387 = arith.constant 0 : index
    %get3A_3388 = arith.constant 22 : index
    %get3A_3389 = arith.constant 2 : index
    %get3A_3390 = memref.load %arg1[%get3A_3387, %get3A_3388, %get3A_3389] : memref<1x24x4xf32, #tpu.memory_space<smem>>
    %broadcast_in_dim3A_3391 = vector.broadcast %get3A_3390 : f32 to vector<8x1152xf32>
    %select_n3A_3392 = arith.select %eq3A_3368, %broadcast_in_dim3A_3391, %select_n3A_3359 : vector<8x1152xi1>, vector<8x1152xf32>
    %get3A_3393 = arith.constant 0 : index
    %get3A_3394 = arith.constant 22 : index
    %get3A_3395 = arith.constant 3 : index
    %get3A_3396 = memref.load %arg1[%get3A_3393, %get3A_3394, %get3A_3395] : memref<1x24x4xf32, #tpu.memory_space<smem>>
    %broadcast_in_dim3A_3397 = vector.broadcast %get3A_3396 : f32 to vector<8x1152xf32>
    %select_n3A_3398 = arith.select %eq3A_3368, %broadcast_in_dim3A_3397, %select_n3A_3365 : vector<8x1152xi1>, vector<8x1152xf32>
    %eq3A_3399 = arith.constant 23 : i32
    %eq3A_3400 = vector.broadcast %eq3A_3399 : i32 to vector<8x1152xi32>
    %eq3A_3401 = arith.cmpi eq, %select_n3A_2635, %eq3A_3400 : vector<8x1152xi32>
    %get3A_3402 = arith.constant 0 : index
    %get3A_3403 = arith.constant 0 : index
    %get3A_3404 = arith.constant 23 : index
    %get3A_3405 = memref.load %arg2[%get3A_3402, %get3A_3403, %get3A_3404] : memref<1x1x24xi32, #tpu.memory_space<smem>>
    %broadcast_in_dim3A_3406 = vector.broadcast %get3A_3405 : i32 to vector<8x1152xi32>
    %select_n3A_3407 = arith.select %eq3A_3401, %broadcast_in_dim3A_3406, %select_n3A_3374 : vector<8x1152xi1>, vector<8x1152xi32>
    %get3A_3408 = arith.constant 0 : index
    %get3A_3409 = arith.constant 23 : index
    %get3A_3410 = arith.constant 0 : index
    %get3A_3411 = memref.load %arg1[%get3A_3408, %get3A_3409, %get3A_3410] : memref<1x24x4xf32, #tpu.memory_space<smem>>
    %broadcast_in_dim3A_3412 = vector.broadcast %get3A_3411 : f32 to vector<8x1152xf32>
    %select_n3A_3413 = arith.select %eq3A_3401, %broadcast_in_dim3A_3412, %select_n3A_3380 : vector<8x1152xi1>, vector<8x1152xf32>
    %get3A_3414 = arith.constant 0 : index
    %get3A_3415 = arith.constant 23 : index
    %get3A_3416 = arith.constant 1 : index
    %get3A_3417 = memref.load %arg1[%get3A_3414, %get3A_3415, %get3A_3416] : memref<1x24x4xf32, #tpu.memory_space<smem>>
    %broadcast_in_dim3A_3418 = vector.broadcast %get3A_3417 : f32 to vector<8x1152xf32>
    %select_n3A_3419 = arith.select %eq3A_3401, %broadcast_in_dim3A_3418, %select_n3A_3386 : vector<8x1152xi1>, vector<8x1152xf32>
    %get3A_3420 = arith.constant 0 : index
    %get3A_3421 = arith.constant 23 : index
    %get3A_3422 = arith.constant 2 : index
    %get3A_3423 = memref.load %arg1[%get3A_3420, %get3A_3421, %get3A_3422] : memref<1x24x4xf32, #tpu.memory_space<smem>>
    %broadcast_in_dim3A_3424 = vector.broadcast %get3A_3423 : f32 to vector<8x1152xf32>
    %select_n3A_3425 = arith.select %eq3A_3401, %broadcast_in_dim3A_3424, %select_n3A_3392 : vector<8x1152xi1>, vector<8x1152xf32>
    %get3A_3426 = arith.constant 0 : index
    %get3A_3427 = arith.constant 23 : index
    %get3A_3428 = arith.constant 3 : index
    %get3A_3429 = memref.load %arg1[%get3A_3426, %get3A_3427, %get3A_3428] : memref<1x24x4xf32, #tpu.memory_space<smem>>
    %broadcast_in_dim3A_3430 = vector.broadcast %get3A_3429 : f32 to vector<8x1152xf32>
    %select_n3A_3431 = arith.select %eq3A_3401, %broadcast_in_dim3A_3430, %select_n3A_3398 : vector<8x1152xi1>, vector<8x1152xf32>
    %lt3A = arith.constant 5.000000e-01 : f32
    %lt3A_3432 = vector.broadcast %lt3A : f32 to vector<8x1152xf32>
    %lt3A_3433 = arith.cmpf olt, %select_n3A_2632, %lt3A_3432 : vector<8x1152xf32>
    %jit3A_3434 = arith.constant 4 : i32
    %broadcast_in_dim3A_3435 = vector.broadcast %jit3A_3434 : i32 to vector<8x1152xi32>
    %select_n3A_3436 = arith.select %lt3A_3433, %broadcast_in_dim3A_3435, %select_n3A_3407 : vector<8x1152xi1>, vector<8x1152xi32>
    %ne3A = arith.constant 4 : i32
    %ne3A_3437 = vector.broadcast %ne3A : i32 to vector<8x1152xi32>
    %ne3A_3438 = arith.cmpi ne, %select_n3A_3436, %ne3A_3437 : vector<8x1152xi32>
    %convert_element_type3A = arith.extui %ne3A_3438 : vector<8x1152xi1> to vector<8x1152xi32>
    %convert_element_type3A_3439 = arith.sitofp %convert_element_type3A : vector<8x1152xi32> to vector<8x1152xf32>
    %reduce_sum3A = vector.shape_cast %convert_element_type3A_3439 : vector<8x1152xf32> to vector<1x8x1152xf32>
    %reduce_sum3A_3440 = arith.constant dense<0.000000e+00> : vector<1xf32>
    %reduce_sum3A_3441 = vector.multi_reduction <add>, %reduce_sum3A, %reduce_sum3A_3440 [1, 2] : vector<1x8x1152xf32> to vector<1xf32>
    %reduce_sum3A_3442 = vector.shape_cast %reduce_sum3A_3441 : vector<1xf32> to vector<1x1x1xf32>
    %reduce_sum3A_3443 = vector.extract %reduce_sum3A_3442[0, 0, 0] : f32 from vector<1x1x1xf32>
    %broadcast_in_dim3A_3444 = vector.broadcast %reduce_sum3A_3443 : f32 to vector<1x1xf32>
    %add3A_3445 = arith.addf %select_n3A_3413, %select_n3A_3425 : vector<8x1152xf32>
    %mul3A_3446 = arith.constant 5.000000e-01 : f32
    %mul3A_3447 = vector.broadcast %mul3A_3446 : f32 to vector<8x1152xf32>
    %mul3A_3448 = arith.mulf %add3A_3445, %mul3A_3447 : vector<8x1152xf32>
    %add3A_3449 = arith.addf %select_n3A_3419, %select_n3A_3431 : vector<8x1152xf32>
    %mul3A_3450 = arith.constant 5.000000e-01 : f32
    %mul3A_3451 = vector.broadcast %mul3A_3450 : f32 to vector<8x1152xf32>
    %mul3A_3452 = arith.mulf %add3A_3449, %mul3A_3451 : vector<8x1152xf32>
    %sub3A_3453 = arith.subf %select_n3A_3425, %select_n3A_3413 : vector<8x1152xf32>
    %sub3A_3454 = arith.subf %select_n3A_3431, %select_n3A_3419 : vector<8x1152xf32>
    %get3A_3455 = arith.constant 0 : index
    %get3A_3456 = arith.constant 0 : index
    %get3A_3457 = arith.constant 0 : index
    %get3A_3458 = vector.load %arg6[%get3A_3455, %get3A_3456, %get3A_3457] : memref<4x8x1152xf32, #tpu.memory_space<vmem>>, vector<1x8x1152xf32>
    %get3A_3459 = vector.shape_cast %get3A_3458 : vector<1x8x1152xf32> to vector<8x1152xf32>
    %get3A_3460 = arith.constant 1 : index
    %get3A_3461 = arith.constant 0 : index
    %get3A_3462 = arith.constant 0 : index
    %get3A_3463 = vector.load %arg6[%get3A_3460, %get3A_3461, %get3A_3462] : memref<4x8x1152xf32, #tpu.memory_space<vmem>>, vector<1x8x1152xf32>
    %get3A_3464 = vector.shape_cast %get3A_3463 : vector<1x8x1152xf32> to vector<8x1152xf32>
    %get3A_3465 = arith.constant 2 : index
    %get3A_3466 = arith.constant 0 : index
    %get3A_3467 = arith.constant 0 : index
    %get3A_3468 = vector.load %arg6[%get3A_3465, %get3A_3466, %get3A_3467] : memref<4x8x1152xf32, #tpu.memory_space<vmem>>, vector<1x8x1152xf32>
    %get3A_3469 = vector.shape_cast %get3A_3468 : vector<1x8x1152xf32> to vector<8x1152xf32>
    %get3A_3470 = arith.constant 3 : index
    %get3A_3471 = arith.constant 0 : index
    %get3A_3472 = arith.constant 0 : index
    %get3A_3473 = vector.load %arg6[%get3A_3470, %get3A_3471, %get3A_3472] : memref<4x8x1152xf32, #tpu.memory_space<vmem>>, vector<1x8x1152xf32>
    %get3A_3474 = vector.shape_cast %get3A_3473 : vector<1x8x1152xf32> to vector<8x1152xf32>
    %sub3A_3475 = arith.subf %mul3A_3448, %get3A_3459 : vector<8x1152xf32>
    %mul3A_3476 = arith.constant 1.000000e+01 : f32
    %mul3A_3477 = vector.broadcast %mul3A_3476 : f32 to vector<8x1152xf32>
    %mul3A_3478 = arith.mulf %sub3A_3475, %mul3A_3477 : vector<8x1152xf32>
    %div3A_3479 = arith.divf %mul3A_3478, %get3A_3469 : vector<8x1152xf32>
    %sub3A_3480 = arith.subf %mul3A_3452, %get3A_3464 : vector<8x1152xf32>
    %mul3A_3481 = arith.constant 1.000000e+01 : f32
    %mul3A_3482 = vector.broadcast %mul3A_3481 : f32 to vector<8x1152xf32>
    %mul3A_3483 = arith.mulf %sub3A_3480, %mul3A_3482 : vector<8x1152xf32>
    %div3A_3484 = arith.divf %mul3A_3483, %get3A_3474 : vector<8x1152xf32>
    %div3A_3485 = arith.divf %sub3A_3453, %get3A_3469 : vector<8x1152xf32>
    %log3A = math.log %div3A_3485 : vector<8x1152xf32>
    %mul3A_3486 = arith.constant 5.000000e+00 : f32
    %mul3A_3487 = vector.broadcast %mul3A_3486 : f32 to vector<8x1152xf32>
    %mul3A_3488 = arith.mulf %log3A, %mul3A_3487 : vector<8x1152xf32>
    %div3A_3489 = arith.divf %sub3A_3454, %get3A_3474 : vector<8x1152xf32>
    %log3A_3490 = math.log %div3A_3489 : vector<8x1152xf32>
    %mul3A_3491 = arith.constant 5.000000e+00 : f32
    %mul3A_3492 = vector.broadcast %mul3A_3491 : f32 to vector<8x1152xf32>
    %mul3A_3493 = arith.mulf %log3A_3490, %mul3A_3492 : vector<8x1152xf32>
    %broadcast_in_dim3A_3494 = arith.constant 0.000000e+00 : f32
    %broadcast_in_dim3A_3495 = vector.broadcast %broadcast_in_dim3A_3494 : f32 to vector<8x1152xf32>
    %get3A_3496 = arith.constant 0 : index
    %get3A_3497 = arith.constant 0 : index
    %get3A_3498 = arith.constant 0 : index
    %get3A_3499 = arith.constant 0 : index
    %get3A_3500 = vector.load %arg3[%get3A_3496, %get3A_3497, %get3A_3498, %get3A_3499] : memref<1x4x8x1152xf32, #tpu.memory_space<vmem>>, vector<1x1x8x1152xf32>
    %get3A_3501 = vector.shape_cast %get3A_3500 : vector<1x1x8x1152xf32> to vector<8x1152xf32>
    %sub3A_3502 = arith.subf %get3A_3501, %div3A_3479 : vector<8x1152xf32>
    %abs3A = math.absf %sub3A_3502 : vector<8x1152xf32>
    %lt3A_3503 = arith.constant 1.000000e+00 : f32
    %lt3A_3504 = vector.broadcast %lt3A_3503 : f32 to vector<8x1152xf32>
    %lt3A_3505 = arith.cmpf olt, %abs3A, %lt3A_3504 : vector<8x1152xf32>
    %mul3A_3506 = arith.constant 5.000000e-01 : f32
    %mul3A_3507 = vector.broadcast %mul3A_3506 : f32 to vector<8x1152xf32>
    %mul3A_3508 = arith.mulf %mul3A_3507, %sub3A_3502 : vector<8x1152xf32>
    %mul3A_3509 = arith.mulf %mul3A_3508, %sub3A_3502 : vector<8x1152xf32>
    %sub3A_3510 = arith.constant 5.000000e-01 : f32
    %sub3A_3511 = vector.broadcast %sub3A_3510 : f32 to vector<8x1152xf32>
    %sub3A_3512 = arith.subf %abs3A, %sub3A_3511 : vector<8x1152xf32>
    %select_n3A_3513 = arith.select %lt3A_3505, %mul3A_3509, %sub3A_3512 : vector<8x1152xi1>, vector<8x1152xf32>
    %add3A_3514 = arith.addf %broadcast_in_dim3A_3495, %select_n3A_3513 : vector<8x1152xf32>
    %get3A_3515 = arith.constant 0 : index
    %get3A_3516 = arith.constant 1 : index
    %get3A_3517 = arith.constant 0 : index
    %get3A_3518 = arith.constant 0 : index
    %get3A_3519 = vector.load %arg3[%get3A_3515, %get3A_3516, %get3A_3517, %get3A_3518] : memref<1x4x8x1152xf32, #tpu.memory_space<vmem>>, vector<1x1x8x1152xf32>
    %get3A_3520 = vector.shape_cast %get3A_3519 : vector<1x1x8x1152xf32> to vector<8x1152xf32>
    %sub3A_3521 = arith.subf %get3A_3520, %div3A_3484 : vector<8x1152xf32>
    %abs3A_3522 = math.absf %sub3A_3521 : vector<8x1152xf32>
    %lt3A_3523 = arith.constant 1.000000e+00 : f32
    %lt3A_3524 = vector.broadcast %lt3A_3523 : f32 to vector<8x1152xf32>
    %lt3A_3525 = arith.cmpf olt, %abs3A_3522, %lt3A_3524 : vector<8x1152xf32>
    %mul3A_3526 = arith.constant 5.000000e-01 : f32
    %mul3A_3527 = vector.broadcast %mul3A_3526 : f32 to vector<8x1152xf32>
    %mul3A_3528 = arith.mulf %mul3A_3527, %sub3A_3521 : vector<8x1152xf32>
    %mul3A_3529 = arith.mulf %mul3A_3528, %sub3A_3521 : vector<8x1152xf32>
    %sub3A_3530 = arith.constant 5.000000e-01 : f32
    %sub3A_3531 = vector.broadcast %sub3A_3530 : f32 to vector<8x1152xf32>
    %sub3A_3532 = arith.subf %abs3A_3522, %sub3A_3531 : vector<8x1152xf32>
    %select_n3A_3533 = arith.select %lt3A_3525, %mul3A_3529, %sub3A_3532 : vector<8x1152xi1>, vector<8x1152xf32>
    %add3A_3534 = arith.addf %add3A_3514, %select_n3A_3533 : vector<8x1152xf32>
    %get3A_3535 = arith.constant 0 : index
    %get3A_3536 = arith.constant 2 : index
    %get3A_3537 = arith.constant 0 : index
    %get3A_3538 = arith.constant 0 : index
    %get3A_3539 = vector.load %arg3[%get3A_3535, %get3A_3536, %get3A_3537, %get3A_3538] : memref<1x4x8x1152xf32, #tpu.memory_space<vmem>>, vector<1x1x8x1152xf32>
    %get3A_3540 = vector.shape_cast %get3A_3539 : vector<1x1x8x1152xf32> to vector<8x1152xf32>
    %sub3A_3541 = arith.subf %get3A_3540, %mul3A_3488 : vector<8x1152xf32>
    %abs3A_3542 = math.absf %sub3A_3541 : vector<8x1152xf32>
    %lt3A_3543 = arith.constant 1.000000e+00 : f32
    %lt3A_3544 = vector.broadcast %lt3A_3543 : f32 to vector<8x1152xf32>
    %lt3A_3545 = arith.cmpf olt, %abs3A_3542, %lt3A_3544 : vector<8x1152xf32>
    %mul3A_3546 = arith.constant 5.000000e-01 : f32
    %mul3A_3547 = vector.broadcast %mul3A_3546 : f32 to vector<8x1152xf32>
    %mul3A_3548 = arith.mulf %mul3A_3547, %sub3A_3541 : vector<8x1152xf32>
    %mul3A_3549 = arith.mulf %mul3A_3548, %sub3A_3541 : vector<8x1152xf32>
    %sub3A_3550 = arith.constant 5.000000e-01 : f32
    %sub3A_3551 = vector.broadcast %sub3A_3550 : f32 to vector<8x1152xf32>
    %sub3A_3552 = arith.subf %abs3A_3542, %sub3A_3551 : vector<8x1152xf32>
    %select_n3A_3553 = arith.select %lt3A_3545, %mul3A_3549, %sub3A_3552 : vector<8x1152xi1>, vector<8x1152xf32>
    %add3A_3554 = arith.addf %add3A_3534, %select_n3A_3553 : vector<8x1152xf32>
    %get3A_3555 = arith.constant 0 : index
    %get3A_3556 = arith.constant 3 : index
    %get3A_3557 = arith.constant 0 : index
    %get3A_3558 = arith.constant 0 : index
    %get3A_3559 = vector.load %arg3[%get3A_3555, %get3A_3556, %get3A_3557, %get3A_3558] : memref<1x4x8x1152xf32, #tpu.memory_space<vmem>>, vector<1x1x8x1152xf32>
    %get3A_3560 = vector.shape_cast %get3A_3559 : vector<1x1x8x1152xf32> to vector<8x1152xf32>
    %sub3A_3561 = arith.subf %get3A_3560, %mul3A_3493 : vector<8x1152xf32>
    %abs3A_3562 = math.absf %sub3A_3561 : vector<8x1152xf32>
    %lt3A_3563 = arith.constant 1.000000e+00 : f32
    %lt3A_3564 = vector.broadcast %lt3A_3563 : f32 to vector<8x1152xf32>
    %lt3A_3565 = arith.cmpf olt, %abs3A_3562, %lt3A_3564 : vector<8x1152xf32>
    %mul3A_3566 = arith.constant 5.000000e-01 : f32
    %mul3A_3567 = vector.broadcast %mul3A_3566 : f32 to vector<8x1152xf32>
    %mul3A_3568 = arith.mulf %mul3A_3567, %sub3A_3561 : vector<8x1152xf32>
    %mul3A_3569 = arith.mulf %mul3A_3568, %sub3A_3561 : vector<8x1152xf32>
    %sub3A_3570 = arith.constant 5.000000e-01 : f32
    %sub3A_3571 = vector.broadcast %sub3A_3570 : f32 to vector<8x1152xf32>
    %sub3A_3572 = arith.subf %abs3A_3562, %sub3A_3571 : vector<8x1152xf32>
    %select_n3A_3573 = arith.select %lt3A_3565, %mul3A_3569, %sub3A_3572 : vector<8x1152xi1>, vector<8x1152xf32>
    %add3A_3574 = arith.addf %add3A_3554, %select_n3A_3573 : vector<8x1152xf32>
    %mul3A_3575 = arith.mulf %add3A_3574, %convert_element_type3A_3439 : vector<8x1152xf32>
    %reduce_sum3A_3576 = vector.shape_cast %mul3A_3575 : vector<8x1152xf32> to vector<1x8x1152xf32>
    %reduce_sum3A_3577 = arith.constant dense<0.000000e+00> : vector<1xf32>
    %reduce_sum3A_3578 = vector.multi_reduction <add>, %reduce_sum3A_3576, %reduce_sum3A_3577 [1, 2] : vector<1x8x1152xf32> to vector<1xf32>
    %reduce_sum3A_3579 = vector.shape_cast %reduce_sum3A_3578 : vector<1xf32> to vector<1x1x1xf32>
    %reduce_sum3A_3580 = vector.extract %reduce_sum3A_3579[0, 0, 0] : f32 from vector<1x1x1xf32>
    %broadcast_in_dim3A_3581 = vector.broadcast %reduce_sum3A_3580 : f32 to vector<1x1xf32>
    %get3A_3582 = arith.constant 0 : index
    %get3A_3583 = arith.constant 0 : index
    %get3A_3584 = arith.constant 0 : index
    %get3A_3585 = arith.constant 0 : index
    %get3A_3586 = vector.load %arg4[%get3A_3582, %get3A_3583, %get3A_3584, %get3A_3585] : memref<1x5x8x1152xf32, #tpu.memory_space<vmem>>, vector<1x1x8x1152xf32>
    %get3A_3587 = vector.shape_cast %get3A_3586 : vector<1x1x8x1152xf32> to vector<8x1152xf32>
    %get3A_3588 = arith.constant 0 : index
    %get3A_3589 = arith.constant 1 : index
    %get3A_3590 = arith.constant 0 : index
    %get3A_3591 = arith.constant 0 : index
    %get3A_3592 = vector.load %arg4[%get3A_3588, %get3A_3589, %get3A_3590, %get3A_3591] : memref<1x5x8x1152xf32, #tpu.memory_space<vmem>>, vector<1x1x8x1152xf32>
    %get3A_3593 = vector.shape_cast %get3A_3592 : vector<1x1x8x1152xf32> to vector<8x1152xf32>
    %get3A_3594 = arith.constant 0 : index
    %get3A_3595 = arith.constant 2 : index
    %get3A_3596 = arith.constant 0 : index
    %get3A_3597 = arith.constant 0 : index
    %get3A_3598 = vector.load %arg4[%get3A_3594, %get3A_3595, %get3A_3596, %get3A_3597] : memref<1x5x8x1152xf32, #tpu.memory_space<vmem>>, vector<1x1x8x1152xf32>
    %get3A_3599 = vector.shape_cast %get3A_3598 : vector<1x1x8x1152xf32> to vector<8x1152xf32>
    %get3A_3600 = arith.constant 0 : index
    %get3A_3601 = arith.constant 3 : index
    %get3A_3602 = arith.constant 0 : index
    %get3A_3603 = arith.constant 0 : index
    %get3A_3604 = vector.load %arg4[%get3A_3600, %get3A_3601, %get3A_3602, %get3A_3603] : memref<1x5x8x1152xf32, #tpu.memory_space<vmem>>, vector<1x1x8x1152xf32>
    %get3A_3605 = vector.shape_cast %get3A_3604 : vector<1x1x8x1152xf32> to vector<8x1152xf32>
    %get3A_3606 = arith.constant 0 : index
    %get3A_3607 = arith.constant 4 : index
    %get3A_3608 = arith.constant 0 : index
    %get3A_3609 = arith.constant 0 : index
    %get3A_3610 = vector.load %arg4[%get3A_3606, %get3A_3607, %get3A_3608, %get3A_3609] : memref<1x5x8x1152xf32, #tpu.memory_space<vmem>>, vector<1x1x8x1152xf32>
    %get3A_3611 = vector.shape_cast %get3A_3610 : vector<1x1x8x1152xf32> to vector<8x1152xf32>
    %max3A_3612 = arith.maximumf %get3A_3587, %get3A_3593 : vector<8x1152xf32>
    %max3A_3613 = arith.maximumf %get3A_3599, %get3A_3605 : vector<8x1152xf32>
    %max3A_3614 = arith.maximumf %max3A_3612, %max3A_3613 : vector<8x1152xf32>
    %max3A_3615 = arith.maximumf %max3A_3614, %get3A_3611 : vector<8x1152xf32>
    %sub3A_3616 = arith.subf %get3A_3587, %max3A_3615 : vector<8x1152xf32>
    %exp3A = math.exp %sub3A_3616 : vector<8x1152xf32>
    %sub3A_3617 = arith.subf %get3A_3593, %max3A_3615 : vector<8x1152xf32>
    %exp3A_3618 = math.exp %sub3A_3617 : vector<8x1152xf32>
    %add3A_3619 = arith.addf %exp3A, %exp3A_3618 : vector<8x1152xf32>
    %sub3A_3620 = arith.subf %get3A_3599, %max3A_3615 : vector<8x1152xf32>
    %exp3A_3621 = math.exp %sub3A_3620 : vector<8x1152xf32>
    %add3A_3622 = arith.addf %add3A_3619, %exp3A_3621 : vector<8x1152xf32>
    %sub3A_3623 = arith.subf %get3A_3605, %max3A_3615 : vector<8x1152xf32>
    %exp3A_3624 = math.exp %sub3A_3623 : vector<8x1152xf32>
    %add3A_3625 = arith.addf %add3A_3622, %exp3A_3624 : vector<8x1152xf32>
    %sub3A_3626 = arith.subf %get3A_3611, %max3A_3615 : vector<8x1152xf32>
    %exp3A_3627 = math.exp %sub3A_3626 : vector<8x1152xf32>
    %add3A_3628 = arith.addf %add3A_3625, %exp3A_3627 : vector<8x1152xf32>
    %log3A_3629 = math.log %add3A_3628 : vector<8x1152xf32>
    %add3A_3630 = arith.addf %max3A_3615, %log3A_3629 : vector<8x1152xf32>
    %eq3A_3631 = arith.constant 0 : i32
    %eq3A_3632 = vector.broadcast %eq3A_3631 : i32 to vector<8x1152xi32>
    %eq3A_3633 = arith.cmpi eq, %select_n3A_3436, %eq3A_3632 : vector<8x1152xi32>
    %jit3A_3634 = arith.constant 0.000000e+00 : f32
    %broadcast_in_dim3A_3635 = vector.broadcast %jit3A_3634 : f32 to vector<8x1152xf32>
    %select_n3A_3636 = arith.select %eq3A_3633, %get3A_3587, %broadcast_in_dim3A_3635 : vector<8x1152xi1>, vector<8x1152xf32>
    %add3A_3637 = arith.addf %broadcast_in_dim3A_2637, %select_n3A_3636 : vector<8x1152xf32>
    %eq3A_3638 = arith.constant 1 : i32
    %eq3A_3639 = vector.broadcast %eq3A_3638 : i32 to vector<8x1152xi32>
    %eq3A_3640 = arith.cmpi eq, %select_n3A_3436, %eq3A_3639 : vector<8x1152xi32>
    %jit3A_3641 = arith.constant 0.000000e+00 : f32
    %broadcast_in_dim3A_3642 = vector.broadcast %jit3A_3641 : f32 to vector<8x1152xf32>
    %select_n3A_3643 = arith.select %eq3A_3640, %get3A_3593, %broadcast_in_dim3A_3642 : vector<8x1152xi1>, vector<8x1152xf32>
    %add3A_3644 = arith.addf %add3A_3637, %select_n3A_3643 : vector<8x1152xf32>
    %eq3A_3645 = arith.constant 2 : i32
    %eq3A_3646 = vector.broadcast %eq3A_3645 : i32 to vector<8x1152xi32>
    %eq3A_3647 = arith.cmpi eq, %select_n3A_3436, %eq3A_3646 : vector<8x1152xi32>
    %jit3A_3648 = arith.constant 0.000000e+00 : f32
    %broadcast_in_dim3A_3649 = vector.broadcast %jit3A_3648 : f32 to vector<8x1152xf32>
    %select_n3A_3650 = arith.select %eq3A_3647, %get3A_3599, %broadcast_in_dim3A_3649 : vector<8x1152xi1>, vector<8x1152xf32>
    %add3A_3651 = arith.addf %add3A_3644, %select_n3A_3650 : vector<8x1152xf32>
    %eq3A_3652 = arith.constant 3 : i32
    %eq3A_3653 = vector.broadcast %eq3A_3652 : i32 to vector<8x1152xi32>
    %eq3A_3654 = arith.cmpi eq, %select_n3A_3436, %eq3A_3653 : vector<8x1152xi32>
    %jit3A_3655 = arith.constant 0.000000e+00 : f32
    %broadcast_in_dim3A_3656 = vector.broadcast %jit3A_3655 : f32 to vector<8x1152xf32>
    %select_n3A_3657 = arith.select %eq3A_3654, %get3A_3605, %broadcast_in_dim3A_3656 : vector<8x1152xi1>, vector<8x1152xf32>
    %add3A_3658 = arith.addf %add3A_3651, %select_n3A_3657 : vector<8x1152xf32>
    %eq3A_3659 = arith.constant 4 : i32
    %eq3A_3660 = vector.broadcast %eq3A_3659 : i32 to vector<8x1152xi32>
    %eq3A_3661 = arith.cmpi eq, %select_n3A_3436, %eq3A_3660 : vector<8x1152xi32>
    %jit3A_3662 = arith.constant 0.000000e+00 : f32
    %broadcast_in_dim3A_3663 = vector.broadcast %jit3A_3662 : f32 to vector<8x1152xf32>
    %select_n3A_3664 = arith.select %eq3A_3661, %get3A_3611, %broadcast_in_dim3A_3663 : vector<8x1152xi1>, vector<8x1152xf32>
    %add3A_3665 = arith.addf %add3A_3658, %select_n3A_3664 : vector<8x1152xf32>
    %sub3A_3666 = arith.subf %add3A_3630, %add3A_3665 : vector<8x1152xf32>
    %mul3A_3667 = arith.mulf %sub3A_3666, %convert_element_type3A_3439 : vector<8x1152xf32>
    %reduce_sum3A_3668 = vector.shape_cast %mul3A_3667 : vector<8x1152xf32> to vector<1x8x1152xf32>
    %reduce_sum3A_3669 = arith.constant dense<0.000000e+00> : vector<1xf32>
    %reduce_sum3A_3670 = vector.multi_reduction <add>, %reduce_sum3A_3668, %reduce_sum3A_3669 [1, 2] : vector<1x8x1152xf32> to vector<1xf32>
    %reduce_sum3A_3671 = vector.shape_cast %reduce_sum3A_3670 : vector<1xf32> to vector<1x1x1xf32>
    %reduce_sum3A_3672 = vector.extract %reduce_sum3A_3671[0, 0, 0] : f32 from vector<1x1x1xf32>
    %broadcast_in_dim3A_3673 = vector.broadcast %reduce_sum3A_3672 : f32 to vector<1x1xf32>
    %eq3A_3674 = arith.constant 4 : i32
    %eq3A_3675 = vector.broadcast %eq3A_3674 : i32 to vector<8x1152xi32>
    %eq3A_3676 = arith.cmpi eq, %select_n3A_3436, %eq3A_3675 : vector<8x1152xi32>
    %lt3A_3677 = arith.constant 8732 : i32
    %lt3A_3678 = vector.broadcast %lt3A_3677 : i32 to vector<8x1152xi32>
    %lt3A_3679 = arith.cmpi slt, %add3A, %lt3A_3678 : vector<8x1152xi32>
    %and3A = arith.andi %eq3A_3676, %lt3A_3679 : vector<8x1152xi1>
    %jit3A_3680 = arith.constant 0.000000e+00 : f32
    %broadcast_in_dim3A_3681 = vector.broadcast %jit3A_3680 : f32 to vector<8x1152xf32>
    %select_n3A_3682 = arith.select %and3A, %sub3A_3666, %broadcast_in_dim3A_3681 : vector<8x1152xi1>, vector<8x1152xf32>
    %broadcast_in_dim3A_3683 = vector.shape_cast %select_n3A_3682 : vector<8x1152xf32> to vector<1x8x1152xf32>
    %swap3A_3684 = arith.constant 0 : index
    %swap3A_3685 = arith.constant 0 : index
    %swap3A_3686 = arith.constant 0 : index
    %swap3A_3687 = vector.load %arg7[%swap3A_3684, %swap3A_3685, %swap3A_3686] : memref<1x8x1152xf32, #tpu.memory_space<vmem>>, vector<1x8x1152xf32>
    tpu.vector_store %arg7[%swap3A_3684, %swap3A_3685, %swap3A_3686], %broadcast_in_dim3A_3683 {strides = array<i32>} : memref<1x8x1152xf32, #tpu.memory_space<vmem>>, vector<1x8x1152xf32>,
    %iota3A_3688 = tpu.iota {dimensions = array<i32: 1>} : vector<1x128xi32>
    %eq3A_3689 = arith.constant 0 : i32
    %eq3A_3690 = vector.broadcast %eq3A_3689 : i32 to vector<1x128xi32>
    %eq3A_3691 = arith.cmpi eq, %iota3A_3688, %eq3A_3690 : vector<1x128xi32>
    %eq3A_3692 = arith.constant 1 : i32
    %eq3A_3693 = vector.broadcast %eq3A_3692 : i32 to vector<1x128xi32>
    %eq3A_3694 = arith.cmpi eq, %iota3A_3688, %eq3A_3693 : vector<1x128xi32>
    %eq3A_3695 = arith.constant 2 : i32
    %eq3A_3696 = vector.broadcast %eq3A_3695 : i32 to vector<1x128xi32>
    %eq3A_3697 = arith.cmpi eq, %iota3A_3688, %eq3A_3696 : vector<1x128xi32>
    %jit3A_3698 = arith.constant 0.000000e+00 : f32
    %broadcast_in_dim3A_3699 = vector.shape_cast %broadcast_in_dim3A_3581 : vector<1x1xf32> to vector<1x1xf32>
    %broadcast_in_dim3A_3700 = vector.broadcast %broadcast_in_dim3A_3699 : vector<1x1xf32> to vector<1x128xf32>
    %broadcast_in_dim3A_3701 = vector.broadcast %jit3A_3698 : f32 to vector<1x128xf32>
    %select_n3A_3702 = arith.select %eq3A_3697, %broadcast_in_dim3A_3700, %broadcast_in_dim3A_3701 : vector<1x128xi1>, vector<1x128xf32>
    %broadcast_in_dim3A_3703 = vector.shape_cast %broadcast_in_dim3A_3673 : vector<1x1xf32> to vector<1x1xf32>
    %broadcast_in_dim3A_3704 = vector.broadcast %broadcast_in_dim3A_3703 : vector<1x1xf32> to vector<1x128xf32>
    %select_n3A_3705 = arith.select %eq3A_3694, %broadcast_in_dim3A_3704, %select_n3A_3702 : vector<1x128xi1>, vector<1x128xf32>
    %broadcast_in_dim3A_3706 = vector.shape_cast %broadcast_in_dim3A_3444 : vector<1x1xf32> to vector<1x1xf32>
    %broadcast_in_dim3A_3707 = vector.broadcast %broadcast_in_dim3A_3706 : vector<1x1xf32> to vector<1x128xf32>
    %select_n3A_3708 = arith.select %eq3A_3691, %broadcast_in_dim3A_3707, %select_n3A_3705 : vector<1x128xi1>, vector<1x128xf32>
    %broadcast_in_dim3A_3709 = vector.shape_cast %select_n3A_3708 : vector<1x128xf32> to vector<1x1x128xf32>
    %swap3A_3710 = arith.constant 0 : index
    %swap3A_3711 = arith.constant 0 : index
    %swap3A_3712 = arith.constant 0 : index
    %swap3A_3713 = vector.load %arg8[%swap3A_3710, %swap3A_3711, %swap3A_3712] : memref<1x1x128xf32, #tpu.memory_space<vmem>>, vector<1x1x128xf32>
    tpu.vector_store %arg8[%swap3A_3710, %swap3A_3711, %swap3A_3712], %broadcast_in_dim3A_3709 {strides = array<i32>} : memref<1x1x128xf32, #tpu.memory_space<vmem>>, vector<1x1x128xf32>,
    return
  }
  func.func @transform_0(%arg0: i32) -> (i32, i32, i32) {
    %c0_i32 = arith.constant 0 : i32
    %c0_i32_0 = arith.constant 0 : i32
    %c0_i32_1 = arith.constant 0 : i32
    return %arg0, %c0_i32, %c0_i32_0 : i32, i32, i32
  }
  func.func @transform_1(%arg0: i32) -> (i32, i32, i32) {
    %c0_i32 = arith.constant 0 : i32
    %c0_i32_0 = arith.constant 0 : i32
    %c0_i32_1 = arith.constant 0 : i32
    return %arg0, %c0_i32, %c0_i32_0 : i32, i32, i32
  }
  func.func @transform_2(%arg0: i32) -> (i32, i32, i32, i32) {
    %c0_i32 = arith.constant 0 : i32
    %c0_i32_0 = arith.constant 0 : i32
    %c0_i32_1 = arith.constant 0 : i32
    %c0_i32_2 = arith.constant 0 : i32
    return %arg0, %c0_i32, %c0_i32_0, %c0_i32_1 : i32, i32, i32, i32
  }
  func.func @transform_3(%arg0: i32) -> (i32, i32, i32, i32) {
    %c0_i32 = arith.constant 0 : i32
    %c0_i32_0 = arith.constant 0 : i32
    %c0_i32_1 = arith.constant 0 : i32
    %c0_i32_2 = arith.constant 0 : i32
    return %arg0, %c0_i32, %c0_i32_0, %c0_i32_1 : i32, i32, i32, i32
  }
  func.func @transform_4(%arg0: i32) -> (i32, i32, i32) {
    %c0_i32 = arith.constant 0 : i32
    %c0_i32_0 = arith.constant 0 : i32
    %c0_i32_1 = arith.constant 0 : i32
    %c0_i32_2 = arith.constant 0 : i32
    return %c0_i32, %c0_i32_0, %c0_i32_1 : i32, i32, i32
  }
  func.func @transform_5(%arg0: i32) -> (i32, i32, i32) {
    %c0_i32 = arith.constant 0 : i32
    %c0_i32_0 = arith.constant 0 : i32
    %c0_i32_1 = arith.constant 0 : i32
    %c0_i32_2 = arith.constant 0 : i32
    return %c0_i32, %c0_i32_0, %c0_i32_1 : i32, i32, i32
  }
  func.func @transform_6(%arg0: i32) -> (i32, i32, i32) {
    %c0_i32 = arith.constant 0 : i32
    %c0_i32_0 = arith.constant 0 : i32
    %c0_i32_1 = arith.constant 0 : i32
    return %arg0, %c0_i32, %c0_i32_0 : i32, i32, i32
  }
  func.func @transform_7(%arg0: i32) -> (i32, i32, i32) {
    %c0_i32 = arith.constant 0 : i32
    %c0_i32_0 = arith.constant 0 : i32
    %c0_i32_1 = arith.constant 0 : i32
    return %arg0, %c0_i32, %c0_i32_0 : i32, i32, i32
  }
}

</mosaic_0001>

<sc_bundles>
// kernel: kernel.4.cloned.1.call-start
scs
__scs_entry_jumppad:
0x0: {  	(pc) =	sbr.rel $0x88, $3  }
0x1: {  	(tag) =	ssettag $0x0;
	lr =	simm.s32 $0x1  }
0x2: {  	[smem:$0x3F9C] =	sst lr;
	_ =	strace $0xD0000000  }
0x3: {  	_ = 	snop  }
0x4: {  	_ = 	snop  }
0x5: {  	_ = 	snop  }
0x6: {  	_ = 	snop  }
0x7: {  	_ = 	snop  }
__scs_overlays_trampoline_lowered:
0x8: {  	[smem:$0x3FAB] =	sst s0  }
0x9: {  	[smem:$0x3FAC] =	sst s1  }
0xa: {  	[smem:$0x3FAD] =	sst s2  }
0xb: {  	[smem:$0x3FAE] =	sst s3  }
0xc: {  	[smem:$0x3FAF] =	sst s4  }
0xd: {  	[smem:$0x3FB0] =	sst s5  }
0xe: {  	[smem:$0x3FB1] =	sst s6  }
0xf: {  	[smem:$0x3FB2] =	sst s7  }
0x10: {  	[smem:$0x3FB3] =	sst s8  }
0x11: {  	[smem:$0x3FB4] =	sst s9;
	s0 =	simm.s32 @!p0 $0x0  }
0x12: {  	s1 =	sld [smem:$0x3F9A];
	s0 =	simm.s32 @p0 $0x1  }
0x13: {  	[smem:$0x3FB5] =	sst s0;
	s0 =	simm.s32 @!p1 $0x0  }
0x14: {  	s2 =	sld [smem:$0x3F99];
	s0 =	simm.s32 @p1 $0x1  }
0x15: {  	[smem:$0x3FB6] =	sst s0;
	s0 =	simm.s32 @!p2 $0x0  }
0x16: {  	s3 =	sld [smem:$0x3FDB];
	s0 =	simm.s32 @p2 $0x1  }
0x17: {  	s4 =	simm.s32 $0x1BF5;
	[smem:$0x3FB8] =	sst s0  }
0x18: {  	s0 =	sld [smem:$0x3F9B];
	_ =	swait.ge [sflag:s4], $0x0  }
0x19: {  	s7 =	sld [smem:$0x3F9C]  }
0x1a: {  	s8 =	sadd.s32 $0xFFFFE003, lr  }
0x1b: {  	s9 =	sadd.s32 $0xFFFFFEF7, lr;
	s5 =	simm.s32 $0xFFFFFFFF;
	p2 =	slt.u32 s8, $0xFFFFF086  }
0x1c: {  	p1 =	slt.u32 s9, $0xF7A;
	s5 =	simm.s32 @!p2 $0x0  }
0x1d: {  	s5 =	simm.s32 @p1 $0x1;
	p0 =	seq.s32 s7, s2  }
0x1e: {  	s7 =	smul.u32 @!p0 $0xF7A, s2;
	p2 =	seq.s32 @!p0 s5, $0x0  }
0x1f: {  	s9 =	smul.u32 $0xF7A, s1;
	s8 =	simm.s32 @!p0 $0x1BF5;
	p2 =	por !p2, p0  }
0x20: {  	[sflag:s8] =	ssyncset.s32 @!p0 $0xFFFFF086;
	s6 =	sadd.s32 @!p0 s3, s7;
	s7 =	simm.s32 @!p0 $0x108  }
0x21: {  	s3 =	sadd.s32 s3, s9;
	s6 =	sadd.s32 @!p0 $0x88, s6;
	s7 =	simm.s32 @p2 $0x1082  }
0x22: {  	[simem:s7], [sflag:s8] =	dma.local @!p0 [hbm:s6], $0xF7A  }
0x23: {  	s9 =	sor.u32 $0xD0000000, s2;
	s6 =	simm.s32 $0x108;
	_ =	swait.ge @!p0 [sflag:s8], $0x0  }
0x24: {  	s3 =	sadd.s32 $0x88, s3;
	s6 =	simm.s32 @!p1 $0x1082;
	[sflag:s4] =	ssyncset.s32 $0xFFFFF086  }
0x25: {  	[simem:s6], [sflag:s4] =	dma.local [hbm:s3], $0xF7A  }
0x26: {  	[smem:$0x3F9C] =	sst s1;
	(tag) =	ssettag s2;
	_ =	strace s9  }
0x27: {  	s1 =	sld [smem:$0x3FAC]  }
0x28: {  	s2 =	sld [smem:$0x3FAD]  }
0x29: {  	s4 =	sld [smem:$0x3FAF]  }
0x2a: {  	p0 =	seq.s32 s5, $0x0;
	s5 =	sld [smem:$0x3FB0]  }
0x2b: {  	s6 =	sld [smem:$0x3FB1]  }
0x2c: {  	s7 =	sld [smem:$0x3FB2]  }
0x2d: {  	s3 =	simm.s32 $0x108;
	s8 =	sld [smem:$0x3FB3]  }
0x2e: {  	s3 =	simm.s32 @!p0 $0x1082;
	s9 =	sld [smem:$0x3FB4]  }
0x2f: {  	lr =	sadd.s32 s0, s3;
	s0 =	sld [smem:$0x3FAB]  }
0x30: {  	s3 =	sld [smem:$0x3FAE]  }
0x31: {  	[smem:$0x3FB7] =	sst s10  }
0x32: {  	s10 =	sld [smem:$0x3FB5];
	_ =	sdelay $0x3  }
0x33: {  	p0 =	seq.s32 s10, $0x1;
	s10 =	sld [smem:$0x3FB7];
	_ =	sdelay $0x3  }
0x34: {  	[smem:$0x3FB7] =	sst s10  }
0x35: {  	s10 =	sld [smem:$0x3FB6];
	_ =	sdelay $0x3  }
0x36: {  	p1 =	seq.s32 s10, $0x1;
	s10 =	sld [smem:$0x3FB7];
	_ =	sdelay $0x3  }
0x37: {  	[smem:$0x3FB7] =	sst s10  }
0x38: {  	s10 =	sld [smem:$0x3FB8]  }
0x39: {  	_ = 	snop;
	(pc) =	sbr.ind lr, $3  }
0x3a: {  	_ = 	snop  }
0x3b: {  	_ = 	snop  }
0x3c: {  	p2 =	seq.s32 s10, $0x1;
	s10 =	sld [smem:$0x3FB7]  }
0x3d: {  	_ =	shalt  }
0x3e: {  	_ =	shalt  }
0x3f: {  	_ =	shalt  }
0x40: {  	_ =	shalt  }
0x41: {  	_ =	shalt  }
0x42: {  	_ =	shalt  }
0x43: {  	_ =	shalt  }
0x44: {  	_ =	shalt  }
0x45: {  	_ =	shalt  }
0x46: {  	_ =	shalt  }
0x47: {  	_ =	shalt  }
0x48: {  	_ =	shalt  }
0x49: {  	_ =	shalt  }
0x4a: {  	_ =	shalt  }
0x4b: {  	_ =	shalt  }
0x4c: {  	_ =	shalt  }
0x4d: {  	_ =	shalt  }
0x4e: {  	_ =	shalt  }
0x4f: {  	_ =	shalt  }
0x50: {  	_ =	shalt  }
0x51: {  	_ =	shalt  }
0x52: {  	_ =	shalt  }
0x53: {  	_ =	shalt  }
0x54: {  	_ =	shalt  }
0x55: {  	_ =	shalt  }
0x56: {  	_ =	shalt  }
0x57: {  	_ =	shalt  }
0x58: {  	_ =	shalt  }
0x59: {  	_ =	shalt  }
0x5a: {  	_ =	shalt  }
0x5b: {  	_ =	shalt  }
0x5c: {  	_ =	shalt  }
0x5d: {  	_ =	shalt  }
0x5e: {  	_ =	shalt  }
0x5f: {  	_ =	shalt  }
0x60: {  	_ =	shalt  }
0x61: {  	_ =	shalt  }
0x62: {  	_ =	shalt  }
0x63: {  	_ =	shalt  }
0x64: {  	_ =	shalt  }
0x65: {  	_ =	shalt  }
0x66: {  	_ =	shalt  }
0x67: {  	_ =	shalt  }
0x68: {  	_ =	shalt  }
0x69: {  	_ =	shalt  }
0x6a: {  	_ =	shalt  }
0x6b: {  	_ =	shalt  }
0x6c: {  	_ =	shalt  }
0x6d: {  	_ =	shalt  }
0x6e: {  	_ =	shalt  }
0x6f: {  	_ =	shalt  }
0x70: {  	_ =	shalt  }
0x71: {  	_ =	shalt  }
0x72: {  	_ =	shalt  }
0x73: {  	_ =	shalt  }
0x74: {  	_ =	shalt  }
0x75: {  	_ =	shalt  }
0x76: {  	_ =	shalt  }
0x77: {  	_ =	shalt  }
0x78: {  	_ =	shalt  }
0x79: {  	_ =	shalt  }
0x7a: {  	_ =	shalt  }
0x7b: {  	_ =	shalt  }
0x7c: {  	_ =	shalt  }
0x7d: {  	_ =	shalt  }
0x7e: {  	_ =	shalt  }
0x7f: {  	_ =	shalt  }
0x80: {  	_ =	shalt  }
0x81: {  	_ =	shalt  }
0x82: {  	_ =	shalt  }
0x83: {  	_ =	shalt  }
0x84: {  	_ =	shalt  }
0x85: {  	_ =	shalt  }
0x86: {  	_ =	shalt  }
0x87: {  	_ =	shalt  }
.Lfunc_end0:
.L_simem_size_0:
called_computation_lowered:
.L_overlay_start_0:
0x88: {  	s2 =	sld [smem:$0x3FD9]  }
0x89: {  	s3 =	sld [smem:$0x3FFE];
	_ =	sdelay $0x1  }
0x8a: {  	s1 =	srdreg.scid  }
0x8b: {  	s0 =	sand.u32 $0x1, s1  }
0x8c: {  	s17 =	sshll.u32 s0, $0xA;
	s2 =	sadd.s32 s3, s2  }
0x8d: {  	s2 =	sadd.s32 s2, s17  }
0x8e: {  	[smem:$0x3FC3] =	sst s2  }
0x8f: {  	_ = 	snop  }
0x90: {  	s2 =	sld [smem:$0x3FD0];
	(tm) =	ssettm $0x1  }
0x91: {  	s18 =	sld [smem:$0x3FFB];
	_ =	sdelay $0x3  }
0x92: {  	_ =	strace s18  }
0x93: {  	s3 =	sld [smem:$0x3FFC];
	_ =	sdelay $0x3  }
0x94: {  	_ =	strace s3  }
0x95: {  	s3 =	sld [smem:$0x3FFD];
	_ =	sdelay $0x3  }
0x96: {  	_ =	strace s3  }
0x97: {  	_ =	strace $0x8FFFFFFF  }
0x98: {  	s19 =	sld [smem:$0x3FDB];
	_ =	sdelay $0x1  }
0x99: {  	s4 =	simm.s32 $_scs_section_size  }
0x9a: {  	s5 =	simm.s32 $_size__tile_overlayer_lowered;
	s6 =	simm.s32 $_tile_overlayer_lowered  }
0x9b: {  	s22 =	simm.s32 $0x1BFF;
	s21 =	sshll.u32 s6, $0x1;
	s3 =	sadd.s32 s4, s19  }
0x9c: {  	s7 =	simm.s32 $0x0;
	s20 =	sshll.u32 s5, $0x1;
	s5 =	sadd.s32 s21, s3  }
0x9d: {  	[timem:s7], [sflag:s22] =	dma.local [hbm:s5], s20  }
0x9e: {  	_ =	swait.ge [sflag:s22], s20  }
0x9f: {  	s4 =	ssub.s32 $0x0, s20;
	[sflag:s22] =	ssyncset.done $0x0  }
0xa0: {  	[sflag:s22] =	ssyncadd.s32 s4;
	_ =	sdelay $0x1  }
0xa1: {  	s23 =	simm.s32 $0x1B8B  }
0xa2: {  	_ =	swait.ge [sflag:s23], $0x1  }
0xa3: {  	[sflag:s23] =	ssyncset.done $0x0  }
0xa4: {  	s25 =	simm.s32 $0x1B8E;
	s24 =	sld [smem:$0x3FFE];
	[sflag:s23] =	ssyncadd.s32 $0xFFFFFFFF  }
0xa5: {  	s26 =	simm.s32 $execute0_lowered;
	[smem:$0x3FD2] =	sst s25  }
0xa6: {  	s5 =	sshll.u32 s26, $0x1;
	_ =	strace $0x80000046;
	[dreg:$0x1] =	wrdreg $0xFFFFFFFF  }
0xa7: {  	s28 =	simm.s32 $_size_execute0_lowered;
	s3 =	sadd.s32 s3, s5;
	[dreg:$0x0] =	wrdreg $0x0  }
0xa8: {  	s5 =	sshll.u32 s28, $0x1;
	[dreg:$0x2] =	wrdreg s3  }
0xa9: {  	[dreg:$0x3] =	wrdreg s5  }
0xaa: {  	[dreg:$0x4] =	wrdreg $0xC0  }
0xab: {  	_ =	task [dreg:s7], $0x5FFFF  }
0xac: {  	[dreg:$0x1] =	wrdreg $0xFFFFFFFF  }
0xad: {  	[dreg:$0x0] =	wrdreg $0x60  }
0xae: {  	[dreg:$0x2] =	wrdreg s24  }
0xaf: {  	[dreg:$0x3] =	wrdreg s2  }
0xb0: {  	[dreg:$0x4] =	wrdreg $0x9  }
0xb1: {  	_ =	task.clear_ibuf [dreg:s7], $0x5FFFF;
	_ =	strace $0x90000046  }
0xb2: {  	s29 =	simm.s32 $0x9;
	_ =	strace $0x80000048  }
0xb3: {  	_ =	swait.ge [sflag:s29], $0x1  }
0xb4: {  	[sflag:s29] =	ssyncadd.s32 $0xFFFFFFFF  }
0xb5: {  	_ =	strace $0x90000048  }
0xb6: {  	_ =	sfence  }
0xb7: {  	s30 =	sld [smem:$0x0];
	_ =	sdelay $0x2  }
0xb8: {  	s31 =	sshll.u32 s1, $0xD;
	s1 =	sshrl.u32 s1, $0x2  }
0xb9: {  	s3 =	sand.u32 $0x4000, s31;
	s1 =	sadd.s32 s1, s30  }
0xba: {  	s0 =	sor.u32 s3, s0;
	s1 =	sshll.u32 s1, $0x11  }
0xbb: {  	s0 =	sor.u32 s1, s0  }
0xbc: {  	s0 =	sadd.s32 $0x8F2B, s0  }
0xbd: {  	[sflag:s0] =	ssyncadd.remote.s32 $0x1  }
0xbe: {  	_ =	sfence.sel $0xFFFF  }
0xbf: {  	[dreg:$0x0] =	wrdreg $0xFFFFFFFF;
	(pc) =	sbr.abs _section_cstart, $3  }
0xc0: {  	[dreg:$0x1] =	wrdreg $0xFFFFFFFF  }
0xc1: {  	_ =	task.clear_ibuf [dreg:s7], $0x2FFFF;
	_ =	strace $0x9FFFFFFF  }
0xc2: {  	(tm) =	ssettm $0x7FFFFFFF  }
0xc3: {  	_ =	shalt  }
tec
execute0_lowered:
.L_overlay_start_1:
0x0: {  	(tag) =	ssettag $0x1  }
0x1: {  	s4 =	rddreg [dreg:$0x0]  }
0x2: {  	s2 =	rddreg [dreg:$0x1]  }
0x3: {  	s3 =	srdreg.scid;
	s0 =	rddreg [dreg:$0x2]  }
0x4: {  	s1 =	stileid.u32;
	s17 =	simm.s32 $0x4880;
	s18 =	simm.s32 $0x0  }
0x5: {  	s5 =	sand.u32 $0x1, s3;
	s3 =	simm.s32 $0x0;
	s6 =	sshll.u32 s1, $0x2  }
0x6: {  	s22 =	sshrl.u32 s1, $0x1;
	s9 =	sadd.s32 $0x12400, s4;
	s7 =	sshll.u32 s5, $0x1  }
0x7: {  	v1 =	vimm.s32 $0xFEDCBA98;
	v3 =	vimm.s32 $0x32107654;
	s12 =	sadd.s32 $0x400, s4;
	s24 =	sadd.s32 $0x24400, s4;
	s6 =	sor.u32 s7, s6  }
0x8: {  	v5 =	vlaneseq.u32;
	v4 =	vimm.s32 $0xDCFE98BA;
	v6 =	vimm.s32 $0x54761032;
	s28 =	sshll.u32 s1, $0x4;
	[smem:$0x7FF] =	sst s3;
	s8 =	sand.u32 $0xE, s6  }
0x9: {  	v7 =	vimm.s32 $0xEFCDAB89;
	v8 =	vimm.s32 $0x67452301;
	s11 =	smul.u32 $0x12000, s22;
	s25 =	ssub.s32 $0x2, s5;
	s15 =	sshll.u32 s22, $0xA;
	v0 =	vmov s8  }
0xa: {  	v3 =	vunpack.c.l.s4.s8 v3;
	_ =	strace $0x80000047;
	s13 =	sshrl.u32 s25, $0x1;
	s10 =	sshll.u32 s6, $0x7;
	vm0 =	veq.s32 v0, v5;
	v0 =	vimm.s32 $0x76543210  }
0xb: {  	s14 =	sor.u32 $0x1, s6;
	s13 =	ssub.s32 s25, s13;
	s23 =	sand.u32 $0x300, s10;
	v2 =	vunpack.c.l.s4.s8 v0;
	v0 =	vunpack.c.l.s4.s8 v1;
	v1 =	vimm.s32 $0xBA98FEDC  }
0xc: {  	v4 =	vunpack.c.l.s4.s8 v4;
	v6 =	vunpack.c.l.s4.s8 v6;
	s6 =	sshll.u32 s14, $0x7;
	s30 =	sand.u32 $0xF, s14;
	s14 =	simm.s32 $0x80;
	v1 =	vunpack.c.l.s4.s8 v1  }
0xd: {  	v7 =	vunpack.c.l.s4.s8 v7;
	v8 =	vunpack.c.l.s4.s8 v8;
	v3 =	vunpack.c.0.s8.s32 v3;
	s26 =	sor.u32 s11, s23;
	s16 =	sand.u32 $0x380, s6;
	s7 =	sor.u32 s15, s23  }
0xe: {  	v4 =	vunpack.c.0.s8.s32 v4;
	v6 =	vunpack.c.0.s8.s32 v6;
	s6 =	sand.u32 $0xC0, s28;
	s5 =	sshrl.u32 s26, $0x3;
	s29 =	sor.u32 s11, s16;
	v1 =	vunpack.c.0.s8.s32 v1  }
0xf: {  	v7 =	vunpack.c.0.s8.s32 v7;
	v8 =	vunpack.c.0.s8.s32 v8;
	s7 =	sshrl.u32 s7, $0x3;
	s15 =	sor.u32 s15, s16;
	s16 =	simm.s32 $0x40000000;
	v9 =	vunpack.c.0.s8.s32 v0  }
0x10: {  	s4 =	sadd.s32 s9, s5;
	s5 =	sadd.s32 s12, s5;
	s11 =	sshrl.u32 s29, $0x3;
	v0 =	vcombine.low v3, v1;
	v3 =	vunpack.c.0.s8.s32 v2;
	v1 =	vcombine.low v6, v4  }
0x11: {  	s7 =	sadd.s32 s24, s7;
	s31 =	sshrl.u32 s15, $0x3;
	s15 =	simm.s32 $0x400;
	v6 =	vmov s30;
	v4 =	vand.u32 $0xF, v9;
	v2 =	vcombine.low v8, v7  }
0x12: {  	s8 =	sadd.s32 s9, s11;
	s9 =	sadd.s32 s12, s11;
	s10 =	sadd.s32 s24, s31;
	vm1 =	veq.s32 v6, v5;
	v3 =	vcombine.low v4, v3;
	v4 =	vimm.s32 $0x0  }
0x13: {  	s11 =	smax.u32 s13, $0x1;
	s12 =	simm.s32 $0x4800;
	s13 =	simm.s32 $0x1;
	v5 =	vand.u32 $0xF, v0;
	v6 =	vand.u32 $0xF, v1;
	v7 =	vand.u32 $0xF, v2  }
.LBB2_1:
0x14: {  	[tilespmem:s12], [sflag:$0x1] =	stream.linear.gather [hbm4b:s2+s3], $0x80, $0x38;
	[tilespmem:$0x4900] =	vst v63  }
0x15: {  	_ =	swait.ge [sflag:s13], $0x80  }
0x16: {  	[sflag:s13] =	ssyncset.done $0x0  }
0x17: {  	[sflag:s13] =	ssyncadd.s32 $0xFFFFFF80  }
0x18: {  	[tilespmem:s3], [sflag:$0x1] =	stream.strided.gather [hbm4b:s4+s14], $0x2400, s15, s14, $0x38;
	[tilespmem:$0x4900] =	vst v63  }
0x19: {  	_ =	swait.ge [sflag:s13], $0x2400  }
0x1a: {  	[sflag:s13] =	ssyncset.done $0x0  }
0x1b: {  	s21 =	simm.s32 $0x2400;
	[sflag:s13] =	ssyncadd.s32 $0xFFFFDC00  }
0x1c: {  	[tilespmem:s21], [sflag:$0x1] =	stream.strided.gather [hbm4b:s5+s14], $0x2400, s15, s14, $0x38;
	[tilespmem:$0x4900] =	vst v63  }
0x1d: {  	_ =	swait.ge [sflag:s13], $0x2400  }
0x1e: {  	[sflag:s13] =	ssyncset.done $0x0  }
0x1f: {  	s19 =	sshrl.u32 s6, $0x2;
	[sflag:s13] =	ssyncadd.s32 $0xFFFFDC00  }
0x20: {  	v8 =	vld [tilespmem:s19+$0x4800];
	_ =	sdelay $0x4  }
0x21: {  	v8 =	vnsel vm0, $0x0, v8  }
0x22: {  	v9 =	vperm.xlane v8, v3;
	_ =	sdelay $0x1  }
0x23: {  	v8 =	vadd.s32 v9, v8  }
0x24: {  	v9 =	vperm.xlane v8, v0;
	_ =	sdelay $0x1  }
0x25: {  	v8 =	vadd.s32 v9, v8  }
0x26: {  	v9 =	vperm.xlane v8, v1;
	_ =	sdelay $0x1  }
0x27: {  	v8 =	vadd.s32 v9, v8  }
0x28: {  	v9 =	vperm.xlane v8, v2;
	_ =	sdelay $0x1  }
0x29: {  	v8 =	vadd.s32 v9, v8  }
0x2a: {  	(v2sf) =	vpush v8, $0x0;
	_ =	sdelay $0xb  }
.Ltmp0:
0x2b: {  	_ = 	snop;
	(pc) =	sbr.rel .LBB2_2-.Ltmp0, $3  }
0x2c: {  	_ =	sdelay $0x1  }
0x2d: {  	s24 =	simm.s32 $0x0;
	s20 =	spop (v2sf)  }
0x2e: {  	s23 =	simm.s32 $0x0;
	s25 =	simm.s32 $0x0;
	s22 =	smov.u32 s20  }
.LBB2_6:
0x2f: {  	v9 =	vperm.xlane v8, v3;
	_ =	sdelay $0x1  }
0x30: {  	v8 =	vadd.s32 v8, v9  }
0x31: {  	v9 =	vperm.xlane v8, v0;
	_ =	sdelay $0x1  }
0x32: {  	v8 =	vadd.s32 v9, v8  }
0x33: {  	v9 =	vperm.xlane v8, v1;
	_ =	sdelay $0x1  }
0x34: {  	v8 =	vadd.s32 v9, v8  }
0x35: {  	v9 =	vperm.xlane v8, v2;
	_ =	sdelay $0x1  }
0x36: {  	v8 =	vadd.s32 v9, v8  }
0x37: {  	(v2sf) =	vpush v8, $0x0;
	_ =	sdelay $0xe  }
0x38: {  	s28 =	spop (v2sf)  }
0x39: {  	p0 =	sgt.s32 s21, s22;
	p1 =	sge.s32 s28, s22  }
0x3a: {  	p1 =	por !p0, !p1  }
0x3b: {  	p1 =	por !p1, !p1  }
0x3c: {  	s25 =	sadd.s32 $0x1, s25;
	p2 =	por !p1, !p1  }
0x3d: {  	p2 =	por @!p0 p1, p1;
	p0 =	seq.s32 s25, $0x1F  }
.Ltmp1:
0x3e: {  	_ = 	snop;
	(pc) =	sbr.rel @p0 .LBB2_7-.Ltmp1, $4  }
0x3f: {  	s29 =	smov.u32 s28  }
0x40: {  	s29 =	simm.s32 @!p2 $0x0  }
0x41: {  	s21 =	ssub.s32 s21, s29  }
0x42: {  	s23 =	smov.u32 @p1 s26;
	s22 =	ssub.s32 s22, s29;
	s21 =	smov.u32 @p1 s28  }
.LBB2_2:
0x43: {  	p0 =	sle.s32 s21, s22  }
.Ltmp2:
0x44: {  	_ = 	snop;
	(pc) =	sbr.rel @p0 .LBB2_6-.Ltmp2, $3  }
0x45: {  	_ =	sdelay $0x1  }
0x46: {  	s28 =	sshrl.u32 s16, s25  }
0x47: {  	v8 =	vimm.s32 $0x0;
	s26 =	sor.u32 s28, s23  }
0x48: {  	s29 =	simm.s32 $0x0  }
0x49: {  	v10 =	vld [tilespmem:s29+$0x60]  }
0x4a: {  	v11 =	vld [tilespmem:s29+$0x70]  }
0x4b: {  	v12 =	vld [tilespmem:s29+$0x40]  }
0x4c: {  	v13 =	vld [tilespmem:s29+$0x50]  }
0x4d: {  	v14 =	vld [tilespmem:s29+$0x20]  }
0x4e: {  	v15 =	vld [tilespmem:s29+$0x30]  }
0x4f: {  	v16 =	vld [tilespmem:s29+$0x0]  }
0x50: {  	v17 =	vld [tilespmem:s29+$0x10]  }
0x51: {  	s24 =	sor.u32 s28, s24  }
0x52: {  	v8 =	vmov s26;
	v18 =	vimm.s32 $0x0;
	v9 =	vmov s24  }
0x53: {  	s28 =	simm.s32 $0x80;
	v12 =	vand.u32 v9, v12;
	v19 =	vand.u32 v9, v10;
	v20 =	vand.u32 v9, v11  }
0x54: {  	v14 =	vand.u32 v9, v14;
	v15 =	vand.u32 v9, v15;
	v13 =	vand.u32 v9, v13;
	v10 =	vld [tilespmem:s28+$0x60]  }
0x55: {  	v16 =	vand.u32 v9, v16;
	v17 =	vand.u32 v9, v17;
	v11 =	vld [tilespmem:s28+$0x70];
	vm2 =	veq.s32 v19, v8  }
0x56: {  	vm3 =	veq.s32 v12, v8;
	vm4 =	veq.s32 v13, v8;
	vm5 =	veq.s32 v20, v8;
	v13 =	vld [tilespmem:s28+$0x40]  }
0x57: {  	vm6 =	veq.s32 v16, v8;
	vm7 =	veq.s32 v14, v8;
	vm8 =	veq.s32 v15, v8;
	v12 =	vld [tilespmem:s28+$0x50]  }
0x58: {  	vm9 =	veq.s32 v17, v8;
	v14 =	vld [tilespmem:s28+$0x20];
	v19 =	vsel vm3, $0x1, v4;
	v17 =	vsel vm2, $0x1, v4  }
0x59: {  	v15 =	vld [tilespmem:s28+$0x30];
	v16 =	vsel vm6, $0x1, v4;
	v20 =	vsel vm9, $0x1, v4;
	v21 =	vsel vm7, $0x1, v4  }
0x5a: {  	v22 =	vadd.s32 v16, v18;
	v18 =	vadd.s32 v20, v18;
	v20 =	vsel vm8, $0x1, v4;
	v16 =	vld [tilespmem:s28+$0x0]  }
0x5b: {  	v21 =	vadd.s32 v21, v22;
	v20 =	vadd.s32 v20, v18;
	v22 =	vsel vm4, $0x1, v4;
	v18 =	vld [tilespmem:s28+$0x10]  }
0x5c: {  	s28 =	simm.s32 $0x400;
	v19 =	vadd.s32 v19, v21;
	v20 =	vadd.s32 v22, v20;
	v21 =	vsel vm5, $0x1, v4  }
.LBB2_4:
0x5d: {  	p0 =	sne.s32 s28, $0x8E00;
	v19 =	vadd.s32 v17, v19;
	v20 =	vadd.s32 v21, v20  }
0x5e: {  	s29 =	sshra.s32 s28, $0x2;
	v17 =	vand.u32 v9, v13;
	v13 =	vand.u32 v9, v10;
	v21 =	vand.u32 v9, v11  }
0x5f: {  	v14 =	vand.u32 v9, v14;
	v12 =	vand.u32 v9, v12;
	v15 =	vand.u32 v9, v15;
	v10 =	vld [tilespmem:s29+$0x60]  }
0x60: {  	vm2 =	veq.s32 v13, v8;
	v16 =	vand.u32 v9, v16;
	v11 =	vld [tilespmem:s29+$0x70];
	v18 =	vand.u32 v9, v18  }
0x61: {  	vm3 =	veq.s32 v17, v8;
	vm4 =	veq.s32 v12, v8;
	vm5 =	veq.s32 v21, v8;
	v13 =	vld [tilespmem:s29+$0x40]  }
0x62: {  	vm7 =	veq.s32 v14, v8;
	vm8 =	veq.s32 v15, v8;
	vm6 =	veq.s32 v16, v8;
	v12 =	vld [tilespmem:s29+$0x50]  }
.Ltmp3:
0x63: {  	v21 =	vsel vm3, $0x1, v4;
	v17 =	vsel vm2, $0x1, v4;
	vm9 =	veq.s32 v18, v8;
	v14 =	vld [tilespmem:s29+$0x20];
	(pc) =	sbr.rel @p0 .LBB2_4-.Ltmp3, $4  }
0x64: {  	v23 =	vsel vm7, $0x1, v4;
	v18 =	vsel vm6, $0x1, v4;
	v22 =	vsel vm9, $0x1, v4;
	v15 =	vld [tilespmem:s29+$0x30]  }
0x65: {  	v19 =	vadd.s32 v18, v19;
	v20 =	vadd.s32 v22, v20;
	v22 =	vsel vm8, $0x1, v4;
	v16 =	vld [tilespmem:s29+$0x0]  }
0x66: {  	v19 =	vadd.s32 v23, v19;
	v20 =	vadd.s32 v22, v20;
	v22 =	vsel vm4, $0x1, v4;
	v18 =	vld [tilespmem:s29+$0x10]  }
0x67: {  	s28 =	sadd.s32 $0x200, s28;
	v19 =	vadd.s32 v21, v19;
	v21 =	vsel vm5, $0x1, v4;
	v20 =	vadd.s32 v22, v20  }
0x68: {  	v17 =	vadd.s32 v17, v19;
	v60 =	vadd.s32 v21, v20  }
0x69: {  	v13 =	vand.u32 v9, v13;
	v10 =	vand.u32 v9, v10;
	v11 =	vand.u32 v9, v11  }
0x6a: {  	v14 =	vand.u32 v9, v14;
	v12 =	vand.u32 v9, v12;
	v15 =	vand.u32 v9, v15  }
0x6b: {  	vm2 =	veq.s32 v10, v8;
	vm3 =	veq.s32 v13, v8;
	vm4 =	veq.s32 v12, v8  }
0x6c: {  	vm5 =	veq.s32 v11, v8;
	vm7 =	veq.s32 v14, v8;
	v16 =	vand.u32 v9, v16  }
0x6d: {  	vm8 =	veq.s32 v15, v8;
	v61 =	vsel vm7, $0x1, v4;
	v9 =	vand.u32 v9, v18  }
0x6e: {  	v63 =	vsel vm4, $0x1, v4;
	vm6 =	veq.s32 v16, v8;
	vm9 =	veq.s32 v9, v8  }
0x6f: {  	v62 =	vsel vm8, $0x1, v4;
	v10 =	vsel vm6, $0x1, v4;
	v11 =	vsel vm9, $0x1, v4  }
.Ltmp4:
0x70: {  	v8 =	vsel vm3, $0x1, v4;
	v10 =	vadd.s32 v10, v17;
	v11 =	vadd.s32 v11, v60;
	(pc) =	sbr.rel .LBB2_6-.Ltmp4, $4  }
0x71: {  	v9 =	vsel vm2, $0x1, v4;
	v10 =	vadd.s32 v61, v10;
	v11 =	vadd.s32 v62, v11  }
0x72: {  	v8 =	vadd.s32 v8, v10;
	v10 =	vadd.s32 v63, v11;
	v11 =	vsel vm5, $0x1, v4  }
0x73: {  	v8 =	vadd.s32 v9, v8;
	v9 =	vadd.s32 v11, v10  }
0x74: {  	v8 =	vadd.s32 v8, v9  }
.LBB2_7:
0x75: {  	s31 =	simm.s32 $0x0  }
0x76: {  	v10 =	vld [tilespmem:s31+$0x30]  }
0x77: {  	v11 =	vld [tilespmem:s31+$0x20]  }
0x78: {  	v12 =	vld [tilespmem:s31+$0x0]  }
0x79: {  	v14 =	vld [tilespmem:s31+$0x10]  }
0x7a: {  	v16 =	vld [tilespmem:s31+$0x2400];
	_ =	sdelay $0x1  }
0x7b: {  	v9 =	vmov s24;
	v8 =	vmov s23;
	v13 =	vimm.f32 $0.0e+00;
	v19 =	vld [tilespmem:s31+$0x2410]  }
0x7c: {  	v12 =	vand.u32 v9, v12;
	v15 =	vand.u32 v9, v11;
	v11 =	vand.u32 v9, v10  }
0x7d: {  	s23 =	simm.s32 $0x40;
	v18 =	vand.u32 v9, v14;
	v14 =	vld [tilespmem:s31+$0x2420];
	vm2 =	vgt.s32 v12, v8;
	vm3 =	veq.s32 v12, v8  }
0x7e: {  	v10 =	vld [tilespmem:s23+$0x30];
	v17 =	vnsel vm2, $0x0, v16;
	v20 =	vnsel vm3, $0x0, v16;
	vm2 =	vgt.s32 v18, v8  }
0x7f: {  	v12 =	vld [tilespmem:s31+$0x2430];
	vm3 =	veq.s32 v18, v8;
	v16 =	vadd.f32 v17, v13;
	v17 =	vadd.f32 v20, v13  }
0x80: {  	s24 =	simm.s32 $0x200;
	v13 =	vld [tilespmem:s23+$0x20];
	v18 =	vnsel vm2, $0x0, v19;
	v19 =	vnsel vm3, $0x0, v19;
	vm2 =	vgt.s32 v15, v8  }
.LBB2_8:
0x81: {  	p0 =	sne.s32 s24, $0x8F00;
	v20 =	vld [tilespmem:s23+$0x0];
	v16 =	vadd.f32 v18, v16;
	v17 =	vadd.f32 v19, v17;
	vm3 =	veq.s32 v15, v8  }
0x82: {  	v18 =	vld [tilespmem:s23+$0x10];
	v15 =	vnsel vm2, $0x0, v14;
	v14 =	vnsel vm3, $0x0, v14;
	vm2 =	vgt.s32 v11, v8  }
0x83: {  	vm3 =	veq.s32 v11, v8;
	v19 =	vld [tilespmem:s23+$0x2400];
	v15 =	vadd.f32 v15, v16;
	v14 =	vadd.f32 v14, v17  }
0x84: {  	v11 =	vnsel vm2, $0x0, v12;
	v12 =	vnsel vm3, $0x0, v12  }
0x85: {  	v21 =	vld [tilespmem:s23+$0x2410];
	v16 =	vadd.f32 v11, v15;
	v17 =	vadd.f32 v12, v14  }
.Ltmp5:
0x86: {  	v15 =	vand.u32 v9, v13;
	v11 =	vand.u32 v9, v10;
	v12 =	vand.u32 v9, v20;
	(pc) =	sbr.rel @p0 .LBB2_8-.Ltmp5, $4  }
0x87: {  	vm2 =	vgt.s32 v12, v8;
	vm3 =	veq.s32 v12, v8;
	v13 =	vand.u32 v9, v18;
	v14 =	vld [tilespmem:s23+$0x2420]  }
0x88: {  	v18 =	vnsel vm2, $0x0, v19;
	v19 =	vnsel vm3, $0x0, v19;
	vm2 =	vgt.s32 v13, v8;
	v12 =	vld [tilespmem:s23+$0x2430];
	s23 =	sshra.s32 s24, $0x2  }
0x89: {  	vm3 =	veq.s32 v13, v8;
	v10 =	vld [tilespmem:s23+$0x30];
	v16 =	vadd.f32 v18, v16;
	v17 =	vadd.f32 v19, v17  }
0x8a: {  	s24 =	sadd.s32 $0x100, s24;
	v13 =	vld [tilespmem:s23+$0x20];
	v18 =	vnsel vm2, $0x0, v21;
	v19 =	vnsel vm3, $0x0, v21;
	vm2 =	vgt.s32 v15, v8  }
0x8b: {  	v20 =	vld [tilespmem:s23+$0x0]  }
0x8c: {  	v21 =	vld [tilespmem:s23+$0x10]  }
0x8d: {  	v17 =	vadd.f32 v19, v17;
	vm3 =	veq.s32 v15, v8;
	v40 =	vld [tilespmem:s23+$0x2400]  }
0x8e: {  	v41 =	vnsel vm3, $0x0, v14  }
0x8f: {  	v42 =	vld [tilespmem:s23+$0x2410];
	vm3 =	veq.s32 v11, v8;
	v17 =	vadd.f32 v41, v17  }
0x90: {  	v16 =	vadd.f32 v18, v16;
	v43 =	vnsel vm3, $0x0, v12;
	v20 =	vand.u32 v9, v20  }
0x91: {  	v45 =	vld [tilespmem:s23+$0x2420];
	v44 =	vnsel vm2, $0x0, v14;
	v17 =	vadd.f32 v43, v17;
	vm2 =	veq.s32 v20, v8  }
0x92: {  	vm3 =	vgt.s32 v11, v8;
	v46 =	vand.u32 v9, v21;
	v47 =	vnsel vm2, $0x0, v40  }
0x93: {  	v48 =	vld [tilespmem:s23+$0x2430];
	v14 =	vadd.f32 v44, v16;
	vm2 =	veq.s32 v46, v8;
	v17 =	vadd.f32 v47, v17  }
0x94: {  	v49 =	vnsel vm3, $0x0, v12;
	v13 =	vand.u32 v9, v13;
	v50 =	vnsel vm2, $0x0, v42  }
0x95: {  	v52 =	vand.u32 v9, v10;
	vm2 =	veq.s32 v13, v8;
	v51 =	vadd.f32 v50, v17  }
0x96: {  	v12 =	vadd.f32 v49, v14;
	vm3 =	vgt.s32 v20, v8;
	v53 =	vnsel vm2, $0x0, v45  }
0x97: {  	v15 =	vnsel vm3, $0x0, v40;
	vm2 =	veq.s32 v52, v8;
	v10 =	vadd.f32 v53, v51  }
0x98: {  	vm3 =	vgt.s32 v46, v8;
	v54 =	vadd.f32 v15, v12;
	v55 =	vnsel vm2, $0x0, v48  }
0x99: {  	v56 =	vnsel vm3, $0x0, v42;
	v10 =	vadd.f32 v55, v10  }
0x9a: {  	vm2 =	vgt.s32 v13, v8;
	v11 =	vadd.f32 v56, v54  }
0x9b: {  	v57 =	vnsel vm2, $0x0, v45;
	v58 =	vperm.xlane v10, v3  }
0x9c: {  	p1 =	sgt.s32 s21, $0x1;
	vm2 =	vgt.s32 v52, v8;
	v8 =	vadd.f32 v57, v11  }
0x9d: {  	p0 =	sgt.s32 s21, s22;
	s21 =	simm.s32 @!p1 $0x1;
	v9 =	vnsel vm2, $0x0, v48;
	v10 =	vadd.f32 v58, v10  }
0x9e: {  	s21 =	scvt.s32.f32 s21;
	v8 =	vadd.f32 v9, v8  }
0x9f: {  	v59 =	vperm.xlane v10, v5  }
0xa0: {  	v61 =	vmov s21;
	v60 =	vperm.xlane v8, v3  }
0xa1: {  	(erf) = vrcp.f32 v61;
	v9 =	vadd.f32 v59, v10  }
0xa2: {  	v8 =	vadd.f32 v60, v8  }
0xa3: {  	v10 =	vperm.xlane v9, v6  }
0xa4: {  	v11 =	vperm.xlane v8, v5  }
0xa5: {  	v9 =	vadd.f32 v10, v9  }
0xa6: {  	v8 =	vadd.f32 v11, v8  }
0xa7: {  	v10 =	vperm.xlane v9, v7  }
0xa8: {  	v11 =	vperm.xlane v8, v6  }
0xa9: {  	v9 =	vadd.f32 v10, v9  }
0xaa: {  	v62 =	vpop (erf);
	v8 =	vadd.f32 v11, v8  }
0xab: {  	s31 =	scvt.s32.f32 s22;
	v10 =	vmul.f32 v9, v62  }
0xac: {  	v11 =	vperm.xlane v8, v7  }
0xad: {  	v10 =	vmul.f32 s31, v10  }
0xae: {  	v8 =	vadd.f32 v11, v8  }
0xaf: {  	v9 =	vpsel p0, v10, v9  }
0xb0: {  	v8 =	vadd.f32 v9, v8  }
0xb1: {  	p6 =	sgt.s32 s20, $0x0  }
0xb2: {  	v8 =	vpsel !p6, $0x0, v8  }
0xb3: {  	s22 =	simm.s32 $0x0;
	[tilespmem:$0x4880] =	vst v8  }
0xb4: {  	[hbm4b:s7+s22] =	stream.linear.scatter [tilespmem:s17], [sflag:$0x1], $0x80, $0x38;
	[tilespmem:$0x4900] =	vst v63  }
0xb5: {  	_ =	swait.ge [sflag:s13], $0x80  }
0xb6: {  	[sflag:s13] =	ssyncset.done $0x0  }
0xb7: {  	[sflag:s13] =	ssyncadd.s32 $0xFFFFFF80  }
0xb8: {  	[tilespmem:s22], [sflag:$0x1] =	stream.strided.gather [hbm4b:s8+s14], $0x2400, s15, s14, $0x38;
	[tilespmem:$0x4900] =	vst v63  }
0xb9: {  	_ =	swait.ge [sflag:s13], $0x2400  }
0xba: {  	[sflag:s13] =	ssyncset.done $0x0  }
0xbb: {  	s20 =	simm.s32 $0x2400;
	[sflag:s13] =	ssyncadd.s32 $0xFFFFDC00  }
0xbc: {  	[tilespmem:s20], [sflag:$0x1] =	stream.strided.gather [hbm4b:s9+s14], $0x2400, s15, s14, $0x38;
	[tilespmem:$0x4900] =	vst v63  }
0xbd: {  	_ =	swait.ge [sflag:s13], $0x2400  }
0xbe: {  	[sflag:s13] =	ssyncset.done $0x0  }
0xbf: {  	[sflag:s13] =	ssyncadd.s32 $0xFFFFDC00  }
0xc0: {  	v8 =	vld [tilespmem:s19+$0x4800];
	_ =	sdelay $0x4  }
0xc1: {  	v8 =	vnsel vm1, $0x0, v8  }
0xc2: {  	v63 =	vperm.xlane v8, v3;
	_ =	sdelay $0x1  }
0xc3: {  	v8 =	vadd.s32 v63, v8  }
0xc4: {  	v9 =	vperm.xlane v8, v5;
	_ =	sdelay $0x1  }
0xc5: {  	v8 =	vadd.s32 v9, v8  }
0xc6: {  	v9 =	vperm.xlane v8, v6;
	_ =	sdelay $0x1  }
0xc7: {  	v8 =	vadd.s32 v9, v8  }
0xc8: {  	v9 =	vperm.xlane v8, v7;
	_ =	sdelay $0x1  }
0xc9: {  	v8 =	vadd.s32 v9, v8  }
0xca: {  	(v2sf) =	vpush v8, $0x0;
	_ =	sdelay $0xb  }
.Ltmp6:
0xcb: {  	_ = 	snop;
	(pc) =	sbr.rel .LBB2_10-.Ltmp6, $3  }
0xcc: {  	_ =	sdelay $0x1  }
0xcd: {  	s19 =	spop (v2sf)  }
0xce: {  	s23 =	simm.s32 $0x0;
	s24 =	simm.s32 $0x0;
	s21 =	smov.u32 s19  }
.LBB2_14:
0xcf: {  	v9 =	vperm.xlane v8, v3;
	_ =	sdelay $0x1  }
0xd0: {  	v8 =	vadd.s32 v8, v9  }
0xd1: {  	v9 =	vperm.xlane v8, v0;
	_ =	sdelay $0x1  }
0xd2: {  	v8 =	vadd.s32 v9, v8  }
0xd3: {  	v9 =	vperm.xlane v8, v1;
	_ =	sdelay $0x1  }
0xd4: {  	v8 =	vadd.s32 v9, v8  }
0xd5: {  	v9 =	vperm.xlane v8, v2;
	_ =	sdelay $0x1  }
0xd6: {  	v8 =	vadd.s32 v9, v8  }
0xd7: {  	(v2sf) =	vpush v8, $0x0;
	_ =	sdelay $0xe  }
0xd8: {  	s26 =	spop (v2sf)  }
0xd9: {  	p0 =	sgt.s32 s20, s21;
	p1 =	sge.s32 s26, s21  }
0xda: {  	p1 =	por !p0, !p1  }
0xdb: {  	p1 =	por !p1, !p1  }
0xdc: {  	s24 =	sadd.s32 $0x1, s24;
	p2 =	por !p1, !p1  }
0xdd: {  	p2 =	por @!p0 p1, p1;
	p0 =	seq.s32 s24, $0x1F  }
.Ltmp7:
0xde: {  	_ = 	snop;
	(pc) =	sbr.rel @p0 .LBB2_15-.Ltmp7, $4  }
0xdf: {  	s28 =	smov.u32 s26  }
0xe0: {  	s28 =	simm.s32 @!p2 $0x0  }
0xe1: {  	s20 =	ssub.s32 s20, s28  }
0xe2: {  	s23 =	smov.u32 @p1 s25;
	s21 =	ssub.s32 s21, s28;
	s20 =	smov.u32 @p1 s26  }
.LBB2_10:
0xe3: {  	p0 =	sle.s32 s20, s21  }
.Ltmp8:
0xe4: {  	_ = 	snop;
	(pc) =	sbr.rel @p0 .LBB2_14-.Ltmp8, $3  }
0xe5: {  	_ =	sdelay $0x1  }
0xe6: {  	s26 =	sshrl.u32 s16, s24  }
0xe7: {  	v8 =	vimm.s32 $0x0;
	s25 =	sor.u32 s26, s23  }
0xe8: {  	s28 =	simm.s32 $0x0  }
0xe9: {  	v10 =	vld [tilespmem:s28+$0x60]  }
0xea: {  	v11 =	vld [tilespmem:s28+$0x70]  }
0xeb: {  	v12 =	vld [tilespmem:s28+$0x40]  }
0xec: {  	v13 =	vld [tilespmem:s28+$0x50]  }
0xed: {  	v14 =	vld [tilespmem:s28+$0x20]  }
0xee: {  	v15 =	vld [tilespmem:s28+$0x30]  }
0xef: {  	v16 =	vld [tilespmem:s28+$0x0]  }
0xf0: {  	v17 =	vld [tilespmem:s28+$0x10]  }
0xf1: {  	s22 =	sor.u32 s26, s22  }
0xf2: {  	v8 =	vmov s25;
	v18 =	vimm.s32 $0x0;
	v9 =	vmov s22  }
0xf3: {  	s31 =	simm.s32 $0x80;
	v12 =	vand.u32 v9, v12;
	v19 =	vand.u32 v9, v10;
	v20 =	vand.u32 v9, v11  }
0xf4: {  	v14 =	vand.u32 v9, v14;
	v15 =	vand.u32 v9, v15;
	v13 =	vand.u32 v9, v13;
	v10 =	vld [tilespmem:s31+$0x60]  }
0xf5: {  	v16 =	vand.u32 v9, v16;
	v17 =	vand.u32 v9, v17;
	v11 =	vld [tilespmem:s31+$0x70];
	vm2 =	veq.s32 v19, v8  }
0xf6: {  	vm3 =	veq.s32 v12, v8;
	vm4 =	veq.s32 v13, v8;
	vm5 =	veq.s32 v20, v8;
	v13 =	vld [tilespmem:s31+$0x40]  }
0xf7: {  	vm6 =	veq.s32 v16, v8;
	vm7 =	veq.s32 v14, v8;
	vm8 =	veq.s32 v15, v8;
	v12 =	vld [tilespmem:s31+$0x50]  }
0xf8: {  	vm9 =	veq.s32 v17, v8;
	v14 =	vld [tilespmem:s31+$0x20];
	v19 =	vsel vm3, $0x1, v4;
	v17 =	vsel vm2, $0x1, v4  }
0xf9: {  	v15 =	vld [tilespmem:s31+$0x30];
	v16 =	vsel vm6, $0x1, v4;
	v20 =	vsel vm9, $0x1, v4;
	v21 =	vsel vm7, $0x1, v4  }
0xfa: {  	v22 =	vadd.s32 v16, v18;
	v18 =	vadd.s32 v20, v18;
	v20 =	vsel vm8, $0x1, v4;
	v16 =	vld [tilespmem:s31+$0x0]  }
0xfb: {  	v21 =	vadd.s32 v21, v22;
	v20 =	vadd.s32 v20, v18;
	v22 =	vsel vm4, $0x1, v4;
	v18 =	vld [tilespmem:s31+$0x10]  }
0xfc: {  	s26 =	simm.s32 $0x400;
	v19 =	vadd.s32 v19, v21;
	v20 =	vadd.s32 v22, v20;
	v21 =	vsel vm5, $0x1, v4  }
.LBB2_12:
0xfd: {  	p0 =	sne.s32 s26, $0x8E00;
	v19 =	vadd.s32 v17, v19;
	v20 =	vadd.s32 v21, v20  }
0xfe: {  	s28 =	sshra.s32 s26, $0x2;
	v17 =	vand.u32 v9, v13;
	v13 =	vand.u32 v9, v10;
	v21 =	vand.u32 v9, v11  }
0xff: {  	v14 =	vand.u32 v9, v14;
	v12 =	vand.u32 v9, v12;
	v15 =	vand.u32 v9, v15;
	v10 =	vld [tilespmem:s28+$0x60]  }
0x100: {  	vm2 =	veq.s32 v13, v8;
	v16 =	vand.u32 v9, v16;
	v11 =	vld [tilespmem:s28+$0x70];
	v18 =	vand.u32 v9, v18  }
0x101: {  	vm3 =	veq.s32 v17, v8;
	vm4 =	veq.s32 v12, v8;
	vm5 =	veq.s32 v21, v8;
	v13 =	vld [tilespmem:s28+$0x40]  }
0x102: {  	vm7 =	veq.s32 v14, v8;
	vm8 =	veq.s32 v15, v8;
	vm6 =	veq.s32 v16, v8;
	v12 =	vld [tilespmem:s28+$0x50]  }
.Ltmp9:
0x103: {  	v21 =	vsel vm3, $0x1, v4;
	v17 =	vsel vm2, $0x1, v4;
	vm9 =	veq.s32 v18, v8;
	v14 =	vld [tilespmem:s28+$0x20];
	(pc) =	sbr.rel @p0 .LBB2_12-.Ltmp9, $4  }
0x104: {  	v23 =	vsel vm7, $0x1, v4;
	v18 =	vsel vm6, $0x1, v4;
	v22 =	vsel vm9, $0x1, v4;
	v15 =	vld [tilespmem:s28+$0x30]  }
0x105: {  	v19 =	vadd.s32 v18, v19;
	v20 =	vadd.s32 v22, v20;
	v22 =	vsel vm8, $0x1, v4;
	v16 =	vld [tilespmem:s28+$0x0]  }
0x106: {  	v19 =	vadd.s32 v23, v19;
	v20 =	vadd.s32 v22, v20;
	v22 =	vsel vm4, $0x1, v4;
	v18 =	vld [tilespmem:s28+$0x10]  }
0x107: {  	s26 =	sadd.s32 $0x200, s26;
	v19 =	vadd.s32 v21, v19;
	v21 =	vsel vm5, $0x1, v4;
	v20 =	vadd.s32 v22, v20  }
0x108: {  	v17 =	vadd.s32 v17, v19;
	v60 =	vadd.s32 v21, v20  }
0x109: {  	v13 =	vand.u32 v9, v13;
	v10 =	vand.u32 v9, v10;
	v11 =	vand.u32 v9, v11  }
0x10a: {  	v14 =	vand.u32 v9, v14;
	v12 =	vand.u32 v9, v12;
	v15 =	vand.u32 v9, v15  }
0x10b: {  	vm2 =	veq.s32 v10, v8;
	vm3 =	veq.s32 v13, v8;
	vm4 =	veq.s32 v12, v8  }
0x10c: {  	vm5 =	veq.s32 v11, v8;
	vm7 =	veq.s32 v14, v8;
	v16 =	vand.u32 v9, v16  }
0x10d: {  	vm8 =	veq.s32 v15, v8;
	v61 =	vsel vm7, $0x1, v4;
	v9 =	vand.u32 v9, v18  }
0x10e: {  	v63 =	vsel vm4, $0x1, v4;
	vm6 =	veq.s32 v16, v8;
	vm9 =	veq.s32 v9, v8  }
0x10f: {  	v62 =	vsel vm8, $0x1, v4;
	v10 =	vsel vm6, $0x1, v4;
	v11 =	vsel vm9, $0x1, v4  }
.Ltmp10:
0x110: {  	v8 =	vsel vm3, $0x1, v4;
	v10 =	vadd.s32 v10, v17;
	v11 =	vadd.s32 v11, v60;
	(pc) =	sbr.rel .LBB2_14-.Ltmp10, $4  }
0x111: {  	v9 =	vsel vm2, $0x1, v4;
	v10 =	vadd.s32 v61, v10;
	v11 =	vadd.s32 v62, v11  }
0x112: {  	v8 =	vadd.s32 v8, v10;
	v10 =	vadd.s32 v63, v11;
	v11 =	vsel vm5, $0x1, v4  }
0x113: {  	v8 =	vadd.s32 v9, v8;
	v9 =	vadd.s32 v11, v10  }
0x114: {  	v8 =	vadd.s32 v8, v9  }
.LBB2_15:
0x115: {  	s31 =	simm.s32 $0x0  }
0x116: {  	v10 =	vld [tilespmem:s31+$0x30]  }
0x117: {  	v11 =	vld [tilespmem:s31+$0x20]  }
0x118: {  	v12 =	vld [tilespmem:s31+$0x0]  }
0x119: {  	v14 =	vld [tilespmem:s31+$0x10]  }
0x11a: {  	v16 =	vld [tilespmem:s31+$0x2400];
	_ =	sdelay $0x1  }
0x11b: {  	v9 =	vmov s22;
	v8 =	vmov s23;
	v13 =	vimm.f32 $0.0e+00;
	v19 =	vld [tilespmem:s31+$0x2410]  }
0x11c: {  	v12 =	vand.u32 v9, v12;
	v15 =	vand.u32 v9, v11;
	v11 =	vand.u32 v9, v10  }
0x11d: {  	s22 =	simm.s32 $0x40;
	v18 =	vand.u32 v9, v14;
	v14 =	vld [tilespmem:s31+$0x2420];
	vm2 =	vgt.s32 v12, v8;
	vm3 =	veq.s32 v12, v8  }
0x11e: {  	v10 =	vld [tilespmem:s22+$0x30];
	v17 =	vnsel vm2, $0x0, v16;
	v20 =	vnsel vm3, $0x0, v16;
	vm2 =	vgt.s32 v18, v8  }
0x11f: {  	v12 =	vld [tilespmem:s31+$0x2430];
	vm3 =	veq.s32 v18, v8;
	v16 =	vadd.f32 v17, v13;
	v17 =	vadd.f32 v20, v13  }
0x120: {  	s23 =	simm.s32 $0x200;
	v13 =	vld [tilespmem:s22+$0x20];
	v18 =	vnsel vm2, $0x0, v19;
	v19 =	vnsel vm3, $0x0, v19;
	vm2 =	vgt.s32 v15, v8  }
.LBB2_16:
0x121: {  	p0 =	sne.s32 s23, $0x8F00;
	v20 =	vld [tilespmem:s22+$0x0];
	v16 =	vadd.f32 v18, v16;
	v17 =	vadd.f32 v19, v17;
	vm3 =	veq.s32 v15, v8  }
0x122: {  	v18 =	vld [tilespmem:s22+$0x10];
	v15 =	vnsel vm2, $0x0, v14;
	v14 =	vnsel vm3, $0x0, v14;
	vm2 =	vgt.s32 v11, v8  }
0x123: {  	vm3 =	veq.s32 v11, v8;
	v19 =	vld [tilespmem:s22+$0x2400];
	v15 =	vadd.f32 v15, v16;
	v14 =	vadd.f32 v14, v17  }
0x124: {  	v11 =	vnsel vm2, $0x0, v12;
	v12 =	vnsel vm3, $0x0, v12  }
0x125: {  	v21 =	vld [tilespmem:s22+$0x2410];
	v16 =	vadd.f32 v11, v15;
	v17 =	vadd.f32 v12, v14  }
.Ltmp11:
0x126: {  	v15 =	vand.u32 v9, v13;
	v11 =	vand.u32 v9, v10;
	v12 =	vand.u32 v9, v20;
	(pc) =	sbr.rel @p0 .LBB2_16-.Ltmp11, $4  }
0x127: {  	vm2 =	vgt.s32 v12, v8;
	vm3 =	veq.s32 v12, v8;
	v13 =	vand.u32 v9, v18;
	v14 =	vld [tilespmem:s22+$0x2420]  }
0x128: {  	v18 =	vnsel vm2, $0x0, v19;
	v19 =	vnsel vm3, $0x0, v19;
	vm2 =	vgt.s32 v13, v8;
	v12 =	vld [tilespmem:s22+$0x2430];
	s22 =	sshra.s32 s23, $0x2  }
0x129: {  	vm3 =	veq.s32 v13, v8;
	v10 =	vld [tilespmem:s22+$0x30];
	v16 =	vadd.f32 v18, v16;
	v17 =	vadd.f32 v19, v17  }
0x12a: {  	s23 =	sadd.s32 $0x100, s23;
	v13 =	vld [tilespmem:s22+$0x20];
	v18 =	vnsel vm2, $0x0, v21;
	v19 =	vnsel vm3, $0x0, v21;
	vm2 =	vgt.s32 v15, v8  }
0x12b: {  	v20 =	vld [tilespmem:s22+$0x0]  }
0x12c: {  	v21 =	vld [tilespmem:s22+$0x10]  }
0x12d: {  	v17 =	vadd.f32 v19, v17;
	vm3 =	veq.s32 v15, v8;
	v41 =	vld [tilespmem:s22+$0x2400]  }
0x12e: {  	v42 =	vnsel vm3, $0x0, v14  }
0x12f: {  	v43 =	vld [tilespmem:s22+$0x2410];
	vm3 =	veq.s32 v11, v8;
	v17 =	vadd.f32 v42, v17  }
0x130: {  	v16 =	vadd.f32 v18, v16;
	v44 =	vnsel vm3, $0x0, v12;
	v20 =	vand.u32 v9, v20  }
0x131: {  	v46 =	vld [tilespmem:s22+$0x2420];
	v45 =	vnsel vm2, $0x0, v14;
	v17 =	vadd.f32 v44, v17;
	vm2 =	veq.s32 v20, v8  }
0x132: {  	vm3 =	vgt.s32 v11, v8;
	v47 =	vand.u32 v9, v21;
	v48 =	vnsel vm2, $0x0, v41  }
0x133: {  	v49 =	vld [tilespmem:s22+$0x2430];
	v14 =	vadd.f32 v45, v16;
	vm2 =	veq.s32 v47, v8;
	v17 =	vadd.f32 v48, v17  }
0x134: {  	v50 =	vnsel vm3, $0x0, v12;
	v13 =	vand.u32 v9, v13;
	v51 =	vnsel vm2, $0x0, v43  }
0x135: {  	v53 =	vand.u32 v9, v10;
	vm2 =	veq.s32 v13, v8;
	v52 =	vadd.f32 v51, v17  }
0x136: {  	v12 =	vadd.f32 v50, v14;
	vm3 =	vgt.s32 v20, v8;
	v54 =	vnsel vm2, $0x0, v46  }
0x137: {  	v15 =	vnsel vm3, $0x0, v41;
	vm2 =	veq.s32 v53, v8;
	v10 =	vadd.f32 v54, v52  }
0x138: {  	vm3 =	vgt.s32 v47, v8;
	v55 =	vadd.f32 v15, v12;
	v56 =	vnsel vm2, $0x0, v49  }
0x139: {  	v57 =	vnsel vm3, $0x0, v43;
	v10 =	vadd.f32 v56, v10  }
0x13a: {  	vm2 =	vgt.s32 v13, v8;
	v11 =	vadd.f32 v57, v55  }
0x13b: {  	v58 =	vnsel vm2, $0x0, v46;
	v59 =	vperm.xlane v10, v3  }
0x13c: {  	p1 =	sgt.s32 s20, $0x1;
	vm2 =	vgt.s32 v53, v8;
	v8 =	vadd.f32 v58, v11  }
0x13d: {  	p0 =	sgt.s32 s20, s21;
	s20 =	simm.s32 @!p1 $0x1;
	v9 =	vnsel vm2, $0x0, v49;
	v10 =	vadd.f32 v59, v10  }
0x13e: {  	s20 =	scvt.s32.f32 s20;
	v8 =	vadd.f32 v9, v8  }
0x13f: {  	v60 =	vperm.xlane v10, v5  }
0x140: {  	v62 =	vmov s20;
	v61 =	vperm.xlane v8, v3  }
0x141: {  	(erf) = vrcp.f32 v62;
	v9 =	vadd.f32 v60, v10  }
0x142: {  	v8 =	vadd.f32 v61, v8  }
0x143: {  	v10 =	vperm.xlane v9, v6  }
0x144: {  	v11 =	vperm.xlane v8, v5  }
0x145: {  	v9 =	vadd.f32 v10, v9  }
0x146: {  	v8 =	vadd.f32 v11, v8  }
0x147: {  	v10 =	vperm.xlane v9, v7  }
0x148: {  	v11 =	vperm.xlane v8, v6  }
0x149: {  	v9 =	vadd.f32 v10, v9  }
0x14a: {  	v63 =	vpop (erf);
	v8 =	vadd.f32 v11, v8  }
0x14b: {  	s31 =	scvt.s32.f32 s21;
	v10 =	vmul.f32 v9, v63  }
0x14c: {  	v11 =	vperm.xlane v8, v7  }
0x14d: {  	v10 =	vmul.f32 s31, v10  }
0x14e: {  	v8 =	vadd.f32 v11, v8  }
0x14f: {  	v9 =	vpsel p0, v10, v9  }
0x150: {  	v8 =	vadd.f32 v9, v8  }
0x151: {  	p6 =	sgt.s32 s19, $0x0;
	s18 =	sadd.s32 $0x1, s18  }
0x152: {  	p0 =	sne.s32 s18, s11;
	v8 =	vpsel !p6, $0x0, v8  }
.Ltmp12:
0x153: {  	[tilespmem:$0x4880] =	vst v8;
	(pc) =	sbr.rel @p0 .LBB2_1-.Ltmp12, $4  }
0x154: {  	[hbm4b:s10+s3] =	stream.linear.scatter [tilespmem:s17], [sflag:$0x1], $0x80, $0x38;
	[tilespmem:$0x4900] =	vst v63  }
0x155: {  	_ =	swait.ge [sflag:s13], $0x80  }
0x156: {  	[sflag:s13] =	ssyncset.done $0x0  }
0x157: {  	[sflag:s13] =	ssyncadd.s32 $0xFFFFFF80  }
0x158: {  	_ =	sfence.sel $0x180000  }
0x159: {  	[bflag:$0x0] =	sbarrier.arrive $0xFFFF  }
0x15a: {  	p0 =	sne.s32 s1, $0x0;
	_ =	strace $0x90000047  }
0x15b: {  	s0 =	sadd.s32 @!p0 $0x100000, s0;
	[bflag:$0x2] =	sbarrier.arrive $0xFFFF  }
0x15c: {  	[sflag:s0] =	ssyncadd.tile.s32 @!p0 $0x1;
	_ =	shalt  }
.Lfunc_end2:
_tile_overlayer_lowered:
.L_overlay_start_2:
0x15d: {  	(tag) =	ssettag $0x2  }
0x15e: {  	s0 =	rddreg [dreg:$0x0];
	s2 =	stileid.u32  }
0x15f: {  	s1 =	rddreg [dreg:$0x1];
	p0 =	sne.s32 s2, $0x0  }
0x160: {  	s3 =	rddreg [dreg:$0x2];
	[bflag:$0x3] =	sbarrier.arrive $0xFFFF;
	s2 =	simm.s32 @!p0 $0x1C01  }
0x161: {  	[timem:s3], [sflag:s2] =	dma.local @!p0 [hbm:s0], s1  }
0x162: {  	s0 =	simm.s32 @!p0 $0x1  }
0x163: {  	_ =	swait.ge @!p0 [sflag:s0], s1  }
0x164: {  	s1 =	ssub.s32 @!p0 $0x0, s1;
	[sflag:s0] =	ssyncset.done @!p0 $0x0  }
0x165: {  	[sflag:s0] =	ssyncadd.s32 @!p0 s1  }
0x166: {  	[bflag:$0x3] =	sbarrier.arrive $0xFFFF  }
0x167: {  	_ =	shalt  }

</sc_bundles>
